<compile_context>
chip_gen: v7x
topology: tpu7x:2x2x1
jax: 0.10.2.dev20260603
libtpu: 0.0.44.dev20260713+nightly
codegen_flags: <defaults>
</compile_context>

<pallas_src>
import functools

import jax
import jax.numpy as jnp
from jax import lax
from jax.experimental import pallas as pl
from jax.experimental.pallas import tpu as pltpu
from jax.experimental.pallas import tpu_sc as plsc

D = 64
B = 16384
N_NEG = 10
N_SIM = 1 + N_NEG
L = 16
NW = 32
BPW = B // NW
G = 128
NCHUNK = BPW // G
NG = G // L
NEG_ROWS_PER_CHUNK = G * N_NEG // G


def _sc_sims_kernel(tgt_idx_hbm, ctx_idx_hbm, neg_idx_hbm, tgt_tab, ctx_tab,
                    out_hbm,
                    tgt_idx_v, ctx_idx_v, neg_idx_v,
                    tgt_rows, ctx_rows, neg_rows, sims_v, sem):
    wid = lax.axis_index("c") * 16 + lax.axis_index("s")
    base = wid * BPW
    lane = lax.iota(jnp.int32, L)
    lane10 = lane * N_NEG

    def chunk_body(c, carry):
        cb = base + c * G
        pltpu.sync_copy(tgt_idx_hbm.at[pl.ds(cb, G)], tgt_idx_v)
        pltpu.sync_copy(ctx_idx_hbm.at[pl.ds(cb, G)], ctx_idx_v)
        pltpu.sync_copy(neg_idx_hbm.at[pl.ds(cb * N_NEG, G * N_NEG)],
                        neg_idx_v)
        cp_t = pltpu.async_copy(tgt_tab.at[tgt_idx_v], tgt_rows, sem)
        cp_c = pltpu.async_copy(ctx_tab.at[ctx_idx_v], ctx_rows, sem)
        cps = []
        for j in range(NEG_ROWS_PER_CHUNK):
            cps.append(
                pltpu.async_copy(ctx_tab.at[neg_idx_v.at[pl.ds(j * G, G)]],
                                 neg_rows.at[pl.ds(j * G, G)], sem))
        cp_t.wait()
        cp_c.wait()
        for cp in cps:
            cp.wait()

        def group_body(g, carry2):
            e0 = g * L
            row_tc = e0 + lane
            nbase = e0 * N_NEG + lane10
            nrows = [nbase + j for j in range(N_NEG)]
            acc_c = jnp.zeros((L,), jnp.float32)
            acc_n = [jnp.zeros((L,), jnp.float32) for _ in range(N_NEG)]
            for d in range(D):
                col = jnp.full((L,), d, jnp.int32)
                t = plsc.load_gather(tgt_rows, [row_tc, col])
                cv = plsc.load_gather(ctx_rows, [row_tc, col])
                acc_c = acc_c + t * cv
                for j in range(N_NEG):
                    nv = plsc.load_gather(neg_rows, [nrows[j], col])
                    acc_n[j] = acc_n[j] + t * nv
            sims_v[0, pl.ds(e0, L)] = acc_c
            for j in range(N_NEG):
                sims_v[1 + j, pl.ds(e0, L)] = acc_n[j]
            return carry2

        lax.fori_loop(0, NG, group_body, 0)
        pltpu.sync_copy(sims_v, out_hbm.at[:, pl.ds(cb, G)])
        return carry

    lax.fori_loop(0, NCHUNK, chunk_body, 0)


@jax.jit
def _sc_sims(tgt_idx, ctx_idx, neg_idx_flat, tgt_tab, ctx_tab):
    mesh = plsc.VectorSubcoreMesh(core_axis_name="c", subcore_axis_name="s")
    run = functools.partial(
        pl.kernel,
        out_type=jax.ShapeDtypeStruct((N_SIM, B), jnp.float32),
        mesh=mesh,
        compiler_params=pltpu.CompilerParams(needs_layout_passes=False,
                                             use_tc_tiling_on_sc=False),
        scratch_types=[
            pltpu.VMEM((G,), jnp.int32),
            pltpu.VMEM((G,), jnp.int32),
            pltpu.VMEM((G * N_NEG,), jnp.int32),
            pltpu.VMEM((G, D), jnp.float32),
            pltpu.VMEM((G, D), jnp.float32),
            pltpu.VMEM((G * N_NEG, D), jnp.float32),
            pltpu.VMEM((N_SIM, G), jnp.float32),
            pltpu.SemaphoreType.DMA,
        ],
    )(_sc_sims_kernel)
    return run(tgt_idx, ctx_idx, neg_idx_flat, tgt_tab, ctx_tab)


def _loss_body(s_ref, o_ref):
    s = s_ref[...]
    row = lax.broadcasted_iota(jnp.int32, (N_SIM, B), 0)
    x = jnp.where(row == 0, s, -s)
    ls = jnp.minimum(x, 0.0) - jnp.log1p(jnp.exp(-jnp.abs(x)))
    o_ref[0, 0] = -jnp.sum(ls) / float(B)


@jax.jit
def _loss(sims):
    out = pl.pallas_call(
        _loss_body,
        out_shape=jax.ShapeDtypeStruct((1, 1), jnp.float32),
        out_specs=pl.BlockSpec(memory_space=pltpu.SMEM),
    )(sims)
    return out[0, 0]


def kernel(target_indices, context_indices, neg_indices, batch_size,
           B_target_w, B_context_w):
    del batch_size
    tgt_idx = target_indices.astype(jnp.int32)
    ctx_idx = context_indices.astype(jnp.int32)
    neg_idx_flat = neg_indices.astype(jnp.int32).reshape(-1)
    sims = _sc_sims(tgt_idx, ctx_idx, neg_idx_flat,
                    B_target_w, B_context_w)
    return _loss(sims)

# --- scband reference (transcript-rebuilt; emitter-appended) ---
"""Pipeline reference for scband-word2-dmms-57088705298720 (READ-ONLY COPY).

The authoritative reference and input builder live on the scoring server;
editing this copy changes nothing except your own understanding.
"""

import jax, jax.numpy as jnp
import numpy as np

VOCAB = 1000000
N_DIM = 16
M_DIM = 4
BATCH = 16384
N_NEG = 10


def setup_inputs(seed: int = 0) -> dict:
    key = jax.random.key(seed)
    k1, k2, k3, k4, k5 = jax.random.split(key, 5)
    init_range = 0.5 / (N_DIM * M_DIM)
    target_indices = jax.random.randint(k1, (BATCH,), 0, VOCAB, dtype=jnp.int64 if jax.config.jax_enable_x64 else jnp.int32)
    context_indices = jax.random.randint(k2, (BATCH,), 0, VOCAB, dtype=target_indices.dtype)
    neg_indices = jax.random.randint(k3, (BATCH, N_NEG), 0, VOCAB, dtype=target_indices.dtype)
    B_target_w = jax.random.uniform(k4, (VOCAB, N_DIM * M_DIM), dtype=jnp.float32, minval=-init_range, maxval=init_range)
    B_context_w = jax.random.uniform(k5, (VOCAB, N_DIM * M_DIM), dtype=jnp.float32, minval=-init_range, maxval=init_range)
    return {
        "target_indices": target_indices,
        "context_indices": context_indices,
        "neg_indices": neg_indices,
        "batch_size": BATCH,
        "B_target_w": B_target_w,
        "B_context_w": B_context_w,
    }


def reference(target_indices, context_indices, neg_indices, batch_size, B_target_w, B_context_w):
    # setup='many2many', update='all', sim_metric='dot'
    B_targets = jnp.take(B_target_w, target_indices, axis=0).reshape(-1, N_DIM, M_DIM)
    B_contexts = jnp.take(B_context_w, context_indices, axis=0).reshape(-1, N_DIM, M_DIM)
    n_neg = neg_indices.shape[1]
    B_negs = jnp.take(B_context_w, neg_indices.reshape(-1), axis=0).reshape(-1, n_neg, N_DIM, M_DIM)
    context_sims = jnp.sum(B_targets * B_contexts, axis=(2, 1))
    neg_sims = jnp.sum(B_targets[:, None, :, :] * B_negs, axis=(-1, -2))
    context_log_sigmoids = jax.nn.log_sigmoid(context_sims)
    neg_log_sigmoids = jnp.sum(jax.nn.log_sigmoid(-neg_sims), axis=1)
    loss = -context_log_sigmoids - neg_log_sigmoids
    return jnp.mean(loss)

if __name__ == "__main__":
    import jax
    _d = setup_inputs()
    print(jax.jit(kernel)(*tuple(_d.values())))

</pallas_src>

<mosaic_0001>
#map = affine_map<(d0, d1) -> (0)>
#map1 = affine_map<(d0, d1) -> (0, 0)>
module attributes {stable_mosaic.version = 14 : i64} {
  func.func @_sc_sims_kernel(%arg0: i32, %arg1: i32, %arg2: memref<16384xi32, #tpu.memory_space<hbm>>, %arg3: memref<16384xi32, #tpu.memory_space<hbm>>, %arg4: memref<163840xi32, #tpu.memory_space<hbm>>, %arg5: memref<1000000x64xf32, #tpu.memory_space<hbm>>, %arg6: memref<1000000x64xf32, #tpu.memory_space<hbm>>, %arg7: memref<11x16384xf32, #tpu.memory_space<hbm>>, %arg8: memref<128xi32, #tpu.memory_space<vmem>>, %arg9: memref<128xi32, #tpu.memory_space<vmem>>, %arg10: memref<1280xi32, #tpu.memory_space<vmem>>, %arg11: memref<128x64xf32, #tpu.memory_space<vmem>>, %arg12: memref<128x64xf32, #tpu.memory_space<vmem>>, %arg13: memref<1280x64xf32, #tpu.memory_space<vmem>>, %arg14: memref<11x128xf32, #tpu.memory_space<vmem>>, %arg15: memref<!tpu.dma_semaphore, #tpu.memory_space<semaphore_mem>>) attributes {dimension_semantics = [#tpu.dimension_semantics<core_parallel>, #tpu.dimension_semantics<subcore_parallel>], iteration_bounds = array<i64: 2, 16>, scalar_prefetch = 0 : i64, scratch_operands = 8 : i64, tpu.core_type = #tpu.core_type<sc_vector_subcore>, window_params = [{transform_indices = #map}, {transform_indices = #map}, {transform_indices = #map}, {transform_indices = #map1}, {transform_indices = #map1}, {transform_indices = #map1}]} {
    %mul3A = arith.constant 16 : i32
    %mul3A_0 = arith.muli %arg0, %mul3A : i32
    %add3A = arith.addi %mul3A_0, %arg1 : i32
    %mul3A_1 = arith.constant 512 : i32
    %mul3A_2 = arith.muli %add3A, %mul3A_1 : i32
    %iota3A = tpu.iota {dimensions = array<i32: 0>} : vector<16xi32>
    %mul3A_3 = arith.constant 10 : i32
    %mul3A_4 = vector.broadcast %mul3A_3 : i32 to vector<16xi32>
    %mul3A_5 = arith.muli %iota3A, %mul3A_4 : vector<16xi32>
    %scan3A = arith.constant 0 : i32
    %scan3A_6 = arith.constant 0 : i32
    %scan3A_7 = arith.constant 4 : i32
    %scan3A_8 = arith.addi %scan3A_6, %scan3A_7 : i32
    %scan3A_9 = arith.constant 1 : i32
    scf.for %scan3A_11 = %scan3A_6 to %scan3A_8 step %scan3A_9  : i32 {
      %mul3A_12 = arith.constant 128 : i32
      %mul3A_13 = arith.muli %scan3A_11, %mul3A_12 : i32
      %add3A_14 = arith.addi %mul3A_2, %mul3A_13 : i32
      "tpu.region"() ({
        %run_scoped3A = tpu.sem_alloc : memref<!tpu.dma_semaphore, #tpu.memory_space<semaphore_mem>>
        %dma_start3A_193 = tpu.memref_slice %arg2[%add3A_14] : memref<16384xi32, #tpu.memory_space<hbm>> -> memref<128xi32, #tpu.memory_space<hbm>>
        %dma_start3A_194 = tpu.memref_slice %arg2[%add3A_14] : memref<16384xi32, #tpu.memory_space<hbm>> -> memref<128xi32, #tpu.memory_space<hbm>>
        tpu.enqueue_dma source(%dma_start3A_194 : memref<128xi32, #tpu.memory_space<hbm>>) target(%arg8 : memref<128xi32, #tpu.memory_space<vmem>>) target_semaphore(%run_scoped3A : memref<!tpu.dma_semaphore, #tpu.memory_space<semaphore_mem>>)
        %dma_wait3A_195 = tpu.memref_slice %arg2[%add3A_14] : memref<16384xi32, #tpu.memory_space<hbm>> -> memref<128xi32, #tpu.memory_space<hbm>>
        %dma_wait3A_196 = tpu.memref_slice %arg2[%add3A_14] : memref<16384xi32, #tpu.memory_space<hbm>> -> memref<128xi32, #tpu.memory_space<hbm>>
        tpu.wait_dma2 semaphore(%run_scoped3A : memref<!tpu.dma_semaphore, #tpu.memory_space<semaphore_mem>>) src(%dma_wait3A_196 : memref<128xi32, #tpu.memory_space<hbm>>) dst(%arg8 : memref<128xi32, #tpu.memory_space<vmem>>)
        tpu.yield
      }) : () -> ()
      "tpu.region"() ({
        %run_scoped3A = tpu.sem_alloc : memref<!tpu.dma_semaphore, #tpu.memory_space<semaphore_mem>>
        %dma_start3A_193 = tpu.memref_slice %arg3[%add3A_14] : memref<16384xi32, #tpu.memory_space<hbm>> -> memref<128xi32, #tpu.memory_space<hbm>>
        %dma_start3A_194 = tpu.memref_slice %arg3[%add3A_14] : memref<16384xi32, #tpu.memory_space<hbm>> -> memref<128xi32, #tpu.memory_space<hbm>>
        tpu.enqueue_dma source(%dma_start3A_194 : memref<128xi32, #tpu.memory_space<hbm>>) target(%arg9 : memref<128xi32, #tpu.memory_space<vmem>>) target_semaphore(%run_scoped3A : memref<!tpu.dma_semaphore, #tpu.memory_space<semaphore_mem>>)
        %dma_wait3A_195 = tpu.memref_slice %arg3[%add3A_14] : memref<16384xi32, #tpu.memory_space<hbm>> -> memref<128xi32, #tpu.memory_space<hbm>>
        %dma_wait3A_196 = tpu.memref_slice %arg3[%add3A_14] : memref<16384xi32, #tpu.memory_space<hbm>> -> memref<128xi32, #tpu.memory_space<hbm>>
        tpu.wait_dma2 semaphore(%run_scoped3A : memref<!tpu.dma_semaphore, #tpu.memory_space<semaphore_mem>>) src(%dma_wait3A_196 : memref<128xi32, #tpu.memory_space<hbm>>) dst(%arg9 : memref<128xi32, #tpu.memory_space<vmem>>)
        tpu.yield
      }) : () -> ()
      %mul3A_15 = arith.constant 10 : i32
      %mul3A_16 = arith.muli %add3A_14, %mul3A_15 : i32
      "tpu.region"() ({
        %run_scoped3A = tpu.sem_alloc : memref<!tpu.dma_semaphore, #tpu.memory_space<semaphore_mem>>
        %dma_start3A_193 = tpu.memref_slice %arg4[%mul3A_16] : memref<163840xi32, #tpu.memory_space<hbm>> -> memref<1280xi32, #tpu.memory_space<hbm>>
        %dma_start3A_194 = tpu.memref_slice %arg4[%mul3A_16] : memref<163840xi32, #tpu.memory_space<hbm>> -> memref<1280xi32, #tpu.memory_space<hbm>>
        tpu.enqueue_dma source(%dma_start3A_194 : memref<1280xi32, #tpu.memory_space<hbm>>) target(%arg10 : memref<1280xi32, #tpu.memory_space<vmem>>) target_semaphore(%run_scoped3A : memref<!tpu.dma_semaphore, #tpu.memory_space<semaphore_mem>>)
        %dma_wait3A_195 = tpu.memref_slice %arg4[%mul3A_16] : memref<163840xi32, #tpu.memory_space<hbm>> -> memref<1280xi32, #tpu.memory_space<hbm>>
        %dma_wait3A_196 = tpu.memref_slice %arg4[%mul3A_16] : memref<163840xi32, #tpu.memory_space<hbm>> -> memref<1280xi32, #tpu.memory_space<hbm>>
        tpu.wait_dma2 semaphore(%run_scoped3A : memref<!tpu.dma_semaphore, #tpu.memory_space<semaphore_mem>>) src(%dma_wait3A_196 : memref<1280xi32, #tpu.memory_space<hbm>>) dst(%arg10 : memref<1280xi32, #tpu.memory_space<vmem>>)
        tpu.yield
      }) : () -> ()
      %dma_start3A = arith.constant 0 : i32
      %dma_start3A_17 = arith.constant 0 : i32
      %dma_start3A_18 = tpu.memref_slice %arg5[%dma_start3A, %dma_start3A_17] : memref<1000000x64xf32, #tpu.memory_space<hbm>> -> memref<1000000x64xf32, #tpu.memory_space<hbm>>
      tpu.enqueue_indirect_dma source(%dma_start3A_18 : memref<1000000x64xf32, #tpu.memory_space<hbm>>) target(%arg11 : memref<128x64xf32, #tpu.memory_space<vmem>>) offsets(%arg8 : memref<128xi32, #tpu.memory_space<vmem>>) semaphore(%arg15 : memref<!tpu.dma_semaphore, #tpu.memory_space<semaphore_mem>>)
      %dma_start3A_19 = arith.constant 0 : i32
      %dma_start3A_20 = arith.constant 0 : i32
      %dma_start3A_21 = tpu.memref_slice %arg6[%dma_start3A_19, %dma_start3A_20] : memref<1000000x64xf32, #tpu.memory_space<hbm>> -> memref<1000000x64xf32, #tpu.memory_space<hbm>>
      tpu.enqueue_indirect_dma source(%dma_start3A_21 : memref<1000000x64xf32, #tpu.memory_space<hbm>>) target(%arg12 : memref<128x64xf32, #tpu.memory_space<vmem>>) offsets(%arg9 : memref<128xi32, #tpu.memory_space<vmem>>) semaphore(%arg15 : memref<!tpu.dma_semaphore, #tpu.memory_space<semaphore_mem>>)
      %dma_start3A_22 = arith.constant 0 : i32
      %dma_start3A_23 = arith.constant 0 : i32
      %dma_start3A_24 = tpu.memref_slice %arg13[%dma_start3A_22, %dma_start3A_23] : memref<1280x64xf32, #tpu.memory_space<vmem>> -> memref<128x64xf32, #tpu.memory_space<vmem>>
      %dma_start3A_25 = arith.constant 0 : i32
      %dma_start3A_26 = tpu.memref_slice %arg10[%dma_start3A_25] : memref<1280xi32, #tpu.memory_space<vmem>> -> memref<128xi32, #tpu.memory_space<vmem>>
      %dma_start3A_27 = arith.constant 0 : i32
      %dma_start3A_28 = arith.constant 0 : i32
      %dma_start3A_29 = tpu.memref_slice %arg6[%dma_start3A_27, %dma_start3A_28] : memref<1000000x64xf32, #tpu.memory_space<hbm>> -> memref<1000000x64xf32, #tpu.memory_space<hbm>>
      tpu.enqueue_indirect_dma source(%dma_start3A_29 : memref<1000000x64xf32, #tpu.memory_space<hbm>>) target(%dma_start3A_24 : memref<128x64xf32, #tpu.memory_space<vmem>>) offsets(%dma_start3A_26 : memref<128xi32, #tpu.memory_space<vmem>>) semaphore(%arg15 : memref<!tpu.dma_semaphore, #tpu.memory_space<semaphore_mem>>)
      %dma_start3A_30 = arith.constant 128 : i32
      %dma_start3A_31 = arith.constant 0 : i32
      %dma_start3A_32 = tpu.memref_slice %arg13[%dma_start3A_30, %dma_start3A_31] : memref<1280x64xf32, #tpu.memory_space<vmem>> -> memref<128x64xf32, #tpu.memory_space<vmem>>
      %dma_start3A_33 = arith.constant 128 : i32
      %dma_start3A_34 = tpu.memref_slice %arg10[%dma_start3A_33] : memref<1280xi32, #tpu.memory_space<vmem>> -> memref<128xi32, #tpu.memory_space<vmem>>
      %dma_start3A_35 = arith.constant 0 : i32
      %dma_start3A_36 = arith.constant 0 : i32
      %dma_start3A_37 = tpu.memref_slice %arg6[%dma_start3A_35, %dma_start3A_36] : memref<1000000x64xf32, #tpu.memory_space<hbm>> -> memref<1000000x64xf32, #tpu.memory_space<hbm>>
      tpu.enqueue_indirect_dma source(%dma_start3A_37 : memref<1000000x64xf32, #tpu.memory_space<hbm>>) target(%dma_start3A_32 : memref<128x64xf32, #tpu.memory_space<vmem>>) offsets(%dma_start3A_34 : memref<128xi32, #tpu.memory_space<vmem>>) semaphore(%arg15 : memref<!tpu.dma_semaphore, #tpu.memory_space<semaphore_mem>>)
      %dma_start3A_38 = arith.constant 256 : i32
      %dma_start3A_39 = arith.constant 0 : i32
      %dma_start3A_40 = tpu.memref_slice %arg13[%dma_start3A_38, %dma_start3A_39] : memref<1280x64xf32, #tpu.memory_space<vmem>> -> memref<128x64xf32, #tpu.memory_space<vmem>>
      %dma_start3A_41 = arith.constant 256 : i32
      %dma_start3A_42 = tpu.memref_slice %arg10[%dma_start3A_41] : memref<1280xi32, #tpu.memory_space<vmem>> -> memref<128xi32, #tpu.memory_space<vmem>>
      %dma_start3A_43 = arith.constant 0 : i32
      %dma_start3A_44 = arith.constant 0 : i32
      %dma_start3A_45 = tpu.memref_slice %arg6[%dma_start3A_43, %dma_start3A_44] : memref<1000000x64xf32, #tpu.memory_space<hbm>> -> memref<1000000x64xf32, #tpu.memory_space<hbm>>
      tpu.enqueue_indirect_dma source(%dma_start3A_45 : memref<1000000x64xf32, #tpu.memory_space<hbm>>) target(%dma_start3A_40 : memref<128x64xf32, #tpu.memory_space<vmem>>) offsets(%dma_start3A_42 : memref<128xi32, #tpu.memory_space<vmem>>) semaphore(%arg15 : memref<!tpu.dma_semaphore, #tpu.memory_space<semaphore_mem>>)
      %dma_start3A_46 = arith.constant 384 : i32
      %dma_start3A_47 = arith.constant 0 : i32
      %dma_start3A_48 = tpu.memref_slice %arg13[%dma_start3A_46, %dma_start3A_47] : memref<1280x64xf32, #tpu.memory_space<vmem>> -> memref<128x64xf32, #tpu.memory_space<vmem>>
      %dma_start3A_49 = arith.constant 384 : i32
      %dma_start3A_50 = tpu.memref_slice %arg10[%dma_start3A_49] : memref<1280xi32, #tpu.memory_space<vmem>> -> memref<128xi32, #tpu.memory_space<vmem>>
      %dma_start3A_51 = arith.constant 0 : i32
      %dma_start3A_52 = arith.constant 0 : i32
      %dma_start3A_53 = tpu.memref_slice %arg6[%dma_start3A_51, %dma_start3A_52] : memref<1000000x64xf32, #tpu.memory_space<hbm>> -> memref<1000000x64xf32, #tpu.memory_space<hbm>>
      tpu.enqueue_indirect_dma source(%dma_start3A_53 : memref<1000000x64xf32, #tpu.memory_space<hbm>>) target(%dma_start3A_48 : memref<128x64xf32, #tpu.memory_space<vmem>>) offsets(%dma_start3A_50 : memref<128xi32, #tpu.memory_space<vmem>>) semaphore(%arg15 : memref<!tpu.dma_semaphore, #tpu.memory_space<semaphore_mem>>)
      %dma_start3A_54 = arith.constant 512 : i32
      %dma_start3A_55 = arith.constant 0 : i32
      %dma_start3A_56 = tpu.memref_slice %arg13[%dma_start3A_54, %dma_start3A_55] : memref<1280x64xf32, #tpu.memory_space<vmem>> -> memref<128x64xf32, #tpu.memory_space<vmem>>
      %dma_start3A_57 = arith.constant 512 : i32
      %dma_start3A_58 = tpu.memref_slice %arg10[%dma_start3A_57] : memref<1280xi32, #tpu.memory_space<vmem>> -> memref<128xi32, #tpu.memory_space<vmem>>
      %dma_start3A_59 = arith.constant 0 : i32
      %dma_start3A_60 = arith.constant 0 : i32
      %dma_start3A_61 = tpu.memref_slice %arg6[%dma_start3A_59, %dma_start3A_60] : memref<1000000x64xf32, #tpu.memory_space<hbm>> -> memref<1000000x64xf32, #tpu.memory_space<hbm>>
      tpu.enqueue_indirect_dma source(%dma_start3A_61 : memref<1000000x64xf32, #tpu.memory_space<hbm>>) target(%dma_start3A_56 : memref<128x64xf32, #tpu.memory_space<vmem>>) offsets(%dma_start3A_58 : memref<128xi32, #tpu.memory_space<vmem>>) semaphore(%arg15 : memref<!tpu.dma_semaphore, #tpu.memory_space<semaphore_mem>>)
      %dma_start3A_62 = arith.constant 640 : i32
      %dma_start3A_63 = arith.constant 0 : i32
      %dma_start3A_64 = tpu.memref_slice %arg13[%dma_start3A_62, %dma_start3A_63] : memref<1280x64xf32, #tpu.memory_space<vmem>> -> memref<128x64xf32, #tpu.memory_space<vmem>>
      %dma_start3A_65 = arith.constant 640 : i32
      %dma_start3A_66 = tpu.memref_slice %arg10[%dma_start3A_65] : memref<1280xi32, #tpu.memory_space<vmem>> -> memref<128xi32, #tpu.memory_space<vmem>>
      %dma_start3A_67 = arith.constant 0 : i32
      %dma_start3A_68 = arith.constant 0 : i32
      %dma_start3A_69 = tpu.memref_slice %arg6[%dma_start3A_67, %dma_start3A_68] : memref<1000000x64xf32, #tpu.memory_space<hbm>> -> memref<1000000x64xf32, #tpu.memory_space<hbm>>
      tpu.enqueue_indirect_dma source(%dma_start3A_69 : memref<1000000x64xf32, #tpu.memory_space<hbm>>) target(%dma_start3A_64 : memref<128x64xf32, #tpu.memory_space<vmem>>) offsets(%dma_start3A_66 : memref<128xi32, #tpu.memory_space<vmem>>) semaphore(%arg15 : memref<!tpu.dma_semaphore, #tpu.memory_space<semaphore_mem>>)
      %dma_start3A_70 = arith.constant 768 : i32
      %dma_start3A_71 = arith.constant 0 : i32
      %dma_start3A_72 = tpu.memref_slice %arg13[%dma_start3A_70, %dma_start3A_71] : memref<1280x64xf32, #tpu.memory_space<vmem>> -> memref<128x64xf32, #tpu.memory_space<vmem>>
      %dma_start3A_73 = arith.constant 768 : i32
      %dma_start3A_74 = tpu.memref_slice %arg10[%dma_start3A_73] : memref<1280xi32, #tpu.memory_space<vmem>> -> memref<128xi32, #tpu.memory_space<vmem>>
      %dma_start3A_75 = arith.constant 0 : i32
      %dma_start3A_76 = arith.constant 0 : i32
      %dma_start3A_77 = tpu.memref_slice %arg6[%dma_start3A_75, %dma_start3A_76] : memref<1000000x64xf32, #tpu.memory_space<hbm>> -> memref<1000000x64xf32, #tpu.memory_space<hbm>>
      tpu.enqueue_indirect_dma source(%dma_start3A_77 : memref<1000000x64xf32, #tpu.memory_space<hbm>>) target(%dma_start3A_72 : memref<128x64xf32, #tpu.memory_space<vmem>>) offsets(%dma_start3A_74 : memref<128xi32, #tpu.memory_space<vmem>>) semaphore(%arg15 : memref<!tpu.dma_semaphore, #tpu.memory_space<semaphore_mem>>)
      %dma_start3A_78 = arith.constant 896 : i32
      %dma_start3A_79 = arith.constant 0 : i32
      %dma_start3A_80 = tpu.memref_slice %arg13[%dma_start3A_78, %dma_start3A_79] : memref<1280x64xf32, #tpu.memory_space<vmem>> -> memref<128x64xf32, #tpu.memory_space<vmem>>
      %dma_start3A_81 = arith.constant 896 : i32
      %dma_start3A_82 = tpu.memref_slice %arg10[%dma_start3A_81] : memref<1280xi32, #tpu.memory_space<vmem>> -> memref<128xi32, #tpu.memory_space<vmem>>
      %dma_start3A_83 = arith.constant 0 : i32
      %dma_start3A_84 = arith.constant 0 : i32
      %dma_start3A_85 = tpu.memref_slice %arg6[%dma_start3A_83, %dma_start3A_84] : memref<1000000x64xf32, #tpu.memory_space<hbm>> -> memref<1000000x64xf32, #tpu.memory_space<hbm>>
      tpu.enqueue_indirect_dma source(%dma_start3A_85 : memref<1000000x64xf32, #tpu.memory_space<hbm>>) target(%dma_start3A_80 : memref<128x64xf32, #tpu.memory_space<vmem>>) offsets(%dma_start3A_82 : memref<128xi32, #tpu.memory_space<vmem>>) semaphore(%arg15 : memref<!tpu.dma_semaphore, #tpu.memory_space<semaphore_mem>>)
      %dma_start3A_86 = arith.constant 1024 : i32
      %dma_start3A_87 = arith.constant 0 : i32
      %dma_start3A_88 = tpu.memref_slice %arg13[%dma_start3A_86, %dma_start3A_87] : memref<1280x64xf32, #tpu.memory_space<vmem>> -> memref<128x64xf32, #tpu.memory_space<vmem>>
      %dma_start3A_89 = arith.constant 1024 : i32
      %dma_start3A_90 = tpu.memref_slice %arg10[%dma_start3A_89] : memref<1280xi32, #tpu.memory_space<vmem>> -> memref<128xi32, #tpu.memory_space<vmem>>
      %dma_start3A_91 = arith.constant 0 : i32
      %dma_start3A_92 = arith.constant 0 : i32
      %dma_start3A_93 = tpu.memref_slice %arg6[%dma_start3A_91, %dma_start3A_92] : memref<1000000x64xf32, #tpu.memory_space<hbm>> -> memref<1000000x64xf32, #tpu.memory_space<hbm>>
      tpu.enqueue_indirect_dma source(%dma_start3A_93 : memref<1000000x64xf32, #tpu.memory_space<hbm>>) target(%dma_start3A_88 : memref<128x64xf32, #tpu.memory_space<vmem>>) offsets(%dma_start3A_90 : memref<128xi32, #tpu.memory_space<vmem>>) semaphore(%arg15 : memref<!tpu.dma_semaphore, #tpu.memory_space<semaphore_mem>>)
      %dma_start3A_94 = arith.constant 1152 : i32
      %dma_start3A_95 = arith.constant 0 : i32
      %dma_start3A_96 = tpu.memref_slice %arg13[%dma_start3A_94, %dma_start3A_95] : memref<1280x64xf32, #tpu.memory_space<vmem>> -> memref<128x64xf32, #tpu.memory_space<vmem>>
      %dma_start3A_97 = arith.constant 1152 : i32
      %dma_start3A_98 = tpu.memref_slice %arg10[%dma_start3A_97] : memref<1280xi32, #tpu.memory_space<vmem>> -> memref<128xi32, #tpu.memory_space<vmem>>
      %dma_start3A_99 = arith.constant 0 : i32
      %dma_start3A_100 = arith.constant 0 : i32
      %dma_start3A_101 = tpu.memref_slice %arg6[%dma_start3A_99, %dma_start3A_100] : memref<1000000x64xf32, #tpu.memory_space<hbm>> -> memref<1000000x64xf32, #tpu.memory_space<hbm>>
      tpu.enqueue_indirect_dma source(%dma_start3A_101 : memref<1000000x64xf32, #tpu.memory_space<hbm>>) target(%dma_start3A_96 : memref<128x64xf32, #tpu.memory_space<vmem>>) offsets(%dma_start3A_98 : memref<128xi32, #tpu.memory_space<vmem>>) semaphore(%arg15 : memref<!tpu.dma_semaphore, #tpu.memory_space<semaphore_mem>>)
      %dma_wait3A = arith.constant 0 : i32
      %dma_wait3A_102 = arith.constant 0 : i32
      %dma_wait3A_103 = tpu.memref_slice %arg5[%dma_wait3A, %dma_wait3A_102] : memref<1000000x64xf32, #tpu.memory_space<hbm>> -> memref<1000000x64xf32, #tpu.memory_space<hbm>>
      tpu.wait_indirect_dma semaphore(%arg15 : memref<!tpu.dma_semaphore, #tpu.memory_space<semaphore_mem>>) src(%dma_wait3A_103 : memref<1000000x64xf32, #tpu.memory_space<hbm>>) dst(%arg11 : memref<128x64xf32, #tpu.memory_space<vmem>>)
      %dma_wait3A_104 = arith.constant 0 : i32
      %dma_wait3A_105 = arith.constant 0 : i32
      %dma_wait3A_106 = tpu.memref_slice %arg6[%dma_wait3A_104, %dma_wait3A_105] : memref<1000000x64xf32, #tpu.memory_space<hbm>> -> memref<1000000x64xf32, #tpu.memory_space<hbm>>
      tpu.wait_indirect_dma semaphore(%arg15 : memref<!tpu.dma_semaphore, #tpu.memory_space<semaphore_mem>>) src(%dma_wait3A_106 : memref<1000000x64xf32, #tpu.memory_space<hbm>>) dst(%arg12 : memref<128x64xf32, #tpu.memory_space<vmem>>)
      %dma_wait3A_107 = arith.constant 0 : i32
      %dma_wait3A_108 = arith.constant 0 : i32
      %dma_wait3A_109 = tpu.memref_slice %arg13[%dma_wait3A_107, %dma_wait3A_108] : memref<1280x64xf32, #tpu.memory_space<vmem>> -> memref<128x64xf32, #tpu.memory_space<vmem>>
      %dma_wait3A_110 = arith.constant 0 : i32
      %dma_wait3A_111 = tpu.memref_slice %arg10[%dma_wait3A_110] : memref<1280xi32, #tpu.memory_space<vmem>> -> memref<128xi32, #tpu.memory_space<vmem>>
      %dma_wait3A_112 = arith.constant 0 : i32
      %dma_wait3A_113 = arith.constant 0 : i32
      %dma_wait3A_114 = tpu.memref_slice %arg6[%dma_wait3A_112, %dma_wait3A_113] : memref<1000000x64xf32, #tpu.memory_space<hbm>> -> memref<1000000x64xf32, #tpu.memory_space<hbm>>
      tpu.wait_indirect_dma semaphore(%arg15 : memref<!tpu.dma_semaphore, #tpu.memory_space<semaphore_mem>>) src(%dma_wait3A_114 : memref<1000000x64xf32, #tpu.memory_space<hbm>>) dst(%dma_wait3A_109 : memref<128x64xf32, #tpu.memory_space<vmem>>)
      %dma_wait3A_115 = arith.constant 128 : i32
      %dma_wait3A_116 = arith.constant 0 : i32
      %dma_wait3A_117 = tpu.memref_slice %arg13[%dma_wait3A_115, %dma_wait3A_116] : memref<1280x64xf32, #tpu.memory_space<vmem>> -> memref<128x64xf32, #tpu.memory_space<vmem>>
      %dma_wait3A_118 = arith.constant 128 : i32
      %dma_wait3A_119 = tpu.memref_slice %arg10[%dma_wait3A_118] : memref<1280xi32, #tpu.memory_space<vmem>> -> memref<128xi32, #tpu.memory_space<vmem>>
      %dma_wait3A_120 = arith.constant 0 : i32
      %dma_wait3A_121 = arith.constant 0 : i32
      %dma_wait3A_122 = tpu.memref_slice %arg6[%dma_wait3A_120, %dma_wait3A_121] : memref<1000000x64xf32, #tpu.memory_space<hbm>> -> memref<1000000x64xf32, #tpu.memory_space<hbm>>
      tpu.wait_indirect_dma semaphore(%arg15 : memref<!tpu.dma_semaphore, #tpu.memory_space<semaphore_mem>>) src(%dma_wait3A_122 : memref<1000000x64xf32, #tpu.memory_space<hbm>>) dst(%dma_wait3A_117 : memref<128x64xf32, #tpu.memory_space<vmem>>)
      %dma_wait3A_123 = arith.constant 256 : i32
      %dma_wait3A_124 = arith.constant 0 : i32
      %dma_wait3A_125 = tpu.memref_slice %arg13[%dma_wait3A_123, %dma_wait3A_124] : memref<1280x64xf32, #tpu.memory_space<vmem>> -> memref<128x64xf32, #tpu.memory_space<vmem>>
      %dma_wait3A_126 = arith.constant 256 : i32
      %dma_wait3A_127 = tpu.memref_slice %arg10[%dma_wait3A_126] : memref<1280xi32, #tpu.memory_space<vmem>> -> memref<128xi32, #tpu.memory_space<vmem>>
      %dma_wait3A_128 = arith.constant 0 : i32
      %dma_wait3A_129 = arith.constant 0 : i32
      %dma_wait3A_130 = tpu.memref_slice %arg6[%dma_wait3A_128, %dma_wait3A_129] : memref<1000000x64xf32, #tpu.memory_space<hbm>> -> memref<1000000x64xf32, #tpu.memory_space<hbm>>
      tpu.wait_indirect_dma semaphore(%arg15 : memref<!tpu.dma_semaphore, #tpu.memory_space<semaphore_mem>>) src(%dma_wait3A_130 : memref<1000000x64xf32, #tpu.memory_space<hbm>>) dst(%dma_wait3A_125 : memref<128x64xf32, #tpu.memory_space<vmem>>)
      %dma_wait3A_131 = arith.constant 384 : i32
      %dma_wait3A_132 = arith.constant 0 : i32
      %dma_wait3A_133 = tpu.memref_slice %arg13[%dma_wait3A_131, %dma_wait3A_132] : memref<1280x64xf32, #tpu.memory_space<vmem>> -> memref<128x64xf32, #tpu.memory_space<vmem>>
      %dma_wait3A_134 = arith.constant 384 : i32
      %dma_wait3A_135 = tpu.memref_slice %arg10[%dma_wait3A_134] : memref<1280xi32, #tpu.memory_space<vmem>> -> memref<128xi32, #tpu.memory_space<vmem>>
      %dma_wait3A_136 = arith.constant 0 : i32
      %dma_wait3A_137 = arith.constant 0 : i32
      %dma_wait3A_138 = tpu.memref_slice %arg6[%dma_wait3A_136, %dma_wait3A_137] : memref<1000000x64xf32, #tpu.memory_space<hbm>> -> memref<1000000x64xf32, #tpu.memory_space<hbm>>
      tpu.wait_indirect_dma semaphore(%arg15 : memref<!tpu.dma_semaphore, #tpu.memory_space<semaphore_mem>>) src(%dma_wait3A_138 : memref<1000000x64xf32, #tpu.memory_space<hbm>>) dst(%dma_wait3A_133 : memref<128x64xf32, #tpu.memory_space<vmem>>)
      %dma_wait3A_139 = arith.constant 512 : i32
      %dma_wait3A_140 = arith.constant 0 : i32
      %dma_wait3A_141 = tpu.memref_slice %arg13[%dma_wait3A_139, %dma_wait3A_140] : memref<1280x64xf32, #tpu.memory_space<vmem>> -> memref<128x64xf32, #tpu.memory_space<vmem>>
      %dma_wait3A_142 = arith.constant 512 : i32
      %dma_wait3A_143 = tpu.memref_slice %arg10[%dma_wait3A_142] : memref<1280xi32, #tpu.memory_space<vmem>> -> memref<128xi32, #tpu.memory_space<vmem>>
      %dma_wait3A_144 = arith.constant 0 : i32
      %dma_wait3A_145 = arith.constant 0 : i32
      %dma_wait3A_146 = tpu.memref_slice %arg6[%dma_wait3A_144, %dma_wait3A_145] : memref<1000000x64xf32, #tpu.memory_space<hbm>> -> memref<1000000x64xf32, #tpu.memory_space<hbm>>
      tpu.wait_indirect_dma semaphore(%arg15 : memref<!tpu.dma_semaphore, #tpu.memory_space<semaphore_mem>>) src(%dma_wait3A_146 : memref<1000000x64xf32, #tpu.memory_space<hbm>>) dst(%dma_wait3A_141 : memref<128x64xf32, #tpu.memory_space<vmem>>)
      %dma_wait3A_147 = arith.constant 640 : i32
      %dma_wait3A_148 = arith.constant 0 : i32
      %dma_wait3A_149 = tpu.memref_slice %arg13[%dma_wait3A_147, %dma_wait3A_148] : memref<1280x64xf32, #tpu.memory_space<vmem>> -> memref<128x64xf32, #tpu.memory_space<vmem>>
      %dma_wait3A_150 = arith.constant 640 : i32
      %dma_wait3A_151 = tpu.memref_slice %arg10[%dma_wait3A_150] : memref<1280xi32, #tpu.memory_space<vmem>> -> memref<128xi32, #tpu.memory_space<vmem>>
      %dma_wait3A_152 = arith.constant 0 : i32
      %dma_wait3A_153 = arith.constant 0 : i32
      %dma_wait3A_154 = tpu.memref_slice %arg6[%dma_wait3A_152, %dma_wait3A_153] : memref<1000000x64xf32, #tpu.memory_space<hbm>> -> memref<1000000x64xf32, #tpu.memory_space<hbm>>
      tpu.wait_indirect_dma semaphore(%arg15 : memref<!tpu.dma_semaphore, #tpu.memory_space<semaphore_mem>>) src(%dma_wait3A_154 : memref<1000000x64xf32, #tpu.memory_space<hbm>>) dst(%dma_wait3A_149 : memref<128x64xf32, #tpu.memory_space<vmem>>)
      %dma_wait3A_155 = arith.constant 768 : i32
      %dma_wait3A_156 = arith.constant 0 : i32
      %dma_wait3A_157 = tpu.memref_slice %arg13[%dma_wait3A_155, %dma_wait3A_156] : memref<1280x64xf32, #tpu.memory_space<vmem>> -> memref<128x64xf32, #tpu.memory_space<vmem>>
      %dma_wait3A_158 = arith.constant 768 : i32
      %dma_wait3A_159 = tpu.memref_slice %arg10[%dma_wait3A_158] : memref<1280xi32, #tpu.memory_space<vmem>> -> memref<128xi32, #tpu.memory_space<vmem>>
      %dma_wait3A_160 = arith.constant 0 : i32
      %dma_wait3A_161 = arith.constant 0 : i32
      %dma_wait3A_162 = tpu.memref_slice %arg6[%dma_wait3A_160, %dma_wait3A_161] : memref<1000000x64xf32, #tpu.memory_space<hbm>> -> memref<1000000x64xf32, #tpu.memory_space<hbm>>
      tpu.wait_indirect_dma semaphore(%arg15 : memref<!tpu.dma_semaphore, #tpu.memory_space<semaphore_mem>>) src(%dma_wait3A_162 : memref<1000000x64xf32, #tpu.memory_space<hbm>>) dst(%dma_wait3A_157 : memref<128x64xf32, #tpu.memory_space<vmem>>)
      %dma_wait3A_163 = arith.constant 896 : i32
      %dma_wait3A_164 = arith.constant 0 : i32
      %dma_wait3A_165 = tpu.memref_slice %arg13[%dma_wait3A_163, %dma_wait3A_164] : memref<1280x64xf32, #tpu.memory_space<vmem>> -> memref<128x64xf32, #tpu.memory_space<vmem>>
      %dma_wait3A_166 = arith.constant 896 : i32
      %dma_wait3A_167 = tpu.memref_slice %arg10[%dma_wait3A_166] : memref<1280xi32, #tpu.memory_space<vmem>> -> memref<128xi32, #tpu.memory_space<vmem>>
      %dma_wait3A_168 = arith.constant 0 : i32
      %dma_wait3A_169 = arith.constant 0 : i32
      %dma_wait3A_170 = tpu.memref_slice %arg6[%dma_wait3A_168, %dma_wait3A_169] : memref<1000000x64xf32, #tpu.memory_space<hbm>> -> memref<1000000x64xf32, #tpu.memory_space<hbm>>
      tpu.wait_indirect_dma semaphore(%arg15 : memref<!tpu.dma_semaphore, #tpu.memory_space<semaphore_mem>>) src(%dma_wait3A_170 : memref<1000000x64xf32, #tpu.memory_space<hbm>>) dst(%dma_wait3A_165 : memref<128x64xf32, #tpu.memory_space<vmem>>)
      %dma_wait3A_171 = arith.constant 1024 : i32
      %dma_wait3A_172 = arith.constant 0 : i32
      %dma_wait3A_173 = tpu.memref_slice %arg13[%dma_wait3A_171, %dma_wait3A_172] : memref<1280x64xf32, #tpu.memory_space<vmem>> -> memref<128x64xf32, #tpu.memory_space<vmem>>
      %dma_wait3A_174 = arith.constant 1024 : i32
      %dma_wait3A_175 = tpu.memref_slice %arg10[%dma_wait3A_174] : memref<1280xi32, #tpu.memory_space<vmem>> -> memref<128xi32, #tpu.memory_space<vmem>>
      %dma_wait3A_176 = arith.constant 0 : i32
      %dma_wait3A_177 = arith.constant 0 : i32
      %dma_wait3A_178 = tpu.memref_slice %arg6[%dma_wait3A_176, %dma_wait3A_177] : memref<1000000x64xf32, #tpu.memory_space<hbm>> -> memref<1000000x64xf32, #tpu.memory_space<hbm>>
      tpu.wait_indirect_dma semaphore(%arg15 : memref<!tpu.dma_semaphore, #tpu.memory_space<semaphore_mem>>) src(%dma_wait3A_178 : memref<1000000x64xf32, #tpu.memory_space<hbm>>) dst(%dma_wait3A_173 : memref<128x64xf32, #tpu.memory_space<vmem>>)
      %dma_wait3A_179 = arith.constant 1152 : i32
      %dma_wait3A_180 = arith.constant 0 : i32
      %dma_wait3A_181 = tpu.memref_slice %arg13[%dma_wait3A_179, %dma_wait3A_180] : memref<1280x64xf32, #tpu.memory_space<vmem>> -> memref<128x64xf32, #tpu.memory_space<vmem>>
      %dma_wait3A_182 = arith.constant 1152 : i32
      %dma_wait3A_183 = tpu.memref_slice %arg10[%dma_wait3A_182] : memref<1280xi32, #tpu.memory_space<vmem>> -> memref<128xi32, #tpu.memory_space<vmem>>
      %dma_wait3A_184 = arith.constant 0 : i32
      %dma_wait3A_185 = arith.constant 0 : i32
      %dma_wait3A_186 = tpu.memref_slice %arg6[%dma_wait3A_184, %dma_wait3A_185] : memref<1000000x64xf32, #tpu.memory_space<hbm>> -> memref<1000000x64xf32, #tpu.memory_space<hbm>>
      tpu.wait_indirect_dma semaphore(%arg15 : memref<!tpu.dma_semaphore, #tpu.memory_space<semaphore_mem>>) src(%dma_wait3A_186 : memref<1000000x64xf32, #tpu.memory_space<hbm>>) dst(%dma_wait3A_181 : memref<128x64xf32, #tpu.memory_space<vmem>>)
      %scan3A_187 = arith.constant 0 : i32
      %scan3A_188 = arith.constant 0 : i32
      %scan3A_189 = arith.constant 8 : i32
      %scan3A_190 = arith.addi %scan3A_188, %scan3A_189 : i32
      %scan3A_191 = arith.constant 1 : i32
      scf.for %scan3A_193 = %scan3A_188 to %scan3A_190 step %scan3A_191  : i32 {
        %mul3A_194 = arith.constant 16 : i32
        %mul3A_195 = arith.muli %scan3A_193, %mul3A_194 : i32
        %add3A_196 = vector.broadcast %mul3A_195 : i32 to vector<16xi32>
        %add3A_197 = arith.addi %add3A_196, %iota3A : vector<16xi32>
        %mul3A_198 = arith.constant 10 : i32
        %mul3A_199 = arith.muli %mul3A_195, %mul3A_198 : i32
        %add3A_200 = vector.broadcast %mul3A_199 : i32 to vector<16xi32>
        %add3A_201 = arith.addi %add3A_200, %mul3A_5 : vector<16xi32>
        %add3A_202 = arith.constant 0 : i32
        %add3A_203 = vector.broadcast %add3A_202 : i32 to vector<16xi32>
        %add3A_204 = arith.addi %add3A_201, %add3A_203 : vector<16xi32>
        %add3A_205 = arith.constant 1 : i32
        %add3A_206 = vector.broadcast %add3A_205 : i32 to vector<16xi32>
        %add3A_207 = arith.addi %add3A_201, %add3A_206 : vector<16xi32>
        %add3A_208 = arith.constant 2 : i32
        %add3A_209 = vector.broadcast %add3A_208 : i32 to vector<16xi32>
        %add3A_210 = arith.addi %add3A_201, %add3A_209 : vector<16xi32>
        %add3A_211 = arith.constant 3 : i32
        %add3A_212 = vector.broadcast %add3A_211 : i32 to vector<16xi32>
        %add3A_213 = arith.addi %add3A_201, %add3A_212 : vector<16xi32>
        %add3A_214 = arith.constant 4 : i32
        %add3A_215 = vector.broadcast %add3A_214 : i32 to vector<16xi32>
        %add3A_216 = arith.addi %add3A_201, %add3A_215 : vector<16xi32>
        %add3A_217 = arith.constant 5 : i32
        %add3A_218 = vector.broadcast %add3A_217 : i32 to vector<16xi32>
        %add3A_219 = arith.addi %add3A_201, %add3A_218 : vector<16xi32>
        %add3A_220 = arith.constant 6 : i32
        %add3A_221 = vector.broadcast %add3A_220 : i32 to vector<16xi32>
        %add3A_222 = arith.addi %add3A_201, %add3A_221 : vector<16xi32>
        %add3A_223 = arith.constant 7 : i32
        %add3A_224 = vector.broadcast %add3A_223 : i32 to vector<16xi32>
        %add3A_225 = arith.addi %add3A_201, %add3A_224 : vector<16xi32>
        %add3A_226 = arith.constant 8 : i32
        %add3A_227 = vector.broadcast %add3A_226 : i32 to vector<16xi32>
        %add3A_228 = arith.addi %add3A_201, %add3A_227 : vector<16xi32>
        %add3A_229 = arith.constant 9 : i32
        %add3A_230 = vector.broadcast %add3A_229 : i32 to vector<16xi32>
        %add3A_231 = arith.addi %add3A_201, %add3A_230 : vector<16xi32>
        %broadcast_in_dim3A = arith.constant 0.000000e+00 : f32
        %broadcast_in_dim3A_232 = vector.broadcast %broadcast_in_dim3A : f32 to vector<16xf32>
        %broadcast_in_dim3A_233 = arith.constant 0.000000e+00 : f32
        %broadcast_in_dim3A_234 = vector.broadcast %broadcast_in_dim3A_233 : f32 to vector<16xf32>
        %broadcast_in_dim3A_235 = arith.constant 0.000000e+00 : f32
        %broadcast_in_dim3A_236 = vector.broadcast %broadcast_in_dim3A_235 : f32 to vector<16xf32>
        %broadcast_in_dim3A_237 = arith.constant 0.000000e+00 : f32
        %broadcast_in_dim3A_238 = vector.broadcast %broadcast_in_dim3A_237 : f32 to vector<16xf32>
        %broadcast_in_dim3A_239 = arith.constant 0.000000e+00 : f32
        %broadcast_in_dim3A_240 = vector.broadcast %broadcast_in_dim3A_239 : f32 to vector<16xf32>
        %broadcast_in_dim3A_241 = arith.constant 0.000000e+00 : f32
        %broadcast_in_dim3A_242 = vector.broadcast %broadcast_in_dim3A_241 : f32 to vector<16xf32>
        %broadcast_in_dim3A_243 = arith.constant 0.000000e+00 : f32
        %broadcast_in_dim3A_244 = vector.broadcast %broadcast_in_dim3A_243 : f32 to vector<16xf32>
        %broadcast_in_dim3A_245 = arith.constant 0.000000e+00 : f32
        %broadcast_in_dim3A_246 = vector.broadcast %broadcast_in_dim3A_245 : f32 to vector<16xf32>
        %broadcast_in_dim3A_247 = arith.constant 0.000000e+00 : f32
        %broadcast_in_dim3A_248 = vector.broadcast %broadcast_in_dim3A_247 : f32 to vector<16xf32>
        %broadcast_in_dim3A_249 = arith.constant 0.000000e+00 : f32
        %broadcast_in_dim3A_250 = vector.broadcast %broadcast_in_dim3A_249 : f32 to vector<16xf32>
        %broadcast_in_dim3A_251 = arith.constant 0.000000e+00 : f32
        %broadcast_in_dim3A_252 = vector.broadcast %broadcast_in_dim3A_251 : f32 to vector<16xf32>
        %broadcast_in_dim3A_253 = arith.constant 0 : i32
        %broadcast_in_dim3A_254 = vector.broadcast %broadcast_in_dim3A_253 : i32 to vector<16xi32>
        %gather3A = tpu.vector_load_idx %arg11[%add3A_197, %broadcast_in_dim3A_254] : memref<128x64xf32, #tpu.memory_space<vmem>>[vector<16xi32>, vector<16xi32>], vector<16xf32>,
        %gather3A_255 = tpu.vector_load_idx %arg12[%add3A_197, %broadcast_in_dim3A_254] : memref<128x64xf32, #tpu.memory_space<vmem>>[vector<16xi32>, vector<16xi32>], vector<16xf32>,
        %mul3A_256 = arith.mulf %gather3A, %gather3A_255 : vector<16xf32>
        %add3A_257 = arith.addf %broadcast_in_dim3A_232, %mul3A_256 : vector<16xf32>
        %gather3A_258 = tpu.vector_load_idx %arg13[%add3A_204, %broadcast_in_dim3A_254] : memref<1280x64xf32, #tpu.memory_space<vmem>>[vector<16xi32>, vector<16xi32>], vector<16xf32>,
        %mul3A_259 = arith.mulf %gather3A, %gather3A_258 : vector<16xf32>
        %add3A_260 = arith.addf %broadcast_in_dim3A_234, %mul3A_259 : vector<16xf32>
        %gather3A_261 = tpu.vector_load_idx %arg13[%add3A_207, %broadcast_in_dim3A_254] : memref<1280x64xf32, #tpu.memory_space<vmem>>[vector<16xi32>, vector<16xi32>], vector<16xf32>,
        %mul3A_262 = arith.mulf %gather3A, %gather3A_261 : vector<16xf32>
        %add3A_263 = arith.addf %broadcast_in_dim3A_236, %mul3A_262 : vector<16xf32>
        %gather3A_264 = tpu.vector_load_idx %arg13[%add3A_210, %broadcast_in_dim3A_254] : memref<1280x64xf32, #tpu.memory_space<vmem>>[vector<16xi32>, vector<16xi32>], vector<16xf32>,
        %mul3A_265 = arith.mulf %gather3A, %gather3A_264 : vector<16xf32>
        %add3A_266 = arith.addf %broadcast_in_dim3A_238, %mul3A_265 : vector<16xf32>
        %gather3A_267 = tpu.vector_load_idx %arg13[%add3A_213, %broadcast_in_dim3A_254] : memref<1280x64xf32, #tpu.memory_space<vmem>>[vector<16xi32>, vector<16xi32>], vector<16xf32>,
        %mul3A_268 = arith.mulf %gather3A, %gather3A_267 : vector<16xf32>
        %add3A_269 = arith.addf %broadcast_in_dim3A_240, %mul3A_268 : vector<16xf32>
        %gather3A_270 = tpu.vector_load_idx %arg13[%add3A_216, %broadcast_in_dim3A_254] : memref<1280x64xf32, #tpu.memory_space<vmem>>[vector<16xi32>, vector<16xi32>], vector<16xf32>,
        %mul3A_271 = arith.mulf %gather3A, %gather3A_270 : vector<16xf32>
        %add3A_272 = arith.addf %broadcast_in_dim3A_242, %mul3A_271 : vector<16xf32>
        %gather3A_273 = tpu.vector_load_idx %arg13[%add3A_219, %broadcast_in_dim3A_254] : memref<1280x64xf32, #tpu.memory_space<vmem>>[vector<16xi32>, vector<16xi32>], vector<16xf32>,
        %mul3A_274 = arith.mulf %gather3A, %gather3A_273 : vector<16xf32>
        %add3A_275 = arith.addf %broadcast_in_dim3A_244, %mul3A_274 : vector<16xf32>
        %gather3A_276 = tpu.vector_load_idx %arg13[%add3A_222, %broadcast_in_dim3A_254] : memref<1280x64xf32, #tpu.memory_space<vmem>>[vector<16xi32>, vector<16xi32>], vector<16xf32>,
        %mul3A_277 = arith.mulf %gather3A, %gather3A_276 : vector<16xf32>
        %add3A_278 = arith.addf %broadcast_in_dim3A_246, %mul3A_277 : vector<16xf32>
        %gather3A_279 = tpu.vector_load_idx %arg13[%add3A_225, %broadcast_in_dim3A_254] : memref<1280x64xf32, #tpu.memory_space<vmem>>[vector<16xi32>, vector<16xi32>], vector<16xf32>,
        %mul3A_280 = arith.mulf %gather3A, %gather3A_279 : vector<16xf32>
        %add3A_281 = arith.addf %broadcast_in_dim3A_248, %mul3A_280 : vector<16xf32>
        %gather3A_282 = tpu.vector_load_idx %arg13[%add3A_228, %broadcast_in_dim3A_254] : memref<1280x64xf32, #tpu.memory_space<vmem>>[vector<16xi32>, vector<16xi32>], vector<16xf32>,
        %mul3A_283 = arith.mulf %gather3A, %gather3A_282 : vector<16xf32>
        %add3A_284 = arith.addf %broadcast_in_dim3A_250, %mul3A_283 : vector<16xf32>
        %gather3A_285 = tpu.vector_load_idx %arg13[%add3A_231, %broadcast_in_dim3A_254] : memref<1280x64xf32, #tpu.memory_space<vmem>>[vector<16xi32>, vector<16xi32>], vector<16xf32>,
        %mul3A_286 = arith.mulf %gather3A, %gather3A_285 : vector<16xf32>
        %add3A_287 = arith.addf %broadcast_in_dim3A_252, %mul3A_286 : vector<16xf32>
        %broadcast_in_dim3A_288 = arith.constant 1 : i32
        %broadcast_in_dim3A_289 = vector.broadcast %broadcast_in_dim3A_288 : i32 to vector<16xi32>
        %gather3A_290 = tpu.vector_load_idx %arg11[%add3A_197, %broadcast_in_dim3A_289] : memref<128x64xf32, #tpu.memory_space<vmem>>[vector<16xi32>, vector<16xi32>], vector<16xf32>,
        %gather3A_291 = tpu.vector_load_idx %arg12[%add3A_197, %broadcast_in_dim3A_289] : memref<128x64xf32, #tpu.memory_space<vmem>>[vector<16xi32>, vector<16xi32>], vector<16xf32>,
        %mul3A_292 = arith.mulf %gather3A_290, %gather3A_291 : vector<16xf32>
        %add3A_293 = arith.addf %add3A_257, %mul3A_292 : vector<16xf32>
        %gather3A_294 = tpu.vector_load_idx %arg13[%add3A_204, %broadcast_in_dim3A_289] : memref<1280x64xf32, #tpu.memory_space<vmem>>[vector<16xi32>, vector<16xi32>], vector<16xf32>,
        %mul3A_295 = arith.mulf %gather3A_290, %gather3A_294 : vector<16xf32>
        %add3A_296 = arith.addf %add3A_260, %mul3A_295 : vector<16xf32>
        %gather3A_297 = tpu.vector_load_idx %arg13[%add3A_207, %broadcast_in_dim3A_289] : memref<1280x64xf32, #tpu.memory_space<vmem>>[vector<16xi32>, vector<16xi32>], vector<16xf32>,
        %mul3A_298 = arith.mulf %gather3A_290, %gather3A_297 : vector<16xf32>
        %add3A_299 = arith.addf %add3A_263, %mul3A_298 : vector<16xf32>
        %gather3A_300 = tpu.vector_load_idx %arg13[%add3A_210, %broadcast_in_dim3A_289] : memref<1280x64xf32, #tpu.memory_space<vmem>>[vector<16xi32>, vector<16xi32>], vector<16xf32>,
        %mul3A_301 = arith.mulf %gather3A_290, %gather3A_300 : vector<16xf32>
        %add3A_302 = arith.addf %add3A_266, %mul3A_301 : vector<16xf32>
        %gather3A_303 = tpu.vector_load_idx %arg13[%add3A_213, %broadcast_in_dim3A_289] : memref<1280x64xf32, #tpu.memory_space<vmem>>[vector<16xi32>, vector<16xi32>], vector<16xf32>,
        %mul3A_304 = arith.mulf %gather3A_290, %gather3A_303 : vector<16xf32>
        %add3A_305 = arith.addf %add3A_269, %mul3A_304 : vector<16xf32>
        %gather3A_306 = tpu.vector_load_idx %arg13[%add3A_216, %broadcast_in_dim3A_289] : memref<1280x64xf32, #tpu.memory_space<vmem>>[vector<16xi32>, vector<16xi32>], vector<16xf32>,
        %mul3A_307 = arith.mulf %gather3A_290, %gather3A_306 : vector<16xf32>
        %add3A_308 = arith.addf %add3A_272, %mul3A_307 : vector<16xf32>
        %gather3A_309 = tpu.vector_load_idx %arg13[%add3A_219, %broadcast_in_dim3A_289] : memref<1280x64xf32, #tpu.memory_space<vmem>>[vector<16xi32>, vector<16xi32>], vector<16xf32>,
        %mul3A_310 = arith.mulf %gather3A_290, %gather3A_309 : vector<16xf32>
        %add3A_311 = arith.addf %add3A_275, %mul3A_310 : vector<16xf32>
        %gather3A_312 = tpu.vector_load_idx %arg13[%add3A_222, %broadcast_in_dim3A_289] : memref<1280x64xf32, #tpu.memory_space<vmem>>[vector<16xi32>, vector<16xi32>], vector<16xf32>,
        %mul3A_313 = arith.mulf %gather3A_290, %gather3A_312 : vector<16xf32>
        %add3A_314 = arith.addf %add3A_278, %mul3A_313 : vector<16xf32>
        %gather3A_315 = tpu.vector_load_idx %arg13[%add3A_225, %broadcast_in_dim3A_289] : memref<1280x64xf32, #tpu.memory_space<vmem>>[vector<16xi32>, vector<16xi32>], vector<16xf32>,
        %mul3A_316 = arith.mulf %gather3A_290, %gather3A_315 : vector<16xf32>
        %add3A_317 = arith.addf %add3A_281, %mul3A_316 : vector<16xf32>
        %gather3A_318 = tpu.vector_load_idx %arg13[%add3A_228, %broadcast_in_dim3A_289] : memref<1280x64xf32, #tpu.memory_space<vmem>>[vector<16xi32>, vector<16xi32>], vector<16xf32>,
        %mul3A_319 = arith.mulf %gather3A_290, %gather3A_318 : vector<16xf32>
        %add3A_320 = arith.addf %add3A_284, %mul3A_319 : vector<16xf32>
        %gather3A_321 = tpu.vector_load_idx %arg13[%add3A_231, %broadcast_in_dim3A_289] : memref<1280x64xf32, #tpu.memory_space<vmem>>[vector<16xi32>, vector<16xi32>], vector<16xf32>,
        %mul3A_322 = arith.mulf %gather3A_290, %gather3A_321 : vector<16xf32>
        %add3A_323 = arith.addf %add3A_287, %mul3A_322 : vector<16xf32>
        %broadcast_in_dim3A_324 = arith.constant 2 : i32
        %broadcast_in_dim3A_325 = vector.broadcast %broadcast_in_dim3A_324 : i32 to vector<16xi32>
        %gather3A_326 = tpu.vector_load_idx %arg11[%add3A_197, %broadcast_in_dim3A_325] : memref<128x64xf32, #tpu.memory_space<vmem>>[vector<16xi32>, vector<16xi32>], vector<16xf32>,
        %gather3A_327 = tpu.vector_load_idx %arg12[%add3A_197, %broadcast_in_dim3A_325] : memref<128x64xf32, #tpu.memory_space<vmem>>[vector<16xi32>, vector<16xi32>], vector<16xf32>,
        %mul3A_328 = arith.mulf %gather3A_326, %gather3A_327 : vector<16xf32>
        %add3A_329 = arith.addf %add3A_293, %mul3A_328 : vector<16xf32>
        %gather3A_330 = tpu.vector_load_idx %arg13[%add3A_204, %broadcast_in_dim3A_325] : memref<1280x64xf32, #tpu.memory_space<vmem>>[vector<16xi32>, vector<16xi32>], vector<16xf32>,
        %mul3A_331 = arith.mulf %gather3A_326, %gather3A_330 : vector<16xf32>
        %add3A_332 = arith.addf %add3A_296, %mul3A_331 : vector<16xf32>
        %gather3A_333 = tpu.vector_load_idx %arg13[%add3A_207, %broadcast_in_dim3A_325] : memref<1280x64xf32, #tpu.memory_space<vmem>>[vector<16xi32>, vector<16xi32>], vector<16xf32>,
        %mul3A_334 = arith.mulf %gather3A_326, %gather3A_333 : vector<16xf32>
        %add3A_335 = arith.addf %add3A_299, %mul3A_334 : vector<16xf32>
        %gather3A_336 = tpu.vector_load_idx %arg13[%add3A_210, %broadcast_in_dim3A_325] : memref<1280x64xf32, #tpu.memory_space<vmem>>[vector<16xi32>, vector<16xi32>], vector<16xf32>,
        %mul3A_337 = arith.mulf %gather3A_326, %gather3A_336 : vector<16xf32>
        %add3A_338 = arith.addf %add3A_302, %mul3A_337 : vector<16xf32>
        %gather3A_339 = tpu.vector_load_idx %arg13[%add3A_213, %broadcast_in_dim3A_325] : memref<1280x64xf32, #tpu.memory_space<vmem>>[vector<16xi32>, vector<16xi32>], vector<16xf32>,
        %mul3A_340 = arith.mulf %gather3A_326, %gather3A_339 : vector<16xf32>
        %add3A_341 = arith.addf %add3A_305, %mul3A_340 : vector<16xf32>
        %gather3A_342 = tpu.vector_load_idx %arg13[%add3A_216, %broadcast_in_dim3A_325] : memref<1280x64xf32, #tpu.memory_space<vmem>>[vector<16xi32>, vector<16xi32>], vector<16xf32>,
        %mul3A_343 = arith.mulf %gather3A_326, %gather3A_342 : vector<16xf32>
        %add3A_344 = arith.addf %add3A_308, %mul3A_343 : vector<16xf32>
        %gather3A_345 = tpu.vector_load_idx %arg13[%add3A_219, %broadcast_in_dim3A_325] : memref<1280x64xf32, #tpu.memory_space<vmem>>[vector<16xi32>, vector<16xi32>], vector<16xf32>,
        %mul3A_346 = arith.mulf %gather3A_326, %gather3A_345 : vector<16xf32>
        %add3A_347 = arith.addf %add3A_311, %mul3A_346 : vector<16xf32>
        %gather3A_348 = tpu.vector_load_idx %arg13[%add3A_222, %broadcast_in_dim3A_325] : memref<1280x64xf32, #tpu.memory_space<vmem>>[vector<16xi32>, vector<16xi32>], vector<16xf32>,
        %mul3A_349 = arith.mulf %gather3A_326, %gather3A_348 : vector<16xf32>
        %add3A_350 = arith.addf %add3A_314, %mul3A_349 : vector<16xf32>
        %gather3A_351 = tpu.vector_load_idx %arg13[%add3A_225, %broadcast_in_dim3A_325] : memref<1280x64xf32, #tpu.memory_space<vmem>>[vector<16xi32>, vector<16xi32>], vector<16xf32>,
        %mul3A_352 = arith.mulf %gather3A_326, %gather3A_351 : vector<16xf32>
        %add3A_353 = arith.addf %add3A_317, %mul3A_352 : vector<16xf32>
        %gather3A_354 = tpu.vector_load_idx %arg13[%add3A_228, %broadcast_in_dim3A_325] : memref<1280x64xf32, #tpu.memory_space<vmem>>[vector<16xi32>, vector<16xi32>], vector<16xf32>,
        %mul3A_355 = arith.mulf %gather3A_326, %gather3A_354 : vector<16xf32>
        %add3A_356 = arith.addf %add3A_320, %mul3A_355 : vector<16xf32>
        %gather3A_357 = tpu.vector_load_idx %arg13[%add3A_231, %broadcast_in_dim3A_325] : memref<1280x64xf32, #tpu.memory_space<vmem>>[vector<16xi32>, vector<16xi32>], vector<16xf32>,
        %mul3A_358 = arith.mulf %gather3A_326, %gather3A_357 : vector<16xf32>
        %add3A_359 = arith.addf %add3A_323, %mul3A_358 : vector<16xf32>
        %broadcast_in_dim3A_360 = arith.constant 3 : i32
        %broadcast_in_dim3A_361 = vector.broadcast %broadcast_in_dim3A_360 : i32 to vector<16xi32>
        %gather3A_362 = tpu.vector_load_idx %arg11[%add3A_197, %broadcast_in_dim3A_361] : memref<128x64xf32, #tpu.memory_space<vmem>>[vector<16xi32>, vector<16xi32>], vector<16xf32>,
        %gather3A_363 = tpu.vector_load_idx %arg12[%add3A_197, %broadcast_in_dim3A_361] : memref<128x64xf32, #tpu.memory_space<vmem>>[vector<16xi32>, vector<16xi32>], vector<16xf32>,
        %mul3A_364 = arith.mulf %gather3A_362, %gather3A_363 : vector<16xf32>
        %add3A_365 = arith.addf %add3A_329, %mul3A_364 : vector<16xf32>
        %gather3A_366 = tpu.vector_load_idx %arg13[%add3A_204, %broadcast_in_dim3A_361] : memref<1280x64xf32, #tpu.memory_space<vmem>>[vector<16xi32>, vector<16xi32>], vector<16xf32>,
        %mul3A_367 = arith.mulf %gather3A_362, %gather3A_366 : vector<16xf32>
        %add3A_368 = arith.addf %add3A_332, %mul3A_367 : vector<16xf32>
        %gather3A_369 = tpu.vector_load_idx %arg13[%add3A_207, %broadcast_in_dim3A_361] : memref<1280x64xf32, #tpu.memory_space<vmem>>[vector<16xi32>, vector<16xi32>], vector<16xf32>,
        %mul3A_370 = arith.mulf %gather3A_362, %gather3A_369 : vector<16xf32>
        %add3A_371 = arith.addf %add3A_335, %mul3A_370 : vector<16xf32>
        %gather3A_372 = tpu.vector_load_idx %arg13[%add3A_210, %broadcast_in_dim3A_361] : memref<1280x64xf32, #tpu.memory_space<vmem>>[vector<16xi32>, vector<16xi32>], vector<16xf32>,
        %mul3A_373 = arith.mulf %gather3A_362, %gather3A_372 : vector<16xf32>
        %add3A_374 = arith.addf %add3A_338, %mul3A_373 : vector<16xf32>
        %gather3A_375 = tpu.vector_load_idx %arg13[%add3A_213, %broadcast_in_dim3A_361] : memref<1280x64xf32, #tpu.memory_space<vmem>>[vector<16xi32>, vector<16xi32>], vector<16xf32>,
        %mul3A_376 = arith.mulf %gather3A_362, %gather3A_375 : vector<16xf32>
        %add3A_377 = arith.addf %add3A_341, %mul3A_376 : vector<16xf32>
        %gather3A_378 = tpu.vector_load_idx %arg13[%add3A_216, %broadcast_in_dim3A_361] : memref<1280x64xf32, #tpu.memory_space<vmem>>[vector<16xi32>, vector<16xi32>], vector<16xf32>,
        %mul3A_379 = arith.mulf %gather3A_362, %gather3A_378 : vector<16xf32>
        %add3A_380 = arith.addf %add3A_344, %mul3A_379 : vector<16xf32>
        %gather3A_381 = tpu.vector_load_idx %arg13[%add3A_219, %broadcast_in_dim3A_361] : memref<1280x64xf32, #tpu.memory_space<vmem>>[vector<16xi32>, vector<16xi32>], vector<16xf32>,
        %mul3A_382 = arith.mulf %gather3A_362, %gather3A_381 : vector<16xf32>
        %add3A_383 = arith.addf %add3A_347, %mul3A_382 : vector<16xf32>
        %gather3A_384 = tpu.vector_load_idx %arg13[%add3A_222, %broadcast_in_dim3A_361] : memref<1280x64xf32, #tpu.memory_space<vmem>>[vector<16xi32>, vector<16xi32>], vector<16xf32>,
        %mul3A_385 = arith.mulf %gather3A_362, %gather3A_384 : vector<16xf32>
        %add3A_386 = arith.addf %add3A_350, %mul3A_385 : vector<16xf32>
        %gather3A_387 = tpu.vector_load_idx %arg13[%add3A_225, %broadcast_in_dim3A_361] : memref<1280x64xf32, #tpu.memory_space<vmem>>[vector<16xi32>, vector<16xi32>], vector<16xf32>,
        %mul3A_388 = arith.mulf %gather3A_362, %gather3A_387 : vector<16xf32>
        %add3A_389 = arith.addf %add3A_353, %mul3A_388 : vector<16xf32>
        %gather3A_390 = tpu.vector_load_idx %arg13[%add3A_228, %broadcast_in_dim3A_361] : memref<1280x64xf32, #tpu.memory_space<vmem>>[vector<16xi32>, vector<16xi32>], vector<16xf32>,
        %mul3A_391 = arith.mulf %gather3A_362, %gather3A_390 : vector<16xf32>
        %add3A_392 = arith.addf %add3A_356, %mul3A_391 : vector<16xf32>
        %gather3A_393 = tpu.vector_load_idx %arg13[%add3A_231, %broadcast_in_dim3A_361] : memref<1280x64xf32, #tpu.memory_space<vmem>>[vector<16xi32>, vector<16xi32>], vector<16xf32>,
        %mul3A_394 = arith.mulf %gather3A_362, %gather3A_393 : vector<16xf32>
        %add3A_395 = arith.addf %add3A_359, %mul3A_394 : vector<16xf32>
        %broadcast_in_dim3A_396 = arith.constant 4 : i32
        %broadcast_in_dim3A_397 = vector.broadcast %broadcast_in_dim3A_396 : i32 to vector<16xi32>
        %gather3A_398 = tpu.vector_load_idx %arg11[%add3A_197, %broadcast_in_dim3A_397] : memref<128x64xf32, #tpu.memory_space<vmem>>[vector<16xi32>, vector<16xi32>], vector<16xf32>,
        %gather3A_399 = tpu.vector_load_idx %arg12[%add3A_197, %broadcast_in_dim3A_397] : memref<128x64xf32, #tpu.memory_space<vmem>>[vector<16xi32>, vector<16xi32>], vector<16xf32>,
        %mul3A_400 = arith.mulf %gather3A_398, %gather3A_399 : vector<16xf32>
        %add3A_401 = arith.addf %add3A_365, %mul3A_400 : vector<16xf32>
        %gather3A_402 = tpu.vector_load_idx %arg13[%add3A_204, %broadcast_in_dim3A_397] : memref<1280x64xf32, #tpu.memory_space<vmem>>[vector<16xi32>, vector<16xi32>], vector<16xf32>,
        %mul3A_403 = arith.mulf %gather3A_398, %gather3A_402 : vector<16xf32>
        %add3A_404 = arith.addf %add3A_368, %mul3A_403 : vector<16xf32>
        %gather3A_405 = tpu.vector_load_idx %arg13[%add3A_207, %broadcast_in_dim3A_397] : memref<1280x64xf32, #tpu.memory_space<vmem>>[vector<16xi32>, vector<16xi32>], vector<16xf32>,
        %mul3A_406 = arith.mulf %gather3A_398, %gather3A_405 : vector<16xf32>
        %add3A_407 = arith.addf %add3A_371, %mul3A_406 : vector<16xf32>
        %gather3A_408 = tpu.vector_load_idx %arg13[%add3A_210, %broadcast_in_dim3A_397] : memref<1280x64xf32, #tpu.memory_space<vmem>>[vector<16xi32>, vector<16xi32>], vector<16xf32>,
        %mul3A_409 = arith.mulf %gather3A_398, %gather3A_408 : vector<16xf32>
        %add3A_410 = arith.addf %add3A_374, %mul3A_409 : vector<16xf32>
        %gather3A_411 = tpu.vector_load_idx %arg13[%add3A_213, %broadcast_in_dim3A_397] : memref<1280x64xf32, #tpu.memory_space<vmem>>[vector<16xi32>, vector<16xi32>], vector<16xf32>,
        %mul3A_412 = arith.mulf %gather3A_398, %gather3A_411 : vector<16xf32>
        %add3A_413 = arith.addf %add3A_377, %mul3A_412 : vector<16xf32>
        %gather3A_414 = tpu.vector_load_idx %arg13[%add3A_216, %broadcast_in_dim3A_397] : memref<1280x64xf32, #tpu.memory_space<vmem>>[vector<16xi32>, vector<16xi32>], vector<16xf32>,
        %mul3A_415 = arith.mulf %gather3A_398, %gather3A_414 : vector<16xf32>
        %add3A_416 = arith.addf %add3A_380, %mul3A_415 : vector<16xf32>
        %gather3A_417 = tpu.vector_load_idx %arg13[%add3A_219, %broadcast_in_dim3A_397] : memref<1280x64xf32, #tpu.memory_space<vmem>>[vector<16xi32>, vector<16xi32>], vector<16xf32>,
        %mul3A_418 = arith.mulf %gather3A_398, %gather3A_417 : vector<16xf32>
        %add3A_419 = arith.addf %add3A_383, %mul3A_418 : vector<16xf32>
        %gather3A_420 = tpu.vector_load_idx %arg13[%add3A_222, %broadcast_in_dim3A_397] : memref<1280x64xf32, #tpu.memory_space<vmem>>[vector<16xi32>, vector<16xi32>], vector<16xf32>,
        %mul3A_421 = arith.mulf %gather3A_398, %gather3A_420 : vector<16xf32>
        %add3A_422 = arith.addf %add3A_386, %mul3A_421 : vector<16xf32>
        %gather3A_423 = tpu.vector_load_idx %arg13[%add3A_225, %broadcast_in_dim3A_397] : memref<1280x64xf32, #tpu.memory_space<vmem>>[vector<16xi32>, vector<16xi32>], vector<16xf32>,
        %mul3A_424 = arith.mulf %gather3A_398, %gather3A_423 : vector<16xf32>
        %add3A_425 = arith.addf %add3A_389, %mul3A_424 : vector<16xf32>
        %gather3A_426 = tpu.vector_load_idx %arg13[%add3A_228, %broadcast_in_dim3A_397] : memref<1280x64xf32, #tpu.memory_space<vmem>>[vector<16xi32>, vector<16xi32>], vector<16xf32>,
        %mul3A_427 = arith.mulf %gather3A_398, %gather3A_426 : vector<16xf32>
        %add3A_428 = arith.addf %add3A_392, %mul3A_427 : vector<16xf32>
        %gather3A_429 = tpu.vector_load_idx %arg13[%add3A_231, %broadcast_in_dim3A_397] : memref<1280x64xf32, #tpu.memory_space<vmem>>[vector<16xi32>, vector<16xi32>], vector<16xf32>,
        %mul3A_430 = arith.mulf %gather3A_398, %gather3A_429 : vector<16xf32>
        %add3A_431 = arith.addf %add3A_395, %mul3A_430 : vector<16xf32>
        %broadcast_in_dim3A_432 = arith.constant 5 : i32
        %broadcast_in_dim3A_433 = vector.broadcast %broadcast_in_dim3A_432 : i32 to vector<16xi32>
        %gather3A_434 = tpu.vector_load_idx %arg11[%add3A_197, %broadcast_in_dim3A_433] : memref<128x64xf32, #tpu.memory_space<vmem>>[vector<16xi32>, vector<16xi32>], vector<16xf32>,
        %gather3A_435 = tpu.vector_load_idx %arg12[%add3A_197, %broadcast_in_dim3A_433] : memref<128x64xf32, #tpu.memory_space<vmem>>[vector<16xi32>, vector<16xi32>], vector<16xf32>,
        %mul3A_436 = arith.mulf %gather3A_434, %gather3A_435 : vector<16xf32>
        %add3A_437 = arith.addf %add3A_401, %mul3A_436 : vector<16xf32>
        %gather3A_438 = tpu.vector_load_idx %arg13[%add3A_204, %broadcast_in_dim3A_433] : memref<1280x64xf32, #tpu.memory_space<vmem>>[vector<16xi32>, vector<16xi32>], vector<16xf32>,
        %mul3A_439 = arith.mulf %gather3A_434, %gather3A_438 : vector<16xf32>
        %add3A_440 = arith.addf %add3A_404, %mul3A_439 : vector<16xf32>
        %gather3A_441 = tpu.vector_load_idx %arg13[%add3A_207, %broadcast_in_dim3A_433] : memref<1280x64xf32, #tpu.memory_space<vmem>>[vector<16xi32>, vector<16xi32>], vector<16xf32>,
        %mul3A_442 = arith.mulf %gather3A_434, %gather3A_441 : vector<16xf32>
        %add3A_443 = arith.addf %add3A_407, %mul3A_442 : vector<16xf32>
        %gather3A_444 = tpu.vector_load_idx %arg13[%add3A_210, %broadcast_in_dim3A_433] : memref<1280x64xf32, #tpu.memory_space<vmem>>[vector<16xi32>, vector<16xi32>], vector<16xf32>,
        %mul3A_445 = arith.mulf %gather3A_434, %gather3A_444 : vector<16xf32>
        %add3A_446 = arith.addf %add3A_410, %mul3A_445 : vector<16xf32>
        %gather3A_447 = tpu.vector_load_idx %arg13[%add3A_213, %broadcast_in_dim3A_433] : memref<1280x64xf32, #tpu.memory_space<vmem>>[vector<16xi32>, vector<16xi32>], vector<16xf32>,
        %mul3A_448 = arith.mulf %gather3A_434, %gather3A_447 : vector<16xf32>
        %add3A_449 = arith.addf %add3A_413, %mul3A_448 : vector<16xf32>
        %gather3A_450 = tpu.vector_load_idx %arg13[%add3A_216, %broadcast_in_dim3A_433] : memref<1280x64xf32, #tpu.memory_space<vmem>>[vector<16xi32>, vector<16xi32>], vector<16xf32>,
        %mul3A_451 = arith.mulf %gather3A_434, %gather3A_450 : vector<16xf32>
        %add3A_452 = arith.addf %add3A_416, %mul3A_451 : vector<16xf32>
        %gather3A_453 = tpu.vector_load_idx %arg13[%add3A_219, %broadcast_in_dim3A_433] : memref<1280x64xf32, #tpu.memory_space<vmem>>[vector<16xi32>, vector<16xi32>], vector<16xf32>,
        %mul3A_454 = arith.mulf %gather3A_434, %gather3A_453 : vector<16xf32>
        %add3A_455 = arith.addf %add3A_419, %mul3A_454 : vector<16xf32>
        %gather3A_456 = tpu.vector_load_idx %arg13[%add3A_222, %broadcast_in_dim3A_433] : memref<1280x64xf32, #tpu.memory_space<vmem>>[vector<16xi32>, vector<16xi32>], vector<16xf32>,
        %mul3A_457 = arith.mulf %gather3A_434, %gather3A_456 : vector<16xf32>
        %add3A_458 = arith.addf %add3A_422, %mul3A_457 : vector<16xf32>
        %gather3A_459 = tpu.vector_load_idx %arg13[%add3A_225, %broadcast_in_dim3A_433] : memref<1280x64xf32, #tpu.memory_space<vmem>>[vector<16xi32>, vector<16xi32>], vector<16xf32>,
        %mul3A_460 = arith.mulf %gather3A_434, %gather3A_459 : vector<16xf32>
        %add3A_461 = arith.addf %add3A_425, %mul3A_460 : vector<16xf32>
        %gather3A_462 = tpu.vector_load_idx %arg13[%add3A_228, %broadcast_in_dim3A_433] : memref<1280x64xf32, #tpu.memory_space<vmem>>[vector<16xi32>, vector<16xi32>], vector<16xf32>,
        %mul3A_463 = arith.mulf %gather3A_434, %gather3A_462 : vector<16xf32>
        %add3A_464 = arith.addf %add3A_428, %mul3A_463 : vector<16xf32>
        %gather3A_465 = tpu.vector_load_idx %arg13[%add3A_231, %broadcast_in_dim3A_433] : memref<1280x64xf32, #tpu.memory_space<vmem>>[vector<16xi32>, vector<16xi32>], vector<16xf32>,
        %mul3A_466 = arith.mulf %gather3A_434, %gather3A_465 : vector<16xf32>
        %add3A_467 = arith.addf %add3A_431, %mul3A_466 : vector<16xf32>
        %broadcast_in_dim3A_468 = arith.constant 6 : i32
        %broadcast_in_dim3A_469 = vector.broadcast %broadcast_in_dim3A_468 : i32 to vector<16xi32>
        %gather3A_470 = tpu.vector_load_idx %arg11[%add3A_197, %broadcast_in_dim3A_469] : memref<128x64xf32, #tpu.memory_space<vmem>>[vector<16xi32>, vector<16xi32>], vector<16xf32>,
        %gather3A_471 = tpu.vector_load_idx %arg12[%add3A_197, %broadcast_in_dim3A_469] : memref<128x64xf32, #tpu.memory_space<vmem>>[vector<16xi32>, vector<16xi32>], vector<16xf32>,
        %mul3A_472 = arith.mulf %gather3A_470, %gather3A_471 : vector<16xf32>
        %add3A_473 = arith.addf %add3A_437, %mul3A_472 : vector<16xf32>
        %gather3A_474 = tpu.vector_load_idx %arg13[%add3A_204, %broadcast_in_dim3A_469] : memref<1280x64xf32, #tpu.memory_space<vmem>>[vector<16xi32>, vector<16xi32>], vector<16xf32>,
        %mul3A_475 = arith.mulf %gather3A_470, %gather3A_474 : vector<16xf32>
        %add3A_476 = arith.addf %add3A_440, %mul3A_475 : vector<16xf32>
        %gather3A_477 = tpu.vector_load_idx %arg13[%add3A_207, %broadcast_in_dim3A_469] : memref<1280x64xf32, #tpu.memory_space<vmem>>[vector<16xi32>, vector<16xi32>], vector<16xf32>,
        %mul3A_478 = arith.mulf %gather3A_470, %gather3A_477 : vector<16xf32>
        %add3A_479 = arith.addf %add3A_443, %mul3A_478 : vector<16xf32>
        %gather3A_480 = tpu.vector_load_idx %arg13[%add3A_210, %broadcast_in_dim3A_469] : memref<1280x64xf32, #tpu.memory_space<vmem>>[vector<16xi32>, vector<16xi32>], vector<16xf32>,
        %mul3A_481 = arith.mulf %gather3A_470, %gather3A_480 : vector<16xf32>
        %add3A_482 = arith.addf %add3A_446, %mul3A_481 : vector<16xf32>
        %gather3A_483 = tpu.vector_load_idx %arg13[%add3A_213, %broadcast_in_dim3A_469] : memref<1280x64xf32, #tpu.memory_space<vmem>>[vector<16xi32>, vector<16xi32>], vector<16xf32>,
        %mul3A_484 = arith.mulf %gather3A_470, %gather3A_483 : vector<16xf32>
        %add3A_485 = arith.addf %add3A_449, %mul3A_484 : vector<16xf32>
        %gather3A_486 = tpu.vector_load_idx %arg13[%add3A_216, %broadcast_in_dim3A_469] : memref<1280x64xf32, #tpu.memory_space<vmem>>[vector<16xi32>, vector<16xi32>], vector<16xf32>,
        %mul3A_487 = arith.mulf %gather3A_470, %gather3A_486 : vector<16xf32>
        %add3A_488 = arith.addf %add3A_452, %mul3A_487 : vector<16xf32>
        %gather3A_489 = tpu.vector_load_idx %arg13[%add3A_219, %broadcast_in_dim3A_469] : memref<1280x64xf32, #tpu.memory_space<vmem>>[vector<16xi32>, vector<16xi32>], vector<16xf32>,
        %mul3A_490 = arith.mulf %gather3A_470, %gather3A_489 : vector<16xf32>
        %add3A_491 = arith.addf %add3A_455, %mul3A_490 : vector<16xf32>
        %gather3A_492 = tpu.vector_load_idx %arg13[%add3A_222, %broadcast_in_dim3A_469] : memref<1280x64xf32, #tpu.memory_space<vmem>>[vector<16xi32>, vector<16xi32>], vector<16xf32>,
        %mul3A_493 = arith.mulf %gather3A_470, %gather3A_492 : vector<16xf32>
        %add3A_494 = arith.addf %add3A_458, %mul3A_493 : vector<16xf32>
        %gather3A_495 = tpu.vector_load_idx %arg13[%add3A_225, %broadcast_in_dim3A_469] : memref<1280x64xf32, #tpu.memory_space<vmem>>[vector<16xi32>, vector<16xi32>], vector<16xf32>,
        %mul3A_496 = arith.mulf %gather3A_470, %gather3A_495 : vector<16xf32>
        %add3A_497 = arith.addf %add3A_461, %mul3A_496 : vector<16xf32>
        %gather3A_498 = tpu.vector_load_idx %arg13[%add3A_228, %broadcast_in_dim3A_469] : memref<1280x64xf32, #tpu.memory_space<vmem>>[vector<16xi32>, vector<16xi32>], vector<16xf32>,
        %mul3A_499 = arith.mulf %gather3A_470, %gather3A_498 : vector<16xf32>
        %add3A_500 = arith.addf %add3A_464, %mul3A_499 : vector<16xf32>
        %gather3A_501 = tpu.vector_load_idx %arg13[%add3A_231, %broadcast_in_dim3A_469] : memref<1280x64xf32, #tpu.memory_space<vmem>>[vector<16xi32>, vector<16xi32>], vector<16xf32>,
        %mul3A_502 = arith.mulf %gather3A_470, %gather3A_501 : vector<16xf32>
        %add3A_503 = arith.addf %add3A_467, %mul3A_502 : vector<16xf32>
        %broadcast_in_dim3A_504 = arith.constant 7 : i32
        %broadcast_in_dim3A_505 = vector.broadcast %broadcast_in_dim3A_504 : i32 to vector<16xi32>
        %gather3A_506 = tpu.vector_load_idx %arg11[%add3A_197, %broadcast_in_dim3A_505] : memref<128x64xf32, #tpu.memory_space<vmem>>[vector<16xi32>, vector<16xi32>], vector<16xf32>,
        %gather3A_507 = tpu.vector_load_idx %arg12[%add3A_197, %broadcast_in_dim3A_505] : memref<128x64xf32, #tpu.memory_space<vmem>>[vector<16xi32>, vector<16xi32>], vector<16xf32>,
        %mul3A_508 = arith.mulf %gather3A_506, %gather3A_507 : vector<16xf32>
        %add3A_509 = arith.addf %add3A_473, %mul3A_508 : vector<16xf32>
        %gather3A_510 = tpu.vector_load_idx %arg13[%add3A_204, %broadcast_in_dim3A_505] : memref<1280x64xf32, #tpu.memory_space<vmem>>[vector<16xi32>, vector<16xi32>], vector<16xf32>,
        %mul3A_511 = arith.mulf %gather3A_506, %gather3A_510 : vector<16xf32>
        %add3A_512 = arith.addf %add3A_476, %mul3A_511 : vector<16xf32>
        %gather3A_513 = tpu.vector_load_idx %arg13[%add3A_207, %broadcast_in_dim3A_505] : memref<1280x64xf32, #tpu.memory_space<vmem>>[vector<16xi32>, vector<16xi32>], vector<16xf32>,
        %mul3A_514 = arith.mulf %gather3A_506, %gather3A_513 : vector<16xf32>
        %add3A_515 = arith.addf %add3A_479, %mul3A_514 : vector<16xf32>
        %gather3A_516 = tpu.vector_load_idx %arg13[%add3A_210, %broadcast_in_dim3A_505] : memref<1280x64xf32, #tpu.memory_space<vmem>>[vector<16xi32>, vector<16xi32>], vector<16xf32>,
        %mul3A_517 = arith.mulf %gather3A_506, %gather3A_516 : vector<16xf32>
        %add3A_518 = arith.addf %add3A_482, %mul3A_517 : vector<16xf32>
        %gather3A_519 = tpu.vector_load_idx %arg13[%add3A_213, %broadcast_in_dim3A_505] : memref<1280x64xf32, #tpu.memory_space<vmem>>[vector<16xi32>, vector<16xi32>], vector<16xf32>,
        %mul3A_520 = arith.mulf %gather3A_506, %gather3A_519 : vector<16xf32>
        %add3A_521 = arith.addf %add3A_485, %mul3A_520 : vector<16xf32>
        %gather3A_522 = tpu.vector_load_idx %arg13[%add3A_216, %broadcast_in_dim3A_505] : memref<1280x64xf32, #tpu.memory_space<vmem>>[vector<16xi32>, vector<16xi32>], vector<16xf32>,
        %mul3A_523 = arith.mulf %gather3A_506, %gather3A_522 : vector<16xf32>
        %add3A_524 = arith.addf %add3A_488, %mul3A_523 : vector<16xf32>
        %gather3A_525 = tpu.vector_load_idx %arg13[%add3A_219, %broadcast_in_dim3A_505] : memref<1280x64xf32, #tpu.memory_space<vmem>>[vector<16xi32>, vector<16xi32>], vector<16xf32>,
        %mul3A_526 = arith.mulf %gather3A_506, %gather3A_525 : vector<16xf32>
        %add3A_527 = arith.addf %add3A_491, %mul3A_526 : vector<16xf32>
        %gather3A_528 = tpu.vector_load_idx %arg13[%add3A_222, %broadcast_in_dim3A_505] : memref<1280x64xf32, #tpu.memory_space<vmem>>[vector<16xi32>, vector<16xi32>], vector<16xf32>,
        %mul3A_529 = arith.mulf %gather3A_506, %gather3A_528 : vector<16xf32>
        %add3A_530 = arith.addf %add3A_494, %mul3A_529 : vector<16xf32>
        %gather3A_531 = tpu.vector_load_idx %arg13[%add3A_225, %broadcast_in_dim3A_505] : memref<1280x64xf32, #tpu.memory_space<vmem>>[vector<16xi32>, vector<16xi32>], vector<16xf32>,
        %mul3A_532 = arith.mulf %gather3A_506, %gather3A_531 : vector<16xf32>
        %add3A_533 = arith.addf %add3A_497, %mul3A_532 : vector<16xf32>
        %gather3A_534 = tpu.vector_load_idx %arg13[%add3A_228, %broadcast_in_dim3A_505] : memref<1280x64xf32, #tpu.memory_space<vmem>>[vector<16xi32>, vector<16xi32>], vector<16xf32>,
        %mul3A_535 = arith.mulf %gather3A_506, %gather3A_534 : vector<16xf32>
        %add3A_536 = arith.addf %add3A_500, %mul3A_535 : vector<16xf32>
        %gather3A_537 = tpu.vector_load_idx %arg13[%add3A_231, %broadcast_in_dim3A_505] : memref<1280x64xf32, #tpu.memory_space<vmem>>[vector<16xi32>, vector<16xi32>], vector<16xf32>,
        %mul3A_538 = arith.mulf %gather3A_506, %gather3A_537 : vector<16xf32>
        %add3A_539 = arith.addf %add3A_503, %mul3A_538 : vector<16xf32>
        %broadcast_in_dim3A_540 = arith.constant 8 : i32
        %broadcast_in_dim3A_541 = vector.broadcast %broadcast_in_dim3A_540 : i32 to vector<16xi32>
        %gather3A_542 = tpu.vector_load_idx %arg11[%add3A_197, %broadcast_in_dim3A_541] : memref<128x64xf32, #tpu.memory_space<vmem>>[vector<16xi32>, vector<16xi32>], vector<16xf32>,
        %gather3A_543 = tpu.vector_load_idx %arg12[%add3A_197, %broadcast_in_dim3A_541] : memref<128x64xf32, #tpu.memory_space<vmem>>[vector<16xi32>, vector<16xi32>], vector<16xf32>,
        %mul3A_544 = arith.mulf %gather3A_542, %gather3A_543 : vector<16xf32>
        %add3A_545 = arith.addf %add3A_509, %mul3A_544 : vector<16xf32>
        %gather3A_546 = tpu.vector_load_idx %arg13[%add3A_204, %broadcast_in_dim3A_541] : memref<1280x64xf32, #tpu.memory_space<vmem>>[vector<16xi32>, vector<16xi32>], vector<16xf32>,
        %mul3A_547 = arith.mulf %gather3A_542, %gather3A_546 : vector<16xf32>
        %add3A_548 = arith.addf %add3A_512, %mul3A_547 : vector<16xf32>
        %gather3A_549 = tpu.vector_load_idx %arg13[%add3A_207, %broadcast_in_dim3A_541] : memref<1280x64xf32, #tpu.memory_space<vmem>>[vector<16xi32>, vector<16xi32>], vector<16xf32>,
        %mul3A_550 = arith.mulf %gather3A_542, %gather3A_549 : vector<16xf32>
        %add3A_551 = arith.addf %add3A_515, %mul3A_550 : vector<16xf32>
        %gather3A_552 = tpu.vector_load_idx %arg13[%add3A_210, %broadcast_in_dim3A_541] : memref<1280x64xf32, #tpu.memory_space<vmem>>[vector<16xi32>, vector<16xi32>], vector<16xf32>,
        %mul3A_553 = arith.mulf %gather3A_542, %gather3A_552 : vector<16xf32>
        %add3A_554 = arith.addf %add3A_518, %mul3A_553 : vector<16xf32>
        %gather3A_555 = tpu.vector_load_idx %arg13[%add3A_213, %broadcast_in_dim3A_541] : memref<1280x64xf32, #tpu.memory_space<vmem>>[vector<16xi32>, vector<16xi32>], vector<16xf32>,
        %mul3A_556 = arith.mulf %gather3A_542, %gather3A_555 : vector<16xf32>
        %add3A_557 = arith.addf %add3A_521, %mul3A_556 : vector<16xf32>
        %gather3A_558 = tpu.vector_load_idx %arg13[%add3A_216, %broadcast_in_dim3A_541] : memref<1280x64xf32, #tpu.memory_space<vmem>>[vector<16xi32>, vector<16xi32>], vector<16xf32>,
        %mul3A_559 = arith.mulf %gather3A_542, %gather3A_558 : vector<16xf32>
        %add3A_560 = arith.addf %add3A_524, %mul3A_559 : vector<16xf32>
        %gather3A_561 = tpu.vector_load_idx %arg13[%add3A_219, %broadcast_in_dim3A_541] : memref<1280x64xf32, #tpu.memory_space<vmem>>[vector<16xi32>, vector<16xi32>], vector<16xf32>,
        %mul3A_562 = arith.mulf %gather3A_542, %gather3A_561 : vector<16xf32>
        %add3A_563 = arith.addf %add3A_527, %mul3A_562 : vector<16xf32>
        %gather3A_564 = tpu.vector_load_idx %arg13[%add3A_222, %broadcast_in_dim3A_541] : memref<1280x64xf32, #tpu.memory_space<vmem>>[vector<16xi32>, vector<16xi32>], vector<16xf32>,
        %mul3A_565 = arith.mulf %gather3A_542, %gather3A_564 : vector<16xf32>
        %add3A_566 = arith.addf %add3A_530, %mul3A_565 : vector<16xf32>
        %gather3A_567 = tpu.vector_load_idx %arg13[%add3A_225, %broadcast_in_dim3A_541] : memref<1280x64xf32, #tpu.memory_space<vmem>>[vector<16xi32>, vector<16xi32>], vector<16xf32>,
        %mul3A_568 = arith.mulf %gather3A_542, %gather3A_567 : vector<16xf32>
        %add3A_569 = arith.addf %add3A_533, %mul3A_568 : vector<16xf32>
        %gather3A_570 = tpu.vector_load_idx %arg13[%add3A_228, %broadcast_in_dim3A_541] : memref<1280x64xf32, #tpu.memory_space<vmem>>[vector<16xi32>, vector<16xi32>], vector<16xf32>,
        %mul3A_571 = arith.mulf %gather3A_542, %gather3A_570 : vector<16xf32>
        %add3A_572 = arith.addf %add3A_536, %mul3A_571 : vector<16xf32>
        %gather3A_573 = tpu.vector_load_idx %arg13[%add3A_231, %broadcast_in_dim3A_541] : memref<1280x64xf32, #tpu.memory_space<vmem>>[vector<16xi32>, vector<16xi32>], vector<16xf32>,
        %mul3A_574 = arith.mulf %gather3A_542, %gather3A_573 : vector<16xf32>
        %add3A_575 = arith.addf %add3A_539, %mul3A_574 : vector<16xf32>
        %broadcast_in_dim3A_576 = arith.constant 9 : i32
        %broadcast_in_dim3A_577 = vector.broadcast %broadcast_in_dim3A_576 : i32 to vector<16xi32>
        %gather3A_578 = tpu.vector_load_idx %arg11[%add3A_197, %broadcast_in_dim3A_577] : memref<128x64xf32, #tpu.memory_space<vmem>>[vector<16xi32>, vector<16xi32>], vector<16xf32>,
        %gather3A_579 = tpu.vector_load_idx %arg12[%add3A_197, %broadcast_in_dim3A_577] : memref<128x64xf32, #tpu.memory_space<vmem>>[vector<16xi32>, vector<16xi32>], vector<16xf32>,
        %mul3A_580 = arith.mulf %gather3A_578, %gather3A_579 : vector<16xf32>
        %add3A_581 = arith.addf %add3A_545, %mul3A_580 : vector<16xf32>
        %gather3A_582 = tpu.vector_load_idx %arg13[%add3A_204, %broadcast_in_dim3A_577] : memref<1280x64xf32, #tpu.memory_space<vmem>>[vector<16xi32>, vector<16xi32>], vector<16xf32>,
        %mul3A_583 = arith.mulf %gather3A_578, %gather3A_582 : vector<16xf32>
        %add3A_584 = arith.addf %add3A_548, %mul3A_583 : vector<16xf32>
        %gather3A_585 = tpu.vector_load_idx %arg13[%add3A_207, %broadcast_in_dim3A_577] : memref<1280x64xf32, #tpu.memory_space<vmem>>[vector<16xi32>, vector<16xi32>], vector<16xf32>,
        %mul3A_586 = arith.mulf %gather3A_578, %gather3A_585 : vector<16xf32>
        %add3A_587 = arith.addf %add3A_551, %mul3A_586 : vector<16xf32>
        %gather3A_588 = tpu.vector_load_idx %arg13[%add3A_210, %broadcast_in_dim3A_577] : memref<1280x64xf32, #tpu.memory_space<vmem>>[vector<16xi32>, vector<16xi32>], vector<16xf32>,
        %mul3A_589 = arith.mulf %gather3A_578, %gather3A_588 : vector<16xf32>
        %add3A_590 = arith.addf %add3A_554, %mul3A_589 : vector<16xf32>
        %gather3A_591 = tpu.vector_load_idx %arg13[%add3A_213, %broadcast_in_dim3A_577] : memref<1280x64xf32, #tpu.memory_space<vmem>>[vector<16xi32>, vector<16xi32>], vector<16xf32>,
        %mul3A_592 = arith.mulf %gather3A_578, %gather3A_591 : vector<16xf32>
        %add3A_593 = arith.addf %add3A_557, %mul3A_592 : vector<16xf32>
        %gather3A_594 = tpu.vector_load_idx %arg13[%add3A_216, %broadcast_in_dim3A_577] : memref<1280x64xf32, #tpu.memory_space<vmem>>[vector<16xi32>, vector<16xi32>], vector<16xf32>,
        %mul3A_595 = arith.mulf %gather3A_578, %gather3A_594 : vector<16xf32>
        %add3A_596 = arith.addf %add3A_560, %mul3A_595 : vector<16xf32>
        %gather3A_597 = tpu.vector_load_idx %arg13[%add3A_219, %broadcast_in_dim3A_577] : memref<1280x64xf32, #tpu.memory_space<vmem>>[vector<16xi32>, vector<16xi32>], vector<16xf32>,
        %mul3A_598 = arith.mulf %gather3A_578, %gather3A_597 : vector<16xf32>
        %add3A_599 = arith.addf %add3A_563, %mul3A_598 : vector<16xf32>
        %gather3A_600 = tpu.vector_load_idx %arg13[%add3A_222, %broadcast_in_dim3A_577] : memref<1280x64xf32, #tpu.memory_space<vmem>>[vector<16xi32>, vector<16xi32>], vector<16xf32>,
        %mul3A_601 = arith.mulf %gather3A_578, %gather3A_600 : vector<16xf32>
        %add3A_602 = arith.addf %add3A_566, %mul3A_601 : vector<16xf32>
        %gather3A_603 = tpu.vector_load_idx %arg13[%add3A_225, %broadcast_in_dim3A_577] : memref<1280x64xf32, #tpu.memory_space<vmem>>[vector<16xi32>, vector<16xi32>], vector<16xf32>,
        %mul3A_604 = arith.mulf %gather3A_578, %gather3A_603 : vector<16xf32>
        %add3A_605 = arith.addf %add3A_569, %mul3A_604 : vector<16xf32>
        %gather3A_606 = tpu.vector_load_idx %arg13[%add3A_228, %broadcast_in_dim3A_577] : memref<1280x64xf32, #tpu.memory_space<vmem>>[vector<16xi32>, vector<16xi32>], vector<16xf32>,
        %mul3A_607 = arith.mulf %gather3A_578, %gather3A_606 : vector<16xf32>
        %add3A_608 = arith.addf %add3A_572, %mul3A_607 : vector<16xf32>
        %gather3A_609 = tpu.vector_load_idx %arg13[%add3A_231, %broadcast_in_dim3A_577] : memref<1280x64xf32, #tpu.memory_space<vmem>>[vector<16xi32>, vector<16xi32>], vector<16xf32>,
        %mul3A_610 = arith.mulf %gather3A_578, %gather3A_609 : vector<16xf32>
        %add3A_611 = arith.addf %add3A_575, %mul3A_610 : vector<16xf32>
        %broadcast_in_dim3A_612 = arith.constant 10 : i32
        %broadcast_in_dim3A_613 = vector.broadcast %broadcast_in_dim3A_612 : i32 to vector<16xi32>
        %gather3A_614 = tpu.vector_load_idx %arg11[%add3A_197, %broadcast_in_dim3A_613] : memref<128x64xf32, #tpu.memory_space<vmem>>[vector<16xi32>, vector<16xi32>], vector<16xf32>,
        %gather3A_615 = tpu.vector_load_idx %arg12[%add3A_197, %broadcast_in_dim3A_613] : memref<128x64xf32, #tpu.memory_space<vmem>>[vector<16xi32>, vector<16xi32>], vector<16xf32>,
        %mul3A_616 = arith.mulf %gather3A_614, %gather3A_615 : vector<16xf32>
        %add3A_617 = arith.addf %add3A_581, %mul3A_616 : vector<16xf32>
        %gather3A_618 = tpu.vector_load_idx %arg13[%add3A_204, %broadcast_in_dim3A_613] : memref<1280x64xf32, #tpu.memory_space<vmem>>[vector<16xi32>, vector<16xi32>], vector<16xf32>,
        %mul3A_619 = arith.mulf %gather3A_614, %gather3A_618 : vector<16xf32>
        %add3A_620 = arith.addf %add3A_584, %mul3A_619 : vector<16xf32>
        %gather3A_621 = tpu.vector_load_idx %arg13[%add3A_207, %broadcast_in_dim3A_613] : memref<1280x64xf32, #tpu.memory_space<vmem>>[vector<16xi32>, vector<16xi32>], vector<16xf32>,
        %mul3A_622 = arith.mulf %gather3A_614, %gather3A_621 : vector<16xf32>
        %add3A_623 = arith.addf %add3A_587, %mul3A_622 : vector<16xf32>
        %gather3A_624 = tpu.vector_load_idx %arg13[%add3A_210, %broadcast_in_dim3A_613] : memref<1280x64xf32, #tpu.memory_space<vmem>>[vector<16xi32>, vector<16xi32>], vector<16xf32>,
        %mul3A_625 = arith.mulf %gather3A_614, %gather3A_624 : vector<16xf32>
        %add3A_626 = arith.addf %add3A_590, %mul3A_625 : vector<16xf32>
        %gather3A_627 = tpu.vector_load_idx %arg13[%add3A_213, %broadcast_in_dim3A_613] : memref<1280x64xf32, #tpu.memory_space<vmem>>[vector<16xi32>, vector<16xi32>], vector<16xf32>,
        %mul3A_628 = arith.mulf %gather3A_614, %gather3A_627 : vector<16xf32>
        %add3A_629 = arith.addf %add3A_593, %mul3A_628 : vector<16xf32>
        %gather3A_630 = tpu.vector_load_idx %arg13[%add3A_216, %broadcast_in_dim3A_613] : memref<1280x64xf32, #tpu.memory_space<vmem>>[vector<16xi32>, vector<16xi32>], vector<16xf32>,
        %mul3A_631 = arith.mulf %gather3A_614, %gather3A_630 : vector<16xf32>
        %add3A_632 = arith.addf %add3A_596, %mul3A_631 : vector<16xf32>
        %gather3A_633 = tpu.vector_load_idx %arg13[%add3A_219, %broadcast_in_dim3A_613] : memref<1280x64xf32, #tpu.memory_space<vmem>>[vector<16xi32>, vector<16xi32>], vector<16xf32>,
        %mul3A_634 = arith.mulf %gather3A_614, %gather3A_633 : vector<16xf32>
        %add3A_635 = arith.addf %add3A_599, %mul3A_634 : vector<16xf32>
        %gather3A_636 = tpu.vector_load_idx %arg13[%add3A_222, %broadcast_in_dim3A_613] : memref<1280x64xf32, #tpu.memory_space<vmem>>[vector<16xi32>, vector<16xi32>], vector<16xf32>,
        %mul3A_637 = arith.mulf %gather3A_614, %gather3A_636 : vector<16xf32>
        %add3A_638 = arith.addf %add3A_602, %mul3A_637 : vector<16xf32>
        %gather3A_639 = tpu.vector_load_idx %arg13[%add3A_225, %broadcast_in_dim3A_613] : memref<1280x64xf32, #tpu.memory_space<vmem>>[vector<16xi32>, vector<16xi32>], vector<16xf32>,
        %mul3A_640 = arith.mulf %gather3A_614, %gather3A_639 : vector<16xf32>
        %add3A_641 = arith.addf %add3A_605, %mul3A_640 : vector<16xf32>
        %gather3A_642 = tpu.vector_load_idx %arg13[%add3A_228, %broadcast_in_dim3A_613] : memref<1280x64xf32, #tpu.memory_space<vmem>>[vector<16xi32>, vector<16xi32>], vector<16xf32>,
        %mul3A_643 = arith.mulf %gather3A_614, %gather3A_642 : vector<16xf32>
        %add3A_644 = arith.addf %add3A_608, %mul3A_643 : vector<16xf32>
        %gather3A_645 = tpu.vector_load_idx %arg13[%add3A_231, %broadcast_in_dim3A_613] : memref<1280x64xf32, #tpu.memory_space<vmem>>[vector<16xi32>, vector<16xi32>], vector<16xf32>,
        %mul3A_646 = arith.mulf %gather3A_614, %gather3A_645 : vector<16xf32>
        %add3A_647 = arith.addf %add3A_611, %mul3A_646 : vector<16xf32>
        %broadcast_in_dim3A_648 = arith.constant 11 : i32
        %broadcast_in_dim3A_649 = vector.broadcast %broadcast_in_dim3A_648 : i32 to vector<16xi32>
        %gather3A_650 = tpu.vector_load_idx %arg11[%add3A_197, %broadcast_in_dim3A_649] : memref<128x64xf32, #tpu.memory_space<vmem>>[vector<16xi32>, vector<16xi32>], vector<16xf32>,
        %gather3A_651 = tpu.vector_load_idx %arg12[%add3A_197, %broadcast_in_dim3A_649] : memref<128x64xf32, #tpu.memory_space<vmem>>[vector<16xi32>, vector<16xi32>], vector<16xf32>,
        %mul3A_652 = arith.mulf %gather3A_650, %gather3A_651 : vector<16xf32>
        %add3A_653 = arith.addf %add3A_617, %mul3A_652 : vector<16xf32>
        %gather3A_654 = tpu.vector_load_idx %arg13[%add3A_204, %broadcast_in_dim3A_649] : memref<1280x64xf32, #tpu.memory_space<vmem>>[vector<16xi32>, vector<16xi32>], vector<16xf32>,
        %mul3A_655 = arith.mulf %gather3A_650, %gather3A_654 : vector<16xf32>
        %add3A_656 = arith.addf %add3A_620, %mul3A_655 : vector<16xf32>
        %gather3A_657 = tpu.vector_load_idx %arg13[%add3A_207, %broadcast_in_dim3A_649] : memref<1280x64xf32, #tpu.memory_space<vmem>>[vector<16xi32>, vector<16xi32>], vector<16xf32>,
        %mul3A_658 = arith.mulf %gather3A_650, %gather3A_657 : vector<16xf32>
        %add3A_659 = arith.addf %add3A_623, %mul3A_658 : vector<16xf32>
        %gather3A_660 = tpu.vector_load_idx %arg13[%add3A_210, %broadcast_in_dim3A_649] : memref<1280x64xf32, #tpu.memory_space<vmem>>[vector<16xi32>, vector<16xi32>], vector<16xf32>,
        %mul3A_661 = arith.mulf %gather3A_650, %gather3A_660 : vector<16xf32>
        %add3A_662 = arith.addf %add3A_626, %mul3A_661 : vector<16xf32>
        %gather3A_663 = tpu.vector_load_idx %arg13[%add3A_213, %broadcast_in_dim3A_649] : memref<1280x64xf32, #tpu.memory_space<vmem>>[vector<16xi32>, vector<16xi32>], vector<16xf32>,
        %mul3A_664 = arith.mulf %gather3A_650, %gather3A_663 : vector<16xf32>
        %add3A_665 = arith.addf %add3A_629, %mul3A_664 : vector<16xf32>
        %gather3A_666 = tpu.vector_load_idx %arg13[%add3A_216, %broadcast_in_dim3A_649] : memref<1280x64xf32, #tpu.memory_space<vmem>>[vector<16xi32>, vector<16xi32>], vector<16xf32>,
        %mul3A_667 = arith.mulf %gather3A_650, %gather3A_666 : vector<16xf32>
        %add3A_668 = arith.addf %add3A_632, %mul3A_667 : vector<16xf32>
        %gather3A_669 = tpu.vector_load_idx %arg13[%add3A_219, %broadcast_in_dim3A_649] : memref<1280x64xf32, #tpu.memory_space<vmem>>[vector<16xi32>, vector<16xi32>], vector<16xf32>,
        %mul3A_670 = arith.mulf %gather3A_650, %gather3A_669 : vector<16xf32>
        %add3A_671 = arith.addf %add3A_635, %mul3A_670 : vector<16xf32>
        %gather3A_672 = tpu.vector_load_idx %arg13[%add3A_222, %broadcast_in_dim3A_649] : memref<1280x64xf32, #tpu.memory_space<vmem>>[vector<16xi32>, vector<16xi32>], vector<16xf32>,
        %mul3A_673 = arith.mulf %gather3A_650, %gather3A_672 : vector<16xf32>
        %add3A_674 = arith.addf %add3A_638, %mul3A_673 : vector<16xf32>
        %gather3A_675 = tpu.vector_load_idx %arg13[%add3A_225, %broadcast_in_dim3A_649] : memref<1280x64xf32, #tpu.memory_space<vmem>>[vector<16xi32>, vector<16xi32>], vector<16xf32>,
        %mul3A_676 = arith.mulf %gather3A_650, %gather3A_675 : vector<16xf32>
        %add3A_677 = arith.addf %add3A_641, %mul3A_676 : vector<16xf32>
        %gather3A_678 = tpu.vector_load_idx %arg13[%add3A_228, %broadcast_in_dim3A_649] : memref<1280x64xf32, #tpu.memory_space<vmem>>[vector<16xi32>, vector<16xi32>], vector<16xf32>,
        %mul3A_679 = arith.mulf %gather3A_650, %gather3A_678 : vector<16xf32>
        %add3A_680 = arith.addf %add3A_644, %mul3A_679 : vector<16xf32>
        %gather3A_681 = tpu.vector_load_idx %arg13[%add3A_231, %broadcast_in_dim3A_649] : memref<1280x64xf32, #tpu.memory_space<vmem>>[vector<16xi32>, vector<16xi32>], vector<16xf32>,
        %mul3A_682 = arith.mulf %gather3A_650, %gather3A_681 : vector<16xf32>
        %add3A_683 = arith.addf %add3A_647, %mul3A_682 : vector<16xf32>
        %broadcast_in_dim3A_684 = arith.constant 12 : i32
        %broadcast_in_dim3A_685 = vector.broadcast %broadcast_in_dim3A_684 : i32 to vector<16xi32>
        %gather3A_686 = tpu.vector_load_idx %arg11[%add3A_197, %broadcast_in_dim3A_685] : memref<128x64xf32, #tpu.memory_space<vmem>>[vector<16xi32>, vector<16xi32>], vector<16xf32>,
        %gather3A_687 = tpu.vector_load_idx %arg12[%add3A_197, %broadcast_in_dim3A_685] : memref<128x64xf32, #tpu.memory_space<vmem>>[vector<16xi32>, vector<16xi32>], vector<16xf32>,
        %mul3A_688 = arith.mulf %gather3A_686, %gather3A_687 : vector<16xf32>
        %add3A_689 = arith.addf %add3A_653, %mul3A_688 : vector<16xf32>
        %gather3A_690 = tpu.vector_load_idx %arg13[%add3A_204, %broadcast_in_dim3A_685] : memref<1280x64xf32, #tpu.memory_space<vmem>>[vector<16xi32>, vector<16xi32>], vector<16xf32>,
        %mul3A_691 = arith.mulf %gather3A_686, %gather3A_690 : vector<16xf32>
        %add3A_692 = arith.addf %add3A_656, %mul3A_691 : vector<16xf32>
        %gather3A_693 = tpu.vector_load_idx %arg13[%add3A_207, %broadcast_in_dim3A_685] : memref<1280x64xf32, #tpu.memory_space<vmem>>[vector<16xi32>, vector<16xi32>], vector<16xf32>,
        %mul3A_694 = arith.mulf %gather3A_686, %gather3A_693 : vector<16xf32>
        %add3A_695 = arith.addf %add3A_659, %mul3A_694 : vector<16xf32>
        %gather3A_696 = tpu.vector_load_idx %arg13[%add3A_210, %broadcast_in_dim3A_685] : memref<1280x64xf32, #tpu.memory_space<vmem>>[vector<16xi32>, vector<16xi32>], vector<16xf32>,
        %mul3A_697 = arith.mulf %gather3A_686, %gather3A_696 : vector<16xf32>
        %add3A_698 = arith.addf %add3A_662, %mul3A_697 : vector<16xf32>
        %gather3A_699 = tpu.vector_load_idx %arg13[%add3A_213, %broadcast_in_dim3A_685] : memref<1280x64xf32, #tpu.memory_space<vmem>>[vector<16xi32>, vector<16xi32>], vector<16xf32>,
        %mul3A_700 = arith.mulf %gather3A_686, %gather3A_699 : vector<16xf32>
        %add3A_701 = arith.addf %add3A_665, %mul3A_700 : vector<16xf32>
        %gather3A_702 = tpu.vector_load_idx %arg13[%add3A_216, %broadcast_in_dim3A_685] : memref<1280x64xf32, #tpu.memory_space<vmem>>[vector<16xi32>, vector<16xi32>], vector<16xf32>,
        %mul3A_703 = arith.mulf %gather3A_686, %gather3A_702 : vector<16xf32>
        %add3A_704 = arith.addf %add3A_668, %mul3A_703 : vector<16xf32>
        %gather3A_705 = tpu.vector_load_idx %arg13[%add3A_219, %broadcast_in_dim3A_685] : memref<1280x64xf32, #tpu.memory_space<vmem>>[vector<16xi32>, vector<16xi32>], vector<16xf32>,
        %mul3A_706 = arith.mulf %gather3A_686, %gather3A_705 : vector<16xf32>
        %add3A_707 = arith.addf %add3A_671, %mul3A_706 : vector<16xf32>
        %gather3A_708 = tpu.vector_load_idx %arg13[%add3A_222, %broadcast_in_dim3A_685] : memref<1280x64xf32, #tpu.memory_space<vmem>>[vector<16xi32>, vector<16xi32>], vector<16xf32>,
        %mul3A_709 = arith.mulf %gather3A_686, %gather3A_708 : vector<16xf32>
        %add3A_710 = arith.addf %add3A_674, %mul3A_709 : vector<16xf32>
        %gather3A_711 = tpu.vector_load_idx %arg13[%add3A_225, %broadcast_in_dim3A_685] : memref<1280x64xf32, #tpu.memory_space<vmem>>[vector<16xi32>, vector<16xi32>], vector<16xf32>,
        %mul3A_712 = arith.mulf %gather3A_686, %gather3A_711 : vector<16xf32>
        %add3A_713 = arith.addf %add3A_677, %mul3A_712 : vector<16xf32>
        %gather3A_714 = tpu.vector_load_idx %arg13[%add3A_228, %broadcast_in_dim3A_685] : memref<1280x64xf32, #tpu.memory_space<vmem>>[vector<16xi32>, vector<16xi32>], vector<16xf32>,
        %mul3A_715 = arith.mulf %gather3A_686, %gather3A_714 : vector<16xf32>
        %add3A_716 = arith.addf %add3A_680, %mul3A_715 : vector<16xf32>
        %gather3A_717 = tpu.vector_load_idx %arg13[%add3A_231, %broadcast_in_dim3A_685] : memref<1280x64xf32, #tpu.memory_space<vmem>>[vector<16xi32>, vector<16xi32>], vector<16xf32>,
        %mul3A_718 = arith.mulf %gather3A_686, %gather3A_717 : vector<16xf32>
        %add3A_719 = arith.addf %add3A_683, %mul3A_718 : vector<16xf32>
        %broadcast_in_dim3A_720 = arith.constant 13 : i32
        %broadcast_in_dim3A_721 = vector.broadcast %broadcast_in_dim3A_720 : i32 to vector<16xi32>
        %gather3A_722 = tpu.vector_load_idx %arg11[%add3A_197, %broadcast_in_dim3A_721] : memref<128x64xf32, #tpu.memory_space<vmem>>[vector<16xi32>, vector<16xi32>], vector<16xf32>,
        %gather3A_723 = tpu.vector_load_idx %arg12[%add3A_197, %broadcast_in_dim3A_721] : memref<128x64xf32, #tpu.memory_space<vmem>>[vector<16xi32>, vector<16xi32>], vector<16xf32>,
        %mul3A_724 = arith.mulf %gather3A_722, %gather3A_723 : vector<16xf32>
        %add3A_725 = arith.addf %add3A_689, %mul3A_724 : vector<16xf32>
        %gather3A_726 = tpu.vector_load_idx %arg13[%add3A_204, %broadcast_in_dim3A_721] : memref<1280x64xf32, #tpu.memory_space<vmem>>[vector<16xi32>, vector<16xi32>], vector<16xf32>,
        %mul3A_727 = arith.mulf %gather3A_722, %gather3A_726 : vector<16xf32>
        %add3A_728 = arith.addf %add3A_692, %mul3A_727 : vector<16xf32>
        %gather3A_729 = tpu.vector_load_idx %arg13[%add3A_207, %broadcast_in_dim3A_721] : memref<1280x64xf32, #tpu.memory_space<vmem>>[vector<16xi32>, vector<16xi32>], vector<16xf32>,
        %mul3A_730 = arith.mulf %gather3A_722, %gather3A_729 : vector<16xf32>
        %add3A_731 = arith.addf %add3A_695, %mul3A_730 : vector<16xf32>
        %gather3A_732 = tpu.vector_load_idx %arg13[%add3A_210, %broadcast_in_dim3A_721] : memref<1280x64xf32, #tpu.memory_space<vmem>>[vector<16xi32>, vector<16xi32>], vector<16xf32>,
        %mul3A_733 = arith.mulf %gather3A_722, %gather3A_732 : vector<16xf32>
        %add3A_734 = arith.addf %add3A_698, %mul3A_733 : vector<16xf32>
        %gather3A_735 = tpu.vector_load_idx %arg13[%add3A_213, %broadcast_in_dim3A_721] : memref<1280x64xf32, #tpu.memory_space<vmem>>[vector<16xi32>, vector<16xi32>], vector<16xf32>,
        %mul3A_736 = arith.mulf %gather3A_722, %gather3A_735 : vector<16xf32>
        %add3A_737 = arith.addf %add3A_701, %mul3A_736 : vector<16xf32>
        %gather3A_738 = tpu.vector_load_idx %arg13[%add3A_216, %broadcast_in_dim3A_721] : memref<1280x64xf32, #tpu.memory_space<vmem>>[vector<16xi32>, vector<16xi32>], vector<16xf32>,
        %mul3A_739 = arith.mulf %gather3A_722, %gather3A_738 : vector<16xf32>
        %add3A_740 = arith.addf %add3A_704, %mul3A_739 : vector<16xf32>
        %gather3A_741 = tpu.vector_load_idx %arg13[%add3A_219, %broadcast_in_dim3A_721] : memref<1280x64xf32, #tpu.memory_space<vmem>>[vector<16xi32>, vector<16xi32>], vector<16xf32>,
        %mul3A_742 = arith.mulf %gather3A_722, %gather3A_741 : vector<16xf32>
        %add3A_743 = arith.addf %add3A_707, %mul3A_742 : vector<16xf32>
        %gather3A_744 = tpu.vector_load_idx %arg13[%add3A_222, %broadcast_in_dim3A_721] : memref<1280x64xf32, #tpu.memory_space<vmem>>[vector<16xi32>, vector<16xi32>], vector<16xf32>,
        %mul3A_745 = arith.mulf %gather3A_722, %gather3A_744 : vector<16xf32>
        %add3A_746 = arith.addf %add3A_710, %mul3A_745 : vector<16xf32>
        %gather3A_747 = tpu.vector_load_idx %arg13[%add3A_225, %broadcast_in_dim3A_721] : memref<1280x64xf32, #tpu.memory_space<vmem>>[vector<16xi32>, vector<16xi32>], vector<16xf32>,
        %mul3A_748 = arith.mulf %gather3A_722, %gather3A_747 : vector<16xf32>
        %add3A_749 = arith.addf %add3A_713, %mul3A_748 : vector<16xf32>
        %gather3A_750 = tpu.vector_load_idx %arg13[%add3A_228, %broadcast_in_dim3A_721] : memref<1280x64xf32, #tpu.memory_space<vmem>>[vector<16xi32>, vector<16xi32>], vector<16xf32>,
        %mul3A_751 = arith.mulf %gather3A_722, %gather3A_750 : vector<16xf32>
        %add3A_752 = arith.addf %add3A_716, %mul3A_751 : vector<16xf32>
        %gather3A_753 = tpu.vector_load_idx %arg13[%add3A_231, %broadcast_in_dim3A_721] : memref<1280x64xf32, #tpu.memory_space<vmem>>[vector<16xi32>, vector<16xi32>], vector<16xf32>,
        %mul3A_754 = arith.mulf %gather3A_722, %gather3A_753 : vector<16xf32>
        %add3A_755 = arith.addf %add3A_719, %mul3A_754 : vector<16xf32>
        %broadcast_in_dim3A_756 = arith.constant 14 : i32
        %broadcast_in_dim3A_757 = vector.broadcast %broadcast_in_dim3A_756 : i32 to vector<16xi32>
        %gather3A_758 = tpu.vector_load_idx %arg11[%add3A_197, %broadcast_in_dim3A_757] : memref<128x64xf32, #tpu.memory_space<vmem>>[vector<16xi32>, vector<16xi32>], vector<16xf32>,
        %gather3A_759 = tpu.vector_load_idx %arg12[%add3A_197, %broadcast_in_dim3A_757] : memref<128x64xf32, #tpu.memory_space<vmem>>[vector<16xi32>, vector<16xi32>], vector<16xf32>,
        %mul3A_760 = arith.mulf %gather3A_758, %gather3A_759 : vector<16xf32>
        %add3A_761 = arith.addf %add3A_725, %mul3A_760 : vector<16xf32>
        %gather3A_762 = tpu.vector_load_idx %arg13[%add3A_204, %broadcast_in_dim3A_757] : memref<1280x64xf32, #tpu.memory_space<vmem>>[vector<16xi32>, vector<16xi32>], vector<16xf32>,
        %mul3A_763 = arith.mulf %gather3A_758, %gather3A_762 : vector<16xf32>
        %add3A_764 = arith.addf %add3A_728, %mul3A_763 : vector<16xf32>
        %gather3A_765 = tpu.vector_load_idx %arg13[%add3A_207, %broadcast_in_dim3A_757] : memref<1280x64xf32, #tpu.memory_space<vmem>>[vector<16xi32>, vector<16xi32>], vector<16xf32>,
        %mul3A_766 = arith.mulf %gather3A_758, %gather3A_765 : vector<16xf32>
        %add3A_767 = arith.addf %add3A_731, %mul3A_766 : vector<16xf32>
        %gather3A_768 = tpu.vector_load_idx %arg13[%add3A_210, %broadcast_in_dim3A_757] : memref<1280x64xf32, #tpu.memory_space<vmem>>[vector<16xi32>, vector<16xi32>], vector<16xf32>,
        %mul3A_769 = arith.mulf %gather3A_758, %gather3A_768 : vector<16xf32>
        %add3A_770 = arith.addf %add3A_734, %mul3A_769 : vector<16xf32>
        %gather3A_771 = tpu.vector_load_idx %arg13[%add3A_213, %broadcast_in_dim3A_757] : memref<1280x64xf32, #tpu.memory_space<vmem>>[vector<16xi32>, vector<16xi32>], vector<16xf32>,
        %mul3A_772 = arith.mulf %gather3A_758, %gather3A_771 : vector<16xf32>
        %add3A_773 = arith.addf %add3A_737, %mul3A_772 : vector<16xf32>
        %gather3A_774 = tpu.vector_load_idx %arg13[%add3A_216, %broadcast_in_dim3A_757] : memref<1280x64xf32, #tpu.memory_space<vmem>>[vector<16xi32>, vector<16xi32>], vector<16xf32>,
        %mul3A_775 = arith.mulf %gather3A_758, %gather3A_774 : vector<16xf32>
        %add3A_776 = arith.addf %add3A_740, %mul3A_775 : vector<16xf32>
        %gather3A_777 = tpu.vector_load_idx %arg13[%add3A_219, %broadcast_in_dim3A_757] : memref<1280x64xf32, #tpu.memory_space<vmem>>[vector<16xi32>, vector<16xi32>], vector<16xf32>,
        %mul3A_778 = arith.mulf %gather3A_758, %gather3A_777 : vector<16xf32>
        %add3A_779 = arith.addf %add3A_743, %mul3A_778 : vector<16xf32>
        %gather3A_780 = tpu.vector_load_idx %arg13[%add3A_222, %broadcast_in_dim3A_757] : memref<1280x64xf32, #tpu.memory_space<vmem>>[vector<16xi32>, vector<16xi32>], vector<16xf32>,
        %mul3A_781 = arith.mulf %gather3A_758, %gather3A_780 : vector<16xf32>
        %add3A_782 = arith.addf %add3A_746, %mul3A_781 : vector<16xf32>
        %gather3A_783 = tpu.vector_load_idx %arg13[%add3A_225, %broadcast_in_dim3A_757] : memref<1280x64xf32, #tpu.memory_space<vmem>>[vector<16xi32>, vector<16xi32>], vector<16xf32>,
        %mul3A_784 = arith.mulf %gather3A_758, %gather3A_783 : vector<16xf32>
        %add3A_785 = arith.addf %add3A_749, %mul3A_784 : vector<16xf32>
        %gather3A_786 = tpu.vector_load_idx %arg13[%add3A_228, %broadcast_in_dim3A_757] : memref<1280x64xf32, #tpu.memory_space<vmem>>[vector<16xi32>, vector<16xi32>], vector<16xf32>,
        %mul3A_787 = arith.mulf %gather3A_758, %gather3A_786 : vector<16xf32>
        %add3A_788 = arith.addf %add3A_752, %mul3A_787 : vector<16xf32>
        %gather3A_789 = tpu.vector_load_idx %arg13[%add3A_231, %broadcast_in_dim3A_757] : memref<1280x64xf32, #tpu.memory_space<vmem>>[vector<16xi32>, vector<16xi32>], vector<16xf32>,
        %mul3A_790 = arith.mulf %gather3A_758, %gather3A_789 : vector<16xf32>
        %add3A_791 = arith.addf %add3A_755, %mul3A_790 : vector<16xf32>
        %broadcast_in_dim3A_792 = arith.constant 15 : i32
        %broadcast_in_dim3A_793 = vector.broadcast %broadcast_in_dim3A_792 : i32 to vector<16xi32>
        %gather3A_794 = tpu.vector_load_idx %arg11[%add3A_197, %broadcast_in_dim3A_793] : memref<128x64xf32, #tpu.memory_space<vmem>>[vector<16xi32>, vector<16xi32>], vector<16xf32>,
        %gather3A_795 = tpu.vector_load_idx %arg12[%add3A_197, %broadcast_in_dim3A_793] : memref<128x64xf32, #tpu.memory_space<vmem>>[vector<16xi32>, vector<16xi32>], vector<16xf32>,
        %mul3A_796 = arith.mulf %gather3A_794, %gather3A_795 : vector<16xf32>
        %add3A_797 = arith.addf %add3A_761, %mul3A_796 : vector<16xf32>
        %gather3A_798 = tpu.vector_load_idx %arg13[%add3A_204, %broadcast_in_dim3A_793] : memref<1280x64xf32, #tpu.memory_space<vmem>>[vector<16xi32>, vector<16xi32>], vector<16xf32>,
        %mul3A_799 = arith.mulf %gather3A_794, %gather3A_798 : vector<16xf32>
        %add3A_800 = arith.addf %add3A_764, %mul3A_799 : vector<16xf32>
        %gather3A_801 = tpu.vector_load_idx %arg13[%add3A_207, %broadcast_in_dim3A_793] : memref<1280x64xf32, #tpu.memory_space<vmem>>[vector<16xi32>, vector<16xi32>], vector<16xf32>,
        %mul3A_802 = arith.mulf %gather3A_794, %gather3A_801 : vector<16xf32>
        %add3A_803 = arith.addf %add3A_767, %mul3A_802 : vector<16xf32>
        %gather3A_804 = tpu.vector_load_idx %arg13[%add3A_210, %broadcast_in_dim3A_793] : memref<1280x64xf32, #tpu.memory_space<vmem>>[vector<16xi32>, vector<16xi32>], vector<16xf32>,
        %mul3A_805 = arith.mulf %gather3A_794, %gather3A_804 : vector<16xf32>
        %add3A_806 = arith.addf %add3A_770, %mul3A_805 : vector<16xf32>
        %gather3A_807 = tpu.vector_load_idx %arg13[%add3A_213, %broadcast_in_dim3A_793] : memref<1280x64xf32, #tpu.memory_space<vmem>>[vector<16xi32>, vector<16xi32>], vector<16xf32>,
        %mul3A_808 = arith.mulf %gather3A_794, %gather3A_807 : vector<16xf32>
        %add3A_809 = arith.addf %add3A_773, %mul3A_808 : vector<16xf32>
        %gather3A_810 = tpu.vector_load_idx %arg13[%add3A_216, %broadcast_in_dim3A_793] : memref<1280x64xf32, #tpu.memory_space<vmem>>[vector<16xi32>, vector<16xi32>], vector<16xf32>,
        %mul3A_811 = arith.mulf %gather3A_794, %gather3A_810 : vector<16xf32>
        %add3A_812 = arith.addf %add3A_776, %mul3A_811 : vector<16xf32>
        %gather3A_813 = tpu.vector_load_idx %arg13[%add3A_219, %broadcast_in_dim3A_793] : memref<1280x64xf32, #tpu.memory_space<vmem>>[vector<16xi32>, vector<16xi32>], vector<16xf32>,
        %mul3A_814 = arith.mulf %gather3A_794, %gather3A_813 : vector<16xf32>
        %add3A_815 = arith.addf %add3A_779, %mul3A_814 : vector<16xf32>
        %gather3A_816 = tpu.vector_load_idx %arg13[%add3A_222, %broadcast_in_dim3A_793] : memref<1280x64xf32, #tpu.memory_space<vmem>>[vector<16xi32>, vector<16xi32>], vector<16xf32>,
        %mul3A_817 = arith.mulf %gather3A_794, %gather3A_816 : vector<16xf32>
        %add3A_818 = arith.addf %add3A_782, %mul3A_817 : vector<16xf32>
        %gather3A_819 = tpu.vector_load_idx %arg13[%add3A_225, %broadcast_in_dim3A_793] : memref<1280x64xf32, #tpu.memory_space<vmem>>[vector<16xi32>, vector<16xi32>], vector<16xf32>,
        %mul3A_820 = arith.mulf %gather3A_794, %gather3A_819 : vector<16xf32>
        %add3A_821 = arith.addf %add3A_785, %mul3A_820 : vector<16xf32>
        %gather3A_822 = tpu.vector_load_idx %arg13[%add3A_228, %broadcast_in_dim3A_793] : memref<1280x64xf32, #tpu.memory_space<vmem>>[vector<16xi32>, vector<16xi32>], vector<16xf32>,
        %mul3A_823 = arith.mulf %gather3A_794, %gather3A_822 : vector<16xf32>
        %add3A_824 = arith.addf %add3A_788, %mul3A_823 : vector<16xf32>
        %gather3A_825 = tpu.vector_load_idx %arg13[%add3A_231, %broadcast_in_dim3A_793] : memref<1280x64xf32, #tpu.memory_space<vmem>>[vector<16xi32>, vector<16xi32>], vector<16xf32>,
        %mul3A_826 = arith.mulf %gather3A_794, %gather3A_825 : vector<16xf32>
        %add3A_827 = arith.addf %add3A_791, %mul3A_826 : vector<16xf32>
        %broadcast_in_dim3A_828 = arith.constant 16 : i32
        %broadcast_in_dim3A_829 = vector.broadcast %broadcast_in_dim3A_828 : i32 to vector<16xi32>
        %gather3A_830 = tpu.vector_load_idx %arg11[%add3A_197, %broadcast_in_dim3A_829] : memref<128x64xf32, #tpu.memory_space<vmem>>[vector<16xi32>, vector<16xi32>], vector<16xf32>,
        %gather3A_831 = tpu.vector_load_idx %arg12[%add3A_197, %broadcast_in_dim3A_829] : memref<128x64xf32, #tpu.memory_space<vmem>>[vector<16xi32>, vector<16xi32>], vector<16xf32>,
        %mul3A_832 = arith.mulf %gather3A_830, %gather3A_831 : vector<16xf32>
        %add3A_833 = arith.addf %add3A_797, %mul3A_832 : vector<16xf32>
        %gather3A_834 = tpu.vector_load_idx %arg13[%add3A_204, %broadcast_in_dim3A_829] : memref<1280x64xf32, #tpu.memory_space<vmem>>[vector<16xi32>, vector<16xi32>], vector<16xf32>,
        %mul3A_835 = arith.mulf %gather3A_830, %gather3A_834 : vector<16xf32>
        %add3A_836 = arith.addf %add3A_800, %mul3A_835 : vector<16xf32>
        %gather3A_837 = tpu.vector_load_idx %arg13[%add3A_207, %broadcast_in_dim3A_829] : memref<1280x64xf32, #tpu.memory_space<vmem>>[vector<16xi32>, vector<16xi32>], vector<16xf32>,
        %mul3A_838 = arith.mulf %gather3A_830, %gather3A_837 : vector<16xf32>
        %add3A_839 = arith.addf %add3A_803, %mul3A_838 : vector<16xf32>
        %gather3A_840 = tpu.vector_load_idx %arg13[%add3A_210, %broadcast_in_dim3A_829] : memref<1280x64xf32, #tpu.memory_space<vmem>>[vector<16xi32>, vector<16xi32>], vector<16xf32>,
        %mul3A_841 = arith.mulf %gather3A_830, %gather3A_840 : vector<16xf32>
        %add3A_842 = arith.addf %add3A_806, %mul3A_841 : vector<16xf32>
        %gather3A_843 = tpu.vector_load_idx %arg13[%add3A_213, %broadcast_in_dim3A_829] : memref<1280x64xf32, #tpu.memory_space<vmem>>[vector<16xi32>, vector<16xi32>], vector<16xf32>,
        %mul3A_844 = arith.mulf %gather3A_830, %gather3A_843 : vector<16xf32>
        %add3A_845 = arith.addf %add3A_809, %mul3A_844 : vector<16xf32>
        %gather3A_846 = tpu.vector_load_idx %arg13[%add3A_216, %broadcast_in_dim3A_829] : memref<1280x64xf32, #tpu.memory_space<vmem>>[vector<16xi32>, vector<16xi32>], vector<16xf32>,
        %mul3A_847 = arith.mulf %gather3A_830, %gather3A_846 : vector<16xf32>
        %add3A_848 = arith.addf %add3A_812, %mul3A_847 : vector<16xf32>
        %gather3A_849 = tpu.vector_load_idx %arg13[%add3A_219, %broadcast_in_dim3A_829] : memref<1280x64xf32, #tpu.memory_space<vmem>>[vector<16xi32>, vector<16xi32>], vector<16xf32>,
        %mul3A_850 = arith.mulf %gather3A_830, %gather3A_849 : vector<16xf32>
        %add3A_851 = arith.addf %add3A_815, %mul3A_850 : vector<16xf32>
        %gather3A_852 = tpu.vector_load_idx %arg13[%add3A_222, %broadcast_in_dim3A_829] : memref<1280x64xf32, #tpu.memory_space<vmem>>[vector<16xi32>, vector<16xi32>], vector<16xf32>,
        %mul3A_853 = arith.mulf %gather3A_830, %gather3A_852 : vector<16xf32>
        %add3A_854 = arith.addf %add3A_818, %mul3A_853 : vector<16xf32>
        %gather3A_855 = tpu.vector_load_idx %arg13[%add3A_225, %broadcast_in_dim3A_829] : memref<1280x64xf32, #tpu.memory_space<vmem>>[vector<16xi32>, vector<16xi32>], vector<16xf32>,
        %mul3A_856 = arith.mulf %gather3A_830, %gather3A_855 : vector<16xf32>
        %add3A_857 = arith.addf %add3A_821, %mul3A_856 : vector<16xf32>
        %gather3A_858 = tpu.vector_load_idx %arg13[%add3A_228, %broadcast_in_dim3A_829] : memref<1280x64xf32, #tpu.memory_space<vmem>>[vector<16xi32>, vector<16xi32>], vector<16xf32>,
        %mul3A_859 = arith.mulf %gather3A_830, %gather3A_858 : vector<16xf32>
        %add3A_860 = arith.addf %add3A_824, %mul3A_859 : vector<16xf32>
        %gather3A_861 = tpu.vector_load_idx %arg13[%add3A_231, %broadcast_in_dim3A_829] : memref<1280x64xf32, #tpu.memory_space<vmem>>[vector<16xi32>, vector<16xi32>], vector<16xf32>,
        %mul3A_862 = arith.mulf %gather3A_830, %gather3A_861 : vector<16xf32>
        %add3A_863 = arith.addf %add3A_827, %mul3A_862 : vector<16xf32>
        %broadcast_in_dim3A_864 = arith.constant 17 : i32
        %broadcast_in_dim3A_865 = vector.broadcast %broadcast_in_dim3A_864 : i32 to vector<16xi32>
        %gather3A_866 = tpu.vector_load_idx %arg11[%add3A_197, %broadcast_in_dim3A_865] : memref<128x64xf32, #tpu.memory_space<vmem>>[vector<16xi32>, vector<16xi32>], vector<16xf32>,
        %gather3A_867 = tpu.vector_load_idx %arg12[%add3A_197, %broadcast_in_dim3A_865] : memref<128x64xf32, #tpu.memory_space<vmem>>[vector<16xi32>, vector<16xi32>], vector<16xf32>,
        %mul3A_868 = arith.mulf %gather3A_866, %gather3A_867 : vector<16xf32>
        %add3A_869 = arith.addf %add3A_833, %mul3A_868 : vector<16xf32>
        %gather3A_870 = tpu.vector_load_idx %arg13[%add3A_204, %broadcast_in_dim3A_865] : memref<1280x64xf32, #tpu.memory_space<vmem>>[vector<16xi32>, vector<16xi32>], vector<16xf32>,
        %mul3A_871 = arith.mulf %gather3A_866, %gather3A_870 : vector<16xf32>
        %add3A_872 = arith.addf %add3A_836, %mul3A_871 : vector<16xf32>
        %gather3A_873 = tpu.vector_load_idx %arg13[%add3A_207, %broadcast_in_dim3A_865] : memref<1280x64xf32, #tpu.memory_space<vmem>>[vector<16xi32>, vector<16xi32>], vector<16xf32>,
        %mul3A_874 = arith.mulf %gather3A_866, %gather3A_873 : vector<16xf32>
        %add3A_875 = arith.addf %add3A_839, %mul3A_874 : vector<16xf32>
        %gather3A_876 = tpu.vector_load_idx %arg13[%add3A_210, %broadcast_in_dim3A_865] : memref<1280x64xf32, #tpu.memory_space<vmem>>[vector<16xi32>, vector<16xi32>], vector<16xf32>,
        %mul3A_877 = arith.mulf %gather3A_866, %gather3A_876 : vector<16xf32>
        %add3A_878 = arith.addf %add3A_842, %mul3A_877 : vector<16xf32>
        %gather3A_879 = tpu.vector_load_idx %arg13[%add3A_213, %broadcast_in_dim3A_865] : memref<1280x64xf32, #tpu.memory_space<vmem>>[vector<16xi32>, vector<16xi32>], vector<16xf32>,
        %mul3A_880 = arith.mulf %gather3A_866, %gather3A_879 : vector<16xf32>
        %add3A_881 = arith.addf %add3A_845, %mul3A_880 : vector<16xf32>
        %gather3A_882 = tpu.vector_load_idx %arg13[%add3A_216, %broadcast_in_dim3A_865] : memref<1280x64xf32, #tpu.memory_space<vmem>>[vector<16xi32>, vector<16xi32>], vector<16xf32>,
        %mul3A_883 = arith.mulf %gather3A_866, %gather3A_882 : vector<16xf32>
        %add3A_884 = arith.addf %add3A_848, %mul3A_883 : vector<16xf32>
        %gather3A_885 = tpu.vector_load_idx %arg13[%add3A_219, %broadcast_in_dim3A_865] : memref<1280x64xf32, #tpu.memory_space<vmem>>[vector<16xi32>, vector<16xi32>], vector<16xf32>,
        %mul3A_886 = arith.mulf %gather3A_866, %gather3A_885 : vector<16xf32>
        %add3A_887 = arith.addf %add3A_851, %mul3A_886 : vector<16xf32>
        %gather3A_888 = tpu.vector_load_idx %arg13[%add3A_222, %broadcast_in_dim3A_865] : memref<1280x64xf32, #tpu.memory_space<vmem>>[vector<16xi32>, vector<16xi32>], vector<16xf32>,
        %mul3A_889 = arith.mulf %gather3A_866, %gather3A_888 : vector<16xf32>
        %add3A_890 = arith.addf %add3A_854, %mul3A_889 : vector<16xf32>
        %gather3A_891 = tpu.vector_load_idx %arg13[%add3A_225, %broadcast_in_dim3A_865] : memref<1280x64xf32, #tpu.memory_space<vmem>>[vector<16xi32>, vector<16xi32>], vector<16xf32>,
        %mul3A_892 = arith.mulf %gather3A_866, %gather3A_891 : vector<16xf32>
        %add3A_893 = arith.addf %add3A_857, %mul3A_892 : vector<16xf32>
        %gather3A_894 = tpu.vector_load_idx %arg13[%add3A_228, %broadcast_in_dim3A_865] : memref<1280x64xf32, #tpu.memory_space<vmem>>[vector<16xi32>, vector<16xi32>], vector<16xf32>,
        %mul3A_895 = arith.mulf %gather3A_866, %gather3A_894 : vector<16xf32>
        %add3A_896 = arith.addf %add3A_860, %mul3A_895 : vector<16xf32>
        %gather3A_897 = tpu.vector_load_idx %arg13[%add3A_231, %broadcast_in_dim3A_865] : memref<1280x64xf32, #tpu.memory_space<vmem>>[vector<16xi32>, vector<16xi32>], vector<16xf32>,
        %mul3A_898 = arith.mulf %gather3A_866, %gather3A_897 : vector<16xf32>
        %add3A_899 = arith.addf %add3A_863, %mul3A_898 : vector<16xf32>
        %broadcast_in_dim3A_900 = arith.constant 18 : i32
        %broadcast_in_dim3A_901 = vector.broadcast %broadcast_in_dim3A_900 : i32 to vector<16xi32>
        %gather3A_902 = tpu.vector_load_idx %arg11[%add3A_197, %broadcast_in_dim3A_901] : memref<128x64xf32, #tpu.memory_space<vmem>>[vector<16xi32>, vector<16xi32>], vector<16xf32>,
        %gather3A_903 = tpu.vector_load_idx %arg12[%add3A_197, %broadcast_in_dim3A_901] : memref<128x64xf32, #tpu.memory_space<vmem>>[vector<16xi32>, vector<16xi32>], vector<16xf32>,
        %mul3A_904 = arith.mulf %gather3A_902, %gather3A_903 : vector<16xf32>
        %add3A_905 = arith.addf %add3A_869, %mul3A_904 : vector<16xf32>
        %gather3A_906 = tpu.vector_load_idx %arg13[%add3A_204, %broadcast_in_dim3A_901] : memref<1280x64xf32, #tpu.memory_space<vmem>>[vector<16xi32>, vector<16xi32>], vector<16xf32>,
        %mul3A_907 = arith.mulf %gather3A_902, %gather3A_906 : vector<16xf32>
        %add3A_908 = arith.addf %add3A_872, %mul3A_907 : vector<16xf32>
        %gather3A_909 = tpu.vector_load_idx %arg13[%add3A_207, %broadcast_in_dim3A_901] : memref<1280x64xf32, #tpu.memory_space<vmem>>[vector<16xi32>, vector<16xi32>], vector<16xf32>,
        %mul3A_910 = arith.mulf %gather3A_902, %gather3A_909 : vector<16xf32>
        %add3A_911 = arith.addf %add3A_875, %mul3A_910 : vector<16xf32>
        %gather3A_912 = tpu.vector_load_idx %arg13[%add3A_210, %broadcast_in_dim3A_901] : memref<1280x64xf32, #tpu.memory_space<vmem>>[vector<16xi32>, vector<16xi32>], vector<16xf32>,
        %mul3A_913 = arith.mulf %gather3A_902, %gather3A_912 : vector<16xf32>
        %add3A_914 = arith.addf %add3A_878, %mul3A_913 : vector<16xf32>
        %gather3A_915 = tpu.vector_load_idx %arg13[%add3A_213, %broadcast_in_dim3A_901] : memref<1280x64xf32, #tpu.memory_space<vmem>>[vector<16xi32>, vector<16xi32>], vector<16xf32>,
        %mul3A_916 = arith.mulf %gather3A_902, %gather3A_915 : vector<16xf32>
        %add3A_917 = arith.addf %add3A_881, %mul3A_916 : vector<16xf32>
        %gather3A_918 = tpu.vector_load_idx %arg13[%add3A_216, %broadcast_in_dim3A_901] : memref<1280x64xf32, #tpu.memory_space<vmem>>[vector<16xi32>, vector<16xi32>], vector<16xf32>,
        %mul3A_919 = arith.mulf %gather3A_902, %gather3A_918 : vector<16xf32>
        %add3A_920 = arith.addf %add3A_884, %mul3A_919 : vector<16xf32>
        %gather3A_921 = tpu.vector_load_idx %arg13[%add3A_219, %broadcast_in_dim3A_901] : memref<1280x64xf32, #tpu.memory_space<vmem>>[vector<16xi32>, vector<16xi32>], vector<16xf32>,
        %mul3A_922 = arith.mulf %gather3A_902, %gather3A_921 : vector<16xf32>
        %add3A_923 = arith.addf %add3A_887, %mul3A_922 : vector<16xf32>
        %gather3A_924 = tpu.vector_load_idx %arg13[%add3A_222, %broadcast_in_dim3A_901] : memref<1280x64xf32, #tpu.memory_space<vmem>>[vector<16xi32>, vector<16xi32>], vector<16xf32>,
        %mul3A_925 = arith.mulf %gather3A_902, %gather3A_924 : vector<16xf32>
        %add3A_926 = arith.addf %add3A_890, %mul3A_925 : vector<16xf32>
        %gather3A_927 = tpu.vector_load_idx %arg13[%add3A_225, %broadcast_in_dim3A_901] : memref<1280x64xf32, #tpu.memory_space<vmem>>[vector<16xi32>, vector<16xi32>], vector<16xf32>,
        %mul3A_928 = arith.mulf %gather3A_902, %gather3A_927 : vector<16xf32>
        %add3A_929 = arith.addf %add3A_893, %mul3A_928 : vector<16xf32>
        %gather3A_930 = tpu.vector_load_idx %arg13[%add3A_228, %broadcast_in_dim3A_901] : memref<1280x64xf32, #tpu.memory_space<vmem>>[vector<16xi32>, vector<16xi32>], vector<16xf32>,
        %mul3A_931 = arith.mulf %gather3A_902, %gather3A_930 : vector<16xf32>
        %add3A_932 = arith.addf %add3A_896, %mul3A_931 : vector<16xf32>
        %gather3A_933 = tpu.vector_load_idx %arg13[%add3A_231, %broadcast_in_dim3A_901] : memref<1280x64xf32, #tpu.memory_space<vmem>>[vector<16xi32>, vector<16xi32>], vector<16xf32>,
        %mul3A_934 = arith.mulf %gather3A_902, %gather3A_933 : vector<16xf32>
        %add3A_935 = arith.addf %add3A_899, %mul3A_934 : vector<16xf32>
        %broadcast_in_dim3A_936 = arith.constant 19 : i32
        %broadcast_in_dim3A_937 = vector.broadcast %broadcast_in_dim3A_936 : i32 to vector<16xi32>
        %gather3A_938 = tpu.vector_load_idx %arg11[%add3A_197, %broadcast_in_dim3A_937] : memref<128x64xf32, #tpu.memory_space<vmem>>[vector<16xi32>, vector<16xi32>], vector<16xf32>,
        %gather3A_939 = tpu.vector_load_idx %arg12[%add3A_197, %broadcast_in_dim3A_937] : memref<128x64xf32, #tpu.memory_space<vmem>>[vector<16xi32>, vector<16xi32>], vector<16xf32>,
        %mul3A_940 = arith.mulf %gather3A_938, %gather3A_939 : vector<16xf32>
        %add3A_941 = arith.addf %add3A_905, %mul3A_940 : vector<16xf32>
        %gather3A_942 = tpu.vector_load_idx %arg13[%add3A_204, %broadcast_in_dim3A_937] : memref<1280x64xf32, #tpu.memory_space<vmem>>[vector<16xi32>, vector<16xi32>], vector<16xf32>,
        %mul3A_943 = arith.mulf %gather3A_938, %gather3A_942 : vector<16xf32>
        %add3A_944 = arith.addf %add3A_908, %mul3A_943 : vector<16xf32>
        %gather3A_945 = tpu.vector_load_idx %arg13[%add3A_207, %broadcast_in_dim3A_937] : memref<1280x64xf32, #tpu.memory_space<vmem>>[vector<16xi32>, vector<16xi32>], vector<16xf32>,
        %mul3A_946 = arith.mulf %gather3A_938, %gather3A_945 : vector<16xf32>
        %add3A_947 = arith.addf %add3A_911, %mul3A_946 : vector<16xf32>
        %gather3A_948 = tpu.vector_load_idx %arg13[%add3A_210, %broadcast_in_dim3A_937] : memref<1280x64xf32, #tpu.memory_space<vmem>>[vector<16xi32>, vector<16xi32>], vector<16xf32>,
        %mul3A_949 = arith.mulf %gather3A_938, %gather3A_948 : vector<16xf32>
        %add3A_950 = arith.addf %add3A_914, %mul3A_949 : vector<16xf32>
        %gather3A_951 = tpu.vector_load_idx %arg13[%add3A_213, %broadcast_in_dim3A_937] : memref<1280x64xf32, #tpu.memory_space<vmem>>[vector<16xi32>, vector<16xi32>], vector<16xf32>,
        %mul3A_952 = arith.mulf %gather3A_938, %gather3A_951 : vector<16xf32>
        %add3A_953 = arith.addf %add3A_917, %mul3A_952 : vector<16xf32>
        %gather3A_954 = tpu.vector_load_idx %arg13[%add3A_216, %broadcast_in_dim3A_937] : memref<1280x64xf32, #tpu.memory_space<vmem>>[vector<16xi32>, vector<16xi32>], vector<16xf32>,
        %mul3A_955 = arith.mulf %gather3A_938, %gather3A_954 : vector<16xf32>
        %add3A_956 = arith.addf %add3A_920, %mul3A_955 : vector<16xf32>
        %gather3A_957 = tpu.vector_load_idx %arg13[%add3A_219, %broadcast_in_dim3A_937] : memref<1280x64xf32, #tpu.memory_space<vmem>>[vector<16xi32>, vector<16xi32>], vector<16xf32>,
        %mul3A_958 = arith.mulf %gather3A_938, %gather3A_957 : vector<16xf32>
        %add3A_959 = arith.addf %add3A_923, %mul3A_958 : vector<16xf32>
        %gather3A_960 = tpu.vector_load_idx %arg13[%add3A_222, %broadcast_in_dim3A_937] : memref<1280x64xf32, #tpu.memory_space<vmem>>[vector<16xi32>, vector<16xi32>], vector<16xf32>,
        %mul3A_961 = arith.mulf %gather3A_938, %gather3A_960 : vector<16xf32>
        %add3A_962 = arith.addf %add3A_926, %mul3A_961 : vector<16xf32>
        %gather3A_963 = tpu.vector_load_idx %arg13[%add3A_225, %broadcast_in_dim3A_937] : memref<1280x64xf32, #tpu.memory_space<vmem>>[vector<16xi32>, vector<16xi32>], vector<16xf32>,
        %mul3A_964 = arith.mulf %gather3A_938, %gather3A_963 : vector<16xf32>
        %add3A_965 = arith.addf %add3A_929, %mul3A_964 : vector<16xf32>
        %gather3A_966 = tpu.vector_load_idx %arg13[%add3A_228, %broadcast_in_dim3A_937] : memref<1280x64xf32, #tpu.memory_space<vmem>>[vector<16xi32>, vector<16xi32>], vector<16xf32>,
        %mul3A_967 = arith.mulf %gather3A_938, %gather3A_966 : vector<16xf32>
        %add3A_968 = arith.addf %add3A_932, %mul3A_967 : vector<16xf32>
        %gather3A_969 = tpu.vector_load_idx %arg13[%add3A_231, %broadcast_in_dim3A_937] : memref<1280x64xf32, #tpu.memory_space<vmem>>[vector<16xi32>, vector<16xi32>], vector<16xf32>,
        %mul3A_970 = arith.mulf %gather3A_938, %gather3A_969 : vector<16xf32>
        %add3A_971 = arith.addf %add3A_935, %mul3A_970 : vector<16xf32>
        %broadcast_in_dim3A_972 = arith.constant 20 : i32
        %broadcast_in_dim3A_973 = vector.broadcast %broadcast_in_dim3A_972 : i32 to vector<16xi32>
        %gather3A_974 = tpu.vector_load_idx %arg11[%add3A_197, %broadcast_in_dim3A_973] : memref<128x64xf32, #tpu.memory_space<vmem>>[vector<16xi32>, vector<16xi32>], vector<16xf32>,
        %gather3A_975 = tpu.vector_load_idx %arg12[%add3A_197, %broadcast_in_dim3A_973] : memref<128x64xf32, #tpu.memory_space<vmem>>[vector<16xi32>, vector<16xi32>], vector<16xf32>,
        %mul3A_976 = arith.mulf %gather3A_974, %gather3A_975 : vector<16xf32>
        %add3A_977 = arith.addf %add3A_941, %mul3A_976 : vector<16xf32>
        %gather3A_978 = tpu.vector_load_idx %arg13[%add3A_204, %broadcast_in_dim3A_973] : memref<1280x64xf32, #tpu.memory_space<vmem>>[vector<16xi32>, vector<16xi32>], vector<16xf32>,
        %mul3A_979 = arith.mulf %gather3A_974, %gather3A_978 : vector<16xf32>
        %add3A_980 = arith.addf %add3A_944, %mul3A_979 : vector<16xf32>
        %gather3A_981 = tpu.vector_load_idx %arg13[%add3A_207, %broadcast_in_dim3A_973] : memref<1280x64xf32, #tpu.memory_space<vmem>>[vector<16xi32>, vector<16xi32>], vector<16xf32>,
        %mul3A_982 = arith.mulf %gather3A_974, %gather3A_981 : vector<16xf32>
        %add3A_983 = arith.addf %add3A_947, %mul3A_982 : vector<16xf32>
        %gather3A_984 = tpu.vector_load_idx %arg13[%add3A_210, %broadcast_in_dim3A_973] : memref<1280x64xf32, #tpu.memory_space<vmem>>[vector<16xi32>, vector<16xi32>], vector<16xf32>,
        %mul3A_985 = arith.mulf %gather3A_974, %gather3A_984 : vector<16xf32>
        %add3A_986 = arith.addf %add3A_950, %mul3A_985 : vector<16xf32>
        %gather3A_987 = tpu.vector_load_idx %arg13[%add3A_213, %broadcast_in_dim3A_973] : memref<1280x64xf32, #tpu.memory_space<vmem>>[vector<16xi32>, vector<16xi32>], vector<16xf32>,
        %mul3A_988 = arith.mulf %gather3A_974, %gather3A_987 : vector<16xf32>
        %add3A_989 = arith.addf %add3A_953, %mul3A_988 : vector<16xf32>
        %gather3A_990 = tpu.vector_load_idx %arg13[%add3A_216, %broadcast_in_dim3A_973] : memref<1280x64xf32, #tpu.memory_space<vmem>>[vector<16xi32>, vector<16xi32>], vector<16xf32>,
        %mul3A_991 = arith.mulf %gather3A_974, %gather3A_990 : vector<16xf32>
        %add3A_992 = arith.addf %add3A_956, %mul3A_991 : vector<16xf32>
        %gather3A_993 = tpu.vector_load_idx %arg13[%add3A_219, %broadcast_in_dim3A_973] : memref<1280x64xf32, #tpu.memory_space<vmem>>[vector<16xi32>, vector<16xi32>], vector<16xf32>,
        %mul3A_994 = arith.mulf %gather3A_974, %gather3A_993 : vector<16xf32>
        %add3A_995 = arith.addf %add3A_959, %mul3A_994 : vector<16xf32>
        %gather3A_996 = tpu.vector_load_idx %arg13[%add3A_222, %broadcast_in_dim3A_973] : memref<1280x64xf32, #tpu.memory_space<vmem>>[vector<16xi32>, vector<16xi32>], vector<16xf32>,
        %mul3A_997 = arith.mulf %gather3A_974, %gather3A_996 : vector<16xf32>
        %add3A_998 = arith.addf %add3A_962, %mul3A_997 : vector<16xf32>
        %gather3A_999 = tpu.vector_load_idx %arg13[%add3A_225, %broadcast_in_dim3A_973] : memref<1280x64xf32, #tpu.memory_space<vmem>>[vector<16xi32>, vector<16xi32>], vector<16xf32>,
        %mul3A_1000 = arith.mulf %gather3A_974, %gather3A_999 : vector<16xf32>
        %add3A_1001 = arith.addf %add3A_965, %mul3A_1000 : vector<16xf32>
        %gather3A_1002 = tpu.vector_load_idx %arg13[%add3A_228, %broadcast_in_dim3A_973] : memref<1280x64xf32, #tpu.memory_space<vmem>>[vector<16xi32>, vector<16xi32>], vector<16xf32>,
        %mul3A_1003 = arith.mulf %gather3A_974, %gather3A_1002 : vector<16xf32>
        %add3A_1004 = arith.addf %add3A_968, %mul3A_1003 : vector<16xf32>
        %gather3A_1005 = tpu.vector_load_idx %arg13[%add3A_231, %broadcast_in_dim3A_973] : memref<1280x64xf32, #tpu.memory_space<vmem>>[vector<16xi32>, vector<16xi32>], vector<16xf32>,
        %mul3A_1006 = arith.mulf %gather3A_974, %gather3A_1005 : vector<16xf32>
        %add3A_1007 = arith.addf %add3A_971, %mul3A_1006 : vector<16xf32>
        %broadcast_in_dim3A_1008 = arith.constant 21 : i32
        %broadcast_in_dim3A_1009 = vector.broadcast %broadcast_in_dim3A_1008 : i32 to vector<16xi32>
        %gather3A_1010 = tpu.vector_load_idx %arg11[%add3A_197, %broadcast_in_dim3A_1009] : memref<128x64xf32, #tpu.memory_space<vmem>>[vector<16xi32>, vector<16xi32>], vector<16xf32>,
        %gather3A_1011 = tpu.vector_load_idx %arg12[%add3A_197, %broadcast_in_dim3A_1009] : memref<128x64xf32, #tpu.memory_space<vmem>>[vector<16xi32>, vector<16xi32>], vector<16xf32>,
        %mul3A_1012 = arith.mulf %gather3A_1010, %gather3A_1011 : vector<16xf32>
        %add3A_1013 = arith.addf %add3A_977, %mul3A_1012 : vector<16xf32>
        %gather3A_1014 = tpu.vector_load_idx %arg13[%add3A_204, %broadcast_in_dim3A_1009] : memref<1280x64xf32, #tpu.memory_space<vmem>>[vector<16xi32>, vector<16xi32>], vector<16xf32>,
        %mul3A_1015 = arith.mulf %gather3A_1010, %gather3A_1014 : vector<16xf32>
        %add3A_1016 = arith.addf %add3A_980, %mul3A_1015 : vector<16xf32>
        %gather3A_1017 = tpu.vector_load_idx %arg13[%add3A_207, %broadcast_in_dim3A_1009] : memref<1280x64xf32, #tpu.memory_space<vmem>>[vector<16xi32>, vector<16xi32>], vector<16xf32>,
        %mul3A_1018 = arith.mulf %gather3A_1010, %gather3A_1017 : vector<16xf32>
        %add3A_1019 = arith.addf %add3A_983, %mul3A_1018 : vector<16xf32>
        %gather3A_1020 = tpu.vector_load_idx %arg13[%add3A_210, %broadcast_in_dim3A_1009] : memref<1280x64xf32, #tpu.memory_space<vmem>>[vector<16xi32>, vector<16xi32>], vector<16xf32>,
        %mul3A_1021 = arith.mulf %gather3A_1010, %gather3A_1020 : vector<16xf32>
        %add3A_1022 = arith.addf %add3A_986, %mul3A_1021 : vector<16xf32>
        %gather3A_1023 = tpu.vector_load_idx %arg13[%add3A_213, %broadcast_in_dim3A_1009] : memref<1280x64xf32, #tpu.memory_space<vmem>>[vector<16xi32>, vector<16xi32>], vector<16xf32>,
        %mul3A_1024 = arith.mulf %gather3A_1010, %gather3A_1023 : vector<16xf32>
        %add3A_1025 = arith.addf %add3A_989, %mul3A_1024 : vector<16xf32>
        %gather3A_1026 = tpu.vector_load_idx %arg13[%add3A_216, %broadcast_in_dim3A_1009] : memref<1280x64xf32, #tpu.memory_space<vmem>>[vector<16xi32>, vector<16xi32>], vector<16xf32>,
        %mul3A_1027 = arith.mulf %gather3A_1010, %gather3A_1026 : vector<16xf32>
        %add3A_1028 = arith.addf %add3A_992, %mul3A_1027 : vector<16xf32>
        %gather3A_1029 = tpu.vector_load_idx %arg13[%add3A_219, %broadcast_in_dim3A_1009] : memref<1280x64xf32, #tpu.memory_space<vmem>>[vector<16xi32>, vector<16xi32>], vector<16xf32>,
        %mul3A_1030 = arith.mulf %gather3A_1010, %gather3A_1029 : vector<16xf32>
        %add3A_1031 = arith.addf %add3A_995, %mul3A_1030 : vector<16xf32>
        %gather3A_1032 = tpu.vector_load_idx %arg13[%add3A_222, %broadcast_in_dim3A_1009] : memref<1280x64xf32, #tpu.memory_space<vmem>>[vector<16xi32>, vector<16xi32>], vector<16xf32>,
        %mul3A_1033 = arith.mulf %gather3A_1010, %gather3A_1032 : vector<16xf32>
        %add3A_1034 = arith.addf %add3A_998, %mul3A_1033 : vector<16xf32>
        %gather3A_1035 = tpu.vector_load_idx %arg13[%add3A_225, %broadcast_in_dim3A_1009] : memref<1280x64xf32, #tpu.memory_space<vmem>>[vector<16xi32>, vector<16xi32>], vector<16xf32>,
        %mul3A_1036 = arith.mulf %gather3A_1010, %gather3A_1035 : vector<16xf32>
        %add3A_1037 = arith.addf %add3A_1001, %mul3A_1036 : vector<16xf32>
        %gather3A_1038 = tpu.vector_load_idx %arg13[%add3A_228, %broadcast_in_dim3A_1009] : memref<1280x64xf32, #tpu.memory_space<vmem>>[vector<16xi32>, vector<16xi32>], vector<16xf32>,
        %mul3A_1039 = arith.mulf %gather3A_1010, %gather3A_1038 : vector<16xf32>
        %add3A_1040 = arith.addf %add3A_1004, %mul3A_1039 : vector<16xf32>
        %gather3A_1041 = tpu.vector_load_idx %arg13[%add3A_231, %broadcast_in_dim3A_1009] : memref<1280x64xf32, #tpu.memory_space<vmem>>[vector<16xi32>, vector<16xi32>], vector<16xf32>,
        %mul3A_1042 = arith.mulf %gather3A_1010, %gather3A_1041 : vector<16xf32>
        %add3A_1043 = arith.addf %add3A_1007, %mul3A_1042 : vector<16xf32>
        %broadcast_in_dim3A_1044 = arith.constant 22 : i32
        %broadcast_in_dim3A_1045 = vector.broadcast %broadcast_in_dim3A_1044 : i32 to vector<16xi32>
        %gather3A_1046 = tpu.vector_load_idx %arg11[%add3A_197, %broadcast_in_dim3A_1045] : memref<128x64xf32, #tpu.memory_space<vmem>>[vector<16xi32>, vector<16xi32>], vector<16xf32>,
        %gather3A_1047 = tpu.vector_load_idx %arg12[%add3A_197, %broadcast_in_dim3A_1045] : memref<128x64xf32, #tpu.memory_space<vmem>>[vector<16xi32>, vector<16xi32>], vector<16xf32>,
        %mul3A_1048 = arith.mulf %gather3A_1046, %gather3A_1047 : vector<16xf32>
        %add3A_1049 = arith.addf %add3A_1013, %mul3A_1048 : vector<16xf32>
        %gather3A_1050 = tpu.vector_load_idx %arg13[%add3A_204, %broadcast_in_dim3A_1045] : memref<1280x64xf32, #tpu.memory_space<vmem>>[vector<16xi32>, vector<16xi32>], vector<16xf32>,
        %mul3A_1051 = arith.mulf %gather3A_1046, %gather3A_1050 : vector<16xf32>
        %add3A_1052 = arith.addf %add3A_1016, %mul3A_1051 : vector<16xf32>
        %gather3A_1053 = tpu.vector_load_idx %arg13[%add3A_207, %broadcast_in_dim3A_1045] : memref<1280x64xf32, #tpu.memory_space<vmem>>[vector<16xi32>, vector<16xi32>], vector<16xf32>,
        %mul3A_1054 = arith.mulf %gather3A_1046, %gather3A_1053 : vector<16xf32>
        %add3A_1055 = arith.addf %add3A_1019, %mul3A_1054 : vector<16xf32>
        %gather3A_1056 = tpu.vector_load_idx %arg13[%add3A_210, %broadcast_in_dim3A_1045] : memref<1280x64xf32, #tpu.memory_space<vmem>>[vector<16xi32>, vector<16xi32>], vector<16xf32>,
        %mul3A_1057 = arith.mulf %gather3A_1046, %gather3A_1056 : vector<16xf32>
        %add3A_1058 = arith.addf %add3A_1022, %mul3A_1057 : vector<16xf32>
        %gather3A_1059 = tpu.vector_load_idx %arg13[%add3A_213, %broadcast_in_dim3A_1045] : memref<1280x64xf32, #tpu.memory_space<vmem>>[vector<16xi32>, vector<16xi32>], vector<16xf32>,
        %mul3A_1060 = arith.mulf %gather3A_1046, %gather3A_1059 : vector<16xf32>
        %add3A_1061 = arith.addf %add3A_1025, %mul3A_1060 : vector<16xf32>
        %gather3A_1062 = tpu.vector_load_idx %arg13[%add3A_216, %broadcast_in_dim3A_1045] : memref<1280x64xf32, #tpu.memory_space<vmem>>[vector<16xi32>, vector<16xi32>], vector<16xf32>,
        %mul3A_1063 = arith.mulf %gather3A_1046, %gather3A_1062 : vector<16xf32>
        %add3A_1064 = arith.addf %add3A_1028, %mul3A_1063 : vector<16xf32>
        %gather3A_1065 = tpu.vector_load_idx %arg13[%add3A_219, %broadcast_in_dim3A_1045] : memref<1280x64xf32, #tpu.memory_space<vmem>>[vector<16xi32>, vector<16xi32>], vector<16xf32>,
        %mul3A_1066 = arith.mulf %gather3A_1046, %gather3A_1065 : vector<16xf32>
        %add3A_1067 = arith.addf %add3A_1031, %mul3A_1066 : vector<16xf32>
        %gather3A_1068 = tpu.vector_load_idx %arg13[%add3A_222, %broadcast_in_dim3A_1045] : memref<1280x64xf32, #tpu.memory_space<vmem>>[vector<16xi32>, vector<16xi32>], vector<16xf32>,
        %mul3A_1069 = arith.mulf %gather3A_1046, %gather3A_1068 : vector<16xf32>
        %add3A_1070 = arith.addf %add3A_1034, %mul3A_1069 : vector<16xf32>
        %gather3A_1071 = tpu.vector_load_idx %arg13[%add3A_225, %broadcast_in_dim3A_1045] : memref<1280x64xf32, #tpu.memory_space<vmem>>[vector<16xi32>, vector<16xi32>], vector<16xf32>,
        %mul3A_1072 = arith.mulf %gather3A_1046, %gather3A_1071 : vector<16xf32>
        %add3A_1073 = arith.addf %add3A_1037, %mul3A_1072 : vector<16xf32>
        %gather3A_1074 = tpu.vector_load_idx %arg13[%add3A_228, %broadcast_in_dim3A_1045] : memref<1280x64xf32, #tpu.memory_space<vmem>>[vector<16xi32>, vector<16xi32>], vector<16xf32>,
        %mul3A_1075 = arith.mulf %gather3A_1046, %gather3A_1074 : vector<16xf32>
        %add3A_1076 = arith.addf %add3A_1040, %mul3A_1075 : vector<16xf32>
        %gather3A_1077 = tpu.vector_load_idx %arg13[%add3A_231, %broadcast_in_dim3A_1045] : memref<1280x64xf32, #tpu.memory_space<vmem>>[vector<16xi32>, vector<16xi32>], vector<16xf32>,
        %mul3A_1078 = arith.mulf %gather3A_1046, %gather3A_1077 : vector<16xf32>
        %add3A_1079 = arith.addf %add3A_1043, %mul3A_1078 : vector<16xf32>
        %broadcast_in_dim3A_1080 = arith.constant 23 : i32
        %broadcast_in_dim3A_1081 = vector.broadcast %broadcast_in_dim3A_1080 : i32 to vector<16xi32>
        %gather3A_1082 = tpu.vector_load_idx %arg11[%add3A_197, %broadcast_in_dim3A_1081] : memref<128x64xf32, #tpu.memory_space<vmem>>[vector<16xi32>, vector<16xi32>], vector<16xf32>,
        %gather3A_1083 = tpu.vector_load_idx %arg12[%add3A_197, %broadcast_in_dim3A_1081] : memref<128x64xf32, #tpu.memory_space<vmem>>[vector<16xi32>, vector<16xi32>], vector<16xf32>,
        %mul3A_1084 = arith.mulf %gather3A_1082, %gather3A_1083 : vector<16xf32>
        %add3A_1085 = arith.addf %add3A_1049, %mul3A_1084 : vector<16xf32>
        %gather3A_1086 = tpu.vector_load_idx %arg13[%add3A_204, %broadcast_in_dim3A_1081] : memref<1280x64xf32, #tpu.memory_space<vmem>>[vector<16xi32>, vector<16xi32>], vector<16xf32>,
        %mul3A_1087 = arith.mulf %gather3A_1082, %gather3A_1086 : vector<16xf32>
        %add3A_1088 = arith.addf %add3A_1052, %mul3A_1087 : vector<16xf32>
        %gather3A_1089 = tpu.vector_load_idx %arg13[%add3A_207, %broadcast_in_dim3A_1081] : memref<1280x64xf32, #tpu.memory_space<vmem>>[vector<16xi32>, vector<16xi32>], vector<16xf32>,
        %mul3A_1090 = arith.mulf %gather3A_1082, %gather3A_1089 : vector<16xf32>
        %add3A_1091 = arith.addf %add3A_1055, %mul3A_1090 : vector<16xf32>
        %gather3A_1092 = tpu.vector_load_idx %arg13[%add3A_210, %broadcast_in_dim3A_1081] : memref<1280x64xf32, #tpu.memory_space<vmem>>[vector<16xi32>, vector<16xi32>], vector<16xf32>,
        %mul3A_1093 = arith.mulf %gather3A_1082, %gather3A_1092 : vector<16xf32>
        %add3A_1094 = arith.addf %add3A_1058, %mul3A_1093 : vector<16xf32>
        %gather3A_1095 = tpu.vector_load_idx %arg13[%add3A_213, %broadcast_in_dim3A_1081] : memref<1280x64xf32, #tpu.memory_space<vmem>>[vector<16xi32>, vector<16xi32>], vector<16xf32>,
        %mul3A_1096 = arith.mulf %gather3A_1082, %gather3A_1095 : vector<16xf32>
        %add3A_1097 = arith.addf %add3A_1061, %mul3A_1096 : vector<16xf32>
        %gather3A_1098 = tpu.vector_load_idx %arg13[%add3A_216, %broadcast_in_dim3A_1081] : memref<1280x64xf32, #tpu.memory_space<vmem>>[vector<16xi32>, vector<16xi32>], vector<16xf32>,
        %mul3A_1099 = arith.mulf %gather3A_1082, %gather3A_1098 : vector<16xf32>
        %add3A_1100 = arith.addf %add3A_1064, %mul3A_1099 : vector<16xf32>
        %gather3A_1101 = tpu.vector_load_idx %arg13[%add3A_219, %broadcast_in_dim3A_1081] : memref<1280x64xf32, #tpu.memory_space<vmem>>[vector<16xi32>, vector<16xi32>], vector<16xf32>,
        %mul3A_1102 = arith.mulf %gather3A_1082, %gather3A_1101 : vector<16xf32>
        %add3A_1103 = arith.addf %add3A_1067, %mul3A_1102 : vector<16xf32>
        %gather3A_1104 = tpu.vector_load_idx %arg13[%add3A_222, %broadcast_in_dim3A_1081] : memref<1280x64xf32, #tpu.memory_space<vmem>>[vector<16xi32>, vector<16xi32>], vector<16xf32>,
        %mul3A_1105 = arith.mulf %gather3A_1082, %gather3A_1104 : vector<16xf32>
        %add3A_1106 = arith.addf %add3A_1070, %mul3A_1105 : vector<16xf32>
        %gather3A_1107 = tpu.vector_load_idx %arg13[%add3A_225, %broadcast_in_dim3A_1081] : memref<1280x64xf32, #tpu.memory_space<vmem>>[vector<16xi32>, vector<16xi32>], vector<16xf32>,
        %mul3A_1108 = arith.mulf %gather3A_1082, %gather3A_1107 : vector<16xf32>
        %add3A_1109 = arith.addf %add3A_1073, %mul3A_1108 : vector<16xf32>
        %gather3A_1110 = tpu.vector_load_idx %arg13[%add3A_228, %broadcast_in_dim3A_1081] : memref<1280x64xf32, #tpu.memory_space<vmem>>[vector<16xi32>, vector<16xi32>], vector<16xf32>,
        %mul3A_1111 = arith.mulf %gather3A_1082, %gather3A_1110 : vector<16xf32>
        %add3A_1112 = arith.addf %add3A_1076, %mul3A_1111 : vector<16xf32>
        %gather3A_1113 = tpu.vector_load_idx %arg13[%add3A_231, %broadcast_in_dim3A_1081] : memref<1280x64xf32, #tpu.memory_space<vmem>>[vector<16xi32>, vector<16xi32>], vector<16xf32>,
        %mul3A_1114 = arith.mulf %gather3A_1082, %gather3A_1113 : vector<16xf32>
        %add3A_1115 = arith.addf %add3A_1079, %mul3A_1114 : vector<16xf32>
        %broadcast_in_dim3A_1116 = arith.constant 24 : i32
        %broadcast_in_dim3A_1117 = vector.broadcast %broadcast_in_dim3A_1116 : i32 to vector<16xi32>
        %gather3A_1118 = tpu.vector_load_idx %arg11[%add3A_197, %broadcast_in_dim3A_1117] : memref<128x64xf32, #tpu.memory_space<vmem>>[vector<16xi32>, vector<16xi32>], vector<16xf32>,
        %gather3A_1119 = tpu.vector_load_idx %arg12[%add3A_197, %broadcast_in_dim3A_1117] : memref<128x64xf32, #tpu.memory_space<vmem>>[vector<16xi32>, vector<16xi32>], vector<16xf32>,
        %mul3A_1120 = arith.mulf %gather3A_1118, %gather3A_1119 : vector<16xf32>
        %add3A_1121 = arith.addf %add3A_1085, %mul3A_1120 : vector<16xf32>
        %gather3A_1122 = tpu.vector_load_idx %arg13[%add3A_204, %broadcast_in_dim3A_1117] : memref<1280x64xf32, #tpu.memory_space<vmem>>[vector<16xi32>, vector<16xi32>], vector<16xf32>,
        %mul3A_1123 = arith.mulf %gather3A_1118, %gather3A_1122 : vector<16xf32>
        %add3A_1124 = arith.addf %add3A_1088, %mul3A_1123 : vector<16xf32>
        %gather3A_1125 = tpu.vector_load_idx %arg13[%add3A_207, %broadcast_in_dim3A_1117] : memref<1280x64xf32, #tpu.memory_space<vmem>>[vector<16xi32>, vector<16xi32>], vector<16xf32>,
        %mul3A_1126 = arith.mulf %gather3A_1118, %gather3A_1125 : vector<16xf32>
        %add3A_1127 = arith.addf %add3A_1091, %mul3A_1126 : vector<16xf32>
        %gather3A_1128 = tpu.vector_load_idx %arg13[%add3A_210, %broadcast_in_dim3A_1117] : memref<1280x64xf32, #tpu.memory_space<vmem>>[vector<16xi32>, vector<16xi32>], vector<16xf32>,
        %mul3A_1129 = arith.mulf %gather3A_1118, %gather3A_1128 : vector<16xf32>
        %add3A_1130 = arith.addf %add3A_1094, %mul3A_1129 : vector<16xf32>
        %gather3A_1131 = tpu.vector_load_idx %arg13[%add3A_213, %broadcast_in_dim3A_1117] : memref<1280x64xf32, #tpu.memory_space<vmem>>[vector<16xi32>, vector<16xi32>], vector<16xf32>,
        %mul3A_1132 = arith.mulf %gather3A_1118, %gather3A_1131 : vector<16xf32>
        %add3A_1133 = arith.addf %add3A_1097, %mul3A_1132 : vector<16xf32>
        %gather3A_1134 = tpu.vector_load_idx %arg13[%add3A_216, %broadcast_in_dim3A_1117] : memref<1280x64xf32, #tpu.memory_space<vmem>>[vector<16xi32>, vector<16xi32>], vector<16xf32>,
        %mul3A_1135 = arith.mulf %gather3A_1118, %gather3A_1134 : vector<16xf32>
        %add3A_1136 = arith.addf %add3A_1100, %mul3A_1135 : vector<16xf32>
        %gather3A_1137 = tpu.vector_load_idx %arg13[%add3A_219, %broadcast_in_dim3A_1117] : memref<1280x64xf32, #tpu.memory_space<vmem>>[vector<16xi32>, vector<16xi32>], vector<16xf32>,
        %mul3A_1138 = arith.mulf %gather3A_1118, %gather3A_1137 : vector<16xf32>
        %add3A_1139 = arith.addf %add3A_1103, %mul3A_1138 : vector<16xf32>
        %gather3A_1140 = tpu.vector_load_idx %arg13[%add3A_222, %broadcast_in_dim3A_1117] : memref<1280x64xf32, #tpu.memory_space<vmem>>[vector<16xi32>, vector<16xi32>], vector<16xf32>,
        %mul3A_1141 = arith.mulf %gather3A_1118, %gather3A_1140 : vector<16xf32>
        %add3A_1142 = arith.addf %add3A_1106, %mul3A_1141 : vector<16xf32>
        %gather3A_1143 = tpu.vector_load_idx %arg13[%add3A_225, %broadcast_in_dim3A_1117] : memref<1280x64xf32, #tpu.memory_space<vmem>>[vector<16xi32>, vector<16xi32>], vector<16xf32>,
        %mul3A_1144 = arith.mulf %gather3A_1118, %gather3A_1143 : vector<16xf32>
        %add3A_1145 = arith.addf %add3A_1109, %mul3A_1144 : vector<16xf32>
        %gather3A_1146 = tpu.vector_load_idx %arg13[%add3A_228, %broadcast_in_dim3A_1117] : memref<1280x64xf32, #tpu.memory_space<vmem>>[vector<16xi32>, vector<16xi32>], vector<16xf32>,
        %mul3A_1147 = arith.mulf %gather3A_1118, %gather3A_1146 : vector<16xf32>
        %add3A_1148 = arith.addf %add3A_1112, %mul3A_1147 : vector<16xf32>
        %gather3A_1149 = tpu.vector_load_idx %arg13[%add3A_231, %broadcast_in_dim3A_1117] : memref<1280x64xf32, #tpu.memory_space<vmem>>[vector<16xi32>, vector<16xi32>], vector<16xf32>,
        %mul3A_1150 = arith.mulf %gather3A_1118, %gather3A_1149 : vector<16xf32>
        %add3A_1151 = arith.addf %add3A_1115, %mul3A_1150 : vector<16xf32>
        %broadcast_in_dim3A_1152 = arith.constant 25 : i32
        %broadcast_in_dim3A_1153 = vector.broadcast %broadcast_in_dim3A_1152 : i32 to vector<16xi32>
        %gather3A_1154 = tpu.vector_load_idx %arg11[%add3A_197, %broadcast_in_dim3A_1153] : memref<128x64xf32, #tpu.memory_space<vmem>>[vector<16xi32>, vector<16xi32>], vector<16xf32>,
        %gather3A_1155 = tpu.vector_load_idx %arg12[%add3A_197, %broadcast_in_dim3A_1153] : memref<128x64xf32, #tpu.memory_space<vmem>>[vector<16xi32>, vector<16xi32>], vector<16xf32>,
        %mul3A_1156 = arith.mulf %gather3A_1154, %gather3A_1155 : vector<16xf32>
        %add3A_1157 = arith.addf %add3A_1121, %mul3A_1156 : vector<16xf32>
        %gather3A_1158 = tpu.vector_load_idx %arg13[%add3A_204, %broadcast_in_dim3A_1153] : memref<1280x64xf32, #tpu.memory_space<vmem>>[vector<16xi32>, vector<16xi32>], vector<16xf32>,
        %mul3A_1159 = arith.mulf %gather3A_1154, %gather3A_1158 : vector<16xf32>
        %add3A_1160 = arith.addf %add3A_1124, %mul3A_1159 : vector<16xf32>
        %gather3A_1161 = tpu.vector_load_idx %arg13[%add3A_207, %broadcast_in_dim3A_1153] : memref<1280x64xf32, #tpu.memory_space<vmem>>[vector<16xi32>, vector<16xi32>], vector<16xf32>,
        %mul3A_1162 = arith.mulf %gather3A_1154, %gather3A_1161 : vector<16xf32>
        %add3A_1163 = arith.addf %add3A_1127, %mul3A_1162 : vector<16xf32>
        %gather3A_1164 = tpu.vector_load_idx %arg13[%add3A_210, %broadcast_in_dim3A_1153] : memref<1280x64xf32, #tpu.memory_space<vmem>>[vector<16xi32>, vector<16xi32>], vector<16xf32>,
        %mul3A_1165 = arith.mulf %gather3A_1154, %gather3A_1164 : vector<16xf32>
        %add3A_1166 = arith.addf %add3A_1130, %mul3A_1165 : vector<16xf32>
        %gather3A_1167 = tpu.vector_load_idx %arg13[%add3A_213, %broadcast_in_dim3A_1153] : memref<1280x64xf32, #tpu.memory_space<vmem>>[vector<16xi32>, vector<16xi32>], vector<16xf32>,
        %mul3A_1168 = arith.mulf %gather3A_1154, %gather3A_1167 : vector<16xf32>
        %add3A_1169 = arith.addf %add3A_1133, %mul3A_1168 : vector<16xf32>
        %gather3A_1170 = tpu.vector_load_idx %arg13[%add3A_216, %broadcast_in_dim3A_1153] : memref<1280x64xf32, #tpu.memory_space<vmem>>[vector<16xi32>, vector<16xi32>], vector<16xf32>,
        %mul3A_1171 = arith.mulf %gather3A_1154, %gather3A_1170 : vector<16xf32>
        %add3A_1172 = arith.addf %add3A_1136, %mul3A_1171 : vector<16xf32>
        %gather3A_1173 = tpu.vector_load_idx %arg13[%add3A_219, %broadcast_in_dim3A_1153] : memref<1280x64xf32, #tpu.memory_space<vmem>>[vector<16xi32>, vector<16xi32>], vector<16xf32>,
        %mul3A_1174 = arith.mulf %gather3A_1154, %gather3A_1173 : vector<16xf32>
        %add3A_1175 = arith.addf %add3A_1139, %mul3A_1174 : vector<16xf32>
        %gather3A_1176 = tpu.vector_load_idx %arg13[%add3A_222, %broadcast_in_dim3A_1153] : memref<1280x64xf32, #tpu.memory_space<vmem>>[vector<16xi32>, vector<16xi32>], vector<16xf32>,
        %mul3A_1177 = arith.mulf %gather3A_1154, %gather3A_1176 : vector<16xf32>
        %add3A_1178 = arith.addf %add3A_1142, %mul3A_1177 : vector<16xf32>
        %gather3A_1179 = tpu.vector_load_idx %arg13[%add3A_225, %broadcast_in_dim3A_1153] : memref<1280x64xf32, #tpu.memory_space<vmem>>[vector<16xi32>, vector<16xi32>], vector<16xf32>,
        %mul3A_1180 = arith.mulf %gather3A_1154, %gather3A_1179 : vector<16xf32>
        %add3A_1181 = arith.addf %add3A_1145, %mul3A_1180 : vector<16xf32>
        %gather3A_1182 = tpu.vector_load_idx %arg13[%add3A_228, %broadcast_in_dim3A_1153] : memref<1280x64xf32, #tpu.memory_space<vmem>>[vector<16xi32>, vector<16xi32>], vector<16xf32>,
        %mul3A_1183 = arith.mulf %gather3A_1154, %gather3A_1182 : vector<16xf32>
        %add3A_1184 = arith.addf %add3A_1148, %mul3A_1183 : vector<16xf32>
        %gather3A_1185 = tpu.vector_load_idx %arg13[%add3A_231, %broadcast_in_dim3A_1153] : memref<1280x64xf32, #tpu.memory_space<vmem>>[vector<16xi32>, vector<16xi32>], vector<16xf32>,
        %mul3A_1186 = arith.mulf %gather3A_1154, %gather3A_1185 : vector<16xf32>
        %add3A_1187 = arith.addf %add3A_1151, %mul3A_1186 : vector<16xf32>
        %broadcast_in_dim3A_1188 = arith.constant 26 : i32
        %broadcast_in_dim3A_1189 = vector.broadcast %broadcast_in_dim3A_1188 : i32 to vector<16xi32>
        %gather3A_1190 = tpu.vector_load_idx %arg11[%add3A_197, %broadcast_in_dim3A_1189] : memref<128x64xf32, #tpu.memory_space<vmem>>[vector<16xi32>, vector<16xi32>], vector<16xf32>,
        %gather3A_1191 = tpu.vector_load_idx %arg12[%add3A_197, %broadcast_in_dim3A_1189] : memref<128x64xf32, #tpu.memory_space<vmem>>[vector<16xi32>, vector<16xi32>], vector<16xf32>,
        %mul3A_1192 = arith.mulf %gather3A_1190, %gather3A_1191 : vector<16xf32>
        %add3A_1193 = arith.addf %add3A_1157, %mul3A_1192 : vector<16xf32>
        %gather3A_1194 = tpu.vector_load_idx %arg13[%add3A_204, %broadcast_in_dim3A_1189] : memref<1280x64xf32, #tpu.memory_space<vmem>>[vector<16xi32>, vector<16xi32>], vector<16xf32>,
        %mul3A_1195 = arith.mulf %gather3A_1190, %gather3A_1194 : vector<16xf32>
        %add3A_1196 = arith.addf %add3A_1160, %mul3A_1195 : vector<16xf32>
        %gather3A_1197 = tpu.vector_load_idx %arg13[%add3A_207, %broadcast_in_dim3A_1189] : memref<1280x64xf32, #tpu.memory_space<vmem>>[vector<16xi32>, vector<16xi32>], vector<16xf32>,
        %mul3A_1198 = arith.mulf %gather3A_1190, %gather3A_1197 : vector<16xf32>
        %add3A_1199 = arith.addf %add3A_1163, %mul3A_1198 : vector<16xf32>
        %gather3A_1200 = tpu.vector_load_idx %arg13[%add3A_210, %broadcast_in_dim3A_1189] : memref<1280x64xf32, #tpu.memory_space<vmem>>[vector<16xi32>, vector<16xi32>], vector<16xf32>,
        %mul3A_1201 = arith.mulf %gather3A_1190, %gather3A_1200 : vector<16xf32>
        %add3A_1202 = arith.addf %add3A_1166, %mul3A_1201 : vector<16xf32>
        %gather3A_1203 = tpu.vector_load_idx %arg13[%add3A_213, %broadcast_in_dim3A_1189] : memref<1280x64xf32, #tpu.memory_space<vmem>>[vector<16xi32>, vector<16xi32>], vector<16xf32>,
        %mul3A_1204 = arith.mulf %gather3A_1190, %gather3A_1203 : vector<16xf32>
        %add3A_1205 = arith.addf %add3A_1169, %mul3A_1204 : vector<16xf32>
        %gather3A_1206 = tpu.vector_load_idx %arg13[%add3A_216, %broadcast_in_dim3A_1189] : memref<1280x64xf32, #tpu.memory_space<vmem>>[vector<16xi32>, vector<16xi32>], vector<16xf32>,
        %mul3A_1207 = arith.mulf %gather3A_1190, %gather3A_1206 : vector<16xf32>
        %add3A_1208 = arith.addf %add3A_1172, %mul3A_1207 : vector<16xf32>
        %gather3A_1209 = tpu.vector_load_idx %arg13[%add3A_219, %broadcast_in_dim3A_1189] : memref<1280x64xf32, #tpu.memory_space<vmem>>[vector<16xi32>, vector<16xi32>], vector<16xf32>,
        %mul3A_1210 = arith.mulf %gather3A_1190, %gather3A_1209 : vector<16xf32>
        %add3A_1211 = arith.addf %add3A_1175, %mul3A_1210 : vector<16xf32>
        %gather3A_1212 = tpu.vector_load_idx %arg13[%add3A_222, %broadcast_in_dim3A_1189] : memref<1280x64xf32, #tpu.memory_space<vmem>>[vector<16xi32>, vector<16xi32>], vector<16xf32>,
        %mul3A_1213 = arith.mulf %gather3A_1190, %gather3A_1212 : vector<16xf32>
        %add3A_1214 = arith.addf %add3A_1178, %mul3A_1213 : vector<16xf32>
        %gather3A_1215 = tpu.vector_load_idx %arg13[%add3A_225, %broadcast_in_dim3A_1189] : memref<1280x64xf32, #tpu.memory_space<vmem>>[vector<16xi32>, vector<16xi32>], vector<16xf32>,
        %mul3A_1216 = arith.mulf %gather3A_1190, %gather3A_1215 : vector<16xf32>
        %add3A_1217 = arith.addf %add3A_1181, %mul3A_1216 : vector<16xf32>
        %gather3A_1218 = tpu.vector_load_idx %arg13[%add3A_228, %broadcast_in_dim3A_1189] : memref<1280x64xf32, #tpu.memory_space<vmem>>[vector<16xi32>, vector<16xi32>], vector<16xf32>,
        %mul3A_1219 = arith.mulf %gather3A_1190, %gather3A_1218 : vector<16xf32>
        %add3A_1220 = arith.addf %add3A_1184, %mul3A_1219 : vector<16xf32>
        %gather3A_1221 = tpu.vector_load_idx %arg13[%add3A_231, %broadcast_in_dim3A_1189] : memref<1280x64xf32, #tpu.memory_space<vmem>>[vector<16xi32>, vector<16xi32>], vector<16xf32>,
        %mul3A_1222 = arith.mulf %gather3A_1190, %gather3A_1221 : vector<16xf32>
        %add3A_1223 = arith.addf %add3A_1187, %mul3A_1222 : vector<16xf32>
        %broadcast_in_dim3A_1224 = arith.constant 27 : i32
        %broadcast_in_dim3A_1225 = vector.broadcast %broadcast_in_dim3A_1224 : i32 to vector<16xi32>
        %gather3A_1226 = tpu.vector_load_idx %arg11[%add3A_197, %broadcast_in_dim3A_1225] : memref<128x64xf32, #tpu.memory_space<vmem>>[vector<16xi32>, vector<16xi32>], vector<16xf32>,
        %gather3A_1227 = tpu.vector_load_idx %arg12[%add3A_197, %broadcast_in_dim3A_1225] : memref<128x64xf32, #tpu.memory_space<vmem>>[vector<16xi32>, vector<16xi32>], vector<16xf32>,
        %mul3A_1228 = arith.mulf %gather3A_1226, %gather3A_1227 : vector<16xf32>
        %add3A_1229 = arith.addf %add3A_1193, %mul3A_1228 : vector<16xf32>
        %gather3A_1230 = tpu.vector_load_idx %arg13[%add3A_204, %broadcast_in_dim3A_1225] : memref<1280x64xf32, #tpu.memory_space<vmem>>[vector<16xi32>, vector<16xi32>], vector<16xf32>,
        %mul3A_1231 = arith.mulf %gather3A_1226, %gather3A_1230 : vector<16xf32>
        %add3A_1232 = arith.addf %add3A_1196, %mul3A_1231 : vector<16xf32>
        %gather3A_1233 = tpu.vector_load_idx %arg13[%add3A_207, %broadcast_in_dim3A_1225] : memref<1280x64xf32, #tpu.memory_space<vmem>>[vector<16xi32>, vector<16xi32>], vector<16xf32>,
        %mul3A_1234 = arith.mulf %gather3A_1226, %gather3A_1233 : vector<16xf32>
        %add3A_1235 = arith.addf %add3A_1199, %mul3A_1234 : vector<16xf32>
        %gather3A_1236 = tpu.vector_load_idx %arg13[%add3A_210, %broadcast_in_dim3A_1225] : memref<1280x64xf32, #tpu.memory_space<vmem>>[vector<16xi32>, vector<16xi32>], vector<16xf32>,
        %mul3A_1237 = arith.mulf %gather3A_1226, %gather3A_1236 : vector<16xf32>
        %add3A_1238 = arith.addf %add3A_1202, %mul3A_1237 : vector<16xf32>
        %gather3A_1239 = tpu.vector_load_idx %arg13[%add3A_213, %broadcast_in_dim3A_1225] : memref<1280x64xf32, #tpu.memory_space<vmem>>[vector<16xi32>, vector<16xi32>], vector<16xf32>,
        %mul3A_1240 = arith.mulf %gather3A_1226, %gather3A_1239 : vector<16xf32>
        %add3A_1241 = arith.addf %add3A_1205, %mul3A_1240 : vector<16xf32>
        %gather3A_1242 = tpu.vector_load_idx %arg13[%add3A_216, %broadcast_in_dim3A_1225] : memref<1280x64xf32, #tpu.memory_space<vmem>>[vector<16xi32>, vector<16xi32>], vector<16xf32>,
        %mul3A_1243 = arith.mulf %gather3A_1226, %gather3A_1242 : vector<16xf32>
        %add3A_1244 = arith.addf %add3A_1208, %mul3A_1243 : vector<16xf32>
        %gather3A_1245 = tpu.vector_load_idx %arg13[%add3A_219, %broadcast_in_dim3A_1225] : memref<1280x64xf32, #tpu.memory_space<vmem>>[vector<16xi32>, vector<16xi32>], vector<16xf32>,
        %mul3A_1246 = arith.mulf %gather3A_1226, %gather3A_1245 : vector<16xf32>
        %add3A_1247 = arith.addf %add3A_1211, %mul3A_1246 : vector<16xf32>
        %gather3A_1248 = tpu.vector_load_idx %arg13[%add3A_222, %broadcast_in_dim3A_1225] : memref<1280x64xf32, #tpu.memory_space<vmem>>[vector<16xi32>, vector<16xi32>], vector<16xf32>,
        %mul3A_1249 = arith.mulf %gather3A_1226, %gather3A_1248 : vector<16xf32>
        %add3A_1250 = arith.addf %add3A_1214, %mul3A_1249 : vector<16xf32>
        %gather3A_1251 = tpu.vector_load_idx %arg13[%add3A_225, %broadcast_in_dim3A_1225] : memref<1280x64xf32, #tpu.memory_space<vmem>>[vector<16xi32>, vector<16xi32>], vector<16xf32>,
        %mul3A_1252 = arith.mulf %gather3A_1226, %gather3A_1251 : vector<16xf32>
        %add3A_1253 = arith.addf %add3A_1217, %mul3A_1252 : vector<16xf32>
        %gather3A_1254 = tpu.vector_load_idx %arg13[%add3A_228, %broadcast_in_dim3A_1225] : memref<1280x64xf32, #tpu.memory_space<vmem>>[vector<16xi32>, vector<16xi32>], vector<16xf32>,
        %mul3A_1255 = arith.mulf %gather3A_1226, %gather3A_1254 : vector<16xf32>
        %add3A_1256 = arith.addf %add3A_1220, %mul3A_1255 : vector<16xf32>
        %gather3A_1257 = tpu.vector_load_idx %arg13[%add3A_231, %broadcast_in_dim3A_1225] : memref<1280x64xf32, #tpu.memory_space<vmem>>[vector<16xi32>, vector<16xi32>], vector<16xf32>,
        %mul3A_1258 = arith.mulf %gather3A_1226, %gather3A_1257 : vector<16xf32>
        %add3A_1259 = arith.addf %add3A_1223, %mul3A_1258 : vector<16xf32>
        %broadcast_in_dim3A_1260 = arith.constant 28 : i32
        %broadcast_in_dim3A_1261 = vector.broadcast %broadcast_in_dim3A_1260 : i32 to vector<16xi32>
        %gather3A_1262 = tpu.vector_load_idx %arg11[%add3A_197, %broadcast_in_dim3A_1261] : memref<128x64xf32, #tpu.memory_space<vmem>>[vector<16xi32>, vector<16xi32>], vector<16xf32>,
        %gather3A_1263 = tpu.vector_load_idx %arg12[%add3A_197, %broadcast_in_dim3A_1261] : memref<128x64xf32, #tpu.memory_space<vmem>>[vector<16xi32>, vector<16xi32>], vector<16xf32>,
        %mul3A_1264 = arith.mulf %gather3A_1262, %gather3A_1263 : vector<16xf32>
        %add3A_1265 = arith.addf %add3A_1229, %mul3A_1264 : vector<16xf32>
        %gather3A_1266 = tpu.vector_load_idx %arg13[%add3A_204, %broadcast_in_dim3A_1261] : memref<1280x64xf32, #tpu.memory_space<vmem>>[vector<16xi32>, vector<16xi32>], vector<16xf32>,
        %mul3A_1267 = arith.mulf %gather3A_1262, %gather3A_1266 : vector<16xf32>
        %add3A_1268 = arith.addf %add3A_1232, %mul3A_1267 : vector<16xf32>
        %gather3A_1269 = tpu.vector_load_idx %arg13[%add3A_207, %broadcast_in_dim3A_1261] : memref<1280x64xf32, #tpu.memory_space<vmem>>[vector<16xi32>, vector<16xi32>], vector<16xf32>,
        %mul3A_1270 = arith.mulf %gather3A_1262, %gather3A_1269 : vector<16xf32>
        %add3A_1271 = arith.addf %add3A_1235, %mul3A_1270 : vector<16xf32>
        %gather3A_1272 = tpu.vector_load_idx %arg13[%add3A_210, %broadcast_in_dim3A_1261] : memref<1280x64xf32, #tpu.memory_space<vmem>>[vector<16xi32>, vector<16xi32>], vector<16xf32>,
        %mul3A_1273 = arith.mulf %gather3A_1262, %gather3A_1272 : vector<16xf32>
        %add3A_1274 = arith.addf %add3A_1238, %mul3A_1273 : vector<16xf32>
        %gather3A_1275 = tpu.vector_load_idx %arg13[%add3A_213, %broadcast_in_dim3A_1261] : memref<1280x64xf32, #tpu.memory_space<vmem>>[vector<16xi32>, vector<16xi32>], vector<16xf32>,
        %mul3A_1276 = arith.mulf %gather3A_1262, %gather3A_1275 : vector<16xf32>
        %add3A_1277 = arith.addf %add3A_1241, %mul3A_1276 : vector<16xf32>
        %gather3A_1278 = tpu.vector_load_idx %arg13[%add3A_216, %broadcast_in_dim3A_1261] : memref<1280x64xf32, #tpu.memory_space<vmem>>[vector<16xi32>, vector<16xi32>], vector<16xf32>,
        %mul3A_1279 = arith.mulf %gather3A_1262, %gather3A_1278 : vector<16xf32>
        %add3A_1280 = arith.addf %add3A_1244, %mul3A_1279 : vector<16xf32>
        %gather3A_1281 = tpu.vector_load_idx %arg13[%add3A_219, %broadcast_in_dim3A_1261] : memref<1280x64xf32, #tpu.memory_space<vmem>>[vector<16xi32>, vector<16xi32>], vector<16xf32>,
        %mul3A_1282 = arith.mulf %gather3A_1262, %gather3A_1281 : vector<16xf32>
        %add3A_1283 = arith.addf %add3A_1247, %mul3A_1282 : vector<16xf32>
        %gather3A_1284 = tpu.vector_load_idx %arg13[%add3A_222, %broadcast_in_dim3A_1261] : memref<1280x64xf32, #tpu.memory_space<vmem>>[vector<16xi32>, vector<16xi32>], vector<16xf32>,
        %mul3A_1285 = arith.mulf %gather3A_1262, %gather3A_1284 : vector<16xf32>
        %add3A_1286 = arith.addf %add3A_1250, %mul3A_1285 : vector<16xf32>
        %gather3A_1287 = tpu.vector_load_idx %arg13[%add3A_225, %broadcast_in_dim3A_1261] : memref<1280x64xf32, #tpu.memory_space<vmem>>[vector<16xi32>, vector<16xi32>], vector<16xf32>,
        %mul3A_1288 = arith.mulf %gather3A_1262, %gather3A_1287 : vector<16xf32>
        %add3A_1289 = arith.addf %add3A_1253, %mul3A_1288 : vector<16xf32>
        %gather3A_1290 = tpu.vector_load_idx %arg13[%add3A_228, %broadcast_in_dim3A_1261] : memref<1280x64xf32, #tpu.memory_space<vmem>>[vector<16xi32>, vector<16xi32>], vector<16xf32>,
        %mul3A_1291 = arith.mulf %gather3A_1262, %gather3A_1290 : vector<16xf32>
        %add3A_1292 = arith.addf %add3A_1256, %mul3A_1291 : vector<16xf32>
        %gather3A_1293 = tpu.vector_load_idx %arg13[%add3A_231, %broadcast_in_dim3A_1261] : memref<1280x64xf32, #tpu.memory_space<vmem>>[vector<16xi32>, vector<16xi32>], vector<16xf32>,
        %mul3A_1294 = arith.mulf %gather3A_1262, %gather3A_1293 : vector<16xf32>
        %add3A_1295 = arith.addf %add3A_1259, %mul3A_1294 : vector<16xf32>
        %broadcast_in_dim3A_1296 = arith.constant 29 : i32
        %broadcast_in_dim3A_1297 = vector.broadcast %broadcast_in_dim3A_1296 : i32 to vector<16xi32>
        %gather3A_1298 = tpu.vector_load_idx %arg11[%add3A_197, %broadcast_in_dim3A_1297] : memref<128x64xf32, #tpu.memory_space<vmem>>[vector<16xi32>, vector<16xi32>], vector<16xf32>,
        %gather3A_1299 = tpu.vector_load_idx %arg12[%add3A_197, %broadcast_in_dim3A_1297] : memref<128x64xf32, #tpu.memory_space<vmem>>[vector<16xi32>, vector<16xi32>], vector<16xf32>,
        %mul3A_1300 = arith.mulf %gather3A_1298, %gather3A_1299 : vector<16xf32>
        %add3A_1301 = arith.addf %add3A_1265, %mul3A_1300 : vector<16xf32>
        %gather3A_1302 = tpu.vector_load_idx %arg13[%add3A_204, %broadcast_in_dim3A_1297] : memref<1280x64xf32, #tpu.memory_space<vmem>>[vector<16xi32>, vector<16xi32>], vector<16xf32>,
        %mul3A_1303 = arith.mulf %gather3A_1298, %gather3A_1302 : vector<16xf32>
        %add3A_1304 = arith.addf %add3A_1268, %mul3A_1303 : vector<16xf32>
        %gather3A_1305 = tpu.vector_load_idx %arg13[%add3A_207, %broadcast_in_dim3A_1297] : memref<1280x64xf32, #tpu.memory_space<vmem>>[vector<16xi32>, vector<16xi32>], vector<16xf32>,
        %mul3A_1306 = arith.mulf %gather3A_1298, %gather3A_1305 : vector<16xf32>
        %add3A_1307 = arith.addf %add3A_1271, %mul3A_1306 : vector<16xf32>
        %gather3A_1308 = tpu.vector_load_idx %arg13[%add3A_210, %broadcast_in_dim3A_1297] : memref<1280x64xf32, #tpu.memory_space<vmem>>[vector<16xi32>, vector<16xi32>], vector<16xf32>,
        %mul3A_1309 = arith.mulf %gather3A_1298, %gather3A_1308 : vector<16xf32>
        %add3A_1310 = arith.addf %add3A_1274, %mul3A_1309 : vector<16xf32>
        %gather3A_1311 = tpu.vector_load_idx %arg13[%add3A_213, %broadcast_in_dim3A_1297] : memref<1280x64xf32, #tpu.memory_space<vmem>>[vector<16xi32>, vector<16xi32>], vector<16xf32>,
        %mul3A_1312 = arith.mulf %gather3A_1298, %gather3A_1311 : vector<16xf32>
        %add3A_1313 = arith.addf %add3A_1277, %mul3A_1312 : vector<16xf32>
        %gather3A_1314 = tpu.vector_load_idx %arg13[%add3A_216, %broadcast_in_dim3A_1297] : memref<1280x64xf32, #tpu.memory_space<vmem>>[vector<16xi32>, vector<16xi32>], vector<16xf32>,
        %mul3A_1315 = arith.mulf %gather3A_1298, %gather3A_1314 : vector<16xf32>
        %add3A_1316 = arith.addf %add3A_1280, %mul3A_1315 : vector<16xf32>
        %gather3A_1317 = tpu.vector_load_idx %arg13[%add3A_219, %broadcast_in_dim3A_1297] : memref<1280x64xf32, #tpu.memory_space<vmem>>[vector<16xi32>, vector<16xi32>], vector<16xf32>,
        %mul3A_1318 = arith.mulf %gather3A_1298, %gather3A_1317 : vector<16xf32>
        %add3A_1319 = arith.addf %add3A_1283, %mul3A_1318 : vector<16xf32>
        %gather3A_1320 = tpu.vector_load_idx %arg13[%add3A_222, %broadcast_in_dim3A_1297] : memref<1280x64xf32, #tpu.memory_space<vmem>>[vector<16xi32>, vector<16xi32>], vector<16xf32>,
        %mul3A_1321 = arith.mulf %gather3A_1298, %gather3A_1320 : vector<16xf32>
        %add3A_1322 = arith.addf %add3A_1286, %mul3A_1321 : vector<16xf32>
        %gather3A_1323 = tpu.vector_load_idx %arg13[%add3A_225, %broadcast_in_dim3A_1297] : memref<1280x64xf32, #tpu.memory_space<vmem>>[vector<16xi32>, vector<16xi32>], vector<16xf32>,
        %mul3A_1324 = arith.mulf %gather3A_1298, %gather3A_1323 : vector<16xf32>
        %add3A_1325 = arith.addf %add3A_1289, %mul3A_1324 : vector<16xf32>
        %gather3A_1326 = tpu.vector_load_idx %arg13[%add3A_228, %broadcast_in_dim3A_1297] : memref<1280x64xf32, #tpu.memory_space<vmem>>[vector<16xi32>, vector<16xi32>], vector<16xf32>,
        %mul3A_1327 = arith.mulf %gather3A_1298, %gather3A_1326 : vector<16xf32>
        %add3A_1328 = arith.addf %add3A_1292, %mul3A_1327 : vector<16xf32>
        %gather3A_1329 = tpu.vector_load_idx %arg13[%add3A_231, %broadcast_in_dim3A_1297] : memref<1280x64xf32, #tpu.memory_space<vmem>>[vector<16xi32>, vector<16xi32>], vector<16xf32>,
        %mul3A_1330 = arith.mulf %gather3A_1298, %gather3A_1329 : vector<16xf32>
        %add3A_1331 = arith.addf %add3A_1295, %mul3A_1330 : vector<16xf32>
        %broadcast_in_dim3A_1332 = arith.constant 30 : i32
        %broadcast_in_dim3A_1333 = vector.broadcast %broadcast_in_dim3A_1332 : i32 to vector<16xi32>
        %gather3A_1334 = tpu.vector_load_idx %arg11[%add3A_197, %broadcast_in_dim3A_1333] : memref<128x64xf32, #tpu.memory_space<vmem>>[vector<16xi32>, vector<16xi32>], vector<16xf32>,
        %gather3A_1335 = tpu.vector_load_idx %arg12[%add3A_197, %broadcast_in_dim3A_1333] : memref<128x64xf32, #tpu.memory_space<vmem>>[vector<16xi32>, vector<16xi32>], vector<16xf32>,
        %mul3A_1336 = arith.mulf %gather3A_1334, %gather3A_1335 : vector<16xf32>
        %add3A_1337 = arith.addf %add3A_1301, %mul3A_1336 : vector<16xf32>
        %gather3A_1338 = tpu.vector_load_idx %arg13[%add3A_204, %broadcast_in_dim3A_1333] : memref<1280x64xf32, #tpu.memory_space<vmem>>[vector<16xi32>, vector<16xi32>], vector<16xf32>,
        %mul3A_1339 = arith.mulf %gather3A_1334, %gather3A_1338 : vector<16xf32>
        %add3A_1340 = arith.addf %add3A_1304, %mul3A_1339 : vector<16xf32>
        %gather3A_1341 = tpu.vector_load_idx %arg13[%add3A_207, %broadcast_in_dim3A_1333] : memref<1280x64xf32, #tpu.memory_space<vmem>>[vector<16xi32>, vector<16xi32>], vector<16xf32>,
        %mul3A_1342 = arith.mulf %gather3A_1334, %gather3A_1341 : vector<16xf32>
        %add3A_1343 = arith.addf %add3A_1307, %mul3A_1342 : vector<16xf32>
        %gather3A_1344 = tpu.vector_load_idx %arg13[%add3A_210, %broadcast_in_dim3A_1333] : memref<1280x64xf32, #tpu.memory_space<vmem>>[vector<16xi32>, vector<16xi32>], vector<16xf32>,
        %mul3A_1345 = arith.mulf %gather3A_1334, %gather3A_1344 : vector<16xf32>
        %add3A_1346 = arith.addf %add3A_1310, %mul3A_1345 : vector<16xf32>
        %gather3A_1347 = tpu.vector_load_idx %arg13[%add3A_213, %broadcast_in_dim3A_1333] : memref<1280x64xf32, #tpu.memory_space<vmem>>[vector<16xi32>, vector<16xi32>], vector<16xf32>,
        %mul3A_1348 = arith.mulf %gather3A_1334, %gather3A_1347 : vector<16xf32>
        %add3A_1349 = arith.addf %add3A_1313, %mul3A_1348 : vector<16xf32>
        %gather3A_1350 = tpu.vector_load_idx %arg13[%add3A_216, %broadcast_in_dim3A_1333] : memref<1280x64xf32, #tpu.memory_space<vmem>>[vector<16xi32>, vector<16xi32>], vector<16xf32>,
        %mul3A_1351 = arith.mulf %gather3A_1334, %gather3A_1350 : vector<16xf32>
        %add3A_1352 = arith.addf %add3A_1316, %mul3A_1351 : vector<16xf32>
        %gather3A_1353 = tpu.vector_load_idx %arg13[%add3A_219, %broadcast_in_dim3A_1333] : memref<1280x64xf32, #tpu.memory_space<vmem>>[vector<16xi32>, vector<16xi32>], vector<16xf32>,
        %mul3A_1354 = arith.mulf %gather3A_1334, %gather3A_1353 : vector<16xf32>
        %add3A_1355 = arith.addf %add3A_1319, %mul3A_1354 : vector<16xf32>
        %gather3A_1356 = tpu.vector_load_idx %arg13[%add3A_222, %broadcast_in_dim3A_1333] : memref<1280x64xf32, #tpu.memory_space<vmem>>[vector<16xi32>, vector<16xi32>], vector<16xf32>,
        %mul3A_1357 = arith.mulf %gather3A_1334, %gather3A_1356 : vector<16xf32>
        %add3A_1358 = arith.addf %add3A_1322, %mul3A_1357 : vector<16xf32>
        %gather3A_1359 = tpu.vector_load_idx %arg13[%add3A_225, %broadcast_in_dim3A_1333] : memref<1280x64xf32, #tpu.memory_space<vmem>>[vector<16xi32>, vector<16xi32>], vector<16xf32>,
        %mul3A_1360 = arith.mulf %gather3A_1334, %gather3A_1359 : vector<16xf32>
        %add3A_1361 = arith.addf %add3A_1325, %mul3A_1360 : vector<16xf32>
        %gather3A_1362 = tpu.vector_load_idx %arg13[%add3A_228, %broadcast_in_dim3A_1333] : memref<1280x64xf32, #tpu.memory_space<vmem>>[vector<16xi32>, vector<16xi32>], vector<16xf32>,
        %mul3A_1363 = arith.mulf %gather3A_1334, %gather3A_1362 : vector<16xf32>
        %add3A_1364 = arith.addf %add3A_1328, %mul3A_1363 : vector<16xf32>
        %gather3A_1365 = tpu.vector_load_idx %arg13[%add3A_231, %broadcast_in_dim3A_1333] : memref<1280x64xf32, #tpu.memory_space<vmem>>[vector<16xi32>, vector<16xi32>], vector<16xf32>,
        %mul3A_1366 = arith.mulf %gather3A_1334, %gather3A_1365 : vector<16xf32>
        %add3A_1367 = arith.addf %add3A_1331, %mul3A_1366 : vector<16xf32>
        %broadcast_in_dim3A_1368 = arith.constant 31 : i32
        %broadcast_in_dim3A_1369 = vector.broadcast %broadcast_in_dim3A_1368 : i32 to vector<16xi32>
        %gather3A_1370 = tpu.vector_load_idx %arg11[%add3A_197, %broadcast_in_dim3A_1369] : memref<128x64xf32, #tpu.memory_space<vmem>>[vector<16xi32>, vector<16xi32>], vector<16xf32>,
        %gather3A_1371 = tpu.vector_load_idx %arg12[%add3A_197, %broadcast_in_dim3A_1369] : memref<128x64xf32, #tpu.memory_space<vmem>>[vector<16xi32>, vector<16xi32>], vector<16xf32>,
        %mul3A_1372 = arith.mulf %gather3A_1370, %gather3A_1371 : vector<16xf32>
        %add3A_1373 = arith.addf %add3A_1337, %mul3A_1372 : vector<16xf32>
        %gather3A_1374 = tpu.vector_load_idx %arg13[%add3A_204, %broadcast_in_dim3A_1369] : memref<1280x64xf32, #tpu.memory_space<vmem>>[vector<16xi32>, vector<16xi32>], vector<16xf32>,
        %mul3A_1375 = arith.mulf %gather3A_1370, %gather3A_1374 : vector<16xf32>
        %add3A_1376 = arith.addf %add3A_1340, %mul3A_1375 : vector<16xf32>
        %gather3A_1377 = tpu.vector_load_idx %arg13[%add3A_207, %broadcast_in_dim3A_1369] : memref<1280x64xf32, #tpu.memory_space<vmem>>[vector<16xi32>, vector<16xi32>], vector<16xf32>,
        %mul3A_1378 = arith.mulf %gather3A_1370, %gather3A_1377 : vector<16xf32>
        %add3A_1379 = arith.addf %add3A_1343, %mul3A_1378 : vector<16xf32>
        %gather3A_1380 = tpu.vector_load_idx %arg13[%add3A_210, %broadcast_in_dim3A_1369] : memref<1280x64xf32, #tpu.memory_space<vmem>>[vector<16xi32>, vector<16xi32>], vector<16xf32>,
        %mul3A_1381 = arith.mulf %gather3A_1370, %gather3A_1380 : vector<16xf32>
        %add3A_1382 = arith.addf %add3A_1346, %mul3A_1381 : vector<16xf32>
        %gather3A_1383 = tpu.vector_load_idx %arg13[%add3A_213, %broadcast_in_dim3A_1369] : memref<1280x64xf32, #tpu.memory_space<vmem>>[vector<16xi32>, vector<16xi32>], vector<16xf32>,
        %mul3A_1384 = arith.mulf %gather3A_1370, %gather3A_1383 : vector<16xf32>
        %add3A_1385 = arith.addf %add3A_1349, %mul3A_1384 : vector<16xf32>
        %gather3A_1386 = tpu.vector_load_idx %arg13[%add3A_216, %broadcast_in_dim3A_1369] : memref<1280x64xf32, #tpu.memory_space<vmem>>[vector<16xi32>, vector<16xi32>], vector<16xf32>,
        %mul3A_1387 = arith.mulf %gather3A_1370, %gather3A_1386 : vector<16xf32>
        %add3A_1388 = arith.addf %add3A_1352, %mul3A_1387 : vector<16xf32>
        %gather3A_1389 = tpu.vector_load_idx %arg13[%add3A_219, %broadcast_in_dim3A_1369] : memref<1280x64xf32, #tpu.memory_space<vmem>>[vector<16xi32>, vector<16xi32>], vector<16xf32>,
        %mul3A_1390 = arith.mulf %gather3A_1370, %gather3A_1389 : vector<16xf32>
        %add3A_1391 = arith.addf %add3A_1355, %mul3A_1390 : vector<16xf32>
        %gather3A_1392 = tpu.vector_load_idx %arg13[%add3A_222, %broadcast_in_dim3A_1369] : memref<1280x64xf32, #tpu.memory_space<vmem>>[vector<16xi32>, vector<16xi32>], vector<16xf32>,
        %mul3A_1393 = arith.mulf %gather3A_1370, %gather3A_1392 : vector<16xf32>
        %add3A_1394 = arith.addf %add3A_1358, %mul3A_1393 : vector<16xf32>
        %gather3A_1395 = tpu.vector_load_idx %arg13[%add3A_225, %broadcast_in_dim3A_1369] : memref<1280x64xf32, #tpu.memory_space<vmem>>[vector<16xi32>, vector<16xi32>], vector<16xf32>,
        %mul3A_1396 = arith.mulf %gather3A_1370, %gather3A_1395 : vector<16xf32>
        %add3A_1397 = arith.addf %add3A_1361, %mul3A_1396 : vector<16xf32>
        %gather3A_1398 = tpu.vector_load_idx %arg13[%add3A_228, %broadcast_in_dim3A_1369] : memref<1280x64xf32, #tpu.memory_space<vmem>>[vector<16xi32>, vector<16xi32>], vector<16xf32>,
        %mul3A_1399 = arith.mulf %gather3A_1370, %gather3A_1398 : vector<16xf32>
        %add3A_1400 = arith.addf %add3A_1364, %mul3A_1399 : vector<16xf32>
        %gather3A_1401 = tpu.vector_load_idx %arg13[%add3A_231, %broadcast_in_dim3A_1369] : memref<1280x64xf32, #tpu.memory_space<vmem>>[vector<16xi32>, vector<16xi32>], vector<16xf32>,
        %mul3A_1402 = arith.mulf %gather3A_1370, %gather3A_1401 : vector<16xf32>
        %add3A_1403 = arith.addf %add3A_1367, %mul3A_1402 : vector<16xf32>
        %broadcast_in_dim3A_1404 = arith.constant 32 : i32
        %broadcast_in_dim3A_1405 = vector.broadcast %broadcast_in_dim3A_1404 : i32 to vector<16xi32>
        %gather3A_1406 = tpu.vector_load_idx %arg11[%add3A_197, %broadcast_in_dim3A_1405] : memref<128x64xf32, #tpu.memory_space<vmem>>[vector<16xi32>, vector<16xi32>], vector<16xf32>,
        %gather3A_1407 = tpu.vector_load_idx %arg12[%add3A_197, %broadcast_in_dim3A_1405] : memref<128x64xf32, #tpu.memory_space<vmem>>[vector<16xi32>, vector<16xi32>], vector<16xf32>,
        %mul3A_1408 = arith.mulf %gather3A_1406, %gather3A_1407 : vector<16xf32>
        %add3A_1409 = arith.addf %add3A_1373, %mul3A_1408 : vector<16xf32>
        %gather3A_1410 = tpu.vector_load_idx %arg13[%add3A_204, %broadcast_in_dim3A_1405] : memref<1280x64xf32, #tpu.memory_space<vmem>>[vector<16xi32>, vector<16xi32>], vector<16xf32>,
        %mul3A_1411 = arith.mulf %gather3A_1406, %gather3A_1410 : vector<16xf32>
        %add3A_1412 = arith.addf %add3A_1376, %mul3A_1411 : vector<16xf32>
        %gather3A_1413 = tpu.vector_load_idx %arg13[%add3A_207, %broadcast_in_dim3A_1405] : memref<1280x64xf32, #tpu.memory_space<vmem>>[vector<16xi32>, vector<16xi32>], vector<16xf32>,
        %mul3A_1414 = arith.mulf %gather3A_1406, %gather3A_1413 : vector<16xf32>
        %add3A_1415 = arith.addf %add3A_1379, %mul3A_1414 : vector<16xf32>
        %gather3A_1416 = tpu.vector_load_idx %arg13[%add3A_210, %broadcast_in_dim3A_1405] : memref<1280x64xf32, #tpu.memory_space<vmem>>[vector<16xi32>, vector<16xi32>], vector<16xf32>,
        %mul3A_1417 = arith.mulf %gather3A_1406, %gather3A_1416 : vector<16xf32>
        %add3A_1418 = arith.addf %add3A_1382, %mul3A_1417 : vector<16xf32>
        %gather3A_1419 = tpu.vector_load_idx %arg13[%add3A_213, %broadcast_in_dim3A_1405] : memref<1280x64xf32, #tpu.memory_space<vmem>>[vector<16xi32>, vector<16xi32>], vector<16xf32>,
        %mul3A_1420 = arith.mulf %gather3A_1406, %gather3A_1419 : vector<16xf32>
        %add3A_1421 = arith.addf %add3A_1385, %mul3A_1420 : vector<16xf32>
        %gather3A_1422 = tpu.vector_load_idx %arg13[%add3A_216, %broadcast_in_dim3A_1405] : memref<1280x64xf32, #tpu.memory_space<vmem>>[vector<16xi32>, vector<16xi32>], vector<16xf32>,
        %mul3A_1423 = arith.mulf %gather3A_1406, %gather3A_1422 : vector<16xf32>
        %add3A_1424 = arith.addf %add3A_1388, %mul3A_1423 : vector<16xf32>
        %gather3A_1425 = tpu.vector_load_idx %arg13[%add3A_219, %broadcast_in_dim3A_1405] : memref<1280x64xf32, #tpu.memory_space<vmem>>[vector<16xi32>, vector<16xi32>], vector<16xf32>,
        %mul3A_1426 = arith.mulf %gather3A_1406, %gather3A_1425 : vector<16xf32>
        %add3A_1427 = arith.addf %add3A_1391, %mul3A_1426 : vector<16xf32>
        %gather3A_1428 = tpu.vector_load_idx %arg13[%add3A_222, %broadcast_in_dim3A_1405] : memref<1280x64xf32, #tpu.memory_space<vmem>>[vector<16xi32>, vector<16xi32>], vector<16xf32>,
        %mul3A_1429 = arith.mulf %gather3A_1406, %gather3A_1428 : vector<16xf32>
        %add3A_1430 = arith.addf %add3A_1394, %mul3A_1429 : vector<16xf32>
        %gather3A_1431 = tpu.vector_load_idx %arg13[%add3A_225, %broadcast_in_dim3A_1405] : memref<1280x64xf32, #tpu.memory_space<vmem>>[vector<16xi32>, vector<16xi32>], vector<16xf32>,
        %mul3A_1432 = arith.mulf %gather3A_1406, %gather3A_1431 : vector<16xf32>
        %add3A_1433 = arith.addf %add3A_1397, %mul3A_1432 : vector<16xf32>
        %gather3A_1434 = tpu.vector_load_idx %arg13[%add3A_228, %broadcast_in_dim3A_1405] : memref<1280x64xf32, #tpu.memory_space<vmem>>[vector<16xi32>, vector<16xi32>], vector<16xf32>,
        %mul3A_1435 = arith.mulf %gather3A_1406, %gather3A_1434 : vector<16xf32>
        %add3A_1436 = arith.addf %add3A_1400, %mul3A_1435 : vector<16xf32>
        %gather3A_1437 = tpu.vector_load_idx %arg13[%add3A_231, %broadcast_in_dim3A_1405] : memref<1280x64xf32, #tpu.memory_space<vmem>>[vector<16xi32>, vector<16xi32>], vector<16xf32>,
        %mul3A_1438 = arith.mulf %gather3A_1406, %gather3A_1437 : vector<16xf32>
        %add3A_1439 = arith.addf %add3A_1403, %mul3A_1438 : vector<16xf32>
        %broadcast_in_dim3A_1440 = arith.constant 33 : i32
        %broadcast_in_dim3A_1441 = vector.broadcast %broadcast_in_dim3A_1440 : i32 to vector<16xi32>
        %gather3A_1442 = tpu.vector_load_idx %arg11[%add3A_197, %broadcast_in_dim3A_1441] : memref<128x64xf32, #tpu.memory_space<vmem>>[vector<16xi32>, vector<16xi32>], vector<16xf32>,
        %gather3A_1443 = tpu.vector_load_idx %arg12[%add3A_197, %broadcast_in_dim3A_1441] : memref<128x64xf32, #tpu.memory_space<vmem>>[vector<16xi32>, vector<16xi32>], vector<16xf32>,
        %mul3A_1444 = arith.mulf %gather3A_1442, %gather3A_1443 : vector<16xf32>
        %add3A_1445 = arith.addf %add3A_1409, %mul3A_1444 : vector<16xf32>
        %gather3A_1446 = tpu.vector_load_idx %arg13[%add3A_204, %broadcast_in_dim3A_1441] : memref<1280x64xf32, #tpu.memory_space<vmem>>[vector<16xi32>, vector<16xi32>], vector<16xf32>,
        %mul3A_1447 = arith.mulf %gather3A_1442, %gather3A_1446 : vector<16xf32>
        %add3A_1448 = arith.addf %add3A_1412, %mul3A_1447 : vector<16xf32>
        %gather3A_1449 = tpu.vector_load_idx %arg13[%add3A_207, %broadcast_in_dim3A_1441] : memref<1280x64xf32, #tpu.memory_space<vmem>>[vector<16xi32>, vector<16xi32>], vector<16xf32>,
        %mul3A_1450 = arith.mulf %gather3A_1442, %gather3A_1449 : vector<16xf32>
        %add3A_1451 = arith.addf %add3A_1415, %mul3A_1450 : vector<16xf32>
        %gather3A_1452 = tpu.vector_load_idx %arg13[%add3A_210, %broadcast_in_dim3A_1441] : memref<1280x64xf32, #tpu.memory_space<vmem>>[vector<16xi32>, vector<16xi32>], vector<16xf32>,
        %mul3A_1453 = arith.mulf %gather3A_1442, %gather3A_1452 : vector<16xf32>
        %add3A_1454 = arith.addf %add3A_1418, %mul3A_1453 : vector<16xf32>
        %gather3A_1455 = tpu.vector_load_idx %arg13[%add3A_213, %broadcast_in_dim3A_1441] : memref<1280x64xf32, #tpu.memory_space<vmem>>[vector<16xi32>, vector<16xi32>], vector<16xf32>,
        %mul3A_1456 = arith.mulf %gather3A_1442, %gather3A_1455 : vector<16xf32>
        %add3A_1457 = arith.addf %add3A_1421, %mul3A_1456 : vector<16xf32>
        %gather3A_1458 = tpu.vector_load_idx %arg13[%add3A_216, %broadcast_in_dim3A_1441] : memref<1280x64xf32, #tpu.memory_space<vmem>>[vector<16xi32>, vector<16xi32>], vector<16xf32>,
        %mul3A_1459 = arith.mulf %gather3A_1442, %gather3A_1458 : vector<16xf32>
        %add3A_1460 = arith.addf %add3A_1424, %mul3A_1459 : vector<16xf32>
        %gather3A_1461 = tpu.vector_load_idx %arg13[%add3A_219, %broadcast_in_dim3A_1441] : memref<1280x64xf32, #tpu.memory_space<vmem>>[vector<16xi32>, vector<16xi32>], vector<16xf32>,
        %mul3A_1462 = arith.mulf %gather3A_1442, %gather3A_1461 : vector<16xf32>
        %add3A_1463 = arith.addf %add3A_1427, %mul3A_1462 : vector<16xf32>
        %gather3A_1464 = tpu.vector_load_idx %arg13[%add3A_222, %broadcast_in_dim3A_1441] : memref<1280x64xf32, #tpu.memory_space<vmem>>[vector<16xi32>, vector<16xi32>], vector<16xf32>,
        %mul3A_1465 = arith.mulf %gather3A_1442, %gather3A_1464 : vector<16xf32>
        %add3A_1466 = arith.addf %add3A_1430, %mul3A_1465 : vector<16xf32>
        %gather3A_1467 = tpu.vector_load_idx %arg13[%add3A_225, %broadcast_in_dim3A_1441] : memref<1280x64xf32, #tpu.memory_space<vmem>>[vector<16xi32>, vector<16xi32>], vector<16xf32>,
        %mul3A_1468 = arith.mulf %gather3A_1442, %gather3A_1467 : vector<16xf32>
        %add3A_1469 = arith.addf %add3A_1433, %mul3A_1468 : vector<16xf32>
        %gather3A_1470 = tpu.vector_load_idx %arg13[%add3A_228, %broadcast_in_dim3A_1441] : memref<1280x64xf32, #tpu.memory_space<vmem>>[vector<16xi32>, vector<16xi32>], vector<16xf32>,
        %mul3A_1471 = arith.mulf %gather3A_1442, %gather3A_1470 : vector<16xf32>
        %add3A_1472 = arith.addf %add3A_1436, %mul3A_1471 : vector<16xf32>
        %gather3A_1473 = tpu.vector_load_idx %arg13[%add3A_231, %broadcast_in_dim3A_1441] : memref<1280x64xf32, #tpu.memory_space<vmem>>[vector<16xi32>, vector<16xi32>], vector<16xf32>,
        %mul3A_1474 = arith.mulf %gather3A_1442, %gather3A_1473 : vector<16xf32>
        %add3A_1475 = arith.addf %add3A_1439, %mul3A_1474 : vector<16xf32>
        %broadcast_in_dim3A_1476 = arith.constant 34 : i32
        %broadcast_in_dim3A_1477 = vector.broadcast %broadcast_in_dim3A_1476 : i32 to vector<16xi32>
        %gather3A_1478 = tpu.vector_load_idx %arg11[%add3A_197, %broadcast_in_dim3A_1477] : memref<128x64xf32, #tpu.memory_space<vmem>>[vector<16xi32>, vector<16xi32>], vector<16xf32>,
        %gather3A_1479 = tpu.vector_load_idx %arg12[%add3A_197, %broadcast_in_dim3A_1477] : memref<128x64xf32, #tpu.memory_space<vmem>>[vector<16xi32>, vector<16xi32>], vector<16xf32>,
        %mul3A_1480 = arith.mulf %gather3A_1478, %gather3A_1479 : vector<16xf32>
        %add3A_1481 = arith.addf %add3A_1445, %mul3A_1480 : vector<16xf32>
        %gather3A_1482 = tpu.vector_load_idx %arg13[%add3A_204, %broadcast_in_dim3A_1477] : memref<1280x64xf32, #tpu.memory_space<vmem>>[vector<16xi32>, vector<16xi32>], vector<16xf32>,
        %mul3A_1483 = arith.mulf %gather3A_1478, %gather3A_1482 : vector<16xf32>
        %add3A_1484 = arith.addf %add3A_1448, %mul3A_1483 : vector<16xf32>
        %gather3A_1485 = tpu.vector_load_idx %arg13[%add3A_207, %broadcast_in_dim3A_1477] : memref<1280x64xf32, #tpu.memory_space<vmem>>[vector<16xi32>, vector<16xi32>], vector<16xf32>,
        %mul3A_1486 = arith.mulf %gather3A_1478, %gather3A_1485 : vector<16xf32>
        %add3A_1487 = arith.addf %add3A_1451, %mul3A_1486 : vector<16xf32>
        %gather3A_1488 = tpu.vector_load_idx %arg13[%add3A_210, %broadcast_in_dim3A_1477] : memref<1280x64xf32, #tpu.memory_space<vmem>>[vector<16xi32>, vector<16xi32>], vector<16xf32>,
        %mul3A_1489 = arith.mulf %gather3A_1478, %gather3A_1488 : vector<16xf32>
        %add3A_1490 = arith.addf %add3A_1454, %mul3A_1489 : vector<16xf32>
        %gather3A_1491 = tpu.vector_load_idx %arg13[%add3A_213, %broadcast_in_dim3A_1477] : memref<1280x64xf32, #tpu.memory_space<vmem>>[vector<16xi32>, vector<16xi32>], vector<16xf32>,
        %mul3A_1492 = arith.mulf %gather3A_1478, %gather3A_1491 : vector<16xf32>
        %add3A_1493 = arith.addf %add3A_1457, %mul3A_1492 : vector<16xf32>
        %gather3A_1494 = tpu.vector_load_idx %arg13[%add3A_216, %broadcast_in_dim3A_1477] : memref<1280x64xf32, #tpu.memory_space<vmem>>[vector<16xi32>, vector<16xi32>], vector<16xf32>,
        %mul3A_1495 = arith.mulf %gather3A_1478, %gather3A_1494 : vector<16xf32>
        %add3A_1496 = arith.addf %add3A_1460, %mul3A_1495 : vector<16xf32>
        %gather3A_1497 = tpu.vector_load_idx %arg13[%add3A_219, %broadcast_in_dim3A_1477] : memref<1280x64xf32, #tpu.memory_space<vmem>>[vector<16xi32>, vector<16xi32>], vector<16xf32>,
        %mul3A_1498 = arith.mulf %gather3A_1478, %gather3A_1497 : vector<16xf32>
        %add3A_1499 = arith.addf %add3A_1463, %mul3A_1498 : vector<16xf32>
        %gather3A_1500 = tpu.vector_load_idx %arg13[%add3A_222, %broadcast_in_dim3A_1477] : memref<1280x64xf32, #tpu.memory_space<vmem>>[vector<16xi32>, vector<16xi32>], vector<16xf32>,
        %mul3A_1501 = arith.mulf %gather3A_1478, %gather3A_1500 : vector<16xf32>
        %add3A_1502 = arith.addf %add3A_1466, %mul3A_1501 : vector<16xf32>
        %gather3A_1503 = tpu.vector_load_idx %arg13[%add3A_225, %broadcast_in_dim3A_1477] : memref<1280x64xf32, #tpu.memory_space<vmem>>[vector<16xi32>, vector<16xi32>], vector<16xf32>,
        %mul3A_1504 = arith.mulf %gather3A_1478, %gather3A_1503 : vector<16xf32>
        %add3A_1505 = arith.addf %add3A_1469, %mul3A_1504 : vector<16xf32>
        %gather3A_1506 = tpu.vector_load_idx %arg13[%add3A_228, %broadcast_in_dim3A_1477] : memref<1280x64xf32, #tpu.memory_space<vmem>>[vector<16xi32>, vector<16xi32>], vector<16xf32>,
        %mul3A_1507 = arith.mulf %gather3A_1478, %gather3A_1506 : vector<16xf32>
        %add3A_1508 = arith.addf %add3A_1472, %mul3A_1507 : vector<16xf32>
        %gather3A_1509 = tpu.vector_load_idx %arg13[%add3A_231, %broadcast_in_dim3A_1477] : memref<1280x64xf32, #tpu.memory_space<vmem>>[vector<16xi32>, vector<16xi32>], vector<16xf32>,
        %mul3A_1510 = arith.mulf %gather3A_1478, %gather3A_1509 : vector<16xf32>
        %add3A_1511 = arith.addf %add3A_1475, %mul3A_1510 : vector<16xf32>
        %broadcast_in_dim3A_1512 = arith.constant 35 : i32
        %broadcast_in_dim3A_1513 = vector.broadcast %broadcast_in_dim3A_1512 : i32 to vector<16xi32>
        %gather3A_1514 = tpu.vector_load_idx %arg11[%add3A_197, %broadcast_in_dim3A_1513] : memref<128x64xf32, #tpu.memory_space<vmem>>[vector<16xi32>, vector<16xi32>], vector<16xf32>,
        %gather3A_1515 = tpu.vector_load_idx %arg12[%add3A_197, %broadcast_in_dim3A_1513] : memref<128x64xf32, #tpu.memory_space<vmem>>[vector<16xi32>, vector<16xi32>], vector<16xf32>,
        %mul3A_1516 = arith.mulf %gather3A_1514, %gather3A_1515 : vector<16xf32>
        %add3A_1517 = arith.addf %add3A_1481, %mul3A_1516 : vector<16xf32>
        %gather3A_1518 = tpu.vector_load_idx %arg13[%add3A_204, %broadcast_in_dim3A_1513] : memref<1280x64xf32, #tpu.memory_space<vmem>>[vector<16xi32>, vector<16xi32>], vector<16xf32>,
        %mul3A_1519 = arith.mulf %gather3A_1514, %gather3A_1518 : vector<16xf32>
        %add3A_1520 = arith.addf %add3A_1484, %mul3A_1519 : vector<16xf32>
        %gather3A_1521 = tpu.vector_load_idx %arg13[%add3A_207, %broadcast_in_dim3A_1513] : memref<1280x64xf32, #tpu.memory_space<vmem>>[vector<16xi32>, vector<16xi32>], vector<16xf32>,
        %mul3A_1522 = arith.mulf %gather3A_1514, %gather3A_1521 : vector<16xf32>
        %add3A_1523 = arith.addf %add3A_1487, %mul3A_1522 : vector<16xf32>
        %gather3A_1524 = tpu.vector_load_idx %arg13[%add3A_210, %broadcast_in_dim3A_1513] : memref<1280x64xf32, #tpu.memory_space<vmem>>[vector<16xi32>, vector<16xi32>], vector<16xf32>,
        %mul3A_1525 = arith.mulf %gather3A_1514, %gather3A_1524 : vector<16xf32>
        %add3A_1526 = arith.addf %add3A_1490, %mul3A_1525 : vector<16xf32>
        %gather3A_1527 = tpu.vector_load_idx %arg13[%add3A_213, %broadcast_in_dim3A_1513] : memref<1280x64xf32, #tpu.memory_space<vmem>>[vector<16xi32>, vector<16xi32>], vector<16xf32>,
        %mul3A_1528 = arith.mulf %gather3A_1514, %gather3A_1527 : vector<16xf32>
        %add3A_1529 = arith.addf %add3A_1493, %mul3A_1528 : vector<16xf32>
        %gather3A_1530 = tpu.vector_load_idx %arg13[%add3A_216, %broadcast_in_dim3A_1513] : memref<1280x64xf32, #tpu.memory_space<vmem>>[vector<16xi32>, vector<16xi32>], vector<16xf32>,
        %mul3A_1531 = arith.mulf %gather3A_1514, %gather3A_1530 : vector<16xf32>
        %add3A_1532 = arith.addf %add3A_1496, %mul3A_1531 : vector<16xf32>
        %gather3A_1533 = tpu.vector_load_idx %arg13[%add3A_219, %broadcast_in_dim3A_1513] : memref<1280x64xf32, #tpu.memory_space<vmem>>[vector<16xi32>, vector<16xi32>], vector<16xf32>,
        %mul3A_1534 = arith.mulf %gather3A_1514, %gather3A_1533 : vector<16xf32>
        %add3A_1535 = arith.addf %add3A_1499, %mul3A_1534 : vector<16xf32>
        %gather3A_1536 = tpu.vector_load_idx %arg13[%add3A_222, %broadcast_in_dim3A_1513] : memref<1280x64xf32, #tpu.memory_space<vmem>>[vector<16xi32>, vector<16xi32>], vector<16xf32>,
        %mul3A_1537 = arith.mulf %gather3A_1514, %gather3A_1536 : vector<16xf32>
        %add3A_1538 = arith.addf %add3A_1502, %mul3A_1537 : vector<16xf32>
        %gather3A_1539 = tpu.vector_load_idx %arg13[%add3A_225, %broadcast_in_dim3A_1513] : memref<1280x64xf32, #tpu.memory_space<vmem>>[vector<16xi32>, vector<16xi32>], vector<16xf32>,
        %mul3A_1540 = arith.mulf %gather3A_1514, %gather3A_1539 : vector<16xf32>
        %add3A_1541 = arith.addf %add3A_1505, %mul3A_1540 : vector<16xf32>
        %gather3A_1542 = tpu.vector_load_idx %arg13[%add3A_228, %broadcast_in_dim3A_1513] : memref<1280x64xf32, #tpu.memory_space<vmem>>[vector<16xi32>, vector<16xi32>], vector<16xf32>,
        %mul3A_1543 = arith.mulf %gather3A_1514, %gather3A_1542 : vector<16xf32>
        %add3A_1544 = arith.addf %add3A_1508, %mul3A_1543 : vector<16xf32>
        %gather3A_1545 = tpu.vector_load_idx %arg13[%add3A_231, %broadcast_in_dim3A_1513] : memref<1280x64xf32, #tpu.memory_space<vmem>>[vector<16xi32>, vector<16xi32>], vector<16xf32>,
        %mul3A_1546 = arith.mulf %gather3A_1514, %gather3A_1545 : vector<16xf32>
        %add3A_1547 = arith.addf %add3A_1511, %mul3A_1546 : vector<16xf32>
        %broadcast_in_dim3A_1548 = arith.constant 36 : i32
        %broadcast_in_dim3A_1549 = vector.broadcast %broadcast_in_dim3A_1548 : i32 to vector<16xi32>
        %gather3A_1550 = tpu.vector_load_idx %arg11[%add3A_197, %broadcast_in_dim3A_1549] : memref<128x64xf32, #tpu.memory_space<vmem>>[vector<16xi32>, vector<16xi32>], vector<16xf32>,
        %gather3A_1551 = tpu.vector_load_idx %arg12[%add3A_197, %broadcast_in_dim3A_1549] : memref<128x64xf32, #tpu.memory_space<vmem>>[vector<16xi32>, vector<16xi32>], vector<16xf32>,
        %mul3A_1552 = arith.mulf %gather3A_1550, %gather3A_1551 : vector<16xf32>
        %add3A_1553 = arith.addf %add3A_1517, %mul3A_1552 : vector<16xf32>
        %gather3A_1554 = tpu.vector_load_idx %arg13[%add3A_204, %broadcast_in_dim3A_1549] : memref<1280x64xf32, #tpu.memory_space<vmem>>[vector<16xi32>, vector<16xi32>], vector<16xf32>,
        %mul3A_1555 = arith.mulf %gather3A_1550, %gather3A_1554 : vector<16xf32>
        %add3A_1556 = arith.addf %add3A_1520, %mul3A_1555 : vector<16xf32>
        %gather3A_1557 = tpu.vector_load_idx %arg13[%add3A_207, %broadcast_in_dim3A_1549] : memref<1280x64xf32, #tpu.memory_space<vmem>>[vector<16xi32>, vector<16xi32>], vector<16xf32>,
        %mul3A_1558 = arith.mulf %gather3A_1550, %gather3A_1557 : vector<16xf32>
        %add3A_1559 = arith.addf %add3A_1523, %mul3A_1558 : vector<16xf32>
        %gather3A_1560 = tpu.vector_load_idx %arg13[%add3A_210, %broadcast_in_dim3A_1549] : memref<1280x64xf32, #tpu.memory_space<vmem>>[vector<16xi32>, vector<16xi32>], vector<16xf32>,
        %mul3A_1561 = arith.mulf %gather3A_1550, %gather3A_1560 : vector<16xf32>
        %add3A_1562 = arith.addf %add3A_1526, %mul3A_1561 : vector<16xf32>
        %gather3A_1563 = tpu.vector_load_idx %arg13[%add3A_213, %broadcast_in_dim3A_1549] : memref<1280x64xf32, #tpu.memory_space<vmem>>[vector<16xi32>, vector<16xi32>], vector<16xf32>,
        %mul3A_1564 = arith.mulf %gather3A_1550, %gather3A_1563 : vector<16xf32>
        %add3A_1565 = arith.addf %add3A_1529, %mul3A_1564 : vector<16xf32>
        %gather3A_1566 = tpu.vector_load_idx %arg13[%add3A_216, %broadcast_in_dim3A_1549] : memref<1280x64xf32, #tpu.memory_space<vmem>>[vector<16xi32>, vector<16xi32>], vector<16xf32>,
        %mul3A_1567 = arith.mulf %gather3A_1550, %gather3A_1566 : vector<16xf32>
        %add3A_1568 = arith.addf %add3A_1532, %mul3A_1567 : vector<16xf32>
        %gather3A_1569 = tpu.vector_load_idx %arg13[%add3A_219, %broadcast_in_dim3A_1549] : memref<1280x64xf32, #tpu.memory_space<vmem>>[vector<16xi32>, vector<16xi32>], vector<16xf32>,
        %mul3A_1570 = arith.mulf %gather3A_1550, %gather3A_1569 : vector<16xf32>
        %add3A_1571 = arith.addf %add3A_1535, %mul3A_1570 : vector<16xf32>
        %gather3A_1572 = tpu.vector_load_idx %arg13[%add3A_222, %broadcast_in_dim3A_1549] : memref<1280x64xf32, #tpu.memory_space<vmem>>[vector<16xi32>, vector<16xi32>], vector<16xf32>,
        %mul3A_1573 = arith.mulf %gather3A_1550, %gather3A_1572 : vector<16xf32>
        %add3A_1574 = arith.addf %add3A_1538, %mul3A_1573 : vector<16xf32>
        %gather3A_1575 = tpu.vector_load_idx %arg13[%add3A_225, %broadcast_in_dim3A_1549] : memref<1280x64xf32, #tpu.memory_space<vmem>>[vector<16xi32>, vector<16xi32>], vector<16xf32>,
        %mul3A_1576 = arith.mulf %gather3A_1550, %gather3A_1575 : vector<16xf32>
        %add3A_1577 = arith.addf %add3A_1541, %mul3A_1576 : vector<16xf32>
        %gather3A_1578 = tpu.vector_load_idx %arg13[%add3A_228, %broadcast_in_dim3A_1549] : memref<1280x64xf32, #tpu.memory_space<vmem>>[vector<16xi32>, vector<16xi32>], vector<16xf32>,
        %mul3A_1579 = arith.mulf %gather3A_1550, %gather3A_1578 : vector<16xf32>
        %add3A_1580 = arith.addf %add3A_1544, %mul3A_1579 : vector<16xf32>
        %gather3A_1581 = tpu.vector_load_idx %arg13[%add3A_231, %broadcast_in_dim3A_1549] : memref<1280x64xf32, #tpu.memory_space<vmem>>[vector<16xi32>, vector<16xi32>], vector<16xf32>,
        %mul3A_1582 = arith.mulf %gather3A_1550, %gather3A_1581 : vector<16xf32>
        %add3A_1583 = arith.addf %add3A_1547, %mul3A_1582 : vector<16xf32>
        %broadcast_in_dim3A_1584 = arith.constant 37 : i32
        %broadcast_in_dim3A_1585 = vector.broadcast %broadcast_in_dim3A_1584 : i32 to vector<16xi32>
        %gather3A_1586 = tpu.vector_load_idx %arg11[%add3A_197, %broadcast_in_dim3A_1585] : memref<128x64xf32, #tpu.memory_space<vmem>>[vector<16xi32>, vector<16xi32>], vector<16xf32>,
        %gather3A_1587 = tpu.vector_load_idx %arg12[%add3A_197, %broadcast_in_dim3A_1585] : memref<128x64xf32, #tpu.memory_space<vmem>>[vector<16xi32>, vector<16xi32>], vector<16xf32>,
        %mul3A_1588 = arith.mulf %gather3A_1586, %gather3A_1587 : vector<16xf32>
        %add3A_1589 = arith.addf %add3A_1553, %mul3A_1588 : vector<16xf32>
        %gather3A_1590 = tpu.vector_load_idx %arg13[%add3A_204, %broadcast_in_dim3A_1585] : memref<1280x64xf32, #tpu.memory_space<vmem>>[vector<16xi32>, vector<16xi32>], vector<16xf32>,
        %mul3A_1591 = arith.mulf %gather3A_1586, %gather3A_1590 : vector<16xf32>
        %add3A_1592 = arith.addf %add3A_1556, %mul3A_1591 : vector<16xf32>
        %gather3A_1593 = tpu.vector_load_idx %arg13[%add3A_207, %broadcast_in_dim3A_1585] : memref<1280x64xf32, #tpu.memory_space<vmem>>[vector<16xi32>, vector<16xi32>], vector<16xf32>,
        %mul3A_1594 = arith.mulf %gather3A_1586, %gather3A_1593 : vector<16xf32>
        %add3A_1595 = arith.addf %add3A_1559, %mul3A_1594 : vector<16xf32>
        %gather3A_1596 = tpu.vector_load_idx %arg13[%add3A_210, %broadcast_in_dim3A_1585] : memref<1280x64xf32, #tpu.memory_space<vmem>>[vector<16xi32>, vector<16xi32>], vector<16xf32>,
        %mul3A_1597 = arith.mulf %gather3A_1586, %gather3A_1596 : vector<16xf32>
        %add3A_1598 = arith.addf %add3A_1562, %mul3A_1597 : vector<16xf32>
        %gather3A_1599 = tpu.vector_load_idx %arg13[%add3A_213, %broadcast_in_dim3A_1585] : memref<1280x64xf32, #tpu.memory_space<vmem>>[vector<16xi32>, vector<16xi32>], vector<16xf32>,
        %mul3A_1600 = arith.mulf %gather3A_1586, %gather3A_1599 : vector<16xf32>
        %add3A_1601 = arith.addf %add3A_1565, %mul3A_1600 : vector<16xf32>
        %gather3A_1602 = tpu.vector_load_idx %arg13[%add3A_216, %broadcast_in_dim3A_1585] : memref<1280x64xf32, #tpu.memory_space<vmem>>[vector<16xi32>, vector<16xi32>], vector<16xf32>,
        %mul3A_1603 = arith.mulf %gather3A_1586, %gather3A_1602 : vector<16xf32>
        %add3A_1604 = arith.addf %add3A_1568, %mul3A_1603 : vector<16xf32>
        %gather3A_1605 = tpu.vector_load_idx %arg13[%add3A_219, %broadcast_in_dim3A_1585] : memref<1280x64xf32, #tpu.memory_space<vmem>>[vector<16xi32>, vector<16xi32>], vector<16xf32>,
        %mul3A_1606 = arith.mulf %gather3A_1586, %gather3A_1605 : vector<16xf32>
        %add3A_1607 = arith.addf %add3A_1571, %mul3A_1606 : vector<16xf32>
        %gather3A_1608 = tpu.vector_load_idx %arg13[%add3A_222, %broadcast_in_dim3A_1585] : memref<1280x64xf32, #tpu.memory_space<vmem>>[vector<16xi32>, vector<16xi32>], vector<16xf32>,
        %mul3A_1609 = arith.mulf %gather3A_1586, %gather3A_1608 : vector<16xf32>
        %add3A_1610 = arith.addf %add3A_1574, %mul3A_1609 : vector<16xf32>
        %gather3A_1611 = tpu.vector_load_idx %arg13[%add3A_225, %broadcast_in_dim3A_1585] : memref<1280x64xf32, #tpu.memory_space<vmem>>[vector<16xi32>, vector<16xi32>], vector<16xf32>,
        %mul3A_1612 = arith.mulf %gather3A_1586, %gather3A_1611 : vector<16xf32>
        %add3A_1613 = arith.addf %add3A_1577, %mul3A_1612 : vector<16xf32>
        %gather3A_1614 = tpu.vector_load_idx %arg13[%add3A_228, %broadcast_in_dim3A_1585] : memref<1280x64xf32, #tpu.memory_space<vmem>>[vector<16xi32>, vector<16xi32>], vector<16xf32>,
        %mul3A_1615 = arith.mulf %gather3A_1586, %gather3A_1614 : vector<16xf32>
        %add3A_1616 = arith.addf %add3A_1580, %mul3A_1615 : vector<16xf32>
        %gather3A_1617 = tpu.vector_load_idx %arg13[%add3A_231, %broadcast_in_dim3A_1585] : memref<1280x64xf32, #tpu.memory_space<vmem>>[vector<16xi32>, vector<16xi32>], vector<16xf32>,
        %mul3A_1618 = arith.mulf %gather3A_1586, %gather3A_1617 : vector<16xf32>
        %add3A_1619 = arith.addf %add3A_1583, %mul3A_1618 : vector<16xf32>
        %broadcast_in_dim3A_1620 = arith.constant 38 : i32
        %broadcast_in_dim3A_1621 = vector.broadcast %broadcast_in_dim3A_1620 : i32 to vector<16xi32>
        %gather3A_1622 = tpu.vector_load_idx %arg11[%add3A_197, %broadcast_in_dim3A_1621] : memref<128x64xf32, #tpu.memory_space<vmem>>[vector<16xi32>, vector<16xi32>], vector<16xf32>,
        %gather3A_1623 = tpu.vector_load_idx %arg12[%add3A_197, %broadcast_in_dim3A_1621] : memref<128x64xf32, #tpu.memory_space<vmem>>[vector<16xi32>, vector<16xi32>], vector<16xf32>,
        %mul3A_1624 = arith.mulf %gather3A_1622, %gather3A_1623 : vector<16xf32>
        %add3A_1625 = arith.addf %add3A_1589, %mul3A_1624 : vector<16xf32>
        %gather3A_1626 = tpu.vector_load_idx %arg13[%add3A_204, %broadcast_in_dim3A_1621] : memref<1280x64xf32, #tpu.memory_space<vmem>>[vector<16xi32>, vector<16xi32>], vector<16xf32>,
        %mul3A_1627 = arith.mulf %gather3A_1622, %gather3A_1626 : vector<16xf32>
        %add3A_1628 = arith.addf %add3A_1592, %mul3A_1627 : vector<16xf32>
        %gather3A_1629 = tpu.vector_load_idx %arg13[%add3A_207, %broadcast_in_dim3A_1621] : memref<1280x64xf32, #tpu.memory_space<vmem>>[vector<16xi32>, vector<16xi32>], vector<16xf32>,
        %mul3A_1630 = arith.mulf %gather3A_1622, %gather3A_1629 : vector<16xf32>
        %add3A_1631 = arith.addf %add3A_1595, %mul3A_1630 : vector<16xf32>
        %gather3A_1632 = tpu.vector_load_idx %arg13[%add3A_210, %broadcast_in_dim3A_1621] : memref<1280x64xf32, #tpu.memory_space<vmem>>[vector<16xi32>, vector<16xi32>], vector<16xf32>,
        %mul3A_1633 = arith.mulf %gather3A_1622, %gather3A_1632 : vector<16xf32>
        %add3A_1634 = arith.addf %add3A_1598, %mul3A_1633 : vector<16xf32>
        %gather3A_1635 = tpu.vector_load_idx %arg13[%add3A_213, %broadcast_in_dim3A_1621] : memref<1280x64xf32, #tpu.memory_space<vmem>>[vector<16xi32>, vector<16xi32>], vector<16xf32>,
        %mul3A_1636 = arith.mulf %gather3A_1622, %gather3A_1635 : vector<16xf32>
        %add3A_1637 = arith.addf %add3A_1601, %mul3A_1636 : vector<16xf32>
        %gather3A_1638 = tpu.vector_load_idx %arg13[%add3A_216, %broadcast_in_dim3A_1621] : memref<1280x64xf32, #tpu.memory_space<vmem>>[vector<16xi32>, vector<16xi32>], vector<16xf32>,
        %mul3A_1639 = arith.mulf %gather3A_1622, %gather3A_1638 : vector<16xf32>
        %add3A_1640 = arith.addf %add3A_1604, %mul3A_1639 : vector<16xf32>
        %gather3A_1641 = tpu.vector_load_idx %arg13[%add3A_219, %broadcast_in_dim3A_1621] : memref<1280x64xf32, #tpu.memory_space<vmem>>[vector<16xi32>, vector<16xi32>], vector<16xf32>,
        %mul3A_1642 = arith.mulf %gather3A_1622, %gather3A_1641 : vector<16xf32>
        %add3A_1643 = arith.addf %add3A_1607, %mul3A_1642 : vector<16xf32>
        %gather3A_1644 = tpu.vector_load_idx %arg13[%add3A_222, %broadcast_in_dim3A_1621] : memref<1280x64xf32, #tpu.memory_space<vmem>>[vector<16xi32>, vector<16xi32>], vector<16xf32>,
        %mul3A_1645 = arith.mulf %gather3A_1622, %gather3A_1644 : vector<16xf32>
        %add3A_1646 = arith.addf %add3A_1610, %mul3A_1645 : vector<16xf32>
        %gather3A_1647 = tpu.vector_load_idx %arg13[%add3A_225, %broadcast_in_dim3A_1621] : memref<1280x64xf32, #tpu.memory_space<vmem>>[vector<16xi32>, vector<16xi32>], vector<16xf32>,
        %mul3A_1648 = arith.mulf %gather3A_1622, %gather3A_1647 : vector<16xf32>
        %add3A_1649 = arith.addf %add3A_1613, %mul3A_1648 : vector<16xf32>
        %gather3A_1650 = tpu.vector_load_idx %arg13[%add3A_228, %broadcast_in_dim3A_1621] : memref<1280x64xf32, #tpu.memory_space<vmem>>[vector<16xi32>, vector<16xi32>], vector<16xf32>,
        %mul3A_1651 = arith.mulf %gather3A_1622, %gather3A_1650 : vector<16xf32>
        %add3A_1652 = arith.addf %add3A_1616, %mul3A_1651 : vector<16xf32>
        %gather3A_1653 = tpu.vector_load_idx %arg13[%add3A_231, %broadcast_in_dim3A_1621] : memref<1280x64xf32, #tpu.memory_space<vmem>>[vector<16xi32>, vector<16xi32>], vector<16xf32>,
        %mul3A_1654 = arith.mulf %gather3A_1622, %gather3A_1653 : vector<16xf32>
        %add3A_1655 = arith.addf %add3A_1619, %mul3A_1654 : vector<16xf32>
        %broadcast_in_dim3A_1656 = arith.constant 39 : i32
        %broadcast_in_dim3A_1657 = vector.broadcast %broadcast_in_dim3A_1656 : i32 to vector<16xi32>
        %gather3A_1658 = tpu.vector_load_idx %arg11[%add3A_197, %broadcast_in_dim3A_1657] : memref<128x64xf32, #tpu.memory_space<vmem>>[vector<16xi32>, vector<16xi32>], vector<16xf32>,
        %gather3A_1659 = tpu.vector_load_idx %arg12[%add3A_197, %broadcast_in_dim3A_1657] : memref<128x64xf32, #tpu.memory_space<vmem>>[vector<16xi32>, vector<16xi32>], vector<16xf32>,
        %mul3A_1660 = arith.mulf %gather3A_1658, %gather3A_1659 : vector<16xf32>
        %add3A_1661 = arith.addf %add3A_1625, %mul3A_1660 : vector<16xf32>
        %gather3A_1662 = tpu.vector_load_idx %arg13[%add3A_204, %broadcast_in_dim3A_1657] : memref<1280x64xf32, #tpu.memory_space<vmem>>[vector<16xi32>, vector<16xi32>], vector<16xf32>,
        %mul3A_1663 = arith.mulf %gather3A_1658, %gather3A_1662 : vector<16xf32>
        %add3A_1664 = arith.addf %add3A_1628, %mul3A_1663 : vector<16xf32>
        %gather3A_1665 = tpu.vector_load_idx %arg13[%add3A_207, %broadcast_in_dim3A_1657] : memref<1280x64xf32, #tpu.memory_space<vmem>>[vector<16xi32>, vector<16xi32>], vector<16xf32>,
        %mul3A_1666 = arith.mulf %gather3A_1658, %gather3A_1665 : vector<16xf32>
        %add3A_1667 = arith.addf %add3A_1631, %mul3A_1666 : vector<16xf32>
        %gather3A_1668 = tpu.vector_load_idx %arg13[%add3A_210, %broadcast_in_dim3A_1657] : memref<1280x64xf32, #tpu.memory_space<vmem>>[vector<16xi32>, vector<16xi32>], vector<16xf32>,
        %mul3A_1669 = arith.mulf %gather3A_1658, %gather3A_1668 : vector<16xf32>
        %add3A_1670 = arith.addf %add3A_1634, %mul3A_1669 : vector<16xf32>
        %gather3A_1671 = tpu.vector_load_idx %arg13[%add3A_213, %broadcast_in_dim3A_1657] : memref<1280x64xf32, #tpu.memory_space<vmem>>[vector<16xi32>, vector<16xi32>], vector<16xf32>,
        %mul3A_1672 = arith.mulf %gather3A_1658, %gather3A_1671 : vector<16xf32>
        %add3A_1673 = arith.addf %add3A_1637, %mul3A_1672 : vector<16xf32>
        %gather3A_1674 = tpu.vector_load_idx %arg13[%add3A_216, %broadcast_in_dim3A_1657] : memref<1280x64xf32, #tpu.memory_space<vmem>>[vector<16xi32>, vector<16xi32>], vector<16xf32>,
        %mul3A_1675 = arith.mulf %gather3A_1658, %gather3A_1674 : vector<16xf32>
        %add3A_1676 = arith.addf %add3A_1640, %mul3A_1675 : vector<16xf32>
        %gather3A_1677 = tpu.vector_load_idx %arg13[%add3A_219, %broadcast_in_dim3A_1657] : memref<1280x64xf32, #tpu.memory_space<vmem>>[vector<16xi32>, vector<16xi32>], vector<16xf32>,
        %mul3A_1678 = arith.mulf %gather3A_1658, %gather3A_1677 : vector<16xf32>
        %add3A_1679 = arith.addf %add3A_1643, %mul3A_1678 : vector<16xf32>
        %gather3A_1680 = tpu.vector_load_idx %arg13[%add3A_222, %broadcast_in_dim3A_1657] : memref<1280x64xf32, #tpu.memory_space<vmem>>[vector<16xi32>, vector<16xi32>], vector<16xf32>,
        %mul3A_1681 = arith.mulf %gather3A_1658, %gather3A_1680 : vector<16xf32>
        %add3A_1682 = arith.addf %add3A_1646, %mul3A_1681 : vector<16xf32>
        %gather3A_1683 = tpu.vector_load_idx %arg13[%add3A_225, %broadcast_in_dim3A_1657] : memref<1280x64xf32, #tpu.memory_space<vmem>>[vector<16xi32>, vector<16xi32>], vector<16xf32>,
        %mul3A_1684 = arith.mulf %gather3A_1658, %gather3A_1683 : vector<16xf32>
        %add3A_1685 = arith.addf %add3A_1649, %mul3A_1684 : vector<16xf32>
        %gather3A_1686 = tpu.vector_load_idx %arg13[%add3A_228, %broadcast_in_dim3A_1657] : memref<1280x64xf32, #tpu.memory_space<vmem>>[vector<16xi32>, vector<16xi32>], vector<16xf32>,
        %mul3A_1687 = arith.mulf %gather3A_1658, %gather3A_1686 : vector<16xf32>
        %add3A_1688 = arith.addf %add3A_1652, %mul3A_1687 : vector<16xf32>
        %gather3A_1689 = tpu.vector_load_idx %arg13[%add3A_231, %broadcast_in_dim3A_1657] : memref<1280x64xf32, #tpu.memory_space<vmem>>[vector<16xi32>, vector<16xi32>], vector<16xf32>,
        %mul3A_1690 = arith.mulf %gather3A_1658, %gather3A_1689 : vector<16xf32>
        %add3A_1691 = arith.addf %add3A_1655, %mul3A_1690 : vector<16xf32>
        %broadcast_in_dim3A_1692 = arith.constant 40 : i32
        %broadcast_in_dim3A_1693 = vector.broadcast %broadcast_in_dim3A_1692 : i32 to vector<16xi32>
        %gather3A_1694 = tpu.vector_load_idx %arg11[%add3A_197, %broadcast_in_dim3A_1693] : memref<128x64xf32, #tpu.memory_space<vmem>>[vector<16xi32>, vector<16xi32>], vector<16xf32>,
        %gather3A_1695 = tpu.vector_load_idx %arg12[%add3A_197, %broadcast_in_dim3A_1693] : memref<128x64xf32, #tpu.memory_space<vmem>>[vector<16xi32>, vector<16xi32>], vector<16xf32>,
        %mul3A_1696 = arith.mulf %gather3A_1694, %gather3A_1695 : vector<16xf32>
        %add3A_1697 = arith.addf %add3A_1661, %mul3A_1696 : vector<16xf32>
        %gather3A_1698 = tpu.vector_load_idx %arg13[%add3A_204, %broadcast_in_dim3A_1693] : memref<1280x64xf32, #tpu.memory_space<vmem>>[vector<16xi32>, vector<16xi32>], vector<16xf32>,
        %mul3A_1699 = arith.mulf %gather3A_1694, %gather3A_1698 : vector<16xf32>
        %add3A_1700 = arith.addf %add3A_1664, %mul3A_1699 : vector<16xf32>
        %gather3A_1701 = tpu.vector_load_idx %arg13[%add3A_207, %broadcast_in_dim3A_1693] : memref<1280x64xf32, #tpu.memory_space<vmem>>[vector<16xi32>, vector<16xi32>], vector<16xf32>,
        %mul3A_1702 = arith.mulf %gather3A_1694, %gather3A_1701 : vector<16xf32>
        %add3A_1703 = arith.addf %add3A_1667, %mul3A_1702 : vector<16xf32>
        %gather3A_1704 = tpu.vector_load_idx %arg13[%add3A_210, %broadcast_in_dim3A_1693] : memref<1280x64xf32, #tpu.memory_space<vmem>>[vector<16xi32>, vector<16xi32>], vector<16xf32>,
        %mul3A_1705 = arith.mulf %gather3A_1694, %gather3A_1704 : vector<16xf32>
        %add3A_1706 = arith.addf %add3A_1670, %mul3A_1705 : vector<16xf32>
        %gather3A_1707 = tpu.vector_load_idx %arg13[%add3A_213, %broadcast_in_dim3A_1693] : memref<1280x64xf32, #tpu.memory_space<vmem>>[vector<16xi32>, vector<16xi32>], vector<16xf32>,
        %mul3A_1708 = arith.mulf %gather3A_1694, %gather3A_1707 : vector<16xf32>
        %add3A_1709 = arith.addf %add3A_1673, %mul3A_1708 : vector<16xf32>
        %gather3A_1710 = tpu.vector_load_idx %arg13[%add3A_216, %broadcast_in_dim3A_1693] : memref<1280x64xf32, #tpu.memory_space<vmem>>[vector<16xi32>, vector<16xi32>], vector<16xf32>,
        %mul3A_1711 = arith.mulf %gather3A_1694, %gather3A_1710 : vector<16xf32>
        %add3A_1712 = arith.addf %add3A_1676, %mul3A_1711 : vector<16xf32>
        %gather3A_1713 = tpu.vector_load_idx %arg13[%add3A_219, %broadcast_in_dim3A_1693] : memref<1280x64xf32, #tpu.memory_space<vmem>>[vector<16xi32>, vector<16xi32>], vector<16xf32>,
        %mul3A_1714 = arith.mulf %gather3A_1694, %gather3A_1713 : vector<16xf32>
        %add3A_1715 = arith.addf %add3A_1679, %mul3A_1714 : vector<16xf32>
        %gather3A_1716 = tpu.vector_load_idx %arg13[%add3A_222, %broadcast_in_dim3A_1693] : memref<1280x64xf32, #tpu.memory_space<vmem>>[vector<16xi32>, vector<16xi32>], vector<16xf32>,
        %mul3A_1717 = arith.mulf %gather3A_1694, %gather3A_1716 : vector<16xf32>
        %add3A_1718 = arith.addf %add3A_1682, %mul3A_1717 : vector<16xf32>
        %gather3A_1719 = tpu.vector_load_idx %arg13[%add3A_225, %broadcast_in_dim3A_1693] : memref<1280x64xf32, #tpu.memory_space<vmem>>[vector<16xi32>, vector<16xi32>], vector<16xf32>,
        %mul3A_1720 = arith.mulf %gather3A_1694, %gather3A_1719 : vector<16xf32>
        %add3A_1721 = arith.addf %add3A_1685, %mul3A_1720 : vector<16xf32>
        %gather3A_1722 = tpu.vector_load_idx %arg13[%add3A_228, %broadcast_in_dim3A_1693] : memref<1280x64xf32, #tpu.memory_space<vmem>>[vector<16xi32>, vector<16xi32>], vector<16xf32>,
        %mul3A_1723 = arith.mulf %gather3A_1694, %gather3A_1722 : vector<16xf32>
        %add3A_1724 = arith.addf %add3A_1688, %mul3A_1723 : vector<16xf32>
        %gather3A_1725 = tpu.vector_load_idx %arg13[%add3A_231, %broadcast_in_dim3A_1693] : memref<1280x64xf32, #tpu.memory_space<vmem>>[vector<16xi32>, vector<16xi32>], vector<16xf32>,
        %mul3A_1726 = arith.mulf %gather3A_1694, %gather3A_1725 : vector<16xf32>
        %add3A_1727 = arith.addf %add3A_1691, %mul3A_1726 : vector<16xf32>
        %broadcast_in_dim3A_1728 = arith.constant 41 : i32
        %broadcast_in_dim3A_1729 = vector.broadcast %broadcast_in_dim3A_1728 : i32 to vector<16xi32>
        %gather3A_1730 = tpu.vector_load_idx %arg11[%add3A_197, %broadcast_in_dim3A_1729] : memref<128x64xf32, #tpu.memory_space<vmem>>[vector<16xi32>, vector<16xi32>], vector<16xf32>,
        %gather3A_1731 = tpu.vector_load_idx %arg12[%add3A_197, %broadcast_in_dim3A_1729] : memref<128x64xf32, #tpu.memory_space<vmem>>[vector<16xi32>, vector<16xi32>], vector<16xf32>,
        %mul3A_1732 = arith.mulf %gather3A_1730, %gather3A_1731 : vector<16xf32>
        %add3A_1733 = arith.addf %add3A_1697, %mul3A_1732 : vector<16xf32>
        %gather3A_1734 = tpu.vector_load_idx %arg13[%add3A_204, %broadcast_in_dim3A_1729] : memref<1280x64xf32, #tpu.memory_space<vmem>>[vector<16xi32>, vector<16xi32>], vector<16xf32>,
        %mul3A_1735 = arith.mulf %gather3A_1730, %gather3A_1734 : vector<16xf32>
        %add3A_1736 = arith.addf %add3A_1700, %mul3A_1735 : vector<16xf32>
        %gather3A_1737 = tpu.vector_load_idx %arg13[%add3A_207, %broadcast_in_dim3A_1729] : memref<1280x64xf32, #tpu.memory_space<vmem>>[vector<16xi32>, vector<16xi32>], vector<16xf32>,
        %mul3A_1738 = arith.mulf %gather3A_1730, %gather3A_1737 : vector<16xf32>
        %add3A_1739 = arith.addf %add3A_1703, %mul3A_1738 : vector<16xf32>
        %gather3A_1740 = tpu.vector_load_idx %arg13[%add3A_210, %broadcast_in_dim3A_1729] : memref<1280x64xf32, #tpu.memory_space<vmem>>[vector<16xi32>, vector<16xi32>], vector<16xf32>,
        %mul3A_1741 = arith.mulf %gather3A_1730, %gather3A_1740 : vector<16xf32>
        %add3A_1742 = arith.addf %add3A_1706, %mul3A_1741 : vector<16xf32>
        %gather3A_1743 = tpu.vector_load_idx %arg13[%add3A_213, %broadcast_in_dim3A_1729] : memref<1280x64xf32, #tpu.memory_space<vmem>>[vector<16xi32>, vector<16xi32>], vector<16xf32>,
        %mul3A_1744 = arith.mulf %gather3A_1730, %gather3A_1743 : vector<16xf32>
        %add3A_1745 = arith.addf %add3A_1709, %mul3A_1744 : vector<16xf32>
        %gather3A_1746 = tpu.vector_load_idx %arg13[%add3A_216, %broadcast_in_dim3A_1729] : memref<1280x64xf32, #tpu.memory_space<vmem>>[vector<16xi32>, vector<16xi32>], vector<16xf32>,
        %mul3A_1747 = arith.mulf %gather3A_1730, %gather3A_1746 : vector<16xf32>
        %add3A_1748 = arith.addf %add3A_1712, %mul3A_1747 : vector<16xf32>
        %gather3A_1749 = tpu.vector_load_idx %arg13[%add3A_219, %broadcast_in_dim3A_1729] : memref<1280x64xf32, #tpu.memory_space<vmem>>[vector<16xi32>, vector<16xi32>], vector<16xf32>,
        %mul3A_1750 = arith.mulf %gather3A_1730, %gather3A_1749 : vector<16xf32>
        %add3A_1751 = arith.addf %add3A_1715, %mul3A_1750 : vector<16xf32>
        %gather3A_1752 = tpu.vector_load_idx %arg13[%add3A_222, %broadcast_in_dim3A_1729] : memref<1280x64xf32, #tpu.memory_space<vmem>>[vector<16xi32>, vector<16xi32>], vector<16xf32>,
        %mul3A_1753 = arith.mulf %gather3A_1730, %gather3A_1752 : vector<16xf32>
        %add3A_1754 = arith.addf %add3A_1718, %mul3A_1753 : vector<16xf32>
        %gather3A_1755 = tpu.vector_load_idx %arg13[%add3A_225, %broadcast_in_dim3A_1729] : memref<1280x64xf32, #tpu.memory_space<vmem>>[vector<16xi32>, vector<16xi32>], vector<16xf32>,
        %mul3A_1756 = arith.mulf %gather3A_1730, %gather3A_1755 : vector<16xf32>
        %add3A_1757 = arith.addf %add3A_1721, %mul3A_1756 : vector<16xf32>
        %gather3A_1758 = tpu.vector_load_idx %arg13[%add3A_228, %broadcast_in_dim3A_1729] : memref<1280x64xf32, #tpu.memory_space<vmem>>[vector<16xi32>, vector<16xi32>], vector<16xf32>,
        %mul3A_1759 = arith.mulf %gather3A_1730, %gather3A_1758 : vector<16xf32>
        %add3A_1760 = arith.addf %add3A_1724, %mul3A_1759 : vector<16xf32>
        %gather3A_1761 = tpu.vector_load_idx %arg13[%add3A_231, %broadcast_in_dim3A_1729] : memref<1280x64xf32, #tpu.memory_space<vmem>>[vector<16xi32>, vector<16xi32>], vector<16xf32>,
        %mul3A_1762 = arith.mulf %gather3A_1730, %gather3A_1761 : vector<16xf32>
        %add3A_1763 = arith.addf %add3A_1727, %mul3A_1762 : vector<16xf32>
        %broadcast_in_dim3A_1764 = arith.constant 42 : i32
        %broadcast_in_dim3A_1765 = vector.broadcast %broadcast_in_dim3A_1764 : i32 to vector<16xi32>
        %gather3A_1766 = tpu.vector_load_idx %arg11[%add3A_197, %broadcast_in_dim3A_1765] : memref<128x64xf32, #tpu.memory_space<vmem>>[vector<16xi32>, vector<16xi32>], vector<16xf32>,
        %gather3A_1767 = tpu.vector_load_idx %arg12[%add3A_197, %broadcast_in_dim3A_1765] : memref<128x64xf32, #tpu.memory_space<vmem>>[vector<16xi32>, vector<16xi32>], vector<16xf32>,
        %mul3A_1768 = arith.mulf %gather3A_1766, %gather3A_1767 : vector<16xf32>
        %add3A_1769 = arith.addf %add3A_1733, %mul3A_1768 : vector<16xf32>
        %gather3A_1770 = tpu.vector_load_idx %arg13[%add3A_204, %broadcast_in_dim3A_1765] : memref<1280x64xf32, #tpu.memory_space<vmem>>[vector<16xi32>, vector<16xi32>], vector<16xf32>,
        %mul3A_1771 = arith.mulf %gather3A_1766, %gather3A_1770 : vector<16xf32>
        %add3A_1772 = arith.addf %add3A_1736, %mul3A_1771 : vector<16xf32>
        %gather3A_1773 = tpu.vector_load_idx %arg13[%add3A_207, %broadcast_in_dim3A_1765] : memref<1280x64xf32, #tpu.memory_space<vmem>>[vector<16xi32>, vector<16xi32>], vector<16xf32>,
        %mul3A_1774 = arith.mulf %gather3A_1766, %gather3A_1773 : vector<16xf32>
        %add3A_1775 = arith.addf %add3A_1739, %mul3A_1774 : vector<16xf32>
        %gather3A_1776 = tpu.vector_load_idx %arg13[%add3A_210, %broadcast_in_dim3A_1765] : memref<1280x64xf32, #tpu.memory_space<vmem>>[vector<16xi32>, vector<16xi32>], vector<16xf32>,
        %mul3A_1777 = arith.mulf %gather3A_1766, %gather3A_1776 : vector<16xf32>
        %add3A_1778 = arith.addf %add3A_1742, %mul3A_1777 : vector<16xf32>
        %gather3A_1779 = tpu.vector_load_idx %arg13[%add3A_213, %broadcast_in_dim3A_1765] : memref<1280x64xf32, #tpu.memory_space<vmem>>[vector<16xi32>, vector<16xi32>], vector<16xf32>,
        %mul3A_1780 = arith.mulf %gather3A_1766, %gather3A_1779 : vector<16xf32>
        %add3A_1781 = arith.addf %add3A_1745, %mul3A_1780 : vector<16xf32>
        %gather3A_1782 = tpu.vector_load_idx %arg13[%add3A_216, %broadcast_in_dim3A_1765] : memref<1280x64xf32, #tpu.memory_space<vmem>>[vector<16xi32>, vector<16xi32>], vector<16xf32>,
        %mul3A_1783 = arith.mulf %gather3A_1766, %gather3A_1782 : vector<16xf32>
        %add3A_1784 = arith.addf %add3A_1748, %mul3A_1783 : vector<16xf32>
        %gather3A_1785 = tpu.vector_load_idx %arg13[%add3A_219, %broadcast_in_dim3A_1765] : memref<1280x64xf32, #tpu.memory_space<vmem>>[vector<16xi32>, vector<16xi32>], vector<16xf32>,
        %mul3A_1786 = arith.mulf %gather3A_1766, %gather3A_1785 : vector<16xf32>
        %add3A_1787 = arith.addf %add3A_1751, %mul3A_1786 : vector<16xf32>
        %gather3A_1788 = tpu.vector_load_idx %arg13[%add3A_222, %broadcast_in_dim3A_1765] : memref<1280x64xf32, #tpu.memory_space<vmem>>[vector<16xi32>, vector<16xi32>], vector<16xf32>,
        %mul3A_1789 = arith.mulf %gather3A_1766, %gather3A_1788 : vector<16xf32>
        %add3A_1790 = arith.addf %add3A_1754, %mul3A_1789 : vector<16xf32>
        %gather3A_1791 = tpu.vector_load_idx %arg13[%add3A_225, %broadcast_in_dim3A_1765] : memref<1280x64xf32, #tpu.memory_space<vmem>>[vector<16xi32>, vector<16xi32>], vector<16xf32>,
        %mul3A_1792 = arith.mulf %gather3A_1766, %gather3A_1791 : vector<16xf32>
        %add3A_1793 = arith.addf %add3A_1757, %mul3A_1792 : vector<16xf32>
        %gather3A_1794 = tpu.vector_load_idx %arg13[%add3A_228, %broadcast_in_dim3A_1765] : memref<1280x64xf32, #tpu.memory_space<vmem>>[vector<16xi32>, vector<16xi32>], vector<16xf32>,
        %mul3A_1795 = arith.mulf %gather3A_1766, %gather3A_1794 : vector<16xf32>
        %add3A_1796 = arith.addf %add3A_1760, %mul3A_1795 : vector<16xf32>
        %gather3A_1797 = tpu.vector_load_idx %arg13[%add3A_231, %broadcast_in_dim3A_1765] : memref<1280x64xf32, #tpu.memory_space<vmem>>[vector<16xi32>, vector<16xi32>], vector<16xf32>,
        %mul3A_1798 = arith.mulf %gather3A_1766, %gather3A_1797 : vector<16xf32>
        %add3A_1799 = arith.addf %add3A_1763, %mul3A_1798 : vector<16xf32>
        %broadcast_in_dim3A_1800 = arith.constant 43 : i32
        %broadcast_in_dim3A_1801 = vector.broadcast %broadcast_in_dim3A_1800 : i32 to vector<16xi32>
        %gather3A_1802 = tpu.vector_load_idx %arg11[%add3A_197, %broadcast_in_dim3A_1801] : memref<128x64xf32, #tpu.memory_space<vmem>>[vector<16xi32>, vector<16xi32>], vector<16xf32>,
        %gather3A_1803 = tpu.vector_load_idx %arg12[%add3A_197, %broadcast_in_dim3A_1801] : memref<128x64xf32, #tpu.memory_space<vmem>>[vector<16xi32>, vector<16xi32>], vector<16xf32>,
        %mul3A_1804 = arith.mulf %gather3A_1802, %gather3A_1803 : vector<16xf32>
        %add3A_1805 = arith.addf %add3A_1769, %mul3A_1804 : vector<16xf32>
        %gather3A_1806 = tpu.vector_load_idx %arg13[%add3A_204, %broadcast_in_dim3A_1801] : memref<1280x64xf32, #tpu.memory_space<vmem>>[vector<16xi32>, vector<16xi32>], vector<16xf32>,
        %mul3A_1807 = arith.mulf %gather3A_1802, %gather3A_1806 : vector<16xf32>
        %add3A_1808 = arith.addf %add3A_1772, %mul3A_1807 : vector<16xf32>
        %gather3A_1809 = tpu.vector_load_idx %arg13[%add3A_207, %broadcast_in_dim3A_1801] : memref<1280x64xf32, #tpu.memory_space<vmem>>[vector<16xi32>, vector<16xi32>], vector<16xf32>,
        %mul3A_1810 = arith.mulf %gather3A_1802, %gather3A_1809 : vector<16xf32>
        %add3A_1811 = arith.addf %add3A_1775, %mul3A_1810 : vector<16xf32>
        %gather3A_1812 = tpu.vector_load_idx %arg13[%add3A_210, %broadcast_in_dim3A_1801] : memref<1280x64xf32, #tpu.memory_space<vmem>>[vector<16xi32>, vector<16xi32>], vector<16xf32>,
        %mul3A_1813 = arith.mulf %gather3A_1802, %gather3A_1812 : vector<16xf32>
        %add3A_1814 = arith.addf %add3A_1778, %mul3A_1813 : vector<16xf32>
        %gather3A_1815 = tpu.vector_load_idx %arg13[%add3A_213, %broadcast_in_dim3A_1801] : memref<1280x64xf32, #tpu.memory_space<vmem>>[vector<16xi32>, vector<16xi32>], vector<16xf32>,
        %mul3A_1816 = arith.mulf %gather3A_1802, %gather3A_1815 : vector<16xf32>
        %add3A_1817 = arith.addf %add3A_1781, %mul3A_1816 : vector<16xf32>
        %gather3A_1818 = tpu.vector_load_idx %arg13[%add3A_216, %broadcast_in_dim3A_1801] : memref<1280x64xf32, #tpu.memory_space<vmem>>[vector<16xi32>, vector<16xi32>], vector<16xf32>,
        %mul3A_1819 = arith.mulf %gather3A_1802, %gather3A_1818 : vector<16xf32>
        %add3A_1820 = arith.addf %add3A_1784, %mul3A_1819 : vector<16xf32>
        %gather3A_1821 = tpu.vector_load_idx %arg13[%add3A_219, %broadcast_in_dim3A_1801] : memref<1280x64xf32, #tpu.memory_space<vmem>>[vector<16xi32>, vector<16xi32>], vector<16xf32>,
        %mul3A_1822 = arith.mulf %gather3A_1802, %gather3A_1821 : vector<16xf32>
        %add3A_1823 = arith.addf %add3A_1787, %mul3A_1822 : vector<16xf32>
        %gather3A_1824 = tpu.vector_load_idx %arg13[%add3A_222, %broadcast_in_dim3A_1801] : memref<1280x64xf32, #tpu.memory_space<vmem>>[vector<16xi32>, vector<16xi32>], vector<16xf32>,
        %mul3A_1825 = arith.mulf %gather3A_1802, %gather3A_1824 : vector<16xf32>
        %add3A_1826 = arith.addf %add3A_1790, %mul3A_1825 : vector<16xf32>
        %gather3A_1827 = tpu.vector_load_idx %arg13[%add3A_225, %broadcast_in_dim3A_1801] : memref<1280x64xf32, #tpu.memory_space<vmem>>[vector<16xi32>, vector<16xi32>], vector<16xf32>,
        %mul3A_1828 = arith.mulf %gather3A_1802, %gather3A_1827 : vector<16xf32>
        %add3A_1829 = arith.addf %add3A_1793, %mul3A_1828 : vector<16xf32>
        %gather3A_1830 = tpu.vector_load_idx %arg13[%add3A_228, %broadcast_in_dim3A_1801] : memref<1280x64xf32, #tpu.memory_space<vmem>>[vector<16xi32>, vector<16xi32>], vector<16xf32>,
        %mul3A_1831 = arith.mulf %gather3A_1802, %gather3A_1830 : vector<16xf32>
        %add3A_1832 = arith.addf %add3A_1796, %mul3A_1831 : vector<16xf32>
        %gather3A_1833 = tpu.vector_load_idx %arg13[%add3A_231, %broadcast_in_dim3A_1801] : memref<1280x64xf32, #tpu.memory_space<vmem>>[vector<16xi32>, vector<16xi32>], vector<16xf32>,
        %mul3A_1834 = arith.mulf %gather3A_1802, %gather3A_1833 : vector<16xf32>
        %add3A_1835 = arith.addf %add3A_1799, %mul3A_1834 : vector<16xf32>
        %broadcast_in_dim3A_1836 = arith.constant 44 : i32
        %broadcast_in_dim3A_1837 = vector.broadcast %broadcast_in_dim3A_1836 : i32 to vector<16xi32>
        %gather3A_1838 = tpu.vector_load_idx %arg11[%add3A_197, %broadcast_in_dim3A_1837] : memref<128x64xf32, #tpu.memory_space<vmem>>[vector<16xi32>, vector<16xi32>], vector<16xf32>,
        %gather3A_1839 = tpu.vector_load_idx %arg12[%add3A_197, %broadcast_in_dim3A_1837] : memref<128x64xf32, #tpu.memory_space<vmem>>[vector<16xi32>, vector<16xi32>], vector<16xf32>,
        %mul3A_1840 = arith.mulf %gather3A_1838, %gather3A_1839 : vector<16xf32>
        %add3A_1841 = arith.addf %add3A_1805, %mul3A_1840 : vector<16xf32>
        %gather3A_1842 = tpu.vector_load_idx %arg13[%add3A_204, %broadcast_in_dim3A_1837] : memref<1280x64xf32, #tpu.memory_space<vmem>>[vector<16xi32>, vector<16xi32>], vector<16xf32>,
        %mul3A_1843 = arith.mulf %gather3A_1838, %gather3A_1842 : vector<16xf32>
        %add3A_1844 = arith.addf %add3A_1808, %mul3A_1843 : vector<16xf32>
        %gather3A_1845 = tpu.vector_load_idx %arg13[%add3A_207, %broadcast_in_dim3A_1837] : memref<1280x64xf32, #tpu.memory_space<vmem>>[vector<16xi32>, vector<16xi32>], vector<16xf32>,
        %mul3A_1846 = arith.mulf %gather3A_1838, %gather3A_1845 : vector<16xf32>
        %add3A_1847 = arith.addf %add3A_1811, %mul3A_1846 : vector<16xf32>
        %gather3A_1848 = tpu.vector_load_idx %arg13[%add3A_210, %broadcast_in_dim3A_1837] : memref<1280x64xf32, #tpu.memory_space<vmem>>[vector<16xi32>, vector<16xi32>], vector<16xf32>,
        %mul3A_1849 = arith.mulf %gather3A_1838, %gather3A_1848 : vector<16xf32>
        %add3A_1850 = arith.addf %add3A_1814, %mul3A_1849 : vector<16xf32>
        %gather3A_1851 = tpu.vector_load_idx %arg13[%add3A_213, %broadcast_in_dim3A_1837] : memref<1280x64xf32, #tpu.memory_space<vmem>>[vector<16xi32>, vector<16xi32>], vector<16xf32>,
        %mul3A_1852 = arith.mulf %gather3A_1838, %gather3A_1851 : vector<16xf32>
        %add3A_1853 = arith.addf %add3A_1817, %mul3A_1852 : vector<16xf32>
        %gather3A_1854 = tpu.vector_load_idx %arg13[%add3A_216, %broadcast_in_dim3A_1837] : memref<1280x64xf32, #tpu.memory_space<vmem>>[vector<16xi32>, vector<16xi32>], vector<16xf32>,
        %mul3A_1855 = arith.mulf %gather3A_1838, %gather3A_1854 : vector<16xf32>
        %add3A_1856 = arith.addf %add3A_1820, %mul3A_1855 : vector<16xf32>
        %gather3A_1857 = tpu.vector_load_idx %arg13[%add3A_219, %broadcast_in_dim3A_1837] : memref<1280x64xf32, #tpu.memory_space<vmem>>[vector<16xi32>, vector<16xi32>], vector<16xf32>,
        %mul3A_1858 = arith.mulf %gather3A_1838, %gather3A_1857 : vector<16xf32>
        %add3A_1859 = arith.addf %add3A_1823, %mul3A_1858 : vector<16xf32>
        %gather3A_1860 = tpu.vector_load_idx %arg13[%add3A_222, %broadcast_in_dim3A_1837] : memref<1280x64xf32, #tpu.memory_space<vmem>>[vector<16xi32>, vector<16xi32>], vector<16xf32>,
        %mul3A_1861 = arith.mulf %gather3A_1838, %gather3A_1860 : vector<16xf32>
        %add3A_1862 = arith.addf %add3A_1826, %mul3A_1861 : vector<16xf32>
        %gather3A_1863 = tpu.vector_load_idx %arg13[%add3A_225, %broadcast_in_dim3A_1837] : memref<1280x64xf32, #tpu.memory_space<vmem>>[vector<16xi32>, vector<16xi32>], vector<16xf32>,
        %mul3A_1864 = arith.mulf %gather3A_1838, %gather3A_1863 : vector<16xf32>
        %add3A_1865 = arith.addf %add3A_1829, %mul3A_1864 : vector<16xf32>
        %gather3A_1866 = tpu.vector_load_idx %arg13[%add3A_228, %broadcast_in_dim3A_1837] : memref<1280x64xf32, #tpu.memory_space<vmem>>[vector<16xi32>, vector<16xi32>], vector<16xf32>,
        %mul3A_1867 = arith.mulf %gather3A_1838, %gather3A_1866 : vector<16xf32>
        %add3A_1868 = arith.addf %add3A_1832, %mul3A_1867 : vector<16xf32>
        %gather3A_1869 = tpu.vector_load_idx %arg13[%add3A_231, %broadcast_in_dim3A_1837] : memref<1280x64xf32, #tpu.memory_space<vmem>>[vector<16xi32>, vector<16xi32>], vector<16xf32>,
        %mul3A_1870 = arith.mulf %gather3A_1838, %gather3A_1869 : vector<16xf32>
        %add3A_1871 = arith.addf %add3A_1835, %mul3A_1870 : vector<16xf32>
        %broadcast_in_dim3A_1872 = arith.constant 45 : i32
        %broadcast_in_dim3A_1873 = vector.broadcast %broadcast_in_dim3A_1872 : i32 to vector<16xi32>
        %gather3A_1874 = tpu.vector_load_idx %arg11[%add3A_197, %broadcast_in_dim3A_1873] : memref<128x64xf32, #tpu.memory_space<vmem>>[vector<16xi32>, vector<16xi32>], vector<16xf32>,
        %gather3A_1875 = tpu.vector_load_idx %arg12[%add3A_197, %broadcast_in_dim3A_1873] : memref<128x64xf32, #tpu.memory_space<vmem>>[vector<16xi32>, vector<16xi32>], vector<16xf32>,
        %mul3A_1876 = arith.mulf %gather3A_1874, %gather3A_1875 : vector<16xf32>
        %add3A_1877 = arith.addf %add3A_1841, %mul3A_1876 : vector<16xf32>
        %gather3A_1878 = tpu.vector_load_idx %arg13[%add3A_204, %broadcast_in_dim3A_1873] : memref<1280x64xf32, #tpu.memory_space<vmem>>[vector<16xi32>, vector<16xi32>], vector<16xf32>,
        %mul3A_1879 = arith.mulf %gather3A_1874, %gather3A_1878 : vector<16xf32>
        %add3A_1880 = arith.addf %add3A_1844, %mul3A_1879 : vector<16xf32>
        %gather3A_1881 = tpu.vector_load_idx %arg13[%add3A_207, %broadcast_in_dim3A_1873] : memref<1280x64xf32, #tpu.memory_space<vmem>>[vector<16xi32>, vector<16xi32>], vector<16xf32>,
        %mul3A_1882 = arith.mulf %gather3A_1874, %gather3A_1881 : vector<16xf32>
        %add3A_1883 = arith.addf %add3A_1847, %mul3A_1882 : vector<16xf32>
        %gather3A_1884 = tpu.vector_load_idx %arg13[%add3A_210, %broadcast_in_dim3A_1873] : memref<1280x64xf32, #tpu.memory_space<vmem>>[vector<16xi32>, vector<16xi32>], vector<16xf32>,
        %mul3A_1885 = arith.mulf %gather3A_1874, %gather3A_1884 : vector<16xf32>
        %add3A_1886 = arith.addf %add3A_1850, %mul3A_1885 : vector<16xf32>
        %gather3A_1887 = tpu.vector_load_idx %arg13[%add3A_213, %broadcast_in_dim3A_1873] : memref<1280x64xf32, #tpu.memory_space<vmem>>[vector<16xi32>, vector<16xi32>], vector<16xf32>,
        %mul3A_1888 = arith.mulf %gather3A_1874, %gather3A_1887 : vector<16xf32>
        %add3A_1889 = arith.addf %add3A_1853, %mul3A_1888 : vector<16xf32>
        %gather3A_1890 = tpu.vector_load_idx %arg13[%add3A_216, %broadcast_in_dim3A_1873] : memref<1280x64xf32, #tpu.memory_space<vmem>>[vector<16xi32>, vector<16xi32>], vector<16xf32>,
        %mul3A_1891 = arith.mulf %gather3A_1874, %gather3A_1890 : vector<16xf32>
        %add3A_1892 = arith.addf %add3A_1856, %mul3A_1891 : vector<16xf32>
        %gather3A_1893 = tpu.vector_load_idx %arg13[%add3A_219, %broadcast_in_dim3A_1873] : memref<1280x64xf32, #tpu.memory_space<vmem>>[vector<16xi32>, vector<16xi32>], vector<16xf32>,
        %mul3A_1894 = arith.mulf %gather3A_1874, %gather3A_1893 : vector<16xf32>
        %add3A_1895 = arith.addf %add3A_1859, %mul3A_1894 : vector<16xf32>
        %gather3A_1896 = tpu.vector_load_idx %arg13[%add3A_222, %broadcast_in_dim3A_1873] : memref<1280x64xf32, #tpu.memory_space<vmem>>[vector<16xi32>, vector<16xi32>], vector<16xf32>,
        %mul3A_1897 = arith.mulf %gather3A_1874, %gather3A_1896 : vector<16xf32>
        %add3A_1898 = arith.addf %add3A_1862, %mul3A_1897 : vector<16xf32>
        %gather3A_1899 = tpu.vector_load_idx %arg13[%add3A_225, %broadcast_in_dim3A_1873] : memref<1280x64xf32, #tpu.memory_space<vmem>>[vector<16xi32>, vector<16xi32>], vector<16xf32>,
        %mul3A_1900 = arith.mulf %gather3A_1874, %gather3A_1899 : vector<16xf32>
        %add3A_1901 = arith.addf %add3A_1865, %mul3A_1900 : vector<16xf32>
        %gather3A_1902 = tpu.vector_load_idx %arg13[%add3A_228, %broadcast_in_dim3A_1873] : memref<1280x64xf32, #tpu.memory_space<vmem>>[vector<16xi32>, vector<16xi32>], vector<16xf32>,
        %mul3A_1903 = arith.mulf %gather3A_1874, %gather3A_1902 : vector<16xf32>
        %add3A_1904 = arith.addf %add3A_1868, %mul3A_1903 : vector<16xf32>
        %gather3A_1905 = tpu.vector_load_idx %arg13[%add3A_231, %broadcast_in_dim3A_1873] : memref<1280x64xf32, #tpu.memory_space<vmem>>[vector<16xi32>, vector<16xi32>], vector<16xf32>,
        %mul3A_1906 = arith.mulf %gather3A_1874, %gather3A_1905 : vector<16xf32>
        %add3A_1907 = arith.addf %add3A_1871, %mul3A_1906 : vector<16xf32>
        %broadcast_in_dim3A_1908 = arith.constant 46 : i32
        %broadcast_in_dim3A_1909 = vector.broadcast %broadcast_in_dim3A_1908 : i32 to vector<16xi32>
        %gather3A_1910 = tpu.vector_load_idx %arg11[%add3A_197, %broadcast_in_dim3A_1909] : memref<128x64xf32, #tpu.memory_space<vmem>>[vector<16xi32>, vector<16xi32>], vector<16xf32>,
        %gather3A_1911 = tpu.vector_load_idx %arg12[%add3A_197, %broadcast_in_dim3A_1909] : memref<128x64xf32, #tpu.memory_space<vmem>>[vector<16xi32>, vector<16xi32>], vector<16xf32>,
        %mul3A_1912 = arith.mulf %gather3A_1910, %gather3A_1911 : vector<16xf32>
        %add3A_1913 = arith.addf %add3A_1877, %mul3A_1912 : vector<16xf32>
        %gather3A_1914 = tpu.vector_load_idx %arg13[%add3A_204, %broadcast_in_dim3A_1909] : memref<1280x64xf32, #tpu.memory_space<vmem>>[vector<16xi32>, vector<16xi32>], vector<16xf32>,
        %mul3A_1915 = arith.mulf %gather3A_1910, %gather3A_1914 : vector<16xf32>
        %add3A_1916 = arith.addf %add3A_1880, %mul3A_1915 : vector<16xf32>
        %gather3A_1917 = tpu.vector_load_idx %arg13[%add3A_207, %broadcast_in_dim3A_1909] : memref<1280x64xf32, #tpu.memory_space<vmem>>[vector<16xi32>, vector<16xi32>], vector<16xf32>,
        %mul3A_1918 = arith.mulf %gather3A_1910, %gather3A_1917 : vector<16xf32>
        %add3A_1919 = arith.addf %add3A_1883, %mul3A_1918 : vector<16xf32>
        %gather3A_1920 = tpu.vector_load_idx %arg13[%add3A_210, %broadcast_in_dim3A_1909] : memref<1280x64xf32, #tpu.memory_space<vmem>>[vector<16xi32>, vector<16xi32>], vector<16xf32>,
        %mul3A_1921 = arith.mulf %gather3A_1910, %gather3A_1920 : vector<16xf32>
        %add3A_1922 = arith.addf %add3A_1886, %mul3A_1921 : vector<16xf32>
        %gather3A_1923 = tpu.vector_load_idx %arg13[%add3A_213, %broadcast_in_dim3A_1909] : memref<1280x64xf32, #tpu.memory_space<vmem>>[vector<16xi32>, vector<16xi32>], vector<16xf32>,
        %mul3A_1924 = arith.mulf %gather3A_1910, %gather3A_1923 : vector<16xf32>
        %add3A_1925 = arith.addf %add3A_1889, %mul3A_1924 : vector<16xf32>
        %gather3A_1926 = tpu.vector_load_idx %arg13[%add3A_216, %broadcast_in_dim3A_1909] : memref<1280x64xf32, #tpu.memory_space<vmem>>[vector<16xi32>, vector<16xi32>], vector<16xf32>,
        %mul3A_1927 = arith.mulf %gather3A_1910, %gather3A_1926 : vector<16xf32>
        %add3A_1928 = arith.addf %add3A_1892, %mul3A_1927 : vector<16xf32>
        %gather3A_1929 = tpu.vector_load_idx %arg13[%add3A_219, %broadcast_in_dim3A_1909] : memref<1280x64xf32, #tpu.memory_space<vmem>>[vector<16xi32>, vector<16xi32>], vector<16xf32>,
        %mul3A_1930 = arith.mulf %gather3A_1910, %gather3A_1929 : vector<16xf32>
        %add3A_1931 = arith.addf %add3A_1895, %mul3A_1930 : vector<16xf32>
        %gather3A_1932 = tpu.vector_load_idx %arg13[%add3A_222, %broadcast_in_dim3A_1909] : memref<1280x64xf32, #tpu.memory_space<vmem>>[vector<16xi32>, vector<16xi32>], vector<16xf32>,
        %mul3A_1933 = arith.mulf %gather3A_1910, %gather3A_1932 : vector<16xf32>
        %add3A_1934 = arith.addf %add3A_1898, %mul3A_1933 : vector<16xf32>
        %gather3A_1935 = tpu.vector_load_idx %arg13[%add3A_225, %broadcast_in_dim3A_1909] : memref<1280x64xf32, #tpu.memory_space<vmem>>[vector<16xi32>, vector<16xi32>], vector<16xf32>,
        %mul3A_1936 = arith.mulf %gather3A_1910, %gather3A_1935 : vector<16xf32>
        %add3A_1937 = arith.addf %add3A_1901, %mul3A_1936 : vector<16xf32>
        %gather3A_1938 = tpu.vector_load_idx %arg13[%add3A_228, %broadcast_in_dim3A_1909] : memref<1280x64xf32, #tpu.memory_space<vmem>>[vector<16xi32>, vector<16xi32>], vector<16xf32>,
        %mul3A_1939 = arith.mulf %gather3A_1910, %gather3A_1938 : vector<16xf32>
        %add3A_1940 = arith.addf %add3A_1904, %mul3A_1939 : vector<16xf32>
        %gather3A_1941 = tpu.vector_load_idx %arg13[%add3A_231, %broadcast_in_dim3A_1909] : memref<1280x64xf32, #tpu.memory_space<vmem>>[vector<16xi32>, vector<16xi32>], vector<16xf32>,
        %mul3A_1942 = arith.mulf %gather3A_1910, %gather3A_1941 : vector<16xf32>
        %add3A_1943 = arith.addf %add3A_1907, %mul3A_1942 : vector<16xf32>
        %broadcast_in_dim3A_1944 = arith.constant 47 : i32
        %broadcast_in_dim3A_1945 = vector.broadcast %broadcast_in_dim3A_1944 : i32 to vector<16xi32>
        %gather3A_1946 = tpu.vector_load_idx %arg11[%add3A_197, %broadcast_in_dim3A_1945] : memref<128x64xf32, #tpu.memory_space<vmem>>[vector<16xi32>, vector<16xi32>], vector<16xf32>,
        %gather3A_1947 = tpu.vector_load_idx %arg12[%add3A_197, %broadcast_in_dim3A_1945] : memref<128x64xf32, #tpu.memory_space<vmem>>[vector<16xi32>, vector<16xi32>], vector<16xf32>,
        %mul3A_1948 = arith.mulf %gather3A_1946, %gather3A_1947 : vector<16xf32>
        %add3A_1949 = arith.addf %add3A_1913, %mul3A_1948 : vector<16xf32>
        %gather3A_1950 = tpu.vector_load_idx %arg13[%add3A_204, %broadcast_in_dim3A_1945] : memref<1280x64xf32, #tpu.memory_space<vmem>>[vector<16xi32>, vector<16xi32>], vector<16xf32>,
        %mul3A_1951 = arith.mulf %gather3A_1946, %gather3A_1950 : vector<16xf32>
        %add3A_1952 = arith.addf %add3A_1916, %mul3A_1951 : vector<16xf32>
        %gather3A_1953 = tpu.vector_load_idx %arg13[%add3A_207, %broadcast_in_dim3A_1945] : memref<1280x64xf32, #tpu.memory_space<vmem>>[vector<16xi32>, vector<16xi32>], vector<16xf32>,
        %mul3A_1954 = arith.mulf %gather3A_1946, %gather3A_1953 : vector<16xf32>
        %add3A_1955 = arith.addf %add3A_1919, %mul3A_1954 : vector<16xf32>
        %gather3A_1956 = tpu.vector_load_idx %arg13[%add3A_210, %broadcast_in_dim3A_1945] : memref<1280x64xf32, #tpu.memory_space<vmem>>[vector<16xi32>, vector<16xi32>], vector<16xf32>,
        %mul3A_1957 = arith.mulf %gather3A_1946, %gather3A_1956 : vector<16xf32>
        %add3A_1958 = arith.addf %add3A_1922, %mul3A_1957 : vector<16xf32>
        %gather3A_1959 = tpu.vector_load_idx %arg13[%add3A_213, %broadcast_in_dim3A_1945] : memref<1280x64xf32, #tpu.memory_space<vmem>>[vector<16xi32>, vector<16xi32>], vector<16xf32>,
        %mul3A_1960 = arith.mulf %gather3A_1946, %gather3A_1959 : vector<16xf32>
        %add3A_1961 = arith.addf %add3A_1925, %mul3A_1960 : vector<16xf32>
        %gather3A_1962 = tpu.vector_load_idx %arg13[%add3A_216, %broadcast_in_dim3A_1945] : memref<1280x64xf32, #tpu.memory_space<vmem>>[vector<16xi32>, vector<16xi32>], vector<16xf32>,
        %mul3A_1963 = arith.mulf %gather3A_1946, %gather3A_1962 : vector<16xf32>
        %add3A_1964 = arith.addf %add3A_1928, %mul3A_1963 : vector<16xf32>
        %gather3A_1965 = tpu.vector_load_idx %arg13[%add3A_219, %broadcast_in_dim3A_1945] : memref<1280x64xf32, #tpu.memory_space<vmem>>[vector<16xi32>, vector<16xi32>], vector<16xf32>,
        %mul3A_1966 = arith.mulf %gather3A_1946, %gather3A_1965 : vector<16xf32>
        %add3A_1967 = arith.addf %add3A_1931, %mul3A_1966 : vector<16xf32>
        %gather3A_1968 = tpu.vector_load_idx %arg13[%add3A_222, %broadcast_in_dim3A_1945] : memref<1280x64xf32, #tpu.memory_space<vmem>>[vector<16xi32>, vector<16xi32>], vector<16xf32>,
        %mul3A_1969 = arith.mulf %gather3A_1946, %gather3A_1968 : vector<16xf32>
        %add3A_1970 = arith.addf %add3A_1934, %mul3A_1969 : vector<16xf32>
        %gather3A_1971 = tpu.vector_load_idx %arg13[%add3A_225, %broadcast_in_dim3A_1945] : memref<1280x64xf32, #tpu.memory_space<vmem>>[vector<16xi32>, vector<16xi32>], vector<16xf32>,
        %mul3A_1972 = arith.mulf %gather3A_1946, %gather3A_1971 : vector<16xf32>
        %add3A_1973 = arith.addf %add3A_1937, %mul3A_1972 : vector<16xf32>
        %gather3A_1974 = tpu.vector_load_idx %arg13[%add3A_228, %broadcast_in_dim3A_1945] : memref<1280x64xf32, #tpu.memory_space<vmem>>[vector<16xi32>, vector<16xi32>], vector<16xf32>,
        %mul3A_1975 = arith.mulf %gather3A_1946, %gather3A_1974 : vector<16xf32>
        %add3A_1976 = arith.addf %add3A_1940, %mul3A_1975 : vector<16xf32>
        %gather3A_1977 = tpu.vector_load_idx %arg13[%add3A_231, %broadcast_in_dim3A_1945] : memref<1280x64xf32, #tpu.memory_space<vmem>>[vector<16xi32>, vector<16xi32>], vector<16xf32>,
        %mul3A_1978 = arith.mulf %gather3A_1946, %gather3A_1977 : vector<16xf32>
        %add3A_1979 = arith.addf %add3A_1943, %mul3A_1978 : vector<16xf32>
        %broadcast_in_dim3A_1980 = arith.constant 48 : i32
        %broadcast_in_dim3A_1981 = vector.broadcast %broadcast_in_dim3A_1980 : i32 to vector<16xi32>
        %gather3A_1982 = tpu.vector_load_idx %arg11[%add3A_197, %broadcast_in_dim3A_1981] : memref<128x64xf32, #tpu.memory_space<vmem>>[vector<16xi32>, vector<16xi32>], vector<16xf32>,
        %gather3A_1983 = tpu.vector_load_idx %arg12[%add3A_197, %broadcast_in_dim3A_1981] : memref<128x64xf32, #tpu.memory_space<vmem>>[vector<16xi32>, vector<16xi32>], vector<16xf32>,
        %mul3A_1984 = arith.mulf %gather3A_1982, %gather3A_1983 : vector<16xf32>
        %add3A_1985 = arith.addf %add3A_1949, %mul3A_1984 : vector<16xf32>
        %gather3A_1986 = tpu.vector_load_idx %arg13[%add3A_204, %broadcast_in_dim3A_1981] : memref<1280x64xf32, #tpu.memory_space<vmem>>[vector<16xi32>, vector<16xi32>], vector<16xf32>,
        %mul3A_1987 = arith.mulf %gather3A_1982, %gather3A_1986 : vector<16xf32>
        %add3A_1988 = arith.addf %add3A_1952, %mul3A_1987 : vector<16xf32>
        %gather3A_1989 = tpu.vector_load_idx %arg13[%add3A_207, %broadcast_in_dim3A_1981] : memref<1280x64xf32, #tpu.memory_space<vmem>>[vector<16xi32>, vector<16xi32>], vector<16xf32>,
        %mul3A_1990 = arith.mulf %gather3A_1982, %gather3A_1989 : vector<16xf32>
        %add3A_1991 = arith.addf %add3A_1955, %mul3A_1990 : vector<16xf32>
        %gather3A_1992 = tpu.vector_load_idx %arg13[%add3A_210, %broadcast_in_dim3A_1981] : memref<1280x64xf32, #tpu.memory_space<vmem>>[vector<16xi32>, vector<16xi32>], vector<16xf32>,
        %mul3A_1993 = arith.mulf %gather3A_1982, %gather3A_1992 : vector<16xf32>
        %add3A_1994 = arith.addf %add3A_1958, %mul3A_1993 : vector<16xf32>
        %gather3A_1995 = tpu.vector_load_idx %arg13[%add3A_213, %broadcast_in_dim3A_1981] : memref<1280x64xf32, #tpu.memory_space<vmem>>[vector<16xi32>, vector<16xi32>], vector<16xf32>,
        %mul3A_1996 = arith.mulf %gather3A_1982, %gather3A_1995 : vector<16xf32>
        %add3A_1997 = arith.addf %add3A_1961, %mul3A_1996 : vector<16xf32>
        %gather3A_1998 = tpu.vector_load_idx %arg13[%add3A_216, %broadcast_in_dim3A_1981] : memref<1280x64xf32, #tpu.memory_space<vmem>>[vector<16xi32>, vector<16xi32>], vector<16xf32>,
        %mul3A_1999 = arith.mulf %gather3A_1982, %gather3A_1998 : vector<16xf32>
        %add3A_2000 = arith.addf %add3A_1964, %mul3A_1999 : vector<16xf32>
        %gather3A_2001 = tpu.vector_load_idx %arg13[%add3A_219, %broadcast_in_dim3A_1981] : memref<1280x64xf32, #tpu.memory_space<vmem>>[vector<16xi32>, vector<16xi32>], vector<16xf32>,
        %mul3A_2002 = arith.mulf %gather3A_1982, %gather3A_2001 : vector<16xf32>
        %add3A_2003 = arith.addf %add3A_1967, %mul3A_2002 : vector<16xf32>
        %gather3A_2004 = tpu.vector_load_idx %arg13[%add3A_222, %broadcast_in_dim3A_1981] : memref<1280x64xf32, #tpu.memory_space<vmem>>[vector<16xi32>, vector<16xi32>], vector<16xf32>,
        %mul3A_2005 = arith.mulf %gather3A_1982, %gather3A_2004 : vector<16xf32>
        %add3A_2006 = arith.addf %add3A_1970, %mul3A_2005 : vector<16xf32>
        %gather3A_2007 = tpu.vector_load_idx %arg13[%add3A_225, %broadcast_in_dim3A_1981] : memref<1280x64xf32, #tpu.memory_space<vmem>>[vector<16xi32>, vector<16xi32>], vector<16xf32>,
        %mul3A_2008 = arith.mulf %gather3A_1982, %gather3A_2007 : vector<16xf32>
        %add3A_2009 = arith.addf %add3A_1973, %mul3A_2008 : vector<16xf32>
        %gather3A_2010 = tpu.vector_load_idx %arg13[%add3A_228, %broadcast_in_dim3A_1981] : memref<1280x64xf32, #tpu.memory_space<vmem>>[vector<16xi32>, vector<16xi32>], vector<16xf32>,
        %mul3A_2011 = arith.mulf %gather3A_1982, %gather3A_2010 : vector<16xf32>
        %add3A_2012 = arith.addf %add3A_1976, %mul3A_2011 : vector<16xf32>
        %gather3A_2013 = tpu.vector_load_idx %arg13[%add3A_231, %broadcast_in_dim3A_1981] : memref<1280x64xf32, #tpu.memory_space<vmem>>[vector<16xi32>, vector<16xi32>], vector<16xf32>,
        %mul3A_2014 = arith.mulf %gather3A_1982, %gather3A_2013 : vector<16xf32>
        %add3A_2015 = arith.addf %add3A_1979, %mul3A_2014 : vector<16xf32>
        %broadcast_in_dim3A_2016 = arith.constant 49 : i32
        %broadcast_in_dim3A_2017 = vector.broadcast %broadcast_in_dim3A_2016 : i32 to vector<16xi32>
        %gather3A_2018 = tpu.vector_load_idx %arg11[%add3A_197, %broadcast_in_dim3A_2017] : memref<128x64xf32, #tpu.memory_space<vmem>>[vector<16xi32>, vector<16xi32>], vector<16xf32>,
        %gather3A_2019 = tpu.vector_load_idx %arg12[%add3A_197, %broadcast_in_dim3A_2017] : memref<128x64xf32, #tpu.memory_space<vmem>>[vector<16xi32>, vector<16xi32>], vector<16xf32>,
        %mul3A_2020 = arith.mulf %gather3A_2018, %gather3A_2019 : vector<16xf32>
        %add3A_2021 = arith.addf %add3A_1985, %mul3A_2020 : vector<16xf32>
        %gather3A_2022 = tpu.vector_load_idx %arg13[%add3A_204, %broadcast_in_dim3A_2017] : memref<1280x64xf32, #tpu.memory_space<vmem>>[vector<16xi32>, vector<16xi32>], vector<16xf32>,
        %mul3A_2023 = arith.mulf %gather3A_2018, %gather3A_2022 : vector<16xf32>
        %add3A_2024 = arith.addf %add3A_1988, %mul3A_2023 : vector<16xf32>
        %gather3A_2025 = tpu.vector_load_idx %arg13[%add3A_207, %broadcast_in_dim3A_2017] : memref<1280x64xf32, #tpu.memory_space<vmem>>[vector<16xi32>, vector<16xi32>], vector<16xf32>,
        %mul3A_2026 = arith.mulf %gather3A_2018, %gather3A_2025 : vector<16xf32>
        %add3A_2027 = arith.addf %add3A_1991, %mul3A_2026 : vector<16xf32>
        %gather3A_2028 = tpu.vector_load_idx %arg13[%add3A_210, %broadcast_in_dim3A_2017] : memref<1280x64xf32, #tpu.memory_space<vmem>>[vector<16xi32>, vector<16xi32>], vector<16xf32>,
        %mul3A_2029 = arith.mulf %gather3A_2018, %gather3A_2028 : vector<16xf32>
        %add3A_2030 = arith.addf %add3A_1994, %mul3A_2029 : vector<16xf32>
        %gather3A_2031 = tpu.vector_load_idx %arg13[%add3A_213, %broadcast_in_dim3A_2017] : memref<1280x64xf32, #tpu.memory_space<vmem>>[vector<16xi32>, vector<16xi32>], vector<16xf32>,
        %mul3A_2032 = arith.mulf %gather3A_2018, %gather3A_2031 : vector<16xf32>
        %add3A_2033 = arith.addf %add3A_1997, %mul3A_2032 : vector<16xf32>
        %gather3A_2034 = tpu.vector_load_idx %arg13[%add3A_216, %broadcast_in_dim3A_2017] : memref<1280x64xf32, #tpu.memory_space<vmem>>[vector<16xi32>, vector<16xi32>], vector<16xf32>,
        %mul3A_2035 = arith.mulf %gather3A_2018, %gather3A_2034 : vector<16xf32>
        %add3A_2036 = arith.addf %add3A_2000, %mul3A_2035 : vector<16xf32>
        %gather3A_2037 = tpu.vector_load_idx %arg13[%add3A_219, %broadcast_in_dim3A_2017] : memref<1280x64xf32, #tpu.memory_space<vmem>>[vector<16xi32>, vector<16xi32>], vector<16xf32>,
        %mul3A_2038 = arith.mulf %gather3A_2018, %gather3A_2037 : vector<16xf32>
        %add3A_2039 = arith.addf %add3A_2003, %mul3A_2038 : vector<16xf32>
        %gather3A_2040 = tpu.vector_load_idx %arg13[%add3A_222, %broadcast_in_dim3A_2017] : memref<1280x64xf32, #tpu.memory_space<vmem>>[vector<16xi32>, vector<16xi32>], vector<16xf32>,
        %mul3A_2041 = arith.mulf %gather3A_2018, %gather3A_2040 : vector<16xf32>
        %add3A_2042 = arith.addf %add3A_2006, %mul3A_2041 : vector<16xf32>
        %gather3A_2043 = tpu.vector_load_idx %arg13[%add3A_225, %broadcast_in_dim3A_2017] : memref<1280x64xf32, #tpu.memory_space<vmem>>[vector<16xi32>, vector<16xi32>], vector<16xf32>,
        %mul3A_2044 = arith.mulf %gather3A_2018, %gather3A_2043 : vector<16xf32>
        %add3A_2045 = arith.addf %add3A_2009, %mul3A_2044 : vector<16xf32>
        %gather3A_2046 = tpu.vector_load_idx %arg13[%add3A_228, %broadcast_in_dim3A_2017] : memref<1280x64xf32, #tpu.memory_space<vmem>>[vector<16xi32>, vector<16xi32>], vector<16xf32>,
        %mul3A_2047 = arith.mulf %gather3A_2018, %gather3A_2046 : vector<16xf32>
        %add3A_2048 = arith.addf %add3A_2012, %mul3A_2047 : vector<16xf32>
        %gather3A_2049 = tpu.vector_load_idx %arg13[%add3A_231, %broadcast_in_dim3A_2017] : memref<1280x64xf32, #tpu.memory_space<vmem>>[vector<16xi32>, vector<16xi32>], vector<16xf32>,
        %mul3A_2050 = arith.mulf %gather3A_2018, %gather3A_2049 : vector<16xf32>
        %add3A_2051 = arith.addf %add3A_2015, %mul3A_2050 : vector<16xf32>
        %broadcast_in_dim3A_2052 = arith.constant 50 : i32
        %broadcast_in_dim3A_2053 = vector.broadcast %broadcast_in_dim3A_2052 : i32 to vector<16xi32>
        %gather3A_2054 = tpu.vector_load_idx %arg11[%add3A_197, %broadcast_in_dim3A_2053] : memref<128x64xf32, #tpu.memory_space<vmem>>[vector<16xi32>, vector<16xi32>], vector<16xf32>,
        %gather3A_2055 = tpu.vector_load_idx %arg12[%add3A_197, %broadcast_in_dim3A_2053] : memref<128x64xf32, #tpu.memory_space<vmem>>[vector<16xi32>, vector<16xi32>], vector<16xf32>,
        %mul3A_2056 = arith.mulf %gather3A_2054, %gather3A_2055 : vector<16xf32>
        %add3A_2057 = arith.addf %add3A_2021, %mul3A_2056 : vector<16xf32>
        %gather3A_2058 = tpu.vector_load_idx %arg13[%add3A_204, %broadcast_in_dim3A_2053] : memref<1280x64xf32, #tpu.memory_space<vmem>>[vector<16xi32>, vector<16xi32>], vector<16xf32>,
        %mul3A_2059 = arith.mulf %gather3A_2054, %gather3A_2058 : vector<16xf32>
        %add3A_2060 = arith.addf %add3A_2024, %mul3A_2059 : vector<16xf32>
        %gather3A_2061 = tpu.vector_load_idx %arg13[%add3A_207, %broadcast_in_dim3A_2053] : memref<1280x64xf32, #tpu.memory_space<vmem>>[vector<16xi32>, vector<16xi32>], vector<16xf32>,
        %mul3A_2062 = arith.mulf %gather3A_2054, %gather3A_2061 : vector<16xf32>
        %add3A_2063 = arith.addf %add3A_2027, %mul3A_2062 : vector<16xf32>
        %gather3A_2064 = tpu.vector_load_idx %arg13[%add3A_210, %broadcast_in_dim3A_2053] : memref<1280x64xf32, #tpu.memory_space<vmem>>[vector<16xi32>, vector<16xi32>], vector<16xf32>,
        %mul3A_2065 = arith.mulf %gather3A_2054, %gather3A_2064 : vector<16xf32>
        %add3A_2066 = arith.addf %add3A_2030, %mul3A_2065 : vector<16xf32>
        %gather3A_2067 = tpu.vector_load_idx %arg13[%add3A_213, %broadcast_in_dim3A_2053] : memref<1280x64xf32, #tpu.memory_space<vmem>>[vector<16xi32>, vector<16xi32>], vector<16xf32>,
        %mul3A_2068 = arith.mulf %gather3A_2054, %gather3A_2067 : vector<16xf32>
        %add3A_2069 = arith.addf %add3A_2033, %mul3A_2068 : vector<16xf32>
        %gather3A_2070 = tpu.vector_load_idx %arg13[%add3A_216, %broadcast_in_dim3A_2053] : memref<1280x64xf32, #tpu.memory_space<vmem>>[vector<16xi32>, vector<16xi32>], vector<16xf32>,
        %mul3A_2071 = arith.mulf %gather3A_2054, %gather3A_2070 : vector<16xf32>
        %add3A_2072 = arith.addf %add3A_2036, %mul3A_2071 : vector<16xf32>
        %gather3A_2073 = tpu.vector_load_idx %arg13[%add3A_219, %broadcast_in_dim3A_2053] : memref<1280x64xf32, #tpu.memory_space<vmem>>[vector<16xi32>, vector<16xi32>], vector<16xf32>,
        %mul3A_2074 = arith.mulf %gather3A_2054, %gather3A_2073 : vector<16xf32>
        %add3A_2075 = arith.addf %add3A_2039, %mul3A_2074 : vector<16xf32>
        %gather3A_2076 = tpu.vector_load_idx %arg13[%add3A_222, %broadcast_in_dim3A_2053] : memref<1280x64xf32, #tpu.memory_space<vmem>>[vector<16xi32>, vector<16xi32>], vector<16xf32>,
        %mul3A_2077 = arith.mulf %gather3A_2054, %gather3A_2076 : vector<16xf32>
        %add3A_2078 = arith.addf %add3A_2042, %mul3A_2077 : vector<16xf32>
        %gather3A_2079 = tpu.vector_load_idx %arg13[%add3A_225, %broadcast_in_dim3A_2053] : memref<1280x64xf32, #tpu.memory_space<vmem>>[vector<16xi32>, vector<16xi32>], vector<16xf32>,
        %mul3A_2080 = arith.mulf %gather3A_2054, %gather3A_2079 : vector<16xf32>
        %add3A_2081 = arith.addf %add3A_2045, %mul3A_2080 : vector<16xf32>
        %gather3A_2082 = tpu.vector_load_idx %arg13[%add3A_228, %broadcast_in_dim3A_2053] : memref<1280x64xf32, #tpu.memory_space<vmem>>[vector<16xi32>, vector<16xi32>], vector<16xf32>,
        %mul3A_2083 = arith.mulf %gather3A_2054, %gather3A_2082 : vector<16xf32>
        %add3A_2084 = arith.addf %add3A_2048, %mul3A_2083 : vector<16xf32>
        %gather3A_2085 = tpu.vector_load_idx %arg13[%add3A_231, %broadcast_in_dim3A_2053] : memref<1280x64xf32, #tpu.memory_space<vmem>>[vector<16xi32>, vector<16xi32>], vector<16xf32>,
        %mul3A_2086 = arith.mulf %gather3A_2054, %gather3A_2085 : vector<16xf32>
        %add3A_2087 = arith.addf %add3A_2051, %mul3A_2086 : vector<16xf32>
        %broadcast_in_dim3A_2088 = arith.constant 51 : i32
        %broadcast_in_dim3A_2089 = vector.broadcast %broadcast_in_dim3A_2088 : i32 to vector<16xi32>
        %gather3A_2090 = tpu.vector_load_idx %arg11[%add3A_197, %broadcast_in_dim3A_2089] : memref<128x64xf32, #tpu.memory_space<vmem>>[vector<16xi32>, vector<16xi32>], vector<16xf32>,
        %gather3A_2091 = tpu.vector_load_idx %arg12[%add3A_197, %broadcast_in_dim3A_2089] : memref<128x64xf32, #tpu.memory_space<vmem>>[vector<16xi32>, vector<16xi32>], vector<16xf32>,
        %mul3A_2092 = arith.mulf %gather3A_2090, %gather3A_2091 : vector<16xf32>
        %add3A_2093 = arith.addf %add3A_2057, %mul3A_2092 : vector<16xf32>
        %gather3A_2094 = tpu.vector_load_idx %arg13[%add3A_204, %broadcast_in_dim3A_2089] : memref<1280x64xf32, #tpu.memory_space<vmem>>[vector<16xi32>, vector<16xi32>], vector<16xf32>,
        %mul3A_2095 = arith.mulf %gather3A_2090, %gather3A_2094 : vector<16xf32>
        %add3A_2096 = arith.addf %add3A_2060, %mul3A_2095 : vector<16xf32>
        %gather3A_2097 = tpu.vector_load_idx %arg13[%add3A_207, %broadcast_in_dim3A_2089] : memref<1280x64xf32, #tpu.memory_space<vmem>>[vector<16xi32>, vector<16xi32>], vector<16xf32>,
        %mul3A_2098 = arith.mulf %gather3A_2090, %gather3A_2097 : vector<16xf32>
        %add3A_2099 = arith.addf %add3A_2063, %mul3A_2098 : vector<16xf32>
        %gather3A_2100 = tpu.vector_load_idx %arg13[%add3A_210, %broadcast_in_dim3A_2089] : memref<1280x64xf32, #tpu.memory_space<vmem>>[vector<16xi32>, vector<16xi32>], vector<16xf32>,
        %mul3A_2101 = arith.mulf %gather3A_2090, %gather3A_2100 : vector<16xf32>
        %add3A_2102 = arith.addf %add3A_2066, %mul3A_2101 : vector<16xf32>
        %gather3A_2103 = tpu.vector_load_idx %arg13[%add3A_213, %broadcast_in_dim3A_2089] : memref<1280x64xf32, #tpu.memory_space<vmem>>[vector<16xi32>, vector<16xi32>], vector<16xf32>,
        %mul3A_2104 = arith.mulf %gather3A_2090, %gather3A_2103 : vector<16xf32>
        %add3A_2105 = arith.addf %add3A_2069, %mul3A_2104 : vector<16xf32>
        %gather3A_2106 = tpu.vector_load_idx %arg13[%add3A_216, %broadcast_in_dim3A_2089] : memref<1280x64xf32, #tpu.memory_space<vmem>>[vector<16xi32>, vector<16xi32>], vector<16xf32>,
        %mul3A_2107 = arith.mulf %gather3A_2090, %gather3A_2106 : vector<16xf32>
        %add3A_2108 = arith.addf %add3A_2072, %mul3A_2107 : vector<16xf32>
        %gather3A_2109 = tpu.vector_load_idx %arg13[%add3A_219, %broadcast_in_dim3A_2089] : memref<1280x64xf32, #tpu.memory_space<vmem>>[vector<16xi32>, vector<16xi32>], vector<16xf32>,
        %mul3A_2110 = arith.mulf %gather3A_2090, %gather3A_2109 : vector<16xf32>
        %add3A_2111 = arith.addf %add3A_2075, %mul3A_2110 : vector<16xf32>
        %gather3A_2112 = tpu.vector_load_idx %arg13[%add3A_222, %broadcast_in_dim3A_2089] : memref<1280x64xf32, #tpu.memory_space<vmem>>[vector<16xi32>, vector<16xi32>], vector<16xf32>,
        %mul3A_2113 = arith.mulf %gather3A_2090, %gather3A_2112 : vector<16xf32>
        %add3A_2114 = arith.addf %add3A_2078, %mul3A_2113 : vector<16xf32>
        %gather3A_2115 = tpu.vector_load_idx %arg13[%add3A_225, %broadcast_in_dim3A_2089] : memref<1280x64xf32, #tpu.memory_space<vmem>>[vector<16xi32>, vector<16xi32>], vector<16xf32>,
        %mul3A_2116 = arith.mulf %gather3A_2090, %gather3A_2115 : vector<16xf32>
        %add3A_2117 = arith.addf %add3A_2081, %mul3A_2116 : vector<16xf32>
        %gather3A_2118 = tpu.vector_load_idx %arg13[%add3A_228, %broadcast_in_dim3A_2089] : memref<1280x64xf32, #tpu.memory_space<vmem>>[vector<16xi32>, vector<16xi32>], vector<16xf32>,
        %mul3A_2119 = arith.mulf %gather3A_2090, %gather3A_2118 : vector<16xf32>
        %add3A_2120 = arith.addf %add3A_2084, %mul3A_2119 : vector<16xf32>
        %gather3A_2121 = tpu.vector_load_idx %arg13[%add3A_231, %broadcast_in_dim3A_2089] : memref<1280x64xf32, #tpu.memory_space<vmem>>[vector<16xi32>, vector<16xi32>], vector<16xf32>,
        %mul3A_2122 = arith.mulf %gather3A_2090, %gather3A_2121 : vector<16xf32>
        %add3A_2123 = arith.addf %add3A_2087, %mul3A_2122 : vector<16xf32>
        %broadcast_in_dim3A_2124 = arith.constant 52 : i32
        %broadcast_in_dim3A_2125 = vector.broadcast %broadcast_in_dim3A_2124 : i32 to vector<16xi32>
        %gather3A_2126 = tpu.vector_load_idx %arg11[%add3A_197, %broadcast_in_dim3A_2125] : memref<128x64xf32, #tpu.memory_space<vmem>>[vector<16xi32>, vector<16xi32>], vector<16xf32>,
        %gather3A_2127 = tpu.vector_load_idx %arg12[%add3A_197, %broadcast_in_dim3A_2125] : memref<128x64xf32, #tpu.memory_space<vmem>>[vector<16xi32>, vector<16xi32>], vector<16xf32>,
        %mul3A_2128 = arith.mulf %gather3A_2126, %gather3A_2127 : vector<16xf32>
        %add3A_2129 = arith.addf %add3A_2093, %mul3A_2128 : vector<16xf32>
        %gather3A_2130 = tpu.vector_load_idx %arg13[%add3A_204, %broadcast_in_dim3A_2125] : memref<1280x64xf32, #tpu.memory_space<vmem>>[vector<16xi32>, vector<16xi32>], vector<16xf32>,
        %mul3A_2131 = arith.mulf %gather3A_2126, %gather3A_2130 : vector<16xf32>
        %add3A_2132 = arith.addf %add3A_2096, %mul3A_2131 : vector<16xf32>
        %gather3A_2133 = tpu.vector_load_idx %arg13[%add3A_207, %broadcast_in_dim3A_2125] : memref<1280x64xf32, #tpu.memory_space<vmem>>[vector<16xi32>, vector<16xi32>], vector<16xf32>,
        %mul3A_2134 = arith.mulf %gather3A_2126, %gather3A_2133 : vector<16xf32>
        %add3A_2135 = arith.addf %add3A_2099, %mul3A_2134 : vector<16xf32>
        %gather3A_2136 = tpu.vector_load_idx %arg13[%add3A_210, %broadcast_in_dim3A_2125] : memref<1280x64xf32, #tpu.memory_space<vmem>>[vector<16xi32>, vector<16xi32>], vector<16xf32>,
        %mul3A_2137 = arith.mulf %gather3A_2126, %gather3A_2136 : vector<16xf32>
        %add3A_2138 = arith.addf %add3A_2102, %mul3A_2137 : vector<16xf32>
        %gather3A_2139 = tpu.vector_load_idx %arg13[%add3A_213, %broadcast_in_dim3A_2125] : memref<1280x64xf32, #tpu.memory_space<vmem>>[vector<16xi32>, vector<16xi32>], vector<16xf32>,
        %mul3A_2140 = arith.mulf %gather3A_2126, %gather3A_2139 : vector<16xf32>
        %add3A_2141 = arith.addf %add3A_2105, %mul3A_2140 : vector<16xf32>
        %gather3A_2142 = tpu.vector_load_idx %arg13[%add3A_216, %broadcast_in_dim3A_2125] : memref<1280x64xf32, #tpu.memory_space<vmem>>[vector<16xi32>, vector<16xi32>], vector<16xf32>,
        %mul3A_2143 = arith.mulf %gather3A_2126, %gather3A_2142 : vector<16xf32>
        %add3A_2144 = arith.addf %add3A_2108, %mul3A_2143 : vector<16xf32>
        %gather3A_2145 = tpu.vector_load_idx %arg13[%add3A_219, %broadcast_in_dim3A_2125] : memref<1280x64xf32, #tpu.memory_space<vmem>>[vector<16xi32>, vector<16xi32>], vector<16xf32>,
        %mul3A_2146 = arith.mulf %gather3A_2126, %gather3A_2145 : vector<16xf32>
        %add3A_2147 = arith.addf %add3A_2111, %mul3A_2146 : vector<16xf32>
        %gather3A_2148 = tpu.vector_load_idx %arg13[%add3A_222, %broadcast_in_dim3A_2125] : memref<1280x64xf32, #tpu.memory_space<vmem>>[vector<16xi32>, vector<16xi32>], vector<16xf32>,
        %mul3A_2149 = arith.mulf %gather3A_2126, %gather3A_2148 : vector<16xf32>
        %add3A_2150 = arith.addf %add3A_2114, %mul3A_2149 : vector<16xf32>
        %gather3A_2151 = tpu.vector_load_idx %arg13[%add3A_225, %broadcast_in_dim3A_2125] : memref<1280x64xf32, #tpu.memory_space<vmem>>[vector<16xi32>, vector<16xi32>], vector<16xf32>,
        %mul3A_2152 = arith.mulf %gather3A_2126, %gather3A_2151 : vector<16xf32>
        %add3A_2153 = arith.addf %add3A_2117, %mul3A_2152 : vector<16xf32>
        %gather3A_2154 = tpu.vector_load_idx %arg13[%add3A_228, %broadcast_in_dim3A_2125] : memref<1280x64xf32, #tpu.memory_space<vmem>>[vector<16xi32>, vector<16xi32>], vector<16xf32>,
        %mul3A_2155 = arith.mulf %gather3A_2126, %gather3A_2154 : vector<16xf32>
        %add3A_2156 = arith.addf %add3A_2120, %mul3A_2155 : vector<16xf32>
        %gather3A_2157 = tpu.vector_load_idx %arg13[%add3A_231, %broadcast_in_dim3A_2125] : memref<1280x64xf32, #tpu.memory_space<vmem>>[vector<16xi32>, vector<16xi32>], vector<16xf32>,
        %mul3A_2158 = arith.mulf %gather3A_2126, %gather3A_2157 : vector<16xf32>
        %add3A_2159 = arith.addf %add3A_2123, %mul3A_2158 : vector<16xf32>
        %broadcast_in_dim3A_2160 = arith.constant 53 : i32
        %broadcast_in_dim3A_2161 = vector.broadcast %broadcast_in_dim3A_2160 : i32 to vector<16xi32>
        %gather3A_2162 = tpu.vector_load_idx %arg11[%add3A_197, %broadcast_in_dim3A_2161] : memref<128x64xf32, #tpu.memory_space<vmem>>[vector<16xi32>, vector<16xi32>], vector<16xf32>,
        %gather3A_2163 = tpu.vector_load_idx %arg12[%add3A_197, %broadcast_in_dim3A_2161] : memref<128x64xf32, #tpu.memory_space<vmem>>[vector<16xi32>, vector<16xi32>], vector<16xf32>,
        %mul3A_2164 = arith.mulf %gather3A_2162, %gather3A_2163 : vector<16xf32>
        %add3A_2165 = arith.addf %add3A_2129, %mul3A_2164 : vector<16xf32>
        %gather3A_2166 = tpu.vector_load_idx %arg13[%add3A_204, %broadcast_in_dim3A_2161] : memref<1280x64xf32, #tpu.memory_space<vmem>>[vector<16xi32>, vector<16xi32>], vector<16xf32>,
        %mul3A_2167 = arith.mulf %gather3A_2162, %gather3A_2166 : vector<16xf32>
        %add3A_2168 = arith.addf %add3A_2132, %mul3A_2167 : vector<16xf32>
        %gather3A_2169 = tpu.vector_load_idx %arg13[%add3A_207, %broadcast_in_dim3A_2161] : memref<1280x64xf32, #tpu.memory_space<vmem>>[vector<16xi32>, vector<16xi32>], vector<16xf32>,
        %mul3A_2170 = arith.mulf %gather3A_2162, %gather3A_2169 : vector<16xf32>
        %add3A_2171 = arith.addf %add3A_2135, %mul3A_2170 : vector<16xf32>
        %gather3A_2172 = tpu.vector_load_idx %arg13[%add3A_210, %broadcast_in_dim3A_2161] : memref<1280x64xf32, #tpu.memory_space<vmem>>[vector<16xi32>, vector<16xi32>], vector<16xf32>,
        %mul3A_2173 = arith.mulf %gather3A_2162, %gather3A_2172 : vector<16xf32>
        %add3A_2174 = arith.addf %add3A_2138, %mul3A_2173 : vector<16xf32>
        %gather3A_2175 = tpu.vector_load_idx %arg13[%add3A_213, %broadcast_in_dim3A_2161] : memref<1280x64xf32, #tpu.memory_space<vmem>>[vector<16xi32>, vector<16xi32>], vector<16xf32>,
        %mul3A_2176 = arith.mulf %gather3A_2162, %gather3A_2175 : vector<16xf32>
        %add3A_2177 = arith.addf %add3A_2141, %mul3A_2176 : vector<16xf32>
        %gather3A_2178 = tpu.vector_load_idx %arg13[%add3A_216, %broadcast_in_dim3A_2161] : memref<1280x64xf32, #tpu.memory_space<vmem>>[vector<16xi32>, vector<16xi32>], vector<16xf32>,
        %mul3A_2179 = arith.mulf %gather3A_2162, %gather3A_2178 : vector<16xf32>
        %add3A_2180 = arith.addf %add3A_2144, %mul3A_2179 : vector<16xf32>
        %gather3A_2181 = tpu.vector_load_idx %arg13[%add3A_219, %broadcast_in_dim3A_2161] : memref<1280x64xf32, #tpu.memory_space<vmem>>[vector<16xi32>, vector<16xi32>], vector<16xf32>,
        %mul3A_2182 = arith.mulf %gather3A_2162, %gather3A_2181 : vector<16xf32>
        %add3A_2183 = arith.addf %add3A_2147, %mul3A_2182 : vector<16xf32>
        %gather3A_2184 = tpu.vector_load_idx %arg13[%add3A_222, %broadcast_in_dim3A_2161] : memref<1280x64xf32, #tpu.memory_space<vmem>>[vector<16xi32>, vector<16xi32>], vector<16xf32>,
        %mul3A_2185 = arith.mulf %gather3A_2162, %gather3A_2184 : vector<16xf32>
        %add3A_2186 = arith.addf %add3A_2150, %mul3A_2185 : vector<16xf32>
        %gather3A_2187 = tpu.vector_load_idx %arg13[%add3A_225, %broadcast_in_dim3A_2161] : memref<1280x64xf32, #tpu.memory_space<vmem>>[vector<16xi32>, vector<16xi32>], vector<16xf32>,
        %mul3A_2188 = arith.mulf %gather3A_2162, %gather3A_2187 : vector<16xf32>
        %add3A_2189 = arith.addf %add3A_2153, %mul3A_2188 : vector<16xf32>
        %gather3A_2190 = tpu.vector_load_idx %arg13[%add3A_228, %broadcast_in_dim3A_2161] : memref<1280x64xf32, #tpu.memory_space<vmem>>[vector<16xi32>, vector<16xi32>], vector<16xf32>,
        %mul3A_2191 = arith.mulf %gather3A_2162, %gather3A_2190 : vector<16xf32>
        %add3A_2192 = arith.addf %add3A_2156, %mul3A_2191 : vector<16xf32>
        %gather3A_2193 = tpu.vector_load_idx %arg13[%add3A_231, %broadcast_in_dim3A_2161] : memref<1280x64xf32, #tpu.memory_space<vmem>>[vector<16xi32>, vector<16xi32>], vector<16xf32>,
        %mul3A_2194 = arith.mulf %gather3A_2162, %gather3A_2193 : vector<16xf32>
        %add3A_2195 = arith.addf %add3A_2159, %mul3A_2194 : vector<16xf32>
        %broadcast_in_dim3A_2196 = arith.constant 54 : i32
        %broadcast_in_dim3A_2197 = vector.broadcast %broadcast_in_dim3A_2196 : i32 to vector<16xi32>
        %gather3A_2198 = tpu.vector_load_idx %arg11[%add3A_197, %broadcast_in_dim3A_2197] : memref<128x64xf32, #tpu.memory_space<vmem>>[vector<16xi32>, vector<16xi32>], vector<16xf32>,
        %gather3A_2199 = tpu.vector_load_idx %arg12[%add3A_197, %broadcast_in_dim3A_2197] : memref<128x64xf32, #tpu.memory_space<vmem>>[vector<16xi32>, vector<16xi32>], vector<16xf32>,
        %mul3A_2200 = arith.mulf %gather3A_2198, %gather3A_2199 : vector<16xf32>
        %add3A_2201 = arith.addf %add3A_2165, %mul3A_2200 : vector<16xf32>
        %gather3A_2202 = tpu.vector_load_idx %arg13[%add3A_204, %broadcast_in_dim3A_2197] : memref<1280x64xf32, #tpu.memory_space<vmem>>[vector<16xi32>, vector<16xi32>], vector<16xf32>,
        %mul3A_2203 = arith.mulf %gather3A_2198, %gather3A_2202 : vector<16xf32>
        %add3A_2204 = arith.addf %add3A_2168, %mul3A_2203 : vector<16xf32>
        %gather3A_2205 = tpu.vector_load_idx %arg13[%add3A_207, %broadcast_in_dim3A_2197] : memref<1280x64xf32, #tpu.memory_space<vmem>>[vector<16xi32>, vector<16xi32>], vector<16xf32>,
        %mul3A_2206 = arith.mulf %gather3A_2198, %gather3A_2205 : vector<16xf32>
        %add3A_2207 = arith.addf %add3A_2171, %mul3A_2206 : vector<16xf32>
        %gather3A_2208 = tpu.vector_load_idx %arg13[%add3A_210, %broadcast_in_dim3A_2197] : memref<1280x64xf32, #tpu.memory_space<vmem>>[vector<16xi32>, vector<16xi32>], vector<16xf32>,
        %mul3A_2209 = arith.mulf %gather3A_2198, %gather3A_2208 : vector<16xf32>
        %add3A_2210 = arith.addf %add3A_2174, %mul3A_2209 : vector<16xf32>
        %gather3A_2211 = tpu.vector_load_idx %arg13[%add3A_213, %broadcast_in_dim3A_2197] : memref<1280x64xf32, #tpu.memory_space<vmem>>[vector<16xi32>, vector<16xi32>], vector<16xf32>,
        %mul3A_2212 = arith.mulf %gather3A_2198, %gather3A_2211 : vector<16xf32>
        %add3A_2213 = arith.addf %add3A_2177, %mul3A_2212 : vector<16xf32>
        %gather3A_2214 = tpu.vector_load_idx %arg13[%add3A_216, %broadcast_in_dim3A_2197] : memref<1280x64xf32, #tpu.memory_space<vmem>>[vector<16xi32>, vector<16xi32>], vector<16xf32>,
        %mul3A_2215 = arith.mulf %gather3A_2198, %gather3A_2214 : vector<16xf32>
        %add3A_2216 = arith.addf %add3A_2180, %mul3A_2215 : vector<16xf32>
        %gather3A_2217 = tpu.vector_load_idx %arg13[%add3A_219, %broadcast_in_dim3A_2197] : memref<1280x64xf32, #tpu.memory_space<vmem>>[vector<16xi32>, vector<16xi32>], vector<16xf32>,
        %mul3A_2218 = arith.mulf %gather3A_2198, %gather3A_2217 : vector<16xf32>
        %add3A_2219 = arith.addf %add3A_2183, %mul3A_2218 : vector<16xf32>
        %gather3A_2220 = tpu.vector_load_idx %arg13[%add3A_222, %broadcast_in_dim3A_2197] : memref<1280x64xf32, #tpu.memory_space<vmem>>[vector<16xi32>, vector<16xi32>], vector<16xf32>,
        %mul3A_2221 = arith.mulf %gather3A_2198, %gather3A_2220 : vector<16xf32>
        %add3A_2222 = arith.addf %add3A_2186, %mul3A_2221 : vector<16xf32>
        %gather3A_2223 = tpu.vector_load_idx %arg13[%add3A_225, %broadcast_in_dim3A_2197] : memref<1280x64xf32, #tpu.memory_space<vmem>>[vector<16xi32>, vector<16xi32>], vector<16xf32>,
        %mul3A_2224 = arith.mulf %gather3A_2198, %gather3A_2223 : vector<16xf32>
        %add3A_2225 = arith.addf %add3A_2189, %mul3A_2224 : vector<16xf32>
        %gather3A_2226 = tpu.vector_load_idx %arg13[%add3A_228, %broadcast_in_dim3A_2197] : memref<1280x64xf32, #tpu.memory_space<vmem>>[vector<16xi32>, vector<16xi32>], vector<16xf32>,
        %mul3A_2227 = arith.mulf %gather3A_2198, %gather3A_2226 : vector<16xf32>
        %add3A_2228 = arith.addf %add3A_2192, %mul3A_2227 : vector<16xf32>
        %gather3A_2229 = tpu.vector_load_idx %arg13[%add3A_231, %broadcast_in_dim3A_2197] : memref<1280x64xf32, #tpu.memory_space<vmem>>[vector<16xi32>, vector<16xi32>], vector<16xf32>,
        %mul3A_2230 = arith.mulf %gather3A_2198, %gather3A_2229 : vector<16xf32>
        %add3A_2231 = arith.addf %add3A_2195, %mul3A_2230 : vector<16xf32>
        %broadcast_in_dim3A_2232 = arith.constant 55 : i32
        %broadcast_in_dim3A_2233 = vector.broadcast %broadcast_in_dim3A_2232 : i32 to vector<16xi32>
        %gather3A_2234 = tpu.vector_load_idx %arg11[%add3A_197, %broadcast_in_dim3A_2233] : memref<128x64xf32, #tpu.memory_space<vmem>>[vector<16xi32>, vector<16xi32>], vector<16xf32>,
        %gather3A_2235 = tpu.vector_load_idx %arg12[%add3A_197, %broadcast_in_dim3A_2233] : memref<128x64xf32, #tpu.memory_space<vmem>>[vector<16xi32>, vector<16xi32>], vector<16xf32>,
        %mul3A_2236 = arith.mulf %gather3A_2234, %gather3A_2235 : vector<16xf32>
        %add3A_2237 = arith.addf %add3A_2201, %mul3A_2236 : vector<16xf32>
        %gather3A_2238 = tpu.vector_load_idx %arg13[%add3A_204, %broadcast_in_dim3A_2233] : memref<1280x64xf32, #tpu.memory_space<vmem>>[vector<16xi32>, vector<16xi32>], vector<16xf32>,
        %mul3A_2239 = arith.mulf %gather3A_2234, %gather3A_2238 : vector<16xf32>
        %add3A_2240 = arith.addf %add3A_2204, %mul3A_2239 : vector<16xf32>
        %gather3A_2241 = tpu.vector_load_idx %arg13[%add3A_207, %broadcast_in_dim3A_2233] : memref<1280x64xf32, #tpu.memory_space<vmem>>[vector<16xi32>, vector<16xi32>], vector<16xf32>,
        %mul3A_2242 = arith.mulf %gather3A_2234, %gather3A_2241 : vector<16xf32>
        %add3A_2243 = arith.addf %add3A_2207, %mul3A_2242 : vector<16xf32>
        %gather3A_2244 = tpu.vector_load_idx %arg13[%add3A_210, %broadcast_in_dim3A_2233] : memref<1280x64xf32, #tpu.memory_space<vmem>>[vector<16xi32>, vector<16xi32>], vector<16xf32>,
        %mul3A_2245 = arith.mulf %gather3A_2234, %gather3A_2244 : vector<16xf32>
        %add3A_2246 = arith.addf %add3A_2210, %mul3A_2245 : vector<16xf32>
        %gather3A_2247 = tpu.vector_load_idx %arg13[%add3A_213, %broadcast_in_dim3A_2233] : memref<1280x64xf32, #tpu.memory_space<vmem>>[vector<16xi32>, vector<16xi32>], vector<16xf32>,
        %mul3A_2248 = arith.mulf %gather3A_2234, %gather3A_2247 : vector<16xf32>
        %add3A_2249 = arith.addf %add3A_2213, %mul3A_2248 : vector<16xf32>
        %gather3A_2250 = tpu.vector_load_idx %arg13[%add3A_216, %broadcast_in_dim3A_2233] : memref<1280x64xf32, #tpu.memory_space<vmem>>[vector<16xi32>, vector<16xi32>], vector<16xf32>,
        %mul3A_2251 = arith.mulf %gather3A_2234, %gather3A_2250 : vector<16xf32>
        %add3A_2252 = arith.addf %add3A_2216, %mul3A_2251 : vector<16xf32>
        %gather3A_2253 = tpu.vector_load_idx %arg13[%add3A_219, %broadcast_in_dim3A_2233] : memref<1280x64xf32, #tpu.memory_space<vmem>>[vector<16xi32>, vector<16xi32>], vector<16xf32>,
        %mul3A_2254 = arith.mulf %gather3A_2234, %gather3A_2253 : vector<16xf32>
        %add3A_2255 = arith.addf %add3A_2219, %mul3A_2254 : vector<16xf32>
        %gather3A_2256 = tpu.vector_load_idx %arg13[%add3A_222, %broadcast_in_dim3A_2233] : memref<1280x64xf32, #tpu.memory_space<vmem>>[vector<16xi32>, vector<16xi32>], vector<16xf32>,
        %mul3A_2257 = arith.mulf %gather3A_2234, %gather3A_2256 : vector<16xf32>
        %add3A_2258 = arith.addf %add3A_2222, %mul3A_2257 : vector<16xf32>
        %gather3A_2259 = tpu.vector_load_idx %arg13[%add3A_225, %broadcast_in_dim3A_2233] : memref<1280x64xf32, #tpu.memory_space<vmem>>[vector<16xi32>, vector<16xi32>], vector<16xf32>,
        %mul3A_2260 = arith.mulf %gather3A_2234, %gather3A_2259 : vector<16xf32>
        %add3A_2261 = arith.addf %add3A_2225, %mul3A_2260 : vector<16xf32>
        %gather3A_2262 = tpu.vector_load_idx %arg13[%add3A_228, %broadcast_in_dim3A_2233] : memref<1280x64xf32, #tpu.memory_space<vmem>>[vector<16xi32>, vector<16xi32>], vector<16xf32>,
        %mul3A_2263 = arith.mulf %gather3A_2234, %gather3A_2262 : vector<16xf32>
        %add3A_2264 = arith.addf %add3A_2228, %mul3A_2263 : vector<16xf32>
        %gather3A_2265 = tpu.vector_load_idx %arg13[%add3A_231, %broadcast_in_dim3A_2233] : memref<1280x64xf32, #tpu.memory_space<vmem>>[vector<16xi32>, vector<16xi32>], vector<16xf32>,
        %mul3A_2266 = arith.mulf %gather3A_2234, %gather3A_2265 : vector<16xf32>
        %add3A_2267 = arith.addf %add3A_2231, %mul3A_2266 : vector<16xf32>
        %broadcast_in_dim3A_2268 = arith.constant 56 : i32
        %broadcast_in_dim3A_2269 = vector.broadcast %broadcast_in_dim3A_2268 : i32 to vector<16xi32>
        %gather3A_2270 = tpu.vector_load_idx %arg11[%add3A_197, %broadcast_in_dim3A_2269] : memref<128x64xf32, #tpu.memory_space<vmem>>[vector<16xi32>, vector<16xi32>], vector<16xf32>,
        %gather3A_2271 = tpu.vector_load_idx %arg12[%add3A_197, %broadcast_in_dim3A_2269] : memref<128x64xf32, #tpu.memory_space<vmem>>[vector<16xi32>, vector<16xi32>], vector<16xf32>,
        %mul3A_2272 = arith.mulf %gather3A_2270, %gather3A_2271 : vector<16xf32>
        %add3A_2273 = arith.addf %add3A_2237, %mul3A_2272 : vector<16xf32>
        %gather3A_2274 = tpu.vector_load_idx %arg13[%add3A_204, %broadcast_in_dim3A_2269] : memref<1280x64xf32, #tpu.memory_space<vmem>>[vector<16xi32>, vector<16xi32>], vector<16xf32>,
        %mul3A_2275 = arith.mulf %gather3A_2270, %gather3A_2274 : vector<16xf32>
        %add3A_2276 = arith.addf %add3A_2240, %mul3A_2275 : vector<16xf32>
        %gather3A_2277 = tpu.vector_load_idx %arg13[%add3A_207, %broadcast_in_dim3A_2269] : memref<1280x64xf32, #tpu.memory_space<vmem>>[vector<16xi32>, vector<16xi32>], vector<16xf32>,
        %mul3A_2278 = arith.mulf %gather3A_2270, %gather3A_2277 : vector<16xf32>
        %add3A_2279 = arith.addf %add3A_2243, %mul3A_2278 : vector<16xf32>
        %gather3A_2280 = tpu.vector_load_idx %arg13[%add3A_210, %broadcast_in_dim3A_2269] : memref<1280x64xf32, #tpu.memory_space<vmem>>[vector<16xi32>, vector<16xi32>], vector<16xf32>,
        %mul3A_2281 = arith.mulf %gather3A_2270, %gather3A_2280 : vector<16xf32>
        %add3A_2282 = arith.addf %add3A_2246, %mul3A_2281 : vector<16xf32>
        %gather3A_2283 = tpu.vector_load_idx %arg13[%add3A_213, %broadcast_in_dim3A_2269] : memref<1280x64xf32, #tpu.memory_space<vmem>>[vector<16xi32>, vector<16xi32>], vector<16xf32>,
        %mul3A_2284 = arith.mulf %gather3A_2270, %gather3A_2283 : vector<16xf32>
        %add3A_2285 = arith.addf %add3A_2249, %mul3A_2284 : vector<16xf32>
        %gather3A_2286 = tpu.vector_load_idx %arg13[%add3A_216, %broadcast_in_dim3A_2269] : memref<1280x64xf32, #tpu.memory_space<vmem>>[vector<16xi32>, vector<16xi32>], vector<16xf32>,
        %mul3A_2287 = arith.mulf %gather3A_2270, %gather3A_2286 : vector<16xf32>
        %add3A_2288 = arith.addf %add3A_2252, %mul3A_2287 : vector<16xf32>
        %gather3A_2289 = tpu.vector_load_idx %arg13[%add3A_219, %broadcast_in_dim3A_2269] : memref<1280x64xf32, #tpu.memory_space<vmem>>[vector<16xi32>, vector<16xi32>], vector<16xf32>,
        %mul3A_2290 = arith.mulf %gather3A_2270, %gather3A_2289 : vector<16xf32>
        %add3A_2291 = arith.addf %add3A_2255, %mul3A_2290 : vector<16xf32>
        %gather3A_2292 = tpu.vector_load_idx %arg13[%add3A_222, %broadcast_in_dim3A_2269] : memref<1280x64xf32, #tpu.memory_space<vmem>>[vector<16xi32>, vector<16xi32>], vector<16xf32>,
        %mul3A_2293 = arith.mulf %gather3A_2270, %gather3A_2292 : vector<16xf32>
        %add3A_2294 = arith.addf %add3A_2258, %mul3A_2293 : vector<16xf32>
        %gather3A_2295 = tpu.vector_load_idx %arg13[%add3A_225, %broadcast_in_dim3A_2269] : memref<1280x64xf32, #tpu.memory_space<vmem>>[vector<16xi32>, vector<16xi32>], vector<16xf32>,
        %mul3A_2296 = arith.mulf %gather3A_2270, %gather3A_2295 : vector<16xf32>
        %add3A_2297 = arith.addf %add3A_2261, %mul3A_2296 : vector<16xf32>
        %gather3A_2298 = tpu.vector_load_idx %arg13[%add3A_228, %broadcast_in_dim3A_2269] : memref<1280x64xf32, #tpu.memory_space<vmem>>[vector<16xi32>, vector<16xi32>], vector<16xf32>,
        %mul3A_2299 = arith.mulf %gather3A_2270, %gather3A_2298 : vector<16xf32>
        %add3A_2300 = arith.addf %add3A_2264, %mul3A_2299 : vector<16xf32>
        %gather3A_2301 = tpu.vector_load_idx %arg13[%add3A_231, %broadcast_in_dim3A_2269] : memref<1280x64xf32, #tpu.memory_space<vmem>>[vector<16xi32>, vector<16xi32>], vector<16xf32>,
        %mul3A_2302 = arith.mulf %gather3A_2270, %gather3A_2301 : vector<16xf32>
        %add3A_2303 = arith.addf %add3A_2267, %mul3A_2302 : vector<16xf32>
        %broadcast_in_dim3A_2304 = arith.constant 57 : i32
        %broadcast_in_dim3A_2305 = vector.broadcast %broadcast_in_dim3A_2304 : i32 to vector<16xi32>
        %gather3A_2306 = tpu.vector_load_idx %arg11[%add3A_197, %broadcast_in_dim3A_2305] : memref<128x64xf32, #tpu.memory_space<vmem>>[vector<16xi32>, vector<16xi32>], vector<16xf32>,
        %gather3A_2307 = tpu.vector_load_idx %arg12[%add3A_197, %broadcast_in_dim3A_2305] : memref<128x64xf32, #tpu.memory_space<vmem>>[vector<16xi32>, vector<16xi32>], vector<16xf32>,
        %mul3A_2308 = arith.mulf %gather3A_2306, %gather3A_2307 : vector<16xf32>
        %add3A_2309 = arith.addf %add3A_2273, %mul3A_2308 : vector<16xf32>
        %gather3A_2310 = tpu.vector_load_idx %arg13[%add3A_204, %broadcast_in_dim3A_2305] : memref<1280x64xf32, #tpu.memory_space<vmem>>[vector<16xi32>, vector<16xi32>], vector<16xf32>,
        %mul3A_2311 = arith.mulf %gather3A_2306, %gather3A_2310 : vector<16xf32>
        %add3A_2312 = arith.addf %add3A_2276, %mul3A_2311 : vector<16xf32>
        %gather3A_2313 = tpu.vector_load_idx %arg13[%add3A_207, %broadcast_in_dim3A_2305] : memref<1280x64xf32, #tpu.memory_space<vmem>>[vector<16xi32>, vector<16xi32>], vector<16xf32>,
        %mul3A_2314 = arith.mulf %gather3A_2306, %gather3A_2313 : vector<16xf32>
        %add3A_2315 = arith.addf %add3A_2279, %mul3A_2314 : vector<16xf32>
        %gather3A_2316 = tpu.vector_load_idx %arg13[%add3A_210, %broadcast_in_dim3A_2305] : memref<1280x64xf32, #tpu.memory_space<vmem>>[vector<16xi32>, vector<16xi32>], vector<16xf32>,
        %mul3A_2317 = arith.mulf %gather3A_2306, %gather3A_2316 : vector<16xf32>
        %add3A_2318 = arith.addf %add3A_2282, %mul3A_2317 : vector<16xf32>
        %gather3A_2319 = tpu.vector_load_idx %arg13[%add3A_213, %broadcast_in_dim3A_2305] : memref<1280x64xf32, #tpu.memory_space<vmem>>[vector<16xi32>, vector<16xi32>], vector<16xf32>,
        %mul3A_2320 = arith.mulf %gather3A_2306, %gather3A_2319 : vector<16xf32>
        %add3A_2321 = arith.addf %add3A_2285, %mul3A_2320 : vector<16xf32>
        %gather3A_2322 = tpu.vector_load_idx %arg13[%add3A_216, %broadcast_in_dim3A_2305] : memref<1280x64xf32, #tpu.memory_space<vmem>>[vector<16xi32>, vector<16xi32>], vector<16xf32>,
        %mul3A_2323 = arith.mulf %gather3A_2306, %gather3A_2322 : vector<16xf32>
        %add3A_2324 = arith.addf %add3A_2288, %mul3A_2323 : vector<16xf32>
        %gather3A_2325 = tpu.vector_load_idx %arg13[%add3A_219, %broadcast_in_dim3A_2305] : memref<1280x64xf32, #tpu.memory_space<vmem>>[vector<16xi32>, vector<16xi32>], vector<16xf32>,
        %mul3A_2326 = arith.mulf %gather3A_2306, %gather3A_2325 : vector<16xf32>
        %add3A_2327 = arith.addf %add3A_2291, %mul3A_2326 : vector<16xf32>
        %gather3A_2328 = tpu.vector_load_idx %arg13[%add3A_222, %broadcast_in_dim3A_2305] : memref<1280x64xf32, #tpu.memory_space<vmem>>[vector<16xi32>, vector<16xi32>], vector<16xf32>,
        %mul3A_2329 = arith.mulf %gather3A_2306, %gather3A_2328 : vector<16xf32>
        %add3A_2330 = arith.addf %add3A_2294, %mul3A_2329 : vector<16xf32>
        %gather3A_2331 = tpu.vector_load_idx %arg13[%add3A_225, %broadcast_in_dim3A_2305] : memref<1280x64xf32, #tpu.memory_space<vmem>>[vector<16xi32>, vector<16xi32>], vector<16xf32>,
        %mul3A_2332 = arith.mulf %gather3A_2306, %gather3A_2331 : vector<16xf32>
        %add3A_2333 = arith.addf %add3A_2297, %mul3A_2332 : vector<16xf32>
        %gather3A_2334 = tpu.vector_load_idx %arg13[%add3A_228, %broadcast_in_dim3A_2305] : memref<1280x64xf32, #tpu.memory_space<vmem>>[vector<16xi32>, vector<16xi32>], vector<16xf32>,
        %mul3A_2335 = arith.mulf %gather3A_2306, %gather3A_2334 : vector<16xf32>
        %add3A_2336 = arith.addf %add3A_2300, %mul3A_2335 : vector<16xf32>
        %gather3A_2337 = tpu.vector_load_idx %arg13[%add3A_231, %broadcast_in_dim3A_2305] : memref<1280x64xf32, #tpu.memory_space<vmem>>[vector<16xi32>, vector<16xi32>], vector<16xf32>,
        %mul3A_2338 = arith.mulf %gather3A_2306, %gather3A_2337 : vector<16xf32>
        %add3A_2339 = arith.addf %add3A_2303, %mul3A_2338 : vector<16xf32>
        %broadcast_in_dim3A_2340 = arith.constant 58 : i32
        %broadcast_in_dim3A_2341 = vector.broadcast %broadcast_in_dim3A_2340 : i32 to vector<16xi32>
        %gather3A_2342 = tpu.vector_load_idx %arg11[%add3A_197, %broadcast_in_dim3A_2341] : memref<128x64xf32, #tpu.memory_space<vmem>>[vector<16xi32>, vector<16xi32>], vector<16xf32>,
        %gather3A_2343 = tpu.vector_load_idx %arg12[%add3A_197, %broadcast_in_dim3A_2341] : memref<128x64xf32, #tpu.memory_space<vmem>>[vector<16xi32>, vector<16xi32>], vector<16xf32>,
        %mul3A_2344 = arith.mulf %gather3A_2342, %gather3A_2343 : vector<16xf32>
        %add3A_2345 = arith.addf %add3A_2309, %mul3A_2344 : vector<16xf32>
        %gather3A_2346 = tpu.vector_load_idx %arg13[%add3A_204, %broadcast_in_dim3A_2341] : memref<1280x64xf32, #tpu.memory_space<vmem>>[vector<16xi32>, vector<16xi32>], vector<16xf32>,
        %mul3A_2347 = arith.mulf %gather3A_2342, %gather3A_2346 : vector<16xf32>
        %add3A_2348 = arith.addf %add3A_2312, %mul3A_2347 : vector<16xf32>
        %gather3A_2349 = tpu.vector_load_idx %arg13[%add3A_207, %broadcast_in_dim3A_2341] : memref<1280x64xf32, #tpu.memory_space<vmem>>[vector<16xi32>, vector<16xi32>], vector<16xf32>,
        %mul3A_2350 = arith.mulf %gather3A_2342, %gather3A_2349 : vector<16xf32>
        %add3A_2351 = arith.addf %add3A_2315, %mul3A_2350 : vector<16xf32>
        %gather3A_2352 = tpu.vector_load_idx %arg13[%add3A_210, %broadcast_in_dim3A_2341] : memref<1280x64xf32, #tpu.memory_space<vmem>>[vector<16xi32>, vector<16xi32>], vector<16xf32>,
        %mul3A_2353 = arith.mulf %gather3A_2342, %gather3A_2352 : vector<16xf32>
        %add3A_2354 = arith.addf %add3A_2318, %mul3A_2353 : vector<16xf32>
        %gather3A_2355 = tpu.vector_load_idx %arg13[%add3A_213, %broadcast_in_dim3A_2341] : memref<1280x64xf32, #tpu.memory_space<vmem>>[vector<16xi32>, vector<16xi32>], vector<16xf32>,
        %mul3A_2356 = arith.mulf %gather3A_2342, %gather3A_2355 : vector<16xf32>
        %add3A_2357 = arith.addf %add3A_2321, %mul3A_2356 : vector<16xf32>
        %gather3A_2358 = tpu.vector_load_idx %arg13[%add3A_216, %broadcast_in_dim3A_2341] : memref<1280x64xf32, #tpu.memory_space<vmem>>[vector<16xi32>, vector<16xi32>], vector<16xf32>,
        %mul3A_2359 = arith.mulf %gather3A_2342, %gather3A_2358 : vector<16xf32>
        %add3A_2360 = arith.addf %add3A_2324, %mul3A_2359 : vector<16xf32>
        %gather3A_2361 = tpu.vector_load_idx %arg13[%add3A_219, %broadcast_in_dim3A_2341] : memref<1280x64xf32, #tpu.memory_space<vmem>>[vector<16xi32>, vector<16xi32>], vector<16xf32>,
        %mul3A_2362 = arith.mulf %gather3A_2342, %gather3A_2361 : vector<16xf32>
        %add3A_2363 = arith.addf %add3A_2327, %mul3A_2362 : vector<16xf32>
        %gather3A_2364 = tpu.vector_load_idx %arg13[%add3A_222, %broadcast_in_dim3A_2341] : memref<1280x64xf32, #tpu.memory_space<vmem>>[vector<16xi32>, vector<16xi32>], vector<16xf32>,
        %mul3A_2365 = arith.mulf %gather3A_2342, %gather3A_2364 : vector<16xf32>
        %add3A_2366 = arith.addf %add3A_2330, %mul3A_2365 : vector<16xf32>
        %gather3A_2367 = tpu.vector_load_idx %arg13[%add3A_225, %broadcast_in_dim3A_2341] : memref<1280x64xf32, #tpu.memory_space<vmem>>[vector<16xi32>, vector<16xi32>], vector<16xf32>,
        %mul3A_2368 = arith.mulf %gather3A_2342, %gather3A_2367 : vector<16xf32>
        %add3A_2369 = arith.addf %add3A_2333, %mul3A_2368 : vector<16xf32>
        %gather3A_2370 = tpu.vector_load_idx %arg13[%add3A_228, %broadcast_in_dim3A_2341] : memref<1280x64xf32, #tpu.memory_space<vmem>>[vector<16xi32>, vector<16xi32>], vector<16xf32>,
        %mul3A_2371 = arith.mulf %gather3A_2342, %gather3A_2370 : vector<16xf32>
        %add3A_2372 = arith.addf %add3A_2336, %mul3A_2371 : vector<16xf32>
        %gather3A_2373 = tpu.vector_load_idx %arg13[%add3A_231, %broadcast_in_dim3A_2341] : memref<1280x64xf32, #tpu.memory_space<vmem>>[vector<16xi32>, vector<16xi32>], vector<16xf32>,
        %mul3A_2374 = arith.mulf %gather3A_2342, %gather3A_2373 : vector<16xf32>
        %add3A_2375 = arith.addf %add3A_2339, %mul3A_2374 : vector<16xf32>
        %broadcast_in_dim3A_2376 = arith.constant 59 : i32
        %broadcast_in_dim3A_2377 = vector.broadcast %broadcast_in_dim3A_2376 : i32 to vector<16xi32>
        %gather3A_2378 = tpu.vector_load_idx %arg11[%add3A_197, %broadcast_in_dim3A_2377] : memref<128x64xf32, #tpu.memory_space<vmem>>[vector<16xi32>, vector<16xi32>], vector<16xf32>,
        %gather3A_2379 = tpu.vector_load_idx %arg12[%add3A_197, %broadcast_in_dim3A_2377] : memref<128x64xf32, #tpu.memory_space<vmem>>[vector<16xi32>, vector<16xi32>], vector<16xf32>,
        %mul3A_2380 = arith.mulf %gather3A_2378, %gather3A_2379 : vector<16xf32>
        %add3A_2381 = arith.addf %add3A_2345, %mul3A_2380 : vector<16xf32>
        %gather3A_2382 = tpu.vector_load_idx %arg13[%add3A_204, %broadcast_in_dim3A_2377] : memref<1280x64xf32, #tpu.memory_space<vmem>>[vector<16xi32>, vector<16xi32>], vector<16xf32>,
        %mul3A_2383 = arith.mulf %gather3A_2378, %gather3A_2382 : vector<16xf32>
        %add3A_2384 = arith.addf %add3A_2348, %mul3A_2383 : vector<16xf32>
        %gather3A_2385 = tpu.vector_load_idx %arg13[%add3A_207, %broadcast_in_dim3A_2377] : memref<1280x64xf32, #tpu.memory_space<vmem>>[vector<16xi32>, vector<16xi32>], vector<16xf32>,
        %mul3A_2386 = arith.mulf %gather3A_2378, %gather3A_2385 : vector<16xf32>
        %add3A_2387 = arith.addf %add3A_2351, %mul3A_2386 : vector<16xf32>
        %gather3A_2388 = tpu.vector_load_idx %arg13[%add3A_210, %broadcast_in_dim3A_2377] : memref<1280x64xf32, #tpu.memory_space<vmem>>[vector<16xi32>, vector<16xi32>], vector<16xf32>,
        %mul3A_2389 = arith.mulf %gather3A_2378, %gather3A_2388 : vector<16xf32>
        %add3A_2390 = arith.addf %add3A_2354, %mul3A_2389 : vector<16xf32>
        %gather3A_2391 = tpu.vector_load_idx %arg13[%add3A_213, %broadcast_in_dim3A_2377] : memref<1280x64xf32, #tpu.memory_space<vmem>>[vector<16xi32>, vector<16xi32>], vector<16xf32>,
        %mul3A_2392 = arith.mulf %gather3A_2378, %gather3A_2391 : vector<16xf32>
        %add3A_2393 = arith.addf %add3A_2357, %mul3A_2392 : vector<16xf32>
        %gather3A_2394 = tpu.vector_load_idx %arg13[%add3A_216, %broadcast_in_dim3A_2377] : memref<1280x64xf32, #tpu.memory_space<vmem>>[vector<16xi32>, vector<16xi32>], vector<16xf32>,
        %mul3A_2395 = arith.mulf %gather3A_2378, %gather3A_2394 : vector<16xf32>
        %add3A_2396 = arith.addf %add3A_2360, %mul3A_2395 : vector<16xf32>
        %gather3A_2397 = tpu.vector_load_idx %arg13[%add3A_219, %broadcast_in_dim3A_2377] : memref<1280x64xf32, #tpu.memory_space<vmem>>[vector<16xi32>, vector<16xi32>], vector<16xf32>,
        %mul3A_2398 = arith.mulf %gather3A_2378, %gather3A_2397 : vector<16xf32>
        %add3A_2399 = arith.addf %add3A_2363, %mul3A_2398 : vector<16xf32>
        %gather3A_2400 = tpu.vector_load_idx %arg13[%add3A_222, %broadcast_in_dim3A_2377] : memref<1280x64xf32, #tpu.memory_space<vmem>>[vector<16xi32>, vector<16xi32>], vector<16xf32>,
        %mul3A_2401 = arith.mulf %gather3A_2378, %gather3A_2400 : vector<16xf32>
        %add3A_2402 = arith.addf %add3A_2366, %mul3A_2401 : vector<16xf32>
        %gather3A_2403 = tpu.vector_load_idx %arg13[%add3A_225, %broadcast_in_dim3A_2377] : memref<1280x64xf32, #tpu.memory_space<vmem>>[vector<16xi32>, vector<16xi32>], vector<16xf32>,
        %mul3A_2404 = arith.mulf %gather3A_2378, %gather3A_2403 : vector<16xf32>
        %add3A_2405 = arith.addf %add3A_2369, %mul3A_2404 : vector<16xf32>
        %gather3A_2406 = tpu.vector_load_idx %arg13[%add3A_228, %broadcast_in_dim3A_2377] : memref<1280x64xf32, #tpu.memory_space<vmem>>[vector<16xi32>, vector<16xi32>], vector<16xf32>,
        %mul3A_2407 = arith.mulf %gather3A_2378, %gather3A_2406 : vector<16xf32>
        %add3A_2408 = arith.addf %add3A_2372, %mul3A_2407 : vector<16xf32>
        %gather3A_2409 = tpu.vector_load_idx %arg13[%add3A_231, %broadcast_in_dim3A_2377] : memref<1280x64xf32, #tpu.memory_space<vmem>>[vector<16xi32>, vector<16xi32>], vector<16xf32>,
        %mul3A_2410 = arith.mulf %gather3A_2378, %gather3A_2409 : vector<16xf32>
        %add3A_2411 = arith.addf %add3A_2375, %mul3A_2410 : vector<16xf32>
        %broadcast_in_dim3A_2412 = arith.constant 60 : i32
        %broadcast_in_dim3A_2413 = vector.broadcast %broadcast_in_dim3A_2412 : i32 to vector<16xi32>
        %gather3A_2414 = tpu.vector_load_idx %arg11[%add3A_197, %broadcast_in_dim3A_2413] : memref<128x64xf32, #tpu.memory_space<vmem>>[vector<16xi32>, vector<16xi32>], vector<16xf32>,
        %gather3A_2415 = tpu.vector_load_idx %arg12[%add3A_197, %broadcast_in_dim3A_2413] : memref<128x64xf32, #tpu.memory_space<vmem>>[vector<16xi32>, vector<16xi32>], vector<16xf32>,
        %mul3A_2416 = arith.mulf %gather3A_2414, %gather3A_2415 : vector<16xf32>
        %add3A_2417 = arith.addf %add3A_2381, %mul3A_2416 : vector<16xf32>
        %gather3A_2418 = tpu.vector_load_idx %arg13[%add3A_204, %broadcast_in_dim3A_2413] : memref<1280x64xf32, #tpu.memory_space<vmem>>[vector<16xi32>, vector<16xi32>], vector<16xf32>,
        %mul3A_2419 = arith.mulf %gather3A_2414, %gather3A_2418 : vector<16xf32>
        %add3A_2420 = arith.addf %add3A_2384, %mul3A_2419 : vector<16xf32>
        %gather3A_2421 = tpu.vector_load_idx %arg13[%add3A_207, %broadcast_in_dim3A_2413] : memref<1280x64xf32, #tpu.memory_space<vmem>>[vector<16xi32>, vector<16xi32>], vector<16xf32>,
        %mul3A_2422 = arith.mulf %gather3A_2414, %gather3A_2421 : vector<16xf32>
        %add3A_2423 = arith.addf %add3A_2387, %mul3A_2422 : vector<16xf32>
        %gather3A_2424 = tpu.vector_load_idx %arg13[%add3A_210, %broadcast_in_dim3A_2413] : memref<1280x64xf32, #tpu.memory_space<vmem>>[vector<16xi32>, vector<16xi32>], vector<16xf32>,
        %mul3A_2425 = arith.mulf %gather3A_2414, %gather3A_2424 : vector<16xf32>
        %add3A_2426 = arith.addf %add3A_2390, %mul3A_2425 : vector<16xf32>
        %gather3A_2427 = tpu.vector_load_idx %arg13[%add3A_213, %broadcast_in_dim3A_2413] : memref<1280x64xf32, #tpu.memory_space<vmem>>[vector<16xi32>, vector<16xi32>], vector<16xf32>,
        %mul3A_2428 = arith.mulf %gather3A_2414, %gather3A_2427 : vector<16xf32>
        %add3A_2429 = arith.addf %add3A_2393, %mul3A_2428 : vector<16xf32>
        %gather3A_2430 = tpu.vector_load_idx %arg13[%add3A_216, %broadcast_in_dim3A_2413] : memref<1280x64xf32, #tpu.memory_space<vmem>>[vector<16xi32>, vector<16xi32>], vector<16xf32>,
        %mul3A_2431 = arith.mulf %gather3A_2414, %gather3A_2430 : vector<16xf32>
        %add3A_2432 = arith.addf %add3A_2396, %mul3A_2431 : vector<16xf32>
        %gather3A_2433 = tpu.vector_load_idx %arg13[%add3A_219, %broadcast_in_dim3A_2413] : memref<1280x64xf32, #tpu.memory_space<vmem>>[vector<16xi32>, vector<16xi32>], vector<16xf32>,
        %mul3A_2434 = arith.mulf %gather3A_2414, %gather3A_2433 : vector<16xf32>
        %add3A_2435 = arith.addf %add3A_2399, %mul3A_2434 : vector<16xf32>
        %gather3A_2436 = tpu.vector_load_idx %arg13[%add3A_222, %broadcast_in_dim3A_2413] : memref<1280x64xf32, #tpu.memory_space<vmem>>[vector<16xi32>, vector<16xi32>], vector<16xf32>,
        %mul3A_2437 = arith.mulf %gather3A_2414, %gather3A_2436 : vector<16xf32>
        %add3A_2438 = arith.addf %add3A_2402, %mul3A_2437 : vector<16xf32>
        %gather3A_2439 = tpu.vector_load_idx %arg13[%add3A_225, %broadcast_in_dim3A_2413] : memref<1280x64xf32, #tpu.memory_space<vmem>>[vector<16xi32>, vector<16xi32>], vector<16xf32>,
        %mul3A_2440 = arith.mulf %gather3A_2414, %gather3A_2439 : vector<16xf32>
        %add3A_2441 = arith.addf %add3A_2405, %mul3A_2440 : vector<16xf32>
        %gather3A_2442 = tpu.vector_load_idx %arg13[%add3A_228, %broadcast_in_dim3A_2413] : memref<1280x64xf32, #tpu.memory_space<vmem>>[vector<16xi32>, vector<16xi32>], vector<16xf32>,
        %mul3A_2443 = arith.mulf %gather3A_2414, %gather3A_2442 : vector<16xf32>
        %add3A_2444 = arith.addf %add3A_2408, %mul3A_2443 : vector<16xf32>
        %gather3A_2445 = tpu.vector_load_idx %arg13[%add3A_231, %broadcast_in_dim3A_2413] : memref<1280x64xf32, #tpu.memory_space<vmem>>[vector<16xi32>, vector<16xi32>], vector<16xf32>,
        %mul3A_2446 = arith.mulf %gather3A_2414, %gather3A_2445 : vector<16xf32>
        %add3A_2447 = arith.addf %add3A_2411, %mul3A_2446 : vector<16xf32>
        %broadcast_in_dim3A_2448 = arith.constant 61 : i32
        %broadcast_in_dim3A_2449 = vector.broadcast %broadcast_in_dim3A_2448 : i32 to vector<16xi32>
        %gather3A_2450 = tpu.vector_load_idx %arg11[%add3A_197, %broadcast_in_dim3A_2449] : memref<128x64xf32, #tpu.memory_space<vmem>>[vector<16xi32>, vector<16xi32>], vector<16xf32>,
        %gather3A_2451 = tpu.vector_load_idx %arg12[%add3A_197, %broadcast_in_dim3A_2449] : memref<128x64xf32, #tpu.memory_space<vmem>>[vector<16xi32>, vector<16xi32>], vector<16xf32>,
        %mul3A_2452 = arith.mulf %gather3A_2450, %gather3A_2451 : vector<16xf32>
        %add3A_2453 = arith.addf %add3A_2417, %mul3A_2452 : vector<16xf32>
        %gather3A_2454 = tpu.vector_load_idx %arg13[%add3A_204, %broadcast_in_dim3A_2449] : memref<1280x64xf32, #tpu.memory_space<vmem>>[vector<16xi32>, vector<16xi32>], vector<16xf32>,
        %mul3A_2455 = arith.mulf %gather3A_2450, %gather3A_2454 : vector<16xf32>
        %add3A_2456 = arith.addf %add3A_2420, %mul3A_2455 : vector<16xf32>
        %gather3A_2457 = tpu.vector_load_idx %arg13[%add3A_207, %broadcast_in_dim3A_2449] : memref<1280x64xf32, #tpu.memory_space<vmem>>[vector<16xi32>, vector<16xi32>], vector<16xf32>,
        %mul3A_2458 = arith.mulf %gather3A_2450, %gather3A_2457 : vector<16xf32>
        %add3A_2459 = arith.addf %add3A_2423, %mul3A_2458 : vector<16xf32>
        %gather3A_2460 = tpu.vector_load_idx %arg13[%add3A_210, %broadcast_in_dim3A_2449] : memref<1280x64xf32, #tpu.memory_space<vmem>>[vector<16xi32>, vector<16xi32>], vector<16xf32>,
        %mul3A_2461 = arith.mulf %gather3A_2450, %gather3A_2460 : vector<16xf32>
        %add3A_2462 = arith.addf %add3A_2426, %mul3A_2461 : vector<16xf32>
        %gather3A_2463 = tpu.vector_load_idx %arg13[%add3A_213, %broadcast_in_dim3A_2449] : memref<1280x64xf32, #tpu.memory_space<vmem>>[vector<16xi32>, vector<16xi32>], vector<16xf32>,
        %mul3A_2464 = arith.mulf %gather3A_2450, %gather3A_2463 : vector<16xf32>
        %add3A_2465 = arith.addf %add3A_2429, %mul3A_2464 : vector<16xf32>
        %gather3A_2466 = tpu.vector_load_idx %arg13[%add3A_216, %broadcast_in_dim3A_2449] : memref<1280x64xf32, #tpu.memory_space<vmem>>[vector<16xi32>, vector<16xi32>], vector<16xf32>,
        %mul3A_2467 = arith.mulf %gather3A_2450, %gather3A_2466 : vector<16xf32>
        %add3A_2468 = arith.addf %add3A_2432, %mul3A_2467 : vector<16xf32>
        %gather3A_2469 = tpu.vector_load_idx %arg13[%add3A_219, %broadcast_in_dim3A_2449] : memref<1280x64xf32, #tpu.memory_space<vmem>>[vector<16xi32>, vector<16xi32>], vector<16xf32>,
        %mul3A_2470 = arith.mulf %gather3A_2450, %gather3A_2469 : vector<16xf32>
        %add3A_2471 = arith.addf %add3A_2435, %mul3A_2470 : vector<16xf32>
        %gather3A_2472 = tpu.vector_load_idx %arg13[%add3A_222, %broadcast_in_dim3A_2449] : memref<1280x64xf32, #tpu.memory_space<vmem>>[vector<16xi32>, vector<16xi32>], vector<16xf32>,
        %mul3A_2473 = arith.mulf %gather3A_2450, %gather3A_2472 : vector<16xf32>
        %add3A_2474 = arith.addf %add3A_2438, %mul3A_2473 : vector<16xf32>
        %gather3A_2475 = tpu.vector_load_idx %arg13[%add3A_225, %broadcast_in_dim3A_2449] : memref<1280x64xf32, #tpu.memory_space<vmem>>[vector<16xi32>, vector<16xi32>], vector<16xf32>,
        %mul3A_2476 = arith.mulf %gather3A_2450, %gather3A_2475 : vector<16xf32>
        %add3A_2477 = arith.addf %add3A_2441, %mul3A_2476 : vector<16xf32>
        %gather3A_2478 = tpu.vector_load_idx %arg13[%add3A_228, %broadcast_in_dim3A_2449] : memref<1280x64xf32, #tpu.memory_space<vmem>>[vector<16xi32>, vector<16xi32>], vector<16xf32>,
        %mul3A_2479 = arith.mulf %gather3A_2450, %gather3A_2478 : vector<16xf32>
        %add3A_2480 = arith.addf %add3A_2444, %mul3A_2479 : vector<16xf32>
        %gather3A_2481 = tpu.vector_load_idx %arg13[%add3A_231, %broadcast_in_dim3A_2449] : memref<1280x64xf32, #tpu.memory_space<vmem>>[vector<16xi32>, vector<16xi32>], vector<16xf32>,
        %mul3A_2482 = arith.mulf %gather3A_2450, %gather3A_2481 : vector<16xf32>
        %add3A_2483 = arith.addf %add3A_2447, %mul3A_2482 : vector<16xf32>
        %broadcast_in_dim3A_2484 = arith.constant 62 : i32
        %broadcast_in_dim3A_2485 = vector.broadcast %broadcast_in_dim3A_2484 : i32 to vector<16xi32>
        %gather3A_2486 = tpu.vector_load_idx %arg11[%add3A_197, %broadcast_in_dim3A_2485] : memref<128x64xf32, #tpu.memory_space<vmem>>[vector<16xi32>, vector<16xi32>], vector<16xf32>,
        %gather3A_2487 = tpu.vector_load_idx %arg12[%add3A_197, %broadcast_in_dim3A_2485] : memref<128x64xf32, #tpu.memory_space<vmem>>[vector<16xi32>, vector<16xi32>], vector<16xf32>,
        %mul3A_2488 = arith.mulf %gather3A_2486, %gather3A_2487 : vector<16xf32>
        %add3A_2489 = arith.addf %add3A_2453, %mul3A_2488 : vector<16xf32>
        %gather3A_2490 = tpu.vector_load_idx %arg13[%add3A_204, %broadcast_in_dim3A_2485] : memref<1280x64xf32, #tpu.memory_space<vmem>>[vector<16xi32>, vector<16xi32>], vector<16xf32>,
        %mul3A_2491 = arith.mulf %gather3A_2486, %gather3A_2490 : vector<16xf32>
        %add3A_2492 = arith.addf %add3A_2456, %mul3A_2491 : vector<16xf32>
        %gather3A_2493 = tpu.vector_load_idx %arg13[%add3A_207, %broadcast_in_dim3A_2485] : memref<1280x64xf32, #tpu.memory_space<vmem>>[vector<16xi32>, vector<16xi32>], vector<16xf32>,
        %mul3A_2494 = arith.mulf %gather3A_2486, %gather3A_2493 : vector<16xf32>
        %add3A_2495 = arith.addf %add3A_2459, %mul3A_2494 : vector<16xf32>
        %gather3A_2496 = tpu.vector_load_idx %arg13[%add3A_210, %broadcast_in_dim3A_2485] : memref<1280x64xf32, #tpu.memory_space<vmem>>[vector<16xi32>, vector<16xi32>], vector<16xf32>,
        %mul3A_2497 = arith.mulf %gather3A_2486, %gather3A_2496 : vector<16xf32>
        %add3A_2498 = arith.addf %add3A_2462, %mul3A_2497 : vector<16xf32>
        %gather3A_2499 = tpu.vector_load_idx %arg13[%add3A_213, %broadcast_in_dim3A_2485] : memref<1280x64xf32, #tpu.memory_space<vmem>>[vector<16xi32>, vector<16xi32>], vector<16xf32>,
        %mul3A_2500 = arith.mulf %gather3A_2486, %gather3A_2499 : vector<16xf32>
        %add3A_2501 = arith.addf %add3A_2465, %mul3A_2500 : vector<16xf32>
        %gather3A_2502 = tpu.vector_load_idx %arg13[%add3A_216, %broadcast_in_dim3A_2485] : memref<1280x64xf32, #tpu.memory_space<vmem>>[vector<16xi32>, vector<16xi32>], vector<16xf32>,
        %mul3A_2503 = arith.mulf %gather3A_2486, %gather3A_2502 : vector<16xf32>
        %add3A_2504 = arith.addf %add3A_2468, %mul3A_2503 : vector<16xf32>
        %gather3A_2505 = tpu.vector_load_idx %arg13[%add3A_219, %broadcast_in_dim3A_2485] : memref<1280x64xf32, #tpu.memory_space<vmem>>[vector<16xi32>, vector<16xi32>], vector<16xf32>,
        %mul3A_2506 = arith.mulf %gather3A_2486, %gather3A_2505 : vector<16xf32>
        %add3A_2507 = arith.addf %add3A_2471, %mul3A_2506 : vector<16xf32>
        %gather3A_2508 = tpu.vector_load_idx %arg13[%add3A_222, %broadcast_in_dim3A_2485] : memref<1280x64xf32, #tpu.memory_space<vmem>>[vector<16xi32>, vector<16xi32>], vector<16xf32>,
        %mul3A_2509 = arith.mulf %gather3A_2486, %gather3A_2508 : vector<16xf32>
        %add3A_2510 = arith.addf %add3A_2474, %mul3A_2509 : vector<16xf32>
        %gather3A_2511 = tpu.vector_load_idx %arg13[%add3A_225, %broadcast_in_dim3A_2485] : memref<1280x64xf32, #tpu.memory_space<vmem>>[vector<16xi32>, vector<16xi32>], vector<16xf32>,
        %mul3A_2512 = arith.mulf %gather3A_2486, %gather3A_2511 : vector<16xf32>
        %add3A_2513 = arith.addf %add3A_2477, %mul3A_2512 : vector<16xf32>
        %gather3A_2514 = tpu.vector_load_idx %arg13[%add3A_228, %broadcast_in_dim3A_2485] : memref<1280x64xf32, #tpu.memory_space<vmem>>[vector<16xi32>, vector<16xi32>], vector<16xf32>,
        %mul3A_2515 = arith.mulf %gather3A_2486, %gather3A_2514 : vector<16xf32>
        %add3A_2516 = arith.addf %add3A_2480, %mul3A_2515 : vector<16xf32>
        %gather3A_2517 = tpu.vector_load_idx %arg13[%add3A_231, %broadcast_in_dim3A_2485] : memref<1280x64xf32, #tpu.memory_space<vmem>>[vector<16xi32>, vector<16xi32>], vector<16xf32>,
        %mul3A_2518 = arith.mulf %gather3A_2486, %gather3A_2517 : vector<16xf32>
        %add3A_2519 = arith.addf %add3A_2483, %mul3A_2518 : vector<16xf32>
        %broadcast_in_dim3A_2520 = arith.constant 63 : i32
        %broadcast_in_dim3A_2521 = vector.broadcast %broadcast_in_dim3A_2520 : i32 to vector<16xi32>
        %gather3A_2522 = tpu.vector_load_idx %arg11[%add3A_197, %broadcast_in_dim3A_2521] : memref<128x64xf32, #tpu.memory_space<vmem>>[vector<16xi32>, vector<16xi32>], vector<16xf32>,
        %gather3A_2523 = tpu.vector_load_idx %arg12[%add3A_197, %broadcast_in_dim3A_2521] : memref<128x64xf32, #tpu.memory_space<vmem>>[vector<16xi32>, vector<16xi32>], vector<16xf32>,
        %mul3A_2524 = arith.mulf %gather3A_2522, %gather3A_2523 : vector<16xf32>
        %add3A_2525 = arith.addf %add3A_2489, %mul3A_2524 : vector<16xf32>
        %gather3A_2526 = tpu.vector_load_idx %arg13[%add3A_204, %broadcast_in_dim3A_2521] : memref<1280x64xf32, #tpu.memory_space<vmem>>[vector<16xi32>, vector<16xi32>], vector<16xf32>,
        %mul3A_2527 = arith.mulf %gather3A_2522, %gather3A_2526 : vector<16xf32>
        %add3A_2528 = arith.addf %add3A_2492, %mul3A_2527 : vector<16xf32>
        %gather3A_2529 = tpu.vector_load_idx %arg13[%add3A_207, %broadcast_in_dim3A_2521] : memref<1280x64xf32, #tpu.memory_space<vmem>>[vector<16xi32>, vector<16xi32>], vector<16xf32>,
        %mul3A_2530 = arith.mulf %gather3A_2522, %gather3A_2529 : vector<16xf32>
        %add3A_2531 = arith.addf %add3A_2495, %mul3A_2530 : vector<16xf32>
        %gather3A_2532 = tpu.vector_load_idx %arg13[%add3A_210, %broadcast_in_dim3A_2521] : memref<1280x64xf32, #tpu.memory_space<vmem>>[vector<16xi32>, vector<16xi32>], vector<16xf32>,
        %mul3A_2533 = arith.mulf %gather3A_2522, %gather3A_2532 : vector<16xf32>
        %add3A_2534 = arith.addf %add3A_2498, %mul3A_2533 : vector<16xf32>
        %gather3A_2535 = tpu.vector_load_idx %arg13[%add3A_213, %broadcast_in_dim3A_2521] : memref<1280x64xf32, #tpu.memory_space<vmem>>[vector<16xi32>, vector<16xi32>], vector<16xf32>,
        %mul3A_2536 = arith.mulf %gather3A_2522, %gather3A_2535 : vector<16xf32>
        %add3A_2537 = arith.addf %add3A_2501, %mul3A_2536 : vector<16xf32>
        %gather3A_2538 = tpu.vector_load_idx %arg13[%add3A_216, %broadcast_in_dim3A_2521] : memref<1280x64xf32, #tpu.memory_space<vmem>>[vector<16xi32>, vector<16xi32>], vector<16xf32>,
        %mul3A_2539 = arith.mulf %gather3A_2522, %gather3A_2538 : vector<16xf32>
        %add3A_2540 = arith.addf %add3A_2504, %mul3A_2539 : vector<16xf32>
        %gather3A_2541 = tpu.vector_load_idx %arg13[%add3A_219, %broadcast_in_dim3A_2521] : memref<1280x64xf32, #tpu.memory_space<vmem>>[vector<16xi32>, vector<16xi32>], vector<16xf32>,
        %mul3A_2542 = arith.mulf %gather3A_2522, %gather3A_2541 : vector<16xf32>
        %add3A_2543 = arith.addf %add3A_2507, %mul3A_2542 : vector<16xf32>
        %gather3A_2544 = tpu.vector_load_idx %arg13[%add3A_222, %broadcast_in_dim3A_2521] : memref<1280x64xf32, #tpu.memory_space<vmem>>[vector<16xi32>, vector<16xi32>], vector<16xf32>,
        %mul3A_2545 = arith.mulf %gather3A_2522, %gather3A_2544 : vector<16xf32>
        %add3A_2546 = arith.addf %add3A_2510, %mul3A_2545 : vector<16xf32>
        %gather3A_2547 = tpu.vector_load_idx %arg13[%add3A_225, %broadcast_in_dim3A_2521] : memref<1280x64xf32, #tpu.memory_space<vmem>>[vector<16xi32>, vector<16xi32>], vector<16xf32>,
        %mul3A_2548 = arith.mulf %gather3A_2522, %gather3A_2547 : vector<16xf32>
        %add3A_2549 = arith.addf %add3A_2513, %mul3A_2548 : vector<16xf32>
        %gather3A_2550 = tpu.vector_load_idx %arg13[%add3A_228, %broadcast_in_dim3A_2521] : memref<1280x64xf32, #tpu.memory_space<vmem>>[vector<16xi32>, vector<16xi32>], vector<16xf32>,
        %mul3A_2551 = arith.mulf %gather3A_2522, %gather3A_2550 : vector<16xf32>
        %add3A_2552 = arith.addf %add3A_2516, %mul3A_2551 : vector<16xf32>
        %gather3A_2553 = tpu.vector_load_idx %arg13[%add3A_231, %broadcast_in_dim3A_2521] : memref<1280x64xf32, #tpu.memory_space<vmem>>[vector<16xi32>, vector<16xi32>], vector<16xf32>,
        %mul3A_2554 = arith.mulf %gather3A_2522, %gather3A_2553 : vector<16xf32>
        %add3A_2555 = arith.addf %add3A_2519, %mul3A_2554 : vector<16xf32>
        %swap3A = arith.constant 0 : i32
        %swap3A_2556 = arith.index_cast %swap3A : i32 to index
        %swap3A_2557 = arith.index_cast %mul3A_195 : i32 to index
        %swap3A_2558 = tpu.vector_load %arg14[%swap3A_2556, %swap3A_2557] {strides = array<i32>} : memref<11x128xf32, #tpu.memory_space<vmem>>, vector<16xf32>,
        tpu.vector_store %arg14[%swap3A_2556, %swap3A_2557], %add3A_2525 {strides = array<i32>} : memref<11x128xf32, #tpu.memory_space<vmem>>, vector<16xf32>,
        %swap3A_2559 = arith.constant 1 : i32
        %swap3A_2560 = arith.index_cast %swap3A_2559 : i32 to index
        %swap3A_2561 = arith.index_cast %mul3A_195 : i32 to index
        %swap3A_2562 = tpu.vector_load %arg14[%swap3A_2560, %swap3A_2561] {strides = array<i32>} : memref<11x128xf32, #tpu.memory_space<vmem>>, vector<16xf32>,
        tpu.vector_store %arg14[%swap3A_2560, %swap3A_2561], %add3A_2528 {strides = array<i32>} : memref<11x128xf32, #tpu.memory_space<vmem>>, vector<16xf32>,
        %swap3A_2563 = arith.constant 2 : i32
        %swap3A_2564 = arith.index_cast %swap3A_2563 : i32 to index
        %swap3A_2565 = arith.index_cast %mul3A_195 : i32 to index
        %swap3A_2566 = tpu.vector_load %arg14[%swap3A_2564, %swap3A_2565] {strides = array<i32>} : memref<11x128xf32, #tpu.memory_space<vmem>>, vector<16xf32>,
        tpu.vector_store %arg14[%swap3A_2564, %swap3A_2565], %add3A_2531 {strides = array<i32>} : memref<11x128xf32, #tpu.memory_space<vmem>>, vector<16xf32>,
        %swap3A_2567 = arith.constant 3 : i32
        %swap3A_2568 = arith.index_cast %swap3A_2567 : i32 to index
        %swap3A_2569 = arith.index_cast %mul3A_195 : i32 to index
        %swap3A_2570 = tpu.vector_load %arg14[%swap3A_2568, %swap3A_2569] {strides = array<i32>} : memref<11x128xf32, #tpu.memory_space<vmem>>, vector<16xf32>,
        tpu.vector_store %arg14[%swap3A_2568, %swap3A_2569], %add3A_2534 {strides = array<i32>} : memref<11x128xf32, #tpu.memory_space<vmem>>, vector<16xf32>,
        %swap3A_2571 = arith.constant 4 : i32
        %swap3A_2572 = arith.index_cast %swap3A_2571 : i32 to index
        %swap3A_2573 = arith.index_cast %mul3A_195 : i32 to index
        %swap3A_2574 = tpu.vector_load %arg14[%swap3A_2572, %swap3A_2573] {strides = array<i32>} : memref<11x128xf32, #tpu.memory_space<vmem>>, vector<16xf32>,
        tpu.vector_store %arg14[%swap3A_2572, %swap3A_2573], %add3A_2537 {strides = array<i32>} : memref<11x128xf32, #tpu.memory_space<vmem>>, vector<16xf32>,
        %swap3A_2575 = arith.constant 5 : i32
        %swap3A_2576 = arith.index_cast %swap3A_2575 : i32 to index
        %swap3A_2577 = arith.index_cast %mul3A_195 : i32 to index
        %swap3A_2578 = tpu.vector_load %arg14[%swap3A_2576, %swap3A_2577] {strides = array<i32>} : memref<11x128xf32, #tpu.memory_space<vmem>>, vector<16xf32>,
        tpu.vector_store %arg14[%swap3A_2576, %swap3A_2577], %add3A_2540 {strides = array<i32>} : memref<11x128xf32, #tpu.memory_space<vmem>>, vector<16xf32>,
        %swap3A_2579 = arith.constant 6 : i32
        %swap3A_2580 = arith.index_cast %swap3A_2579 : i32 to index
        %swap3A_2581 = arith.index_cast %mul3A_195 : i32 to index
        %swap3A_2582 = tpu.vector_load %arg14[%swap3A_2580, %swap3A_2581] {strides = array<i32>} : memref<11x128xf32, #tpu.memory_space<vmem>>, vector<16xf32>,
        tpu.vector_store %arg14[%swap3A_2580, %swap3A_2581], %add3A_2543 {strides = array<i32>} : memref<11x128xf32, #tpu.memory_space<vmem>>, vector<16xf32>,
        %swap3A_2583 = arith.constant 7 : i32
        %swap3A_2584 = arith.index_cast %swap3A_2583 : i32 to index
        %swap3A_2585 = arith.index_cast %mul3A_195 : i32 to index
        %swap3A_2586 = tpu.vector_load %arg14[%swap3A_2584, %swap3A_2585] {strides = array<i32>} : memref<11x128xf32, #tpu.memory_space<vmem>>, vector<16xf32>,
        tpu.vector_store %arg14[%swap3A_2584, %swap3A_2585], %add3A_2546 {strides = array<i32>} : memref<11x128xf32, #tpu.memory_space<vmem>>, vector<16xf32>,
        %swap3A_2587 = arith.constant 8 : i32
        %swap3A_2588 = arith.index_cast %swap3A_2587 : i32 to index
        %swap3A_2589 = arith.index_cast %mul3A_195 : i32 to index
        %swap3A_2590 = tpu.vector_load %arg14[%swap3A_2588, %swap3A_2589] {strides = array<i32>} : memref<11x128xf32, #tpu.memory_space<vmem>>, vector<16xf32>,
        tpu.vector_store %arg14[%swap3A_2588, %swap3A_2589], %add3A_2549 {strides = array<i32>} : memref<11x128xf32, #tpu.memory_space<vmem>>, vector<16xf32>,
        %swap3A_2591 = arith.constant 9 : i32
        %swap3A_2592 = arith.index_cast %swap3A_2591 : i32 to index
        %swap3A_2593 = arith.index_cast %mul3A_195 : i32 to index
        %swap3A_2594 = tpu.vector_load %arg14[%swap3A_2592, %swap3A_2593] {strides = array<i32>} : memref<11x128xf32, #tpu.memory_space<vmem>>, vector<16xf32>,
        tpu.vector_store %arg14[%swap3A_2592, %swap3A_2593], %add3A_2552 {strides = array<i32>} : memref<11x128xf32, #tpu.memory_space<vmem>>, vector<16xf32>,
        %swap3A_2595 = arith.constant 10 : i32
        %swap3A_2596 = arith.index_cast %swap3A_2595 : i32 to index
        %swap3A_2597 = arith.index_cast %mul3A_195 : i32 to index
        %swap3A_2598 = tpu.vector_load %arg14[%swap3A_2596, %swap3A_2597] {strides = array<i32>} : memref<11x128xf32, #tpu.memory_space<vmem>>, vector<16xf32>,
        tpu.vector_store %arg14[%swap3A_2596, %swap3A_2597], %add3A_2555 {strides = array<i32>} : memref<11x128xf32, #tpu.memory_space<vmem>>, vector<16xf32>,
      }
      %scan3A_192 = arith.constant 8 : i32
      "tpu.region"() ({
        %run_scoped3A = tpu.sem_alloc : memref<!tpu.dma_semaphore, #tpu.memory_space<semaphore_mem>>
        %dma_start3A_193 = arith.constant 0 : i32
        %dma_start3A_194 = tpu.memref_slice %arg7[%dma_start3A_193, %add3A_14] : memref<11x16384xf32, #tpu.memory_space<hbm>> -> memref<11x128xf32, #tpu.memory_space<hbm>>
        %dma_start3A_195 = arith.constant 0 : i32
        %dma_start3A_196 = tpu.memref_slice %arg7[%dma_start3A_195, %add3A_14] : memref<11x16384xf32, #tpu.memory_space<hbm>> -> memref<11x128xf32, #tpu.memory_space<hbm>>
        tpu.enqueue_dma source(%arg14 : memref<11x128xf32, #tpu.memory_space<vmem>>) target(%dma_start3A_196 : memref<11x128xf32, #tpu.memory_space<hbm>>) target_semaphore(%run_scoped3A : memref<!tpu.dma_semaphore, #tpu.memory_space<semaphore_mem>>)
        %dma_wait3A_197 = arith.constant 0 : i32
        %dma_wait3A_198 = tpu.memref_slice %arg7[%dma_wait3A_197, %add3A_14] : memref<11x16384xf32, #tpu.memory_space<hbm>> -> memref<11x128xf32, #tpu.memory_space<hbm>>
        %dma_wait3A_199 = arith.constant 0 : i32
        %dma_wait3A_200 = tpu.memref_slice %arg7[%dma_wait3A_199, %add3A_14] : memref<11x16384xf32, #tpu.memory_space<hbm>> -> memref<11x128xf32, #tpu.memory_space<hbm>>
        tpu.wait_dma2 semaphore(%run_scoped3A : memref<!tpu.dma_semaphore, #tpu.memory_space<semaphore_mem>>) src(%arg14 : memref<11x128xf32, #tpu.memory_space<vmem>>) dst(%dma_wait3A_200 : memref<11x128xf32, #tpu.memory_space<hbm>>)
        tpu.yield
      }) : () -> ()
    }
    %scan3A_10 = arith.constant 4 : i32
    return
  }
}

</mosaic_0001>

<sc_bundles>
// kernel: _sc_sims.3.cloned.1.call-start
scs
__scs_entry_jumppad:
0x0: {  	(pc) =	sbr.rel $0x88, $3  }
0x1: {  	(tag) =	ssettag $0x0;
	lr =	simm.s32 $0x1  }
0x2: {  	[smem:$0x3F9C] =	sst lr;
	_ =	strace $0xD0000000  }
0x3: {  	_ = 	snop  }
0x4: {  	_ = 	snop  }
0x5: {  	_ = 	snop  }
0x6: {  	_ = 	snop  }
0x7: {  	_ = 	snop  }
__scs_overlays_trampoline_lowered:
0x8: {  	[smem:$0x3FAB] =	sst s0  }
0x9: {  	[smem:$0x3FAC] =	sst s1  }
0xa: {  	[smem:$0x3FAD] =	sst s2  }
0xb: {  	[smem:$0x3FAE] =	sst s3  }
0xc: {  	[smem:$0x3FAF] =	sst s4  }
0xd: {  	[smem:$0x3FB0] =	sst s5  }
0xe: {  	[smem:$0x3FB1] =	sst s6  }
0xf: {  	[smem:$0x3FB2] =	sst s7  }
0x10: {  	[smem:$0x3FB3] =	sst s8  }
0x11: {  	[smem:$0x3FB4] =	sst s9;
	s0 =	simm.s32 @!p0 $0x0  }
0x12: {  	s1 =	sld [smem:$0x3F9A];
	s0 =	simm.s32 @p0 $0x1  }
0x13: {  	[smem:$0x3FB5] =	sst s0;
	s0 =	simm.s32 @!p1 $0x0  }
0x14: {  	s2 =	sld [smem:$0x3F99];
	s0 =	simm.s32 @p1 $0x1  }
0x15: {  	[smem:$0x3FB6] =	sst s0;
	s0 =	simm.s32 @!p2 $0x0  }
0x16: {  	s3 =	sld [smem:$0x3FDB];
	s0 =	simm.s32 @p2 $0x1  }
0x17: {  	s4 =	simm.s32 $0x1BF5;
	[smem:$0x3FB8] =	sst s0  }
0x18: {  	s0 =	sld [smem:$0x3F9B];
	_ =	swait.ge [sflag:s4], $0x0  }
0x19: {  	s7 =	sld [smem:$0x3F9C]  }
0x1a: {  	s8 =	sadd.s32 $0xFFFFE003, lr  }
0x1b: {  	s9 =	sadd.s32 $0xFFFFFEF7, lr;
	s5 =	simm.s32 $0xFFFFFFFF;
	p2 =	slt.u32 s8, $0xFFFFF086  }
0x1c: {  	p1 =	slt.u32 s9, $0xF7A;
	s5 =	simm.s32 @!p2 $0x0  }
0x1d: {  	s5 =	simm.s32 @p1 $0x1;
	p0 =	seq.s32 s7, s2  }
0x1e: {  	s7 =	smul.u32 @!p0 $0xF7A, s2;
	p2 =	seq.s32 @!p0 s5, $0x0  }
0x1f: {  	s9 =	smul.u32 $0xF7A, s1;
	s8 =	simm.s32 @!p0 $0x1BF5;
	p2 =	por !p2, p0  }
0x20: {  	[sflag:s8] =	ssyncset.s32 @!p0 $0xFFFFF086;
	s6 =	sadd.s32 @!p0 s3, s7;
	s7 =	simm.s32 @!p0 $0x108  }
0x21: {  	s3 =	sadd.s32 s3, s9;
	s6 =	sadd.s32 @!p0 $0x88, s6;
	s7 =	simm.s32 @p2 $0x1082  }
0x22: {  	[simem:s7], [sflag:s8] =	dma.local @!p0 [hbm:s6], $0xF7A  }
0x23: {  	s9 =	sor.u32 $0xD0000000, s2;
	s6 =	simm.s32 $0x108;
	_ =	swait.ge @!p0 [sflag:s8], $0x0  }
0x24: {  	s3 =	sadd.s32 $0x88, s3;
	s6 =	simm.s32 @!p1 $0x1082;
	[sflag:s4] =	ssyncset.s32 $0xFFFFF086  }
0x25: {  	[simem:s6], [sflag:s4] =	dma.local [hbm:s3], $0xF7A  }
0x26: {  	[smem:$0x3F9C] =	sst s1;
	(tag) =	ssettag s2;
	_ =	strace s9  }
0x27: {  	s1 =	sld [smem:$0x3FAC]  }
0x28: {  	s2 =	sld [smem:$0x3FAD]  }
0x29: {  	s4 =	sld [smem:$0x3FAF]  }
0x2a: {  	p0 =	seq.s32 s5, $0x0;
	s5 =	sld [smem:$0x3FB0]  }
0x2b: {  	s6 =	sld [smem:$0x3FB1]  }
0x2c: {  	s7 =	sld [smem:$0x3FB2]  }
0x2d: {  	s3 =	simm.s32 $0x108;
	s8 =	sld [smem:$0x3FB3]  }
0x2e: {  	s3 =	simm.s32 @!p0 $0x1082;
	s9 =	sld [smem:$0x3FB4]  }
0x2f: {  	lr =	sadd.s32 s0, s3;
	s0 =	sld [smem:$0x3FAB]  }
0x30: {  	s3 =	sld [smem:$0x3FAE]  }
0x31: {  	[smem:$0x3FB7] =	sst s10  }
0x32: {  	s10 =	sld [smem:$0x3FB5];
	_ =	sdelay $0x3  }
0x33: {  	p0 =	seq.s32 s10, $0x1;
	s10 =	sld [smem:$0x3FB7];
	_ =	sdelay $0x3  }
0x34: {  	[smem:$0x3FB7] =	sst s10  }
0x35: {  	s10 =	sld [smem:$0x3FB6];
	_ =	sdelay $0x3  }
0x36: {  	p1 =	seq.s32 s10, $0x1;
	s10 =	sld [smem:$0x3FB7];
	_ =	sdelay $0x3  }
0x37: {  	[smem:$0x3FB7] =	sst s10  }
0x38: {  	s10 =	sld [smem:$0x3FB8]  }
0x39: {  	_ = 	snop;
	(pc) =	sbr.ind lr, $3  }
0x3a: {  	_ = 	snop  }
0x3b: {  	_ = 	snop  }
0x3c: {  	p2 =	seq.s32 s10, $0x1;
	s10 =	sld [smem:$0x3FB7]  }
0x3d: {  	_ =	shalt  }
0x3e: {  	_ =	shalt  }
0x3f: {  	_ =	shalt  }
0x40: {  	_ =	shalt  }
0x41: {  	_ =	shalt  }
0x42: {  	_ =	shalt  }
0x43: {  	_ =	shalt  }
0x44: {  	_ =	shalt  }
0x45: {  	_ =	shalt  }
0x46: {  	_ =	shalt  }
0x47: {  	_ =	shalt  }
0x48: {  	_ =	shalt  }
0x49: {  	_ =	shalt  }
0x4a: {  	_ =	shalt  }
0x4b: {  	_ =	shalt  }
0x4c: {  	_ =	shalt  }
0x4d: {  	_ =	shalt  }
0x4e: {  	_ =	shalt  }
0x4f: {  	_ =	shalt  }
0x50: {  	_ =	shalt  }
0x51: {  	_ =	shalt  }
0x52: {  	_ =	shalt  }
0x53: {  	_ =	shalt  }
0x54: {  	_ =	shalt  }
0x55: {  	_ =	shalt  }
0x56: {  	_ =	shalt  }
0x57: {  	_ =	shalt  }
0x58: {  	_ =	shalt  }
0x59: {  	_ =	shalt  }
0x5a: {  	_ =	shalt  }
0x5b: {  	_ =	shalt  }
0x5c: {  	_ =	shalt  }
0x5d: {  	_ =	shalt  }
0x5e: {  	_ =	shalt  }
0x5f: {  	_ =	shalt  }
0x60: {  	_ =	shalt  }
0x61: {  	_ =	shalt  }
0x62: {  	_ =	shalt  }
0x63: {  	_ =	shalt  }
0x64: {  	_ =	shalt  }
0x65: {  	_ =	shalt  }
0x66: {  	_ =	shalt  }
0x67: {  	_ =	shalt  }
0x68: {  	_ =	shalt  }
0x69: {  	_ =	shalt  }
0x6a: {  	_ =	shalt  }
0x6b: {  	_ =	shalt  }
0x6c: {  	_ =	shalt  }
0x6d: {  	_ =	shalt  }
0x6e: {  	_ =	shalt  }
0x6f: {  	_ =	shalt  }
0x70: {  	_ =	shalt  }
0x71: {  	_ =	shalt  }
0x72: {  	_ =	shalt  }
0x73: {  	_ =	shalt  }
0x74: {  	_ =	shalt  }
0x75: {  	_ =	shalt  }
0x76: {  	_ =	shalt  }
0x77: {  	_ =	shalt  }
0x78: {  	_ =	shalt  }
0x79: {  	_ =	shalt  }
0x7a: {  	_ =	shalt  }
0x7b: {  	_ =	shalt  }
0x7c: {  	_ =	shalt  }
0x7d: {  	_ =	shalt  }
0x7e: {  	_ =	shalt  }
0x7f: {  	_ =	shalt  }
0x80: {  	_ =	shalt  }
0x81: {  	_ =	shalt  }
0x82: {  	_ =	shalt  }
0x83: {  	_ =	shalt  }
0x84: {  	_ =	shalt  }
0x85: {  	_ =	shalt  }
0x86: {  	_ =	shalt  }
0x87: {  	_ =	shalt  }
.Lfunc_end0:
.L_simem_size_0:
called_computation_lowered:
.L_overlay_start_0:
0x88: {  	s2 =	sld [smem:$0x3FD9]  }
0x89: {  	s3 =	sld [smem:$0x3FFE];
	_ =	sdelay $0x1  }
0x8a: {  	s1 =	srdreg.scid  }
0x8b: {  	s0 =	sand.u32 $0x1, s1  }
0x8c: {  	s17 =	sshll.u32 s0, $0xA;
	s2 =	sadd.s32 s3, s2  }
0x8d: {  	s2 =	sadd.s32 s2, s17  }
0x8e: {  	[smem:$0x3FC3] =	sst s2  }
0x8f: {  	_ = 	snop  }
0x90: {  	s2 =	sld [smem:$0x3FC9]  }
0x91: {  	s18 =	sld [smem:$0x3FC8]  }
0x92: {  	s4 =	sld [smem:$0x3FC7];
	(tm) =	ssettm $0x1  }
0x93: {  	s5 =	sld [smem:$0x3FFB];
	_ =	sdelay $0x3  }
0x94: {  	_ =	strace s5  }
0x95: {  	s5 =	sld [smem:$0x3FFC];
	_ =	sdelay $0x3  }
0x96: {  	_ =	strace s5  }
0x97: {  	s5 =	sld [smem:$0x3FFD];
	_ =	sdelay $0x3  }
0x98: {  	_ =	strace s5  }
0x99: {  	_ =	strace $0x8FFFFFFF  }
0x9a: {  	s19 =	sld [smem:$0x3FDB];
	_ =	sdelay $0x1  }
0x9b: {  	s6 =	simm.s32 $_scs_section_size  }
0x9c: {  	s7 =	simm.s32 $_size__tile_overlayer_lowered;
	s8 =	simm.s32 $_tile_overlayer_lowered  }
0x9d: {  	s22 =	simm.s32 $0x1BFF;
	s21 =	sshll.u32 s8, $0x1;
	s5 =	sadd.s32 s6, s19  }
0x9e: {  	s9 =	simm.s32 $0x0;
	s20 =	sshll.u32 s7, $0x1;
	s7 =	sadd.s32 s21, s5  }
0x9f: {  	[timem:s9], [sflag:s22] =	dma.local [hbm:s7], s20  }
0xa0: {  	_ =	swait.ge [sflag:s22], s20  }
0xa1: {  	s6 =	ssub.s32 $0x0, s20;
	[sflag:s22] =	ssyncset.done $0x0  }
0xa2: {  	[sflag:s22] =	ssyncadd.s32 s6;
	_ =	sdelay $0x1  }
0xa3: {  	s23 =	simm.s32 $0x1B8B  }
0xa4: {  	_ =	swait.ge [sflag:s23], $0x1  }
0xa5: {  	[sflag:s23] =	ssyncset.done $0x0  }
0xa6: {  	s25 =	simm.s32 $0x1B8E;
	s24 =	sld [smem:$0x3FFE];
	[sflag:s23] =	ssyncadd.s32 $0xFFFFFFFF  }
0xa7: {  	s26 =	simm.s32 $execute0_lowered;
	[smem:$0x3FD2] =	sst s25  }
0xa8: {  	s7 =	sshll.u32 s26, $0x1;
	_ =	strace $0x80000046;
	[dreg:$0x1] =	wrdreg $0xFFFFFFFF  }
0xa9: {  	s28 =	simm.s32 $_size_execute0_lowered;
	s5 =	sadd.s32 s5, s7;
	[dreg:$0x0] =	wrdreg $0x0  }
0xaa: {  	s7 =	sshll.u32 s28, $0x1;
	[dreg:$0x2] =	wrdreg s5  }
0xab: {  	[dreg:$0x3] =	wrdreg s7  }
0xac: {  	[dreg:$0x4] =	wrdreg $0xC0  }
0xad: {  	_ =	task [dreg:s9], $0x5FFFF  }
0xae: {  	[dreg:$0x1] =	wrdreg $0xFFFFFFFF  }
0xaf: {  	[dreg:$0x0] =	wrdreg $0x60  }
0xb0: {  	[dreg:$0x2] =	wrdreg s2  }
0xb1: {  	[dreg:$0x3] =	wrdreg s18  }
0xb2: {  	[dreg:$0x4] =	wrdreg s4  }
0xb3: {  	[dreg:$0x5] =	wrdreg s24  }
0xb4: {  	[dreg:$0x6] =	wrdreg $0x9  }
0xb5: {  	_ =	task.clear_ibuf [dreg:s9], $0x7FFFF;
	_ =	strace $0x90000046  }
0xb6: {  	s29 =	simm.s32 $0x9;
	_ =	strace $0x80000048  }
0xb7: {  	_ =	swait.ge [sflag:s29], $0x1  }
0xb8: {  	[sflag:s29] =	ssyncadd.s32 $0xFFFFFFFF  }
0xb9: {  	_ =	strace $0x90000048  }
0xba: {  	_ =	sfence  }
0xbb: {  	s30 =	sld [smem:$0x0];
	_ =	sdelay $0x2  }
0xbc: {  	s31 =	sshll.u32 s1, $0xD;
	s1 =	sshrl.u32 s1, $0x2  }
0xbd: {  	s3 =	sand.u32 $0x4000, s31;
	s1 =	sadd.s32 s1, s30  }
0xbe: {  	s0 =	sor.u32 s3, s0;
	s1 =	sshll.u32 s1, $0x11  }
0xbf: {  	s0 =	sor.u32 s1, s0  }
0xc0: {  	s0 =	sadd.s32 $0x8F2B, s0  }
0xc1: {  	[sflag:s0] =	ssyncadd.remote.s32 $0x1  }
0xc2: {  	_ =	sfence.sel $0xFFFF  }
0xc3: {  	[dreg:$0x0] =	wrdreg $0xFFFFFFFF;
	(pc) =	sbr.abs _section_cstart, $3  }
0xc4: {  	[dreg:$0x1] =	wrdreg $0xFFFFFFFF  }
0xc5: {  	_ =	task.clear_ibuf [dreg:s9], $0x2FFFF;
	_ =	strace $0x9FFFFFFF  }
0xc6: {  	(tm) =	ssettm $0x7FFFFFFF  }
0xc7: {  	_ =	shalt  }
tec
execute0_lowered:
.L_overlay_start_1:
0x0: {  	(tag) =	ssettag $0x1  }
0x1: {  	s0 =	rddreg [dreg:$0x3];
	v0 =	vlaneseq.u32  }
0x2: {  	s17 =	simm.s32 $0x0;
	s1 =	srdreg.scid;
	s4 =	stileid.u32;
	v3 =	vmul.u32 $0x280, v0  }
0x3: {  	s11 =	simm.s32 $0x2;
	s12 =	simm.s32 $0x80;
	[smem:$0x7FF] =	sst s17;
	v2 =	vmul.u32 $0x40, v0  }
0x4: {  	s13 =	simm.s32 $0x100;
	s14 =	simm.s32 $0x600;
	_ =	strace $0x80000047;
	[tilespmem:$0x1FF50] =	vst v3  }
0x5: {  	s15 =	simm.s32 $0x2600;
	s16 =	simm.s32 $0x4600;
	s22 =	simm.s32 $0xA600;
	v9 =	vadd.s32 $0x240, v3;
	[tilespmem:$0x1FF60] =	vst v2  }
0x6: {  	s23 =	simm.s32 $0x300;
	s24 =	simm.s32 $0xC600;
	s28 =	simm.s32 $0x400;
	v10 =	vadd.s32 $0x200, v3;
	[tilespmem:$0x1FF70] =	vst v9  }
0x7: {  	s29 =	simm.s32 $0x10600;
	s30 =	simm.s32 $0x480;
	s31 =	simm.s32 $0x12600;
	v11 =	vadd.s32 $0x1C0, v3;
	[tilespmem:$0x1FF80] =	vst v10  }
0x8: {  	s5 =	simm.s32 $0x14600;
	s10 =	simm.s32 $0x580;
	s6 =	sadd.s32 $0xF42800, s0;
	v8 =	vadd.s32 $0x180, v3;
	[tilespmem:$0x1FF90] =	vst v11  }
0x9: {  	s1 =	sand.u32 $0x1, s1;
	s7 =	sadd.s32 $0x16E3A00, s0;
	s25 =	sshll.u32 s4, $0x9;
	v7 =	vadd.s32 $0x140, v3;
	[tilespmem:$0x1FFA0] =	vst v8  }
0xa: {  	s8 =	sadd.s32 $0x400, s0;
	s0 =	simm.s32 $0x500;
	s2 =	ssub.s32 $0x2, s1;
	v6 =	vadd.s32 $0x100, v3;
	[tilespmem:$0x1FFB0] =	vst v7  }
0xb: {  	s4 =	simm.s32 $0x16600;
	s1 =	sshll.u32 s1, $0xD;
	s3 =	sshrl.u32 s2, $0x1;
	v5 =	vadd.s32 $0xC0, v3;
	[tilespmem:$0x1FFC0] =	vst v6  }
0xc: {  	s9 =	sor.u32 s25, s1;
	s25 =	simm.s32 $0x380;
	v4 =	vadd.s32 $0x80, v3;
	s2 =	ssub.s32 s2, s3;
	[tilespmem:$0x1FFD0] =	vst v5  }
0xd: {  	v12 =	vor.u32 $0x40, v3;
	s1 =	simm.s32 $0x1;
	s3 =	simm.s32 $0x18600;
	[tilespmem:$0x1FFE0] =	vst v4;
	s26 =	smax.u32 s2, $0x1  }
0xe: {  	[tilespmem:$0x1FFF0] =	vst v12;
	s2 =	simm.s32 $0x4000;
	[dreg:$0x6] =	wrdreg s26;
	s26 =	simm.s32 $0xE600  }
.LBB2_1:
0xf: {  	[dreg:$0x5] =	wrdreg s17;
	s17 =	simm.s32 $0x0  }
.LBB2_2:
0x10: {  	s18 =	sshll.u32 s17, $0x7  }
0x11: {  	s20 =	sadd.s32 s9, s18  }
0x12: {  	s19 =	rddreg [dreg:$0x0];
	s18 =	sshrl.u32 s20, $0x3  }
0x13: {  	s21 =	sadd.s32 s19, s18;
	s19 =	simm.s32 $0x0  }
0x14: {  	[tilespmem:s19], [sflag:$0x2] =	stream.linear.gather [hbm4b:s21+s19], $0x80, $0x38;
	[tilespmem:$0x18B80] =	vst v63  }
0x15: {  	_ =	swait.ge [sflag:s11], $0x80  }
0x16: {  	[sflag:s11] =	ssyncset.done $0x0  }
0x17: {  	[sflag:s11] =	ssyncadd.s32 $0xFFFFFF80  }
0x18: {  	s21 =	rddreg [dreg:$0x1]  }
0x19: {  	s21 =	sadd.s32 s21, s18  }
0x1a: {  	[tilespmem:s12], [sflag:$0x2] =	stream.linear.gather [hbm4b:s21+s19], $0x80, $0x38;
	[tilespmem:$0x18B80] =	vst v63  }
0x1b: {  	_ =	swait.ge [sflag:s11], $0x80  }
0x1c: {  	s20 =	smul.u32 $0xA, s20;
	[sflag:s11] =	ssyncset.done $0x0  }
0x1d: {  	[sflag:s11] =	ssyncadd.s32 $0xFFFFFF80  }
0x1e: {  	s20 =	sshrl.u32 s20, $0x3;
	s21 =	rddreg [dreg:$0x2]  }
0x1f: {  	s20 =	sadd.s32 s21, s20  }
0x20: {  	[tilespmem:s13], [sflag:$0x2] =	stream.linear.gather [hbm4b:s20+s19], $0x500, $0x38;
	[tilespmem:$0x18B80] =	vst v63  }
0x21: {  	_ =	swait.ge [sflag:s11], $0x500  }
0x22: {  	[sflag:s11] =	ssyncset.done $0x0  }
0x23: {  	[sflag:s11] =	ssyncadd.s32 $0xFFFFFB00  }
0x24: {  	[tilespmem:s14], [sflag:$0x1] =	stream.indirect.gather [hbm4b:s6+s12], $0x40, s19, s12, $0xb8;
	[tilespmem:$0x18B80] =	vst v63  }
0x25: {  	_ = 	snop  }
0x26: {  	[tilespmem:s15], [sflag:$0x1] =	stream.indirect.gather [hbm4b:s7+s12], $0x40, s12, s12, $0xb8;
	[tilespmem:$0x18B80] =	vst v63  }
0x27: {  	_ = 	snop  }
0x28: {  	[tilespmem:s16], [sflag:$0x1] =	stream.indirect.gather [hbm4b:s7+s12], $0x40, s13, s12, $0xb8;
	[tilespmem:$0x18B80] =	vst v63  }
0x29: {  	s21 =	simm.s32 $0x6600;
	s20 =	simm.s32 $0x180  }
0x2a: {  	[tilespmem:s21], [sflag:$0x1] =	stream.indirect.gather [hbm4b:s7+s12], $0x40, s20, s12, $0xb8;
	[tilespmem:$0x18B80] =	vst v63  }
0x2b: {  	s20 =	simm.s32 $0x200;
	s21 =	simm.s32 $0x8600  }
0x2c: {  	[tilespmem:s21], [sflag:$0x1] =	stream.indirect.gather [hbm4b:s7+s12], $0x40, s20, s12, $0xb8;
	[tilespmem:$0x18B80] =	vst v63  }
0x2d: {  	s21 =	simm.s32 $0x280  }
0x2e: {  	[tilespmem:s22], [sflag:$0x1] =	stream.indirect.gather [hbm4b:s7+s12], $0x40, s21, s12, $0xb8;
	[tilespmem:$0x18B80] =	vst v63  }
0x2f: {  	_ = 	snop  }
0x30: {  	[tilespmem:s24], [sflag:$0x1] =	stream.indirect.gather [hbm4b:s7+s12], $0x40, s23, s12, $0xb8;
	[tilespmem:$0x18B80] =	vst v63  }
0x31: {  	_ = 	snop  }
0x32: {  	[tilespmem:s26], [sflag:$0x1] =	stream.indirect.gather [hbm4b:s7+s12], $0x40, s25, s12, $0xb8;
	[tilespmem:$0x18B80] =	vst v63  }
0x33: {  	_ = 	snop  }
0x34: {  	[tilespmem:s29], [sflag:$0x1] =	stream.indirect.gather [hbm4b:s7+s12], $0x40, s28, s12, $0xb8;
	[tilespmem:$0x18B80] =	vst v63  }
0x35: {  	_ = 	snop  }
0x36: {  	[tilespmem:s31], [sflag:$0x1] =	stream.indirect.gather [hbm4b:s7+s12], $0x40, s30, s12, $0xb8;
	[tilespmem:$0x18B80] =	vst v63  }
0x37: {  	_ = 	snop  }
0x38: {  	[tilespmem:s5], [sflag:$0x1] =	stream.indirect.gather [hbm4b:s7+s12], $0x40, s0, s12, $0xb8;
	[tilespmem:$0x18B80] =	vst v63  }
0x39: {  	_ = 	snop  }
0x3a: {  	[tilespmem:s4], [sflag:$0x1] =	stream.indirect.gather [hbm4b:s7+s12], $0x40, s10, s12, $0xb8;
	[tilespmem:$0x18B80] =	vst v63  }
0x3b: {  	_ =	swait.ge [sflag:s1], $0x2000  }
0x3c: {  	[sflag:s1] =	ssyncset.done $0x0  }
0x3d: {  	[sflag:s1] =	ssyncadd.s32 $0xFFFFE000  }
0x3e: {  	_ =	swait.ge [sflag:s1], $0x2000  }
0x3f: {  	[sflag:s1] =	ssyncset.done $0x0  }
0x40: {  	[sflag:s1] =	ssyncadd.s32 $0xFFFFE000  }
0x41: {  	_ =	swait.ge [sflag:s1], $0x2000  }
0x42: {  	[sflag:s1] =	ssyncset.done $0x0  }
0x43: {  	[sflag:s1] =	ssyncadd.s32 $0xFFFFE000  }
0x44: {  	_ =	swait.ge [sflag:s1], $0x2000  }
0x45: {  	[sflag:s1] =	ssyncset.done $0x0  }
0x46: {  	[sflag:s1] =	ssyncadd.s32 $0xFFFFE000  }
0x47: {  	_ =	swait.ge [sflag:s1], $0x2000  }
0x48: {  	[sflag:s1] =	ssyncset.done $0x0  }
0x49: {  	[sflag:s1] =	ssyncadd.s32 $0xFFFFE000  }
0x4a: {  	_ =	swait.ge [sflag:s1], $0x2000  }
0x4b: {  	[sflag:s1] =	ssyncset.done $0x0  }
0x4c: {  	[sflag:s1] =	ssyncadd.s32 $0xFFFFE000  }
0x4d: {  	_ =	swait.ge [sflag:s1], $0x2000  }
0x4e: {  	[sflag:s1] =	ssyncset.done $0x0  }
0x4f: {  	[sflag:s1] =	ssyncadd.s32 $0xFFFFE000  }
0x50: {  	_ =	swait.ge [sflag:s1], $0x2000  }
0x51: {  	[sflag:s1] =	ssyncset.done $0x0  }
0x52: {  	[sflag:s1] =	ssyncadd.s32 $0xFFFFE000  }
0x53: {  	_ =	swait.ge [sflag:s1], $0x2000  }
0x54: {  	[sflag:s1] =	ssyncset.done $0x0  }
0x55: {  	[sflag:s1] =	ssyncadd.s32 $0xFFFFE000  }
0x56: {  	_ =	swait.ge [sflag:s1], $0x2000  }
0x57: {  	[sflag:s1] =	ssyncset.done $0x0  }
0x58: {  	[sflag:s1] =	ssyncadd.s32 $0xFFFFE000  }
0x59: {  	_ =	swait.ge [sflag:s1], $0x2000  }
0x5a: {  	[sflag:s1] =	ssyncset.done $0x0  }
0x5b: {  	[sflag:s1] =	ssyncadd.s32 $0xFFFFE000  }
0x5c: {  	_ =	swait.ge [sflag:s1], $0x2000  }
0x5d: {  	[sflag:s1] =	ssyncset.done $0x0  }
0x5e: {  	s20 =	simm.s32 $0x18880;
	s21 =	simm.s32 $0x0;
	[sflag:s1] =	ssyncadd.s32 $0xFFFFE000  }
.LBB2_3:
0x5f: {  	_ = 	snop  }
0x60: {  	v0 =	vmov s21  }
0x61: {  	v1 =	vmov s19;
	v0 =	vshll.u32 v0, $0x6  }
0x62: {  	v30 =	vor.u32 v2, v0;
	v2 =	vshll.u32 v1, $0x6  }
0x63: {  	v35 =	vadd.s32 v4, v2  }
0x64: {  	v36 =	vadd.s32 v5, v2;
	v37 =	vadd.s32 v6, v2;
	v5 =	vor.u32 $0x1, v35  }
0x65: {  	v38 =	vadd.s32 v7, v2;
	v7 =	vor.u32 $0x1, v37;
	_ =	sdelay $0x2  }
0x66: {  	v49 =	vadd.s32 v11, v2;
	v6 =	vor.u32 $0x1, v36  }
0x67: {  	v40 =	vld.idx.msk [tilespmem:v5+s16+$0x0], $0xffff;
	v5 =	vor.u32 $0x1, v49  }
0x68: {  	v62 =	vld.idx.msk [tilespmem:v7+s16+$0x0], $0xffff;
	v7 =	vor.u32 $0x2, v30;
	_ =	sdelay $0x1  }
0x69: {  	v51 =	vadd.s32 v9, v2  }
0x6a: {  	v31 =	vadd.s32 v3, v2;
	v61 =	vld.idx.msk [tilespmem:v6+s16+$0x0], $0xffff;
	v6 =	vor.u32 $0x1, v51  }
0x6b: {  	v43 =	vld.idx.msk [tilespmem:v5+s16+$0x0], $0xffff;
	v5 =	vor.u32 $0x2, v31  }
0x6c: {  	v0 =	vor.u32 $0x1, v30;
	v26 =	vld.idx.msk [tilespmem:v7+s14+$0x0], $0xffff  }
0x6d: {  	v57 =	vld.idx.msk [tilespmem:v7+s15+$0x0], $0xffff;
	v7 =	vor.u32 $0x2, v37  }
0x6e: {  	v39 =	vadd.s32 v8, v2;
	v8 =	vor.u32 $0x1, v38  }
0x6f: {  	v58 =	vld.idx.msk [tilespmem:v6+s16+$0x0], $0xffff;
	v6 =	vor.u32 $0x2, v35  }
0x70: {  	v55 =	vld.idx.msk [tilespmem:v5+s16+$0x0], $0xffff;
	v5 =	vor.u32 $0x2, v38  }
0x71: {  	v25 =	vld.idx.msk [tilespmem:v0+s14+$0x0], $0xffff  }
0x72: {  	v21 =	vld.idx.msk [tilespmem:v7+s16+$0x0], $0xffff;
	v7 =	vor.u32 $0x2, v51  }
0x73: {  	v63 =	vld.idx.msk [tilespmem:v8+s16+$0x0], $0xffff;
	v8 =	vor.u32 $0x2, v36  }
0x74: {  	v56 =	vld.idx.msk [tilespmem:v6+s16+$0x0], $0xffff;
	v6 =	vor.u32 $0x2, v49  }
0x75: {  	v20 =	vld.idx.msk [tilespmem:v5+s16+$0x0], $0xffff;
	v5 =	vor.u32 $0x3, v30  }
0x76: {  	v23 =	vld.idx.msk [tilespmem:v0+s15+$0x0], $0xffff  }
0x77: {  	v45 =	vld.idx.msk [tilespmem:v7+s16+$0x0], $0xffff;
	v7 =	vor.u32 $0x3, v35  }
0x78: {  	v53 =	vld.idx.msk [tilespmem:v8+s16+$0x0], $0xffff  }
0x79: {  	v50 =	vadd.s32 v10, v2;
	v19 =	vld.idx.msk [tilespmem:v6+s16+$0x0], $0xffff  }
0x7a: {  	v8 =	vor.u32 $0x2, v50;
	v15 =	vld.idx.msk [tilespmem:v5+s14+$0x0], $0xffff  }
0x7b: {  	v6 =	vor.u32 $0x3, v31;
	v48 =	vld.idx.msk [tilespmem:v5+s15+$0x0], $0xffff  }
0x7c: {  	v5 =	vor.u32 $0x3, v37;
	v0 =	vld.idx.msk [tilespmem:v7+s16+$0x0], $0xffff;
	_ =	sdelay $0x2  }
0x7d: {  	v32 =	vadd.s32 v12, v2;
	v44 =	vld.idx.msk [tilespmem:v8+s16+$0x0], $0xffff  }
0x7e: {  	v8 =	vor.u32 $0x3, v32;
	v47 =	vld.idx.msk [tilespmem:v6+s16+$0x0], $0xffff  }
0x7f: {  	v6 =	vor.u32 $0x3, v38;
	[tilespmem:$0x1EF60] =	vst v0;
	v0 =	vld.idx.msk [tilespmem:v5+s16+$0x0], $0xffff;
	_ =	sdelay $0x3  }
0x80: {  	v60 =	vld.idx.msk [tilespmem:v8+s16+$0x0], $0xffff  }
0x81: {  	v8 =	vor.u32 $0x3, v39;
	[tilespmem:$0x1EF70] =	vst v0;
	v0 =	vld.idx.msk [tilespmem:v6+s16+$0x0], $0xffff;
	_ =	sdelay $0x3  }
0x82: {  	v9 =	vor.u32 $0x3, v36  }
0x83: {  	v7 =	vor.u32 $0x3, v49;
	[tilespmem:$0x1EF80] =	vst v0;
	v0 =	vld.idx.msk [tilespmem:v8+s16+$0x0], $0xffff;
	_ =	sdelay $0x3  }
0x84: {  	v46 =	vld.idx.msk [tilespmem:v9+s16+$0x0], $0xffff  }
0x85: {  	v9 =	vor.u32 $0x3, v50;
	[tilespmem:$0x1EF90] =	vst v0;
	v0 =	vld.idx.msk [tilespmem:v7+s16+$0x0], $0xffff;
	_ =	sdelay $0x4  }
0x86: {  	v5 =	vor.u32 $0x3, v51;
	[tilespmem:$0x1EFA0] =	vst v0;
	v0 =	vld.idx.msk [tilespmem:v9+s16+$0x0], $0xffff;
	_ =	sdelay $0x4  }
0x87: {  	v6 =	vor.u32 $0x4, v30;
	[tilespmem:$0x1EFB0] =	vst v0;
	v0 =	vld.idx.msk [tilespmem:v5+s16+$0x0], $0xffff;
	_ =	sdelay $0x4  }
0x88: {  	v7 =	vor.u32 $0x4, v31;
	[tilespmem:$0x1EFC0] =	vst v0;
	v0 =	vld.idx.msk [tilespmem:v6+s15+$0x0], $0xffff;
	_ =	sdelay $0x4  }
0x89: {  	v8 =	vor.u32 $0x4, v32;
	[tilespmem:$0x1EFD0] =	vst v0;
	v0 =	vld.idx.msk [tilespmem:v7+s16+$0x0], $0xffff;
	_ =	sdelay $0x4  }
0x8a: {  	v5 =	vor.u32 $0x4, v35;
	[tilespmem:$0x1EFE0] =	vst v0;
	v0 =	vld.idx.msk [tilespmem:v8+s16+$0x0], $0xffff;
	_ =	sdelay $0x4  }
0x8b: {  	v9 =	vor.u32 $0x4, v36;
	[tilespmem:$0x1EFF0] =	vst v0;
	v0 =	vld.idx.msk [tilespmem:v5+s16+$0x0], $0xffff;
	_ =	sdelay $0x3  }
0x8c: {  	v27 =	vld.idx.msk [tilespmem:v6+s14+$0x0], $0xffff  }
0x8d: {  	v6 =	vor.u32 $0x4, v37;
	[tilespmem:$0x1F000] =	vst v0;
	v0 =	vld.idx.msk [tilespmem:v9+s16+$0x0], $0xffff;
	_ =	sdelay $0x4  }
0x8e: {  	v10 =	vor.u32 $0x4, v38;
	[tilespmem:$0x1F010] =	vst v0;
	v0 =	vld.idx.msk [tilespmem:v6+s16+$0x0], $0xffff;
	_ =	sdelay $0x4  }
0x8f: {  	v22 =	vor.u32 $0x4, v39;
	[tilespmem:$0x1F020] =	vst v0;
	v0 =	vld.idx.msk [tilespmem:v10+s16+$0x0], $0xffff;
	_ =	sdelay $0x4  }
0x90: {  	v28 =	vor.u32 $0x4, v49;
	[tilespmem:$0x1F030] =	vst v0;
	v0 =	vld.idx.msk [tilespmem:v22+s16+$0x0], $0xffff;
	_ =	sdelay $0x4  }
0x91: {  	v29 =	vor.u32 $0x4, v50;
	[tilespmem:$0x1F040] =	vst v0;
	v0 =	vld.idx.msk [tilespmem:v28+s16+$0x0], $0xffff;
	_ =	sdelay $0x3  }
0x92: {  	v2 =	vor.u32 $0x1, v50  }
0x93: {  	[tilespmem:$0x1F050] =	vst v0;
	v0 =	vld.idx.msk [tilespmem:v29+s16+$0x0], $0xffff;
	_ =	sdelay $0x2  }
0x94: {  	v1 =	vor.u32 $0x1, v31  }
0x95: {  	v59 =	vld.idx.msk [tilespmem:v2+s16+$0x0], $0xffff;
	v2 =	vor.u32 $0x2, v32  }
0x96: {  	[tilespmem:$0x1F060] =	vst v0;
	v0 =	vor.u32 $0x5, v35;
	_ =	sdelay $0x2  }
0x97: {  	v41 =	vld.idx.msk [tilespmem:v1+s16+$0x0], $0xffff  }
0x98: {  	v54 =	vld.idx.msk [tilespmem:v2+s16+$0x0], $0xffff;
	v2 =	vor.u32 $0x2, v39  }
0x99: {  	v1 =	vor.u32 $0x5, v36;
	v0 =	vld.idx.msk [tilespmem:v0+s16+$0x0], $0xffff;
	_ =	sdelay $0x2  }
0x9a: {  	v18 =	vor.u32 $0x5, v31  }
0x9b: {  	v52 =	vld.idx.msk [tilespmem:v2+s16+$0x0], $0xffff;
	v2 =	vor.u32 $0x5, v37  }
0x9c: {  	v1 =	vld.idx.msk [tilespmem:v1+s16+$0x0], $0xffff;
	[tilespmem:$0x1F080] =	vst v0;
	v0 =	vor.u32 $0x5, v49;
	_ =	sdelay $0x2  }
0x9d: {  	v3 =	vld.idx.msk [tilespmem:v18+s16+$0x0], $0xffff  }
0x9e: {  	v2 =	vld.idx.msk [tilespmem:v2+s16+$0x0], $0xffff  }
0x9f: {  	[tilespmem:$0x1F090] =	vst v1;
	v1 =	vor.u32 $0x5, v50;
	v0 =	vld.idx.msk [tilespmem:v0+s16+$0x0], $0xffff;
	_ =	sdelay $0x2  }
0xa0: {  	[tilespmem:$0x1F070] =	vst v3  }
0xa1: {  	v3 =	vor.u32 $0x5, v39;
	[tilespmem:$0x1F0A0] =	vst v2  }
0xa2: {  	v2 =	vor.u32 $0x5, v51;
	[tilespmem:$0x1F0D0] =	vst v0;
	v0 =	vld.idx.msk [tilespmem:v1+s16+$0x0], $0xffff;
	_ =	sdelay $0x3  }
0xa3: {  	v3 =	vld.idx.msk [tilespmem:v3+s16+$0x0], $0xffff  }
0xa4: {  	[tilespmem:$0x1F0E0] =	vst v0;
	v0 =	vld.idx.msk [tilespmem:v2+s16+$0x0], $0xffff;
	_ =	sdelay $0x3  }
0xa5: {  	[tilespmem:$0x1F0C0] =	vst v3;
	v3 =	vor.u32 $0x6, v31  }
0xa6: {  	[tilespmem:$0x1F0F0] =	vst v0;
	v0 =	vor.u32 $0x6, v36;
	_ =	sdelay $0x2  }
0xa7: {  	v4 =	vor.u32 $0x1, v32  }
0xa8: {  	v3 =	vld.idx.msk [tilespmem:v3+s16+$0x0], $0xffff;
	v1 =	vor.u32 $0x6, v32  }
0xa9: {  	v18 =	vor.u32 $0x6, v37;
	v0 =	vld.idx.msk [tilespmem:v0+s16+$0x0], $0xffff;
	_ =	sdelay $0x2  }
0xaa: {  	v24 =	vld.idx.msk [tilespmem:v4+s16+$0x0], $0xffff;
	v4 =	vor.u32 $0x1, v39  }
0xab: {  	v17 =	vor.u32 $0x5, v38;
	[tilespmem:$0x1F110] =	vst v3;
	v1 =	vld.idx.msk [tilespmem:v1+s16+$0x0], $0xffff  }
0xac: {  	v3 =	vor.u32 $0x6, v38;
	[tilespmem:$0x1F140] =	vst v0;
	v0 =	vld.idx.msk [tilespmem:v18+s16+$0x0], $0xffff;
	_ =	sdelay $0x2  }
0xad: {  	v42 =	vld.idx.msk [tilespmem:v4+s16+$0x0], $0xffff  }
0xae: {  	v4 =	vld.idx.msk [tilespmem:v17+s16+$0x0], $0xffff;
	v22 =	vor.u32 $0x6, v30;
	[tilespmem:$0x1F120] =	vst v1  }
0xaf: {  	v1 =	vor.u32 $0x6, v39;
	[tilespmem:$0x1F150] =	vst v0;
	v0 =	vld.idx.msk [tilespmem:v3+s16+$0x0], $0xffff;
	_ =	sdelay $0x3  }
0xb0: {  	[tilespmem:$0x1F0B0] =	vst v4;
	v4 =	vld.idx.msk [tilespmem:v22+s15+$0x0], $0xffff  }
0xb1: {  	[tilespmem:$0x1F160] =	vst v0;
	v0 =	vld.idx.msk [tilespmem:v1+s16+$0x0], $0xffff;
	_ =	sdelay $0x3  }
0xb2: {  	v16 =	vor.u32 $0x5, v32;
	[tilespmem:$0x1F100] =	vst v4;
	v4 =	vld.idx.msk [tilespmem:v31+s16+$0x0], $0xffff  }
0xb3: {  	v6 =	vor.u32 $0x6, v50;
	[tilespmem:$0x1F170] =	vst v0;
	v0 =	vld.idx.msk [tilespmem:v30+s14+$0x0], $0xffff;
	_ =	sdelay $0x3  }
0xb4: {  	v29 =	vld.idx.msk [tilespmem:v16+s16+$0x0], $0xffff  }
0xb5: {  	v8 =	vor.u32 $0x6, v51;
	v16 =	vmul.f32 v4, v0;
	v4 =	vld.idx.msk [tilespmem:v6+s16+$0x0], $0xffff;
	_ =	sdelay $0x1  }
0xb6: {  	v2 =	vor.u32 $0x6, v35  }
0xb7: {  	v12 =	vld.idx.msk [tilespmem:v39+s16+$0x0], $0xffff  }
0xb8: {  	v13 =	vld.idx.msk [tilespmem:v49+s16+$0x0], $0xffff  }
0xb9: {  	[tilespmem:$0x1F190] =	vst v4;
	v4 =	vld.idx.msk [tilespmem:v8+s16+$0x0], $0xffff  }
0xba: {  	v11 =	vld.idx.msk [tilespmem:v50+s16+$0x0], $0xffff  }
0xbb: {  	v2 =	vld.idx.msk [tilespmem:v2+s16+$0x0], $0xffff  }
0xbc: {  	v7 =	vld.idx.msk [tilespmem:v36+s16+$0x0], $0xffff  }
0xbd: {  	v5 =	vld.idx.msk [tilespmem:v32+s16+$0x0], $0xffff  }
0xbe: {  	v9 =	vld.idx.msk [tilespmem:v37+s16+$0x0], $0xffff;
	[tilespmem:$0x1F1A0] =	vst v4;
	v4 =	vor.u32 $0x7, v36  }
0xbf: {  	v10 =	vld.idx.msk [tilespmem:v38+s16+$0x0], $0xffff;
	v3 =	vor.u32 $0x6, v49  }
0xc0: {  	[tilespmem:$0x1F130] =	vst v2;
	v2 =	vor.u32 $0x7, v30;
	v1 =	vld.idx.msk [tilespmem:v30+s15+$0x0], $0xffff  }
0xc1: {  	v17 =	vld.idx.msk [tilespmem:v22+s14+$0x0], $0xffff  }
0xc2: {  	v22 =	vld.idx.msk [tilespmem:v35+s16+$0x0], $0xffff  }
0xc3: {  	v6 =	vor.u32 $0x7, v32;
	v4 =	vld.idx.msk [tilespmem:v4+s16+$0x0], $0xffff  }
0xc4: {  	v3 =	vld.idx.msk [tilespmem:v3+s16+$0x0], $0xffff  }
0xc5: {  	v1 =	vmul.f32 v1, v0;
	v18 =	vmul.f32 v11, v0;
	v11 =	vld.idx.msk [tilespmem:v2+s14+$0x0], $0xffff  }
0xc6: {  	v2 =	vld.idx.msk [tilespmem:v2+s15+$0x0], $0xffff  }
0xc7: {  	v14 =	vadd.f32 $0.0e+00, v1;
	v1 =	vld.idx.msk [tilespmem:v51+s16+$0x0], $0xffff  }
0xc8: {  	v23 =	vmul.f32 v23, v25;
	v6 =	vld.idx.msk [tilespmem:v6+s16+$0x0], $0xffff;
	[tilespmem:$0x1F1F0] =	vst v4;
	v4 =	vor.u32 $0x7, v50  }
0xc9: {  	v40 =	vmul.f32 v40, v25;
	[tilespmem:$0x1F180] =	vst v3;
	v3 =	vor.u32 $0x7, v31;
	v5 =	vmul.f32 v5, v0  }
0xca: {  	v34 =	vor.u32 $0x5, v30;
	v22 =	vmul.f32 v22, v0;
	v7 =	vmul.f32 v7, v0  }
0xcb: {  	v9 =	vmul.f32 v9, v0;
	v10 =	vmul.f32 v10, v0;
	[tilespmem:$0x1F1B0] =	vst v2;
	v2 =	vor.u32 $0x7, v37  }
0xcc: {  	v12 =	vmul.f32 v12, v0;
	v13 =	vmul.f32 v13, v0;
	v5 =	vadd.f32 $0.0e+00, v5  }
0xcd: {  	v22 =	vadd.f32 $0.0e+00, v22;
	v0 =	vmul.f32 v1, v0;
	[tilespmem:$0x1F1D0] =	vst v6;
	v6 =	vor.u32 $0x7, v39;
	v4 =	vld.idx.msk [tilespmem:v4+s16+$0x0], $0xffff  }
0xce: {  	v3 =	vld.idx.msk [tilespmem:v3+s16+$0x0], $0xffff;
	v1 =	vadd.f32 v23, v14;
	v14 =	vadd.f32 $0.0e+00, v16;
	v16 =	vmul.f32 v41, v25  }
0xcf: {  	v7 =	vadd.f32 $0.0e+00, v7;
	v10 =	vadd.f32 $0.0e+00, v10;
	v41 =	vmul.f32 v24, v25  }
0xd0: {  	v33 =	vor.u32 $0x4, v51;
	v12 =	vadd.f32 $0.0e+00, v12;
	v14 =	vadd.f32 v16, v14;
	v2 =	vld.idx.msk [tilespmem:v2+s16+$0x0], $0xffff  }
0xd1: {  	v5 =	vadd.f32 v41, v5;
	v16 =	vadd.f32 v40, v22;
	v41 =	vmul.f32 v62, v25  }
0xd2: {  	v40 =	vmul.f32 v42, v25;
	v62 =	vld.idx.msk [tilespmem:v6+s16+$0x0], $0xffff;
	v6 =	vmul.f32 v63, v25;
	[tilespmem:$0x1F220] =	vst v4;
	v4 =	vor.u32 $0x8, v32  }
0xd3: {  	v13 =	vadd.f32 $0.0e+00, v13;
	v8 =	vor.u32 $0x7, v35;
	[tilespmem:$0x1F1C0] =	vst v3;
	v3 =	vor.u32 $0x7, v38  }
0xd4: {  	v6 =	vadd.f32 v6, v10;
	v10 =	vadd.f32 v40, v12;
	v12 =	vmul.f32 v43, v25  }
0xd5: {  	v9 =	vadd.f32 $0.0e+00, v9;
	v22 =	vmul.f32 v61, v25;
	[tilespmem:$0x1F200] =	vst v2;
	v2 =	vor.u32 $0x7, v51  }
0xd6: {  	v18 =	vadd.f32 $0.0e+00, v18;
	v12 =	vadd.f32 v12, v13;
	v13 =	vmul.f32 v57, v26  }
0xd7: {  	v42 =	vmul.f32 v54, v26;
	v7 =	vadd.f32 v22, v7;
	v57 =	vld.idx.msk [tilespmem:v4+s16+$0x0], $0xffff;
	v4 =	vor.u32 $0x8, v39  }
0xd8: {  	v8 =	vld.idx.msk [tilespmem:v8+s16+$0x0], $0xffff;
	v9 =	vadd.f32 v41, v9;
	v1 =	vadd.f32 v13, v1;
	v13 =	vmul.f32 v55, v26  }
0xd9: {  	v3 =	vld.idx.msk [tilespmem:v3+s16+$0x0], $0xffff;
	v41 =	vmul.f32 v59, v25;
	v5 =	vadd.f32 v42, v5;
	v42 =	vor.u32 $0x9, v32  }
0xda: {  	v61 =	vld.idx.msk [tilespmem:v2+s16+$0x0], $0xffff;
	v2 =	vor.u32 $0x8, v35;
	v13 =	vadd.f32 v13, v14;
	v14 =	vmul.f32 v53, v26  }
0xdb: {  	v33 =	vld.idx.msk [tilespmem:v33+s16+$0x0], $0xffff;
	v23 =	vor.u32 $0x8, v36;
	v18 =	vadd.f32 v41, v18  }
0xdc: {  	v41 =	vmul.f32 v52, v26;
	v53 =	vld.idx.msk [tilespmem:v4+s16+$0x0], $0xffff;
	v4 =	vadd.f32 v14, v7;
	v14 =	vmul.f32 v20, v26  }
0xdd: {  	v28 =	vld.idx.msk [tilespmem:v34+s14+$0x0], $0xffff;
	[tilespmem:$0x1F1E0] =	vst v8;
	v8 =	vor.u32 $0x7, v49;
	v40 =	vmul.f32 v56, v26  }
0xde: {  	v10 =	vadd.f32 v41, v10;
	v41 =	vld.idx.msk [tilespmem:v42+s16+$0x0], $0xffff;
	v6 =	vadd.f32 v14, v6;
	v14 =	vor.u32 $0x9, v36  }
0xdf: {  	[tilespmem:$0x1F210] =	vst v3;
	v3 =	vor.u32 $0x8, v30;
	v43 =	vld.idx.msk [tilespmem:v2+s16+$0x0], $0xffff;
	v2 =	vor.u32 $0x8, v49  }
0xe0: {  	v16 =	vadd.f32 v40, v16;
	v40 =	vmul.f32 v46, v15;
	v46 =	vld [tilespmem:$0x1EF70];
	v7 =	vmul.f32 v21, v26  }
0xe1: {  	v55 =	vld.idx.msk [tilespmem:v23+s16+$0x0], $0xffff;
	v23 =	vmul.f32 v45, v26;
	v45 =	vmul.f32 v47, v15  }
0xe2: {  	v63 =	vld.idx.msk [tilespmem:v8+s16+$0x0], $0xffff;
	v7 =	vadd.f32 v7, v9;
	v9 =	vmul.f32 v19, v26  }
0xe3: {  	v13 =	vadd.f32 v45, v13;
	v45 =	vld.idx.msk [tilespmem:v14+s16+$0x0], $0xffff;
	v14 =	vor.u32 $0x9, v50  }
0xe4: {  	v21 =	vld.idx.msk [tilespmem:v2+s16+$0x0], $0xffff;
	v2 =	vor.u32 $0x9, v31;
	v9 =	vadd.f32 v9, v12;
	v12 =	vmul.f32 v44, v26  }
0xe5: {  	v0 =	vadd.f32 $0.0e+00, v0;
	v25 =	vmul.f32 v58, v25;
	v24 =	vld.idx.msk [tilespmem:v3+s14+$0x0], $0xffff  }
0xe6: {  	v22 =	vor.u32 $0x8, v50;
	v58 =	vld.idx.msk [tilespmem:v3+s15+$0x0], $0xffff;
	v12 =	vadd.f32 v12, v18;
	v18 =	vmul.f32 v60, v15  }
0xe7: {  	v0 =	vadd.f32 v25, v0;
	v8 =	vor.u32 $0x8, v31;
	v47 =	vld [tilespmem:$0x1EF60]  }
0xe8: {  	v5 =	vadd.f32 v18, v5;
	v18 =	vmul.f32 v46, v15;
	v46 =	vld.idx.msk [tilespmem:v14+s16+$0x0], $0xffff;
	v14 =	vor.u32 $0xA, v32  }
0xe9: {  	v44 =	vmul.f32 v48, v15;
	v48 =	vld.idx.msk [tilespmem:v2+s16+$0x0], $0xffff;
	v2 =	vor.u32 $0x9, v38  }
0xea: {  	v3 =	vor.u32 $0x8, v37;
	v0 =	vadd.f32 v23, v0;
	v23 =	vld [tilespmem:$0x1EF90]  }
0xeb: {  	v20 =	vld.idx.msk [tilespmem:v22+s16+$0x0], $0xffff;
	v22 =	vor.u32 $0x9, v39  }
0xec: {  	v59 =	vld.idx.msk [tilespmem:v8+s16+$0x0], $0xffff  }
0xed: {  	v8 =	vor.u32 $0x8, v38;
	v14 =	vld.idx.msk [tilespmem:v14+s16+$0x0], $0xffff  }
0xee: {  	v60 =	vmul.f32 v47, v15;
	v2 =	vld.idx.msk [tilespmem:v2+s16+$0x0], $0xffff  }
0xef: {  	v54 =	vld.idx.msk [tilespmem:v3+s16+$0x0], $0xffff;
	v3 =	vor.u32 $0x8, v51  }
0xf0: {  	v16 =	vadd.f32 v60, v16;
	v60 =	vld.idx.msk [tilespmem:v22+s16+$0x0], $0xffff  }
0xf1: {  	v22 =	vld [tilespmem:$0x1EF80]  }
0xf2: {  	v56 =	vld.idx.msk [tilespmem:v8+s16+$0x0], $0xffff;
	[tilespmem:$0x1F280] =	vst v14;
	v14 =	vor.u32 $0xA, v39  }
0xf3: {  	v26 =	vld [tilespmem:$0x1EFA0];
	[tilespmem:$0x1F240] =	vst v2;
	v2 =	vor.u32 $0xA, v30  }
0xf4: {  	v52 =	vld.idx.msk [tilespmem:v3+s16+$0x0], $0xffff  }
0xf5: {  	v8 =	vor.u32 $0x9, v30;
	[tilespmem:$0x1F250] =	vst v60;
	v60 =	vld [tilespmem:$0x1EFB0]  }
0xf6: {  	v7 =	vadd.f32 v18, v7;
	v18 =	vmul.f32 v22, v15;
	v22 =	vmul.f32 v23, v15;
	v23 =	vld [tilespmem:$0x1EFC0]  }
0xf7: {  	v14 =	vld.idx.msk [tilespmem:v14+s16+$0x0], $0xffff  }
0xf8: {  	v4 =	vadd.f32 v40, v4;
	v40 =	vmul.f32 v26, v15;
	v26 =	vld.idx.msk [tilespmem:v2+s14+$0x0], $0xffff  }
0xf9: {  	v2 =	vld.idx.msk [tilespmem:v2+s15+$0x0], $0xffff  }
0xfa: {  	v3 =	vor.u32 $0x9, v35;
	v25 =	vld.idx.msk [tilespmem:v8+s14+$0x0], $0xffff  }
0xfb: {  	v8 =	vld.idx.msk [tilespmem:v8+s15+$0x0], $0xffff;
	v6 =	vadd.f32 v18, v6;
	v18 =	vmul.f32 v60, v15;
	v15 =	vmul.f32 v23, v15  }
0xfc: {  	[tilespmem:$0x1F2C0] =	vst v14;
	v14 =	vld [tilespmem:$0x1F040]  }
0xfd: {  	v0 =	vadd.f32 v15, v0;
	v15 =	vld [tilespmem:$0x1EFF0]  }
0xfe: {  	[tilespmem:$0x1F260] =	vst v2;
	v2 =	vld [tilespmem:$0x1EFD0]  }
0xff: {  	v42 =	vld.idx.msk [tilespmem:v3+s16+$0x0], $0xffff;
	v3 =	vor.u32 $0x9, v49  }
0x100: {  	v34 =	vld.idx.msk [tilespmem:v34+s15+$0x0], $0xffff  }
0x101: {  	v10 =	vadd.f32 v22, v10;
	v14 =	vmul.f32 v14, v27  }
0x102: {  	v1 =	vadd.f32 v44, v1;
	v15 =	vmul.f32 v15, v27  }
0x103: {  	v2 =	vmul.f32 v2, v27;
	v10 =	vadd.f32 v14, v10;
	v14 =	vmul.f32 v33, v27  }
0x104: {  	[tilespmem:$0x1F230] =	vst v8;
	v8 =	vor.u32 $0x9, v37;
	v44 =	vld.idx.msk [tilespmem:v3+s16+$0x0], $0xffff;
	v3 =	vor.u32 $0xA, v31;
	v5 =	vadd.f32 v15, v5  }
0x105: {  	v15 =	vld [tilespmem:$0x1F000];
	v1 =	vadd.f32 v2, v1;
	v0 =	vadd.f32 v14, v0;
	v14 =	vmul.f32 v34, v28;
	_ =	sdelay $0x1  }
0x106: {  	v1 =	vadd.f32 v14, v1;
	v14 =	vld [tilespmem:$0x1F080]  }
0x107: {  	v22 =	vor.u32 $0xA, v36  }
0x108: {  	v3 =	vld.idx.msk [tilespmem:v3+s16+$0x0], $0xffff  }
0x109: {  	v47 =	vld.idx.msk [tilespmem:v8+s16+$0x0], $0xffff;
	v15 =	vmul.f32 v15, v27  }
0x10a: {  	v9 =	vadd.f32 v40, v9;
	v40 =	vld [tilespmem:$0x1EFE0]  }
0x10b: {  	v8 =	vor.u32 $0x9, v51;
	v23 =	vld [tilespmem:$0x1F010];
	v15 =	vadd.f32 v15, v16;
	v14 =	vmul.f32 v14, v28  }
0x10c: {  	v22 =	vld.idx.msk [tilespmem:v22+s16+$0x0], $0xffff  }
0x10d: {  	[tilespmem:$0x1F270] =	vst v3;
	v3 =	vor.u32 $0xA, v38;
	v14 =	vadd.f32 v14, v15;
	v15 =	vld [tilespmem:$0x1F090]  }
0x10e: {  	v12 =	vadd.f32 v18, v12;
	v18 =	vor.u32 $0xA, v37;
	_ =	sdelay $0x1  }
0x10f: {  	v60 =	vld.idx.msk [tilespmem:v8+s16+$0x0], $0xffff;
	v8 =	vor.u32 $0xA, v35;
	v23 =	vmul.f32 v23, v27  }
0x110: {  	v19 =	vmul.f32 v40, v27;
	v40 =	vld [tilespmem:$0x1F020];
	[tilespmem:$0x1F290] =	vst v22;
	v22 =	vor.u32 $0xA, v50  }
0x111: {  	v3 =	vld.idx.msk [tilespmem:v3+s16+$0x0], $0xffff;
	v4 =	vadd.f32 v23, v4;
	v15 =	vmul.f32 v15, v28  }
0x112: {  	v18 =	vld.idx.msk [tilespmem:v18+s16+$0x0], $0xffff  }
0x113: {  	v4 =	vadd.f32 v15, v4;
	v15 =	vld [tilespmem:$0x1F0C0]  }
0x114: {  	v2 =	vld.idx.msk [tilespmem:v8+s16+$0x0], $0xffff;
	v8 =	vor.u32 $0xA, v49  }
0x115: {  	v22 =	vld.idx.msk [tilespmem:v22+s16+$0x0], $0xffff  }
0x116: {  	v40 =	vmul.f32 v40, v27;
	v16 =	vld [tilespmem:$0x1F030];
	_ =	sdelay $0x1  }
0x117: {  	v7 =	vadd.f32 v40, v7;
	v40 =	vld [tilespmem:$0x1F050];
	[tilespmem:$0x1F2A0] =	vst v18;
	v18 =	vor.u32 $0xA, v51;
	v15 =	vmul.f32 v15, v28  }
0x118: {  	v8 =	vld.idx.msk [tilespmem:v8+s16+$0x0], $0xffff  }
0x119: {  	[tilespmem:$0x1F2E0] =	vst v22;
	v22 =	vor.u32 $0xB, v32;
	v10 =	vadd.f32 v15, v10;
	v15 =	vld [tilespmem:$0x1F0D0]  }
0x11a: {  	v23 =	vld [tilespmem:$0x1F060];
	[tilespmem:$0x1F2B0] =	vst v3;
	v3 =	vor.u32 $0xB, v30;
	v16 =	vmul.f32 v16, v27;
	_ =	sdelay $0x1  }
0x11b: {  	v18 =	vld.idx.msk [tilespmem:v18+s16+$0x0], $0xffff;
	v6 =	vadd.f32 v16, v6;
	v16 =	vmul.f32 v40, v27;
	_ =	sdelay $0x1  }
0x11c: {  	v22 =	vld.idx.msk [tilespmem:v22+s16+$0x0], $0xffff;
	[tilespmem:$0x1F2D0] =	vst v8;
	v8 =	vor.u32 $0xB, v31;
	v9 =	vadd.f32 v16, v9;
	v15 =	vmul.f32 v15, v28  }
0x11d: {  	v33 =	vor.u32 $0xB, v36;
	v40 =	vmul.f32 v23, v27;
	v27 =	vld.idx.msk [tilespmem:v3+s14+$0x0], $0xffff  }
0x11e: {  	v9 =	vadd.f32 v15, v9;
	v15 =	vld [tilespmem:$0x1F100]  }
0x11f: {  	[tilespmem:$0x1F2F0] =	vst v18;
	v18 =	vor.u32 $0xB, v35;
	v3 =	vld.idx.msk [tilespmem:v3+s15+$0x0], $0xffff  }
0x120: {  	v34 =	vld [tilespmem:$0x1F070]  }
0x121: {  	v8 =	vld.idx.msk [tilespmem:v8+s16+$0x0], $0xffff  }
0x122: {  	v16 =	vld.idx.msk [tilespmem:v33+s16+$0x0], $0xffff  }
0x123: {  	v33 =	vld [tilespmem:$0x1F0A0];
	v15 =	vmul.f32 v15, v17  }
0x124: {  	[tilespmem:$0x1F320] =	vst v22;
	v22 =	vor.u32 $0xB, v39;
	v18 =	vld.idx.msk [tilespmem:v18+s16+$0x0], $0xffff  }
0x125: {  	v13 =	vadd.f32 v19, v13;
	[tilespmem:$0x1F300] =	vst v3;
	v3 =	vor.u32 $0xB, v37;
	v1 =	vadd.f32 v15, v1;
	v15 =	vld [tilespmem:$0x1F110]  }
0x126: {  	v12 =	vadd.f32 v40, v12;
	v40 =	vmul.f32 v34, v28;
	[tilespmem:$0x1F310] =	vst v8;
	v8 =	vor.u32 $0xB, v38  }
0x127: {  	v23 =	vld [tilespmem:$0x1F0F0]  }
0x128: {  	v13 =	vadd.f32 v40, v13;
	v40 =	vld [tilespmem:$0x1F0B0]  }
0x129: {  	[tilespmem:$0x1F340] =	vst v16;
	v16 =	vor.u32 $0xB, v50;
	v34 =	vmul.f32 v33, v28;
	v33 =	vld.idx.msk [tilespmem:v22+s16+$0x0], $0xffff  }
0x12a: {  	[tilespmem:$0x1F330] =	vst v18;
	v18 =	vor.u32 $0xB, v49;
	v3 =	vld.idx.msk [tilespmem:v3+s16+$0x0], $0xffff;
	v15 =	vmul.f32 v15, v17  }
0x12b: {  	v8 =	vld.idx.msk [tilespmem:v8+s16+$0x0], $0xffff  }
0x12c: {  	v13 =	vadd.f32 v15, v13;
	v15 =	vld [tilespmem:$0x1F140]  }
0x12d: {  	v7 =	vadd.f32 v34, v7;
	v34 =	vld [tilespmem:$0x1F0E0]  }
0x12e: {  	v16 =	vld.idx.msk [tilespmem:v16+s16+$0x0], $0xffff  }
0x12f: {  	v29 =	vmul.f32 v29, v28;
	v18 =	vld.idx.msk [tilespmem:v18+s16+$0x0], $0xffff  }
0x130: {  	[tilespmem:$0x1F360] =	vst v8;
	v8 =	vor.u32 $0xC, v30  }
0x131: {  	v5 =	vadd.f32 v29, v5;
	[tilespmem:$0x1F370] =	vst v33;
	v15 =	vmul.f32 v15, v17  }
0x132: {  	v29 =	vld [tilespmem:$0x1F120];
	v19 =	vmul.f32 v40, v28;
	[tilespmem:$0x1F350] =	vst v3;
	v3 =	vor.u32 $0xB, v51;
	v40 =	vmul.f32 v34, v28  }
0x133: {  	[tilespmem:$0x1F390] =	vst v16;
	v16 =	vor.u32 $0xC, v32;
	v28 =	vmul.f32 v23, v28;
	v4 =	vadd.f32 v15, v4;
	v15 =	vld [tilespmem:$0x1F150]  }
0x134: {  	v33 =	vld [tilespmem:$0x1F130];
	[tilespmem:$0x1F380] =	vst v18;
	v18 =	vor.u32 $0xC, v31  }
0x135: {  	v0 =	vadd.f32 v28, v0;
	v28 =	vld.idx.msk [tilespmem:v8+s14+$0x0], $0xffff  }
0x136: {  	v8 =	vld.idx.msk [tilespmem:v8+s15+$0x0], $0xffff  }
0x137: {  	v3 =	vld.idx.msk [tilespmem:v3+s16+$0x0], $0xffff  }
0x138: {  	v16 =	vld.idx.msk [tilespmem:v16+s16+$0x0], $0xffff;
	v15 =	vmul.f32 v15, v17  }
0x139: {  	v12 =	vadd.f32 v40, v12;
	v40 =	vor.u32 $0xC, v38;
	v18 =	vld.idx.msk [tilespmem:v18+s16+$0x0], $0xffff  }
0x13a: {  	v22 =	vor.u32 $0xC, v36;
	v7 =	vadd.f32 v15, v7;
	v15 =	vld [tilespmem:$0x1F180]  }
0x13b: {  	[tilespmem:$0x1F3B0] =	vst v8;
	v8 =	vor.u32 $0xC, v37  }
0x13c: {  	v34 =	vmul.f32 v33, v17;
	v33 =	vld [tilespmem:$0x1F170]  }
0x13d: {  	[tilespmem:$0x1F3A0] =	vst v3;
	v23 =	vmul.f32 v29, v17;
	v29 =	vld [tilespmem:$0x1F160]  }
0x13e: {  	v3 =	vor.u32 $0xC, v35;
	[tilespmem:$0x1F3C0] =	vst v18;
	v18 =	vld.idx.msk [tilespmem:v40+s16+$0x0], $0xffff  }
0x13f: {  	[tilespmem:$0x1F3D0] =	vst v16;
	v16 =	vor.u32 $0xC, v39;
	v5 =	vadd.f32 v23, v5;
	v23 =	vld.idx.msk [tilespmem:v22+s16+$0x0], $0xffff;
	v15 =	vmul.f32 v15, v17  }
0x140: {  	v40 =	vor.u32 $0xD, v30;
	v8 =	vld.idx.msk [tilespmem:v8+s16+$0x0], $0xffff  }
0x141: {  	v9 =	vadd.f32 v15, v9;
	v15 =	vld [tilespmem:$0x1F190];
	_ =	sdelay $0x1  }
0x142: {  	v14 =	vadd.f32 v34, v14;
	v34 =	vmul.f32 v33, v17;
	v3 =	vld.idx.msk [tilespmem:v3+s16+$0x0], $0xffff  }
0x143: {  	v6 =	vadd.f32 v19, v6;
	v22 =	vor.u32 $0xC, v50;
	v16 =	vld.idx.msk [tilespmem:v16+s16+$0x0], $0xffff;
	[tilespmem:$0x1F3F0] =	vst v23  }
0x144: {  	v10 =	vadd.f32 v34, v10;
	v34 =	vld.idx.msk [tilespmem:v40+s15+$0x0], $0xffff;
	v23 =	vmul.f32 v29, v17;
	[tilespmem:$0x1F400] =	vst v8;
	v8 =	vor.u32 $0xC, v51  }
0x145: {  	v29 =	vld [tilespmem:$0x1F1B0];
	v15 =	vmul.f32 v15, v17  }
0x146: {  	v6 =	vadd.f32 v23, v6;
	v23 =	vld [tilespmem:$0x1F1A0]  }
0x147: {  	v12 =	vadd.f32 v15, v12;
	v15 =	vld [tilespmem:$0x1F1C0]  }
0x148: {  	v33 =	vld.idx.msk [tilespmem:v22+s16+$0x0], $0xffff  }
0x149: {  	v8 =	vld.idx.msk [tilespmem:v8+s16+$0x0], $0xffff  }
0x14a: {  	[tilespmem:$0x1F3E0] =	vst v3;
	v22 =	vld.idx.msk [tilespmem:v40+s14+$0x0], $0xffff  }
0x14b: {  	v3 =	vor.u32 $0xC, v49;
	v40 =	vld [tilespmem:$0x1F1E0];
	[tilespmem:$0x1F420] =	vst v16;
	v16 =	vmul.f32 v23, v17  }
0x14c: {  	v17 =	vmul.f32 v29, v11;
	v29 =	vld [tilespmem:$0x1F1F0];
	v15 =	vmul.f32 v15, v11;
	_ =	sdelay $0x1  }
0x14d: {  	[tilespmem:$0x1F450] =	vst v8;
	v8 =	vor.u32 $0xD, v35;
	v13 =	vadd.f32 v15, v13;
	v15 =	vld [tilespmem:$0x1F1D0];
	_ =	sdelay $0x1  }
0x14e: {  	[tilespmem:$0x1F410] =	vst v18;
	v3 =	vld.idx.msk [tilespmem:v3+s16+$0x0], $0xffff  }
0x14f: {  	[tilespmem:$0x1F440] =	vst v33;
	v18 =	vmul.f32 v40, v11;
	v33 =	vmul.f32 v29, v11;
	_ =	sdelay $0x1  }
0x150: {  	v14 =	vadd.f32 v18, v14;
	v18 =	vadd.f32 v33, v4;
	v4 =	vld.idx.msk [tilespmem:v8+s16+$0x0], $0xffff;
	v15 =	vmul.f32 v15, v11;
	_ =	sdelay $0x1  }
0x151: {  	[tilespmem:$0x1F430] =	vst v3;
	v3 =	vor.u32 $0xD, v31;
	v5 =	vadd.f32 v15, v5;
	v15 =	vld [tilespmem:$0x1F200];
	_ =	sdelay $0x1  }
0x152: {  	v0 =	vadd.f32 v16, v0;
	v16 =	vor.u32 $0xD, v36  }
0x153: {  	v23 =	vor.u32 $0xD, v32;
	[tilespmem:$0x1F490] =	vst v4;
	v4 =	vld [tilespmem:$0x1F210];
	_ =	sdelay $0x1  }
0x154: {  	v3 =	vld.idx.msk [tilespmem:v3+s16+$0x0], $0xffff;
	v15 =	vmul.f32 v15, v11;
	_ =	sdelay $0x1  }
0x155: {  	v7 =	vadd.f32 v15, v7;
	v15 =	vld.idx.msk [tilespmem:v16+s16+$0x0], $0xffff  }
0x156: {  	[tilespmem:$0x1F460] =	vst v34;
	v34 =	vld.idx.msk [tilespmem:v23+s16+$0x0], $0xffff;
	v23 =	vor.u32 $0xD, v39;
	v4 =	vmul.f32 v4, v11  }
0x157: {  	v1 =	vadd.f32 v17, v1;
	v17 =	vor.u32 $0xD, v37  }
0x158: {  	[tilespmem:$0x1F470] =	vst v3;
	v3 =	vor.u32 $0xD, v38;
	v6 =	vadd.f32 v4, v6;
	v4 =	vld [tilespmem:$0x1F220];
	_ =	sdelay $0x1  }
0x159: {  	[tilespmem:$0x1F4A0] =	vst v15;
	v15 =	vor.u32 $0xD, v50  }
0x15a: {  	v29 =	vld.idx.msk [tilespmem:v23+s16+$0x0], $0xffff;
	v8 =	vor.u32 $0xD, v49  }
0x15b: {  	v40 =	vmul.f32 v63, v11;
	v63 =	vld.idx.msk [tilespmem:v17+s16+$0x0], $0xffff;
	v17 =	vor.u32 $0xD, v51  }
0x15c: {  	v16 =	vmul.f32 v62, v11;
	v62 =	vmul.f32 v4, v11;
	v4 =	vld.idx.msk [tilespmem:v3+s16+$0x0], $0xffff;
	v3 =	vor.u32 $0xE, v30;
	_ =	sdelay $0x1  }
0x15d: {  	[tilespmem:$0x1F480] =	vst v34;
	v34 =	vmul.f32 v58, v24;
	v11 =	vmul.f32 v61, v11;
	v58 =	vld.idx.msk [tilespmem:v15+s16+$0x0], $0xffff;
	v15 =	vor.u32 $0xE, v32  }
0x15e: {  	v12 =	vadd.f32 v62, v12;
	v62 =	vld.idx.msk [tilespmem:v8+s16+$0x0], $0xffff  }
0x15f: {  	v11 =	vadd.f32 v11, v0;
	v0 =	vmul.f32 v57, v24;
	v57 =	vld.idx.msk [tilespmem:v17+s16+$0x0], $0xffff  }
0x160: {  	[tilespmem:$0x1F4B0] =	vst v29;
	v23 =	vld.idx.msk [tilespmem:v3+s14+$0x0], $0xffff  }
0x161: {  	v3 =	vld.idx.msk [tilespmem:v3+s15+$0x0], $0xffff  }
0x162: {  	v15 =	vld.idx.msk [tilespmem:v15+s16+$0x0], $0xffff;
	_ =	sdelay $0x3  }
0x163: {  	v29 =	vadd.f32 v0, v5;
	v0 =	vmul.f32 v43, v24  }
0x164: {  	[tilespmem:$0x1F4E0] =	vst v15;
	v15 =	vor.u32 $0xE, v39  }
0x165: {  	v14 =	vadd.f32 v0, v14;
	v0 =	vmul.f32 v56, v24  }
0x166: {  	v9 =	vadd.f32 v40, v9;
	v40 =	vmul.f32 v59, v24;
	v59 =	vor.u32 $0xE, v36  }
0x167: {  	v10 =	vadd.f32 v16, v10;
	v6 =	vadd.f32 v0, v6;
	v0 =	vmul.f32 v53, v24  }
0x168: {  	[tilespmem:$0x1F4C0] =	vst v3;
	v3 =	vor.u32 $0xE, v37  }
0x169: {  	v10 =	vadd.f32 v0, v10;
	v0 =	vld.idx.msk [tilespmem:v15+s16+$0x0], $0xffff  }
0x16a: {  	v5 =	vmul.f32 v55, v24;
	v15 =	vld [tilespmem:$0x1F230]  }
0x16b: {  	v43 =	vor.u32 $0xE, v49  }
0x16c: {  	v18 =	vadd.f32 v5, v18;
	v5 =	vld.idx.msk [tilespmem:v59+s16+$0x0], $0xffff  }
0x16d: {  	v59 =	vmul.f32 v21, v24;
	v21 =	vld.idx.msk [tilespmem:v3+s16+$0x0], $0xffff;
	v3 =	vor.u32 $0xE, v51  }
0x16e: {  	v56 =	vor.u32 $0xE, v50  }
0x16f: {  	v1 =	vadd.f32 v34, v1;
	v15 =	vmul.f32 v15, v25  }
0x170: {  	v13 =	vadd.f32 v40, v13;
	v40 =	vmul.f32 v54, v24;
	v17 =	vld.idx.msk [tilespmem:v43+s16+$0x0], $0xffff  }
0x171: {  	v15 =	vadd.f32 v15, v1;
	v1 =	vmul.f32 v42, v25;
	v42 =	vld [tilespmem:$0x1F250]  }
0x172: {  	v7 =	vadd.f32 v40, v7;
	v40 =	vmul.f32 v48, v25;
	v48 =	vld.idx.msk [tilespmem:v3+s16+$0x0], $0xffff;
	v3 =	vor.u32 $0xF, v35  }
0x173: {  	v19 =	vmul.f32 v20, v24;
	v20 =	vld.idx.msk [tilespmem:v56+s16+$0x0], $0xffff  }
0x174: {  	v43 =	vmul.f32 v41, v25;
	v56 =	vld [tilespmem:$0x1F240]  }
0x175: {  	v2 =	vmul.f32 v2, v26  }
0x176: {  	v29 =	vadd.f32 v43, v29;
	v14 =	vadd.f32 v1, v14;
	v43 =	vmul.f32 v42, v25  }
0x177: {  	v8 =	vor.u32 $0xE, v31;
	v3 =	vld.idx.msk [tilespmem:v3+s16+$0x0], $0xffff  }
0x178: {  	v14 =	vadd.f32 v2, v14;
	v2 =	vld [tilespmem:$0x1F2A0];
	v10 =	vadd.f32 v43, v10;
	v43 =	vor.u32 $0x10, v30  }
0x179: {  	v33 =	vor.u32 $0xF, v36;
	v9 =	vadd.f32 v59, v9;
	v59 =	vmul.f32 v56, v25  }
0x17a: {  	v12 =	vadd.f32 v19, v12  }
0x17b: {  	v53 =	vor.u32 $0xF, v32;
	v6 =	vadd.f32 v59, v6;
	v59 =	vmul.f32 v46, v25  }
0x17c: {  	v55 =	vmul.f32 v47, v25;
	v8 =	vld.idx.msk [tilespmem:v8+s16+$0x0], $0xffff;
	[tilespmem:$0x1F510] =	vst v3;
	v3 =	vor.u32 $0xF, v49  }
0x17d: {  	v12 =	vadd.f32 v59, v12;
	v59 =	vmul.f32 v2, v26;
	v2 =	vld.idx.msk [tilespmem:v43+s15+$0x0], $0xffff  }
0x17e: {  	v7 =	vadd.f32 v55, v7;
	v55 =	vld.idx.msk [tilespmem:v33+s16+$0x0], $0xffff  }
0x17f: {  	v41 =	vld [tilespmem:$0x1F260]  }
0x180: {  	v47 =	vld.idx.msk [tilespmem:v53+s16+$0x0], $0xffff  }
0x181: {  	v54 =	vmul.f32 v45, v25;
	v53 =	vor.u32 $0xF, v39;
	v3 =	vld.idx.msk [tilespmem:v3+s16+$0x0], $0xffff  }
0x182: {  	[tilespmem:$0x1F590] =	vst v2;
	v2 =	vld [tilespmem:$0x1F2B0]  }
0x183: {  	v18 =	vadd.f32 v54, v18;
	v54 =	vmul.f32 v44, v25;
	v45 =	vld [tilespmem:$0x1F280]  }
0x184: {  	v44 =	vld [tilespmem:$0x1F270];
	[tilespmem:$0x1F4F0] =	vst v17;
	v17 =	vor.u32 $0xF, v31  }
0x185: {  	v9 =	vadd.f32 v54, v9;
	v54 =	vor.u32 $0x10, v32;
	[tilespmem:$0x1F520] =	vst v55;
	v55 =	vld [tilespmem:$0x1F290]  }
0x186: {  	v56 =	vor.u32 $0xF, v50;
	v16 =	vld.idx.msk [tilespmem:v53+s16+$0x0], $0xffff  }
0x187: {  	v25 =	vmul.f32 v60, v25;
	[tilespmem:$0x1F560] =	vst v3;
	v3 =	vor.u32 $0x10, v31;
	v60 =	vmul.f32 v2, v26;
	v2 =	vld [tilespmem:$0x1F2C0]  }
0x188: {  	[tilespmem:$0x1F4D0] =	vst v8;
	v8 =	vor.u32 $0xE, v38;
	v46 =	vmul.f32 v45, v26;
	v45 =	vld [tilespmem:$0x1F2D0]  }
0x189: {  	v17 =	vld.idx.msk [tilespmem:v17+s16+$0x0], $0xffff  }
0x18a: {  	v29 =	vadd.f32 v46, v29;
	v46 =	vld.idx.msk [tilespmem:v54+s16+$0x0], $0xffff  }
0x18b: {  	v53 =	vld.idx.msk [tilespmem:v56+s16+$0x0], $0xffff  }
0x18c: {  	[tilespmem:$0x1F550] =	vst v16;
	v16 =	vmul.f32 v44, v26;
	v44 =	vmul.f32 v2, v26;
	v2 =	vld.idx.msk [tilespmem:v3+s16+$0x0], $0xffff;
	v3 =	vor.u32 $0x10, v38  }
0x18d: {  	v13 =	vadd.f32 v40, v13;
	v24 =	vmul.f32 v52, v24;
	v52 =	vld.idx.msk [tilespmem:v8+s16+$0x0], $0xffff;
	v56 =	vor.u32 $0x10, v36  }
0x18e: {  	v54 =	vld [tilespmem:$0x1F2E0];
	[tilespmem:$0x1F500] =	vst v17  }
0x18f: {  	v17 =	vor.u32 $0xF, v38;
	v13 =	vadd.f32 v16, v13;
	v16 =	vmul.f32 v55, v26;
	[tilespmem:$0x1F5A0] =	vst v46;
	v46 =	vld [tilespmem:$0x1F320]  }
0x190: {  	[tilespmem:$0x1F570] =	vst v53;
	v53 =	vor.u32 $0x10, v39;
	v10 =	vadd.f32 v44, v10;
	v44 =	vld [tilespmem:$0x1F310]  }
0x191: {  	v16 =	vadd.f32 v16, v18;
	v18 =	vmul.f32 v45, v26;
	v3 =	vld.idx.msk [tilespmem:v3+s16+$0x0], $0xffff  }
0x192: {  	v55 =	vld.idx.msk [tilespmem:v56+s16+$0x0], $0xffff  }
0x193: {  	v56 =	vld [tilespmem:$0x1F2F0];
	v9 =	vadd.f32 v18, v9;
	v18 =	vmul.f32 v54, v26  }
0x194: {  	v8 =	vor.u32 $0xF, v30;
	v17 =	vld.idx.msk [tilespmem:v17+s16+$0x0], $0xffff  }
0x195: {  	v12 =	vadd.f32 v18, v12;
	v45 =	vld.idx.msk [tilespmem:v53+s16+$0x0], $0xffff;
	v18 =	vmul.f32 v44, v27  }
0x196: {  	v53 =	vld [tilespmem:$0x1F330];
	[tilespmem:$0x1F5E0] =	vst v3;
	v3 =	vor.u32 $0x11, v30  }
0x197: {  	v11 =	vadd.f32 v24, v11;
	v13 =	vadd.f32 v18, v13;
	v18 =	vmul.f32 v46, v27;
	v46 =	vld [tilespmem:$0x1F360];
	_ =	sdelay $0x1  }
0x198: {  	v24 =	vld.idx.msk [tilespmem:v8+s14+$0x0], $0xffff;
	v42 =	vmul.f32 v41, v26;
	v11 =	vadd.f32 v25, v11;
	v26 =	vmul.f32 v56, v26  }
0x199: {  	v1 =	vld.idx.msk [tilespmem:v8+s15+$0x0], $0xffff  }
0x19a: {  	v8 =	vor.u32 $0xF, v37;
	[tilespmem:$0x1F540] =	vst v17;
	v17 =	vor.u32 $0x10, v37;
	v11 =	vadd.f32 v26, v11;
	v26 =	vld.idx.msk [tilespmem:v3+s14+$0x0], $0xffff  }
0x19b: {  	v54 =	vmul.f32 v53, v27;
	v6 =	vadd.f32 v60, v6;
	v53 =	vmul.f32 v46, v27;
	v3 =	vld.idx.msk [tilespmem:v3+s15+$0x0], $0xffff;
	_ =	sdelay $0x1  }
0x19c: {  	v18 =	vadd.f32 v18, v29;
	v29 =	vadd.f32 v53, v6;
	v6 =	vld [tilespmem:$0x1F390]  }
0x19d: {  	[tilespmem:$0x1F5C0] =	vst v55;
	v55 =	vld [tilespmem:$0x1F340]  }
0x19e: {  	v8 =	vld.idx.msk [tilespmem:v8+s16+$0x0], $0xffff  }
0x19f: {  	v17 =	vld.idx.msk [tilespmem:v17+s16+$0x0], $0xffff;
	[tilespmem:$0x1F630] =	vst v3;
	v3 =	vor.u32 $0x11, v37  }
0x1a0: {  	v25 =	vld.idx.msk [tilespmem:v43+s14+$0x0], $0xffff;
	v43 =	vor.u32 $0x10, v51  }
0x1a1: {  	v34 =	vor.u32 $0x10, v50;
	v7 =	vadd.f32 v59, v7;
	v59 =	vld [tilespmem:$0x1F300];
	v6 =	vmul.f32 v6, v27  }
0x1a2: {  	v14 =	vadd.f32 v54, v14;
	v54 =	vld [tilespmem:$0x1F370]  }
0x1a3: {  	v12 =	vadd.f32 v6, v12;
	v6 =	vld [tilespmem:$0x1F3A0]  }
0x1a4: {  	[tilespmem:$0x1F530] =	vst v8;
	v3 =	vld.idx.msk [tilespmem:v3+s16+$0x0], $0xffff  }
0x1a5: {  	v8 =	vor.u32 $0xF, v51;
	[tilespmem:$0x1F5D0] =	vst v17;
	v17 =	vld.idx.msk [tilespmem:v43+s16+$0x0], $0xffff;
	v56 =	vmul.f32 v55, v27  }
0x1a6: {  	v60 =	vmul.f32 v59, v27;
	v59 =	vld.idx.msk [tilespmem:v34+s16+$0x0], $0xffff  }
0x1a7: {  	v16 =	vadd.f32 v56, v16;
	v56 =	vld [tilespmem:$0x1F380]  }
0x1a8: {  	v44 =	vld [tilespmem:$0x1F350]  }
0x1a9: {  	v6 =	vmul.f32 v6, v27;
	[tilespmem:$0x1F660] =	vst v3;
	v3 =	vor.u32 $0x11, v51  }
0x1aa: {  	v15 =	vadd.f32 v42, v15;
	v8 =	vld.idx.msk [tilespmem:v8+s16+$0x0], $0xffff  }
0x1ab: {  	[tilespmem:$0x1F620] =	vst v17;
	v17 =	vor.u32 $0x11, v35;
	v11 =	vadd.f32 v6, v11;
	v6 =	vld [tilespmem:$0x1F3D0]  }
0x1ac: {  	[tilespmem:$0x1F5F0] =	vst v45;
	v15 =	vadd.f32 v60, v15;
	v60 =	vor.u32 $0x11, v32;
	v55 =	vmul.f32 v54, v27  }
0x1ad: {  	[tilespmem:$0x1F610] =	vst v59;
	v59 =	vmul.f32 v56, v27;
	v45 =	vmul.f32 v44, v27;
	v27 =	vor.u32 $0x11, v50  }
0x1ae: {  	v3 =	vld.idx.msk [tilespmem:v3+s16+$0x0], $0xffff  }
0x1af: {  	[tilespmem:$0x1F580] =	vst v8;
	v8 =	vor.u32 $0x10, v35;
	v10 =	vadd.f32 v55, v10;
	v55 =	vld [tilespmem:$0x1F3E0]  }
0x1b0: {  	v56 =	vld.idx.msk [tilespmem:v17+s16+$0x0], $0xffff;
	v17 =	vor.u32 $0x11, v49;
	v54 =	vmul.f32 v6, v28  }
0x1b1: {  	v46 =	vld.idx.msk [tilespmem:v60+s16+$0x0], $0xffff;
	v60 =	vor.u32 $0x11, v39  }
0x1b2: {  	v18 =	vadd.f32 v54, v18;
	v54 =	vld.idx.msk [tilespmem:v27+s16+$0x0], $0xffff  }
0x1b3: {  	[tilespmem:$0x1F690] =	vst v3;
	v3 =	vld [tilespmem:$0x1F420]  }
0x1b4: {  	v8 =	vld.idx.msk [tilespmem:v8+s16+$0x0], $0xffff  }
0x1b5: {  	v17 =	vld.idx.msk [tilespmem:v17+s16+$0x0], $0xffff  }
0x1b6: {  	v9 =	vadd.f32 v59, v9;
	v59 =	vld.idx.msk [tilespmem:v60+s16+$0x0], $0xffff  }
0x1b7: {  	v60 =	vmul.f32 v55, v28;
	v55 =	vld [tilespmem:$0x1F410]  }
0x1b8: {  	[tilespmem:$0x1F680] =	vst v54;
	v54 =	vmul.f32 v3, v28;
	v3 =	vld [tilespmem:$0x1F430];
	_ =	sdelay $0x1  }
0x1b9: {  	[tilespmem:$0x1F5B0] =	vst v8;
	v8 =	vor.u32 $0x10, v49;
	_ =	sdelay $0x1  }
0x1ba: {  	[tilespmem:$0x1F670] =	vst v17;
	v17 =	vor.u32 $0x12, v31  }
0x1bb: {  	v14 =	vadd.f32 v60, v14;
	v60 =	vmul.f32 v55, v28;
	v55 =	vmul.f32 v3, v28;
	v3 =	vld [tilespmem:$0x1F440]  }
0x1bc: {  	v43 =	vld [tilespmem:$0x1F3B0]  }
0x1bd: {  	v8 =	vld.idx.msk [tilespmem:v8+s16+$0x0], $0xffff;
	_ =	sdelay $0x1  }
0x1be: {  	v7 =	vadd.f32 v45, v7;
	v45 =	vld [tilespmem:$0x1F3C0]  }
0x1bf: {  	v29 =	vadd.f32 v60, v29;
	v60 =	vmul.f32 v3, v28;
	v3 =	vld.idx.msk [tilespmem:v17+s16+$0x0], $0xffff  }
0x1c0: {  	v44 =	vmul.f32 v43, v28  }
0x1c1: {  	[tilespmem:$0x1F600] =	vst v8;
	v8 =	vor.u32 $0x11, v31  }
0x1c2: {  	v15 =	vadd.f32 v44, v15;
	v44 =	vld [tilespmem:$0x1F3F0]  }
0x1c3: {  	v53 =	vmul.f32 v45, v28;
	v45 =	vld [tilespmem:$0x1F400]  }
0x1c4: {  	v41 =	vor.u32 $0x12, v32;
	[tilespmem:$0x1F6A0] =	vst v3;
	v3 =	vld [tilespmem:$0x1F450];
	_ =	sdelay $0x1  }
0x1c5: {  	v8 =	vld.idx.msk [tilespmem:v8+s16+$0x0], $0xffff;
	_ =	sdelay $0x1  }
0x1c6: {  	v34 =	vmul.f32 v44, v28  }
0x1c7: {  	v13 =	vadd.f32 v53, v13;
	v53 =	vmul.f32 v45, v28;
	v28 =	vmul.f32 v3, v28;
	v3 =	vld.idx.msk [tilespmem:v41+s16+$0x0], $0xffff;
	_ =	sdelay $0x1  }
0x1c8: {  	[tilespmem:$0x1F640] =	vst v8;
	v8 =	vor.u32 $0x11, v38;
	_ =	sdelay $0x1  }
0x1c9: {  	v45 =	vor.u32 $0x12, v35  }
0x1ca: {  	[tilespmem:$0x1F6B0] =	vst v3;
	v3 =	vld [tilespmem:$0x1F460];
	_ =	sdelay $0x1  }
0x1cb: {  	v6 =	vld.idx.msk [tilespmem:v8+s16+$0x0], $0xffff;
	v8 =	vor.u32 $0x12, v30;
	_ =	sdelay $0x1  }
0x1cc: {  	v7 =	vadd.f32 v53, v7;
	v53 =	vor.u32 $0x12, v36;
	v12 =	vadd.f32 v60, v12;
	v60 =	vld.idx.msk [tilespmem:v45+s16+$0x0], $0xffff  }
0x1cd: {  	v45 =	vmul.f32 v3, v22;
	v3 =	vld [tilespmem:$0x1F470];
	_ =	sdelay $0x1  }
0x1ce: {  	v27 =	vld.idx.msk [tilespmem:v8+s14+$0x0], $0xffff  }
0x1cf: {  	v19 =	vld.idx.msk [tilespmem:v8+s15+$0x0], $0xffff  }
0x1d0: {  	v10 =	vadd.f32 v54, v10;
	v54 =	vld.idx.msk [tilespmem:v53+s16+$0x0], $0xffff  }
0x1d1: {  	v8 =	vor.u32 $0x12, v37;
	v53 =	vmul.f32 v3, v22;
	v3 =	vld [tilespmem:$0x1F480];
	_ =	sdelay $0x4  }
0x1d2: {  	v9 =	vadd.f32 v55, v9;
	v55 =	vmul.f32 v3, v22;
	v3 =	vld.idx.msk [tilespmem:v8+s16+$0x0], $0xffff;
	_ =	sdelay $0x4  }
0x1d3: {  	v17 =	vor.u32 $0x12, v38;
	[tilespmem:$0x1F6C0] =	vst v3;
	v3 =	vld [tilespmem:$0x1F490];
	_ =	sdelay $0x4  }
0x1d4: {  	v43 =	vmul.f32 v3, v22;
	v3 =	vld.idx.msk [tilespmem:v17+s16+$0x0], $0xffff;
	_ =	sdelay $0x4  }
0x1d5: {  	v40 =	vor.u32 $0x12, v49;
	[tilespmem:$0x1F6D0] =	vst v3;
	v3 =	vld [tilespmem:$0x1F4A0];
	_ =	sdelay $0x4  }
0x1d6: {  	v44 =	vmul.f32 v3, v22;
	v3 =	vld.idx.msk [tilespmem:v40+s16+$0x0], $0xffff;
	_ =	sdelay $0x4  }
0x1d7: {  	v8 =	vor.u32 $0x12, v51;
	[tilespmem:$0x1F6E0] =	vst v3;
	v3 =	vld [tilespmem:$0x1F4B0];
	_ =	sdelay $0x3  }
0x1d8: {  	v16 =	vadd.f32 v34, v16;
	v34 =	vor.u32 $0x12, v50  }
0x1d9: {  	v13 =	vadd.f32 v53, v13;
	v53 =	vmul.f32 v3, v22;
	v3 =	vld.idx.msk [tilespmem:v8+s16+$0x0], $0xffff;
	_ =	sdelay $0x3  }
0x1da: {  	v15 =	vadd.f32 v45, v15;
	v45 =	vmul.f32 v63, v22;
	v63 =	vld.idx.msk [tilespmem:v34+s16+$0x0], $0xffff  }
0x1db: {  	v34 =	vor.u32 $0x13, v32;
	[tilespmem:$0x1F6F0] =	vst v3;
	v3 =	vld [tilespmem:$0x1F4C0];
	_ =	sdelay $0x3  }
0x1dc: {  	v33 =	vor.u32 $0x11, v36  }
0x1dd: {  	v8 =	vor.u32 $0x13, v35;
	v10 =	vadd.f32 v53, v10;
	v53 =	vmul.f32 v3, v23;
	v3 =	vld.idx.msk [tilespmem:v34+s16+$0x0], $0xffff;
	_ =	sdelay $0x3  }
0x1de: {  	v42 =	vld.idx.msk [tilespmem:v33+s16+$0x0], $0xffff;
	v33 =	vor.u32 $0x12, v39  }
0x1df: {  	[tilespmem:$0x1F700] =	vst v3;
	v3 =	vld.idx.msk [tilespmem:v8+s16+$0x0], $0xffff;
	_ =	sdelay $0x3  }
0x1e0: {  	v18 =	vadd.f32 v55, v18;
	v55 =	vld.idx.msk [tilespmem:v33+s16+$0x0], $0xffff;
	v33 =	vor.u32 $0x13, v31  }
0x1e1: {  	[tilespmem:$0x1F710] =	vst v3;
	v3 =	vld [tilespmem:$0x1F4D0];
	_ =	sdelay $0x1  }
0x1e2: {  	v4 =	vmul.f32 v4, v22;
	v62 =	vmul.f32 v62, v22;
	v11 =	vadd.f32 v28, v11  }
0x1e3: {  	v40 =	vadd.f32 v45, v7;
	v45 =	vmul.f32 v58, v22;
	v22 =	vmul.f32 v57, v22  }
0x1e4: {  	[tilespmem:$0x1F650] =	vst v42;
	v42 =	vor.u32 $0x13, v36;
	v7 =	vld.idx.msk [tilespmem:v33+s16+$0x0], $0xffff;
	v33 =	vor.u32 $0x13, v38  }
0x1e5: {  	v16 =	vadd.f32 v44, v16;
	v44 =	vadd.f32 v22, v11;
	v22 =	vmul.f32 v3, v23;
	v3 =	vld [tilespmem:$0x1F4E0];
	_ =	sdelay $0x3  }
0x1e6: {  	v9 =	vadd.f32 v62, v9;
	v62 =	vld.idx.msk [tilespmem:v42+s16+$0x0], $0xffff  }
0x1e7: {  	v34 =	vor.u32 $0x13, v39;
	v42 =	vmul.f32 v3, v23;
	v3 =	vld.idx.msk [tilespmem:v33+s16+$0x0], $0xffff;
	_ =	sdelay $0x4  }
0x1e8: {  	v8 =	vor.u32 $0x13, v49;
	[tilespmem:$0x1F720] =	vst v3;
	v3 =	vld.idx.msk [tilespmem:v34+s16+$0x0], $0xffff;
	_ =	sdelay $0x4  }
0x1e9: {  	v41 =	vor.u32 $0x13, v50;
	[tilespmem:$0x1F730] =	vst v3;
	v3 =	vld.idx.msk [tilespmem:v8+s16+$0x0], $0xffff;
	_ =	sdelay $0x3  }
0x1ea: {  	v61 =	vor.u32 $0xE, v35  }
0x1eb: {  	[tilespmem:$0x1F740] =	vst v3;
	v3 =	vld.idx.msk [tilespmem:v41+s16+$0x0], $0xffff;
	_ =	sdelay $0x3  }
0x1ec: {  	v61 =	vld.idx.msk [tilespmem:v61+s16+$0x0], $0xffff  }
0x1ed: {  	v58 =	vor.u32 $0x13, v51;
	[tilespmem:$0x1F750] =	vst v3;
	v3 =	vld [tilespmem:$0x1F4F0]  }
0x1ee: {  	v5 =	vmul.f32 v5, v23;
	_ =	sdelay $0x1  }
0x1ef: {  	v16 =	vadd.f32 v5, v16;
	v5 =	vmul.f32 v21, v23  }
0x1f0: {  	v57 =	vmul.f32 v61, v23;
	v61 =	vor.u32 $0x14, v30  }
0x1f1: {  	v40 =	vadd.f32 v5, v40;
	v5 =	vmul.f32 v3, v23;
	v3 =	vld.idx.msk [tilespmem:v58+s16+$0x0], $0xffff  }
0x1f2: {  	v8 =	vor.u32 $0x14, v31  }
0x1f3: {  	v0 =	vmul.f32 v0, v23;
	v33 =	vor.u32 $0x14, v36;
	_ =	sdelay $0x1  }
0x1f4: {  	v10 =	vadd.f32 v0, v10;
	v0 =	vld.idx.msk [tilespmem:v61+s15+$0x0], $0xffff  }
0x1f5: {  	[tilespmem:$0x1F760] =	vst v3;
	v3 =	vld.idx.msk [tilespmem:v61+s14+$0x0], $0xffff  }
0x1f6: {  	v61 =	vld.idx.msk [tilespmem:v8+s16+$0x0], $0xffff  }
0x1f7: {  	v8 =	vld.idx.msk [tilespmem:v33+s16+$0x0], $0xffff;
	_ =	sdelay $0x4  }
0x1f8: {  	[tilespmem:$0x1F7A0] =	vst v8;
	v8 =	vld [tilespmem:$0x1F510];
	_ =	sdelay $0x2  }
0x1f9: {  	v45 =	vadd.f32 v45, v12;
	v58 =	vmul.f32 v20, v23  }
0x1fa: {  	[tilespmem:$0x1F770] =	vst v0;
	v0 =	vld [tilespmem:$0x1F500];
	v34 =	vor.u32 $0x14, v32  }
0x1fb: {  	v9 =	vadd.f32 v5, v9;
	v5 =	vadd.f32 v58, v45;
	v58 =	vmul.f32 v8, v24;
	v8 =	vld [tilespmem:$0x1F520]  }
0x1fc: {  	v52 =	vmul.f32 v52, v23;
	v29 =	vadd.f32 v4, v29  }
0x1fd: {  	v14 =	vadd.f32 v43, v14  }
0x1fe: {  	v29 =	vadd.f32 v52, v29  }
0x1ff: {  	v14 =	vadd.f32 v57, v14;
	v57 =	vor.u32 $0x14, v35;
	v52 =	vmul.f32 v0, v24;
	v0 =	vld.idx.msk [tilespmem:v34+s16+$0x0], $0xffff  }
0x200: {  	v34 =	vor.u32 $0x14, v39;
	v45 =	vmul.f32 v8, v24;
	v8 =	vld [tilespmem:$0x1F530];
	_ =	sdelay $0x1  }
0x201: {  	v1 =	vmul.f32 v1, v24;
	v15 =	vadd.f32 v53, v15  }
0x202: {  	v17 =	vor.u32 $0x13, v30  }
0x203: {  	v15 =	vadd.f32 v1, v15;
	v1 =	vld.idx.msk [tilespmem:v57+s16+$0x0], $0xffff  }
0x204: {  	v57 =	vmul.f32 v47, v24;
	v47 =	vmul.f32 v8, v24;
	v8 =	vld.idx.msk [tilespmem:v34+s16+$0x0], $0xffff;
	_ =	sdelay $0x2  }
0x205: {  	v28 =	vld.idx.msk [tilespmem:v17+s14+$0x0], $0xffff  }
0x206: {  	v4 =	vld.idx.msk [tilespmem:v17+s15+$0x0], $0xffff;
	v17 =	vor.u32 $0x13, v37  }
0x207: {  	[tilespmem:$0x1F7B0] =	vst v8;
	v8 =	vld [tilespmem:$0x1F540];
	_ =	sdelay $0x1  }
0x208: {  	v18 =	vadd.f32 v42, v18  }
0x209: {  	v23 =	vmul.f32 v48, v23  }
0x20a: {  	v53 =	vld.idx.msk [tilespmem:v17+s16+$0x0], $0xffff;
	[tilespmem:$0x1F790] =	vst v1;
	v1 =	vor.u32 $0x14, v49;
	v17 =	vadd.f32 v57, v18  }
0x20b: {  	[tilespmem:$0x1F780] =	vst v0;
	v0 =	vadd.f32 v23, v44;
	v23 =	vor.u32 $0x14, v50;
	v57 =	vmul.f32 v8, v24;
	v8 =	vld [tilespmem:$0x1F560];
	_ =	sdelay $0x3  }
0x20c: {  	v1 =	vld.idx.msk [tilespmem:v1+s16+$0x0], $0xffff  }
0x20d: {  	v16 =	vadd.f32 v45, v16;
	v45 =	vmul.f32 v8, v24;
	v8 =	vld.idx.msk [tilespmem:v23+s16+$0x0], $0xffff;
	_ =	sdelay $0x3  }
0x20e: {  	[tilespmem:$0x1F7C0] =	vst v1;
	v1 =	vld [tilespmem:$0x1F550]  }
0x20f: {  	[tilespmem:$0x1F7D0] =	vst v8;
	v8 =	vld [tilespmem:$0x1F570];
	_ =	sdelay $0x4  }
0x210: {  	v1 =	vmul.f32 v1, v24;
	v18 =	vadd.f32 v47, v40;
	v47 =	vmul.f32 v8, v24;
	_ =	sdelay $0x1  }
0x211: {  	v42 =	vor.u32 $0x15, v30;
	v10 =	vadd.f32 v1, v10;
	v1 =	vadd.f32 v47, v5;
	v5 =	vld [tilespmem:$0x1F580];
	_ =	sdelay $0x4  }
0x212: {  	v40 =	vadd.f32 v45, v9;
	v9 =	vmul.f32 v5, v24;
	v5 =	vld.idx.msk [tilespmem:v42+s15+$0x0], $0xffff;
	_ =	sdelay $0x4  }
0x213: {  	v14 =	vadd.f32 v58, v14;
	v58 =	vor.u32 $0x15, v31;
	[tilespmem:$0x1F7F0] =	vst v5;
	v5 =	vld [tilespmem:$0x1F590];
	_ =	sdelay $0x4  }
0x214: {  	v29 =	vadd.f32 v57, v29;
	v57 =	vmul.f32 v5, v25;
	v5 =	vld.idx.msk [tilespmem:v58+s16+$0x0], $0xffff;
	_ =	sdelay $0x4  }
0x215: {  	[tilespmem:$0x1F800] =	vst v5;
	v5 =	vld [tilespmem:$0x1F5A0];
	_ =	sdelay $0x4  }
0x216: {  	v43 =	vor.u32 $0x15, v36;
	v58 =	vmul.f32 v5, v25;
	v5 =	vld [tilespmem:$0x1F5B0];
	_ =	sdelay $0x4  }
0x217: {  	v20 =	vmul.f32 v5, v25;
	v5 =	vld.idx.msk [tilespmem:v43+s16+$0x0], $0xffff;
	_ =	sdelay $0x3  }
0x218: {  	v13 =	vadd.f32 v22, v13;
	v22 =	vor.u32 $0x14, v37  }
0x219: {  	[tilespmem:$0x1F820] =	vst v5;
	v5 =	vld [tilespmem:$0x1F5C0];
	_ =	sdelay $0x3  }
0x21a: {  	v13 =	vadd.f32 v52, v13;
	v52 =	vld.idx.msk [tilespmem:v22+s16+$0x0], $0xffff;
	v22 =	vor.u32 $0x14, v51  }
0x21b: {  	v24 =	vor.u32 $0x15, v37;
	v21 =	vmul.f32 v5, v25;
	v5 =	vld [tilespmem:$0x1F5D0];
	_ =	sdelay $0x3  }
0x21c: {  	v23 =	vor.u32 $0x15, v32;
	v8 =	vld.idx.msk [tilespmem:v22+s16+$0x0], $0xffff  }
0x21d: {  	v22 =	vmul.f32 v5, v25;
	v5 =	vld.idx.msk [tilespmem:v24+s16+$0x0], $0xffff;
	_ =	sdelay $0x3  }
0x21e: {  	v0 =	vadd.f32 v9, v0;
	v9 =	vld.idx.msk [tilespmem:v23+s16+$0x0], $0xffff  }
0x21f: {  	v23 =	vor.u32 $0x15, v39;
	[tilespmem:$0x1F830] =	vst v5;
	v5 =	vld [tilespmem:$0x1F5E0];
	_ =	sdelay $0x2  }
0x220: {  	v41 =	vor.u32 $0x15, v35;
	_ =	sdelay $0x1  }
0x221: {  	v15 =	vadd.f32 v57, v15;
	v57 =	vmul.f32 v5, v25;
	v5 =	vld.idx.msk [tilespmem:v23+s16+$0x0], $0xffff  }
0x222: {  	v2 =	vmul.f32 v2, v25;
	_ =	sdelay $0x1  }
0x223: {  	v13 =	vadd.f32 v2, v13;
	v2 =	vld.idx.msk [tilespmem:v41+s16+$0x0], $0xffff;
	_ =	sdelay $0x1  }
0x224: {  	[tilespmem:$0x1F840] =	vst v5;
	v5 =	vld [tilespmem:$0x1F5F0];
	_ =	sdelay $0x2  }
0x225: {  	[tilespmem:$0x1F810] =	vst v2;
	v2 =	vor.u32 $0x15, v49;
	_ =	sdelay $0x1  }
0x226: {  	v41 =	vor.u32 $0x15, v50;
	v16 =	vadd.f32 v21, v16;
	v21 =	vmul.f32 v5, v25;
	v5 =	vld [tilespmem:$0x1F610];
	_ =	sdelay $0x2  }
0x227: {  	v2 =	vld.idx.msk [tilespmem:v2+s16+$0x0], $0xffff;
	_ =	sdelay $0x1  }
0x228: {  	v18 =	vadd.f32 v22, v18;
	v22 =	vmul.f32 v5, v25;
	v5 =	vld.idx.msk [tilespmem:v41+s16+$0x0], $0xffff;
	_ =	sdelay $0x2  }
0x229: {  	[tilespmem:$0x1F850] =	vst v2;
	v2 =	vld [tilespmem:$0x1F600];
	_ =	sdelay $0x1  }
0x22a: {  	[tilespmem:$0x1F860] =	vst v5;
	v5 =	vld [tilespmem:$0x1F620];
	_ =	sdelay $0x2  }
0x22b: {  	v2 =	vmul.f32 v2, v25  }
0x22c: {  	v23 =	vadd.f32 v57, v29  }
0x22d: {  	v29 =	vadd.f32 v21, v10;
	v10 =	vmul.f32 v5, v25;
	v25 =	vadd.f32 v2, v40;
	v2 =	vld [tilespmem:$0x1F630];
	_ =	sdelay $0x2  }
0x22e: {  	v17 =	vadd.f32 v58, v17;
	v58 =	vor.u32 $0x16, v30;
	_ =	sdelay $0x1  }
0x22f: {  	v33 =	vor.u32 $0x16, v31;
	v0 =	vadd.f32 v10, v0;
	v10 =	vmul.f32 v2, v26;
	v2 =	vld [tilespmem:$0x1F640];
	_ =	sdelay $0x2  }
0x230: {  	v11 =	vld.idx.msk [tilespmem:v58+s14+$0x0], $0xffff  }
0x231: {  	v21 =	vld.idx.msk [tilespmem:v58+s15+$0x0], $0xffff  }
0x232: {  	v41 =	vor.u32 $0x16, v32;
	v58 =	vmul.f32 v2, v26;
	v2 =	vld.idx.msk [tilespmem:v33+s16+$0x0], $0xffff;
	_ =	sdelay $0x4  }
0x233: {  	[tilespmem:$0x1F880] =	vst v2;
	v2 =	vld.idx.msk [tilespmem:v41+s16+$0x0], $0xffff;
	_ =	sdelay $0x3  }
0x234: {  	v34 =	vor.u32 $0x15, v38  }
0x235: {  	[tilespmem:$0x1F890] =	vst v2;
	v2 =	vld [tilespmem:$0x1F650];
	_ =	sdelay $0x3  }
0x236: {  	v43 =	vld.idx.msk [tilespmem:v34+s16+$0x0], $0xffff  }
0x237: {  	v34 =	vor.u32 $0x16, v37;
	v1 =	vadd.f32 v22, v1;
	v22 =	vmul.f32 v2, v26;
	v2 =	vld [tilespmem:$0x1F660];
	_ =	sdelay $0x4  }
0x238: {  	v33 =	vor.u32 $0x16, v38;
	v40 =	vmul.f32 v2, v26;
	v2 =	vld.idx.msk [tilespmem:v34+s16+$0x0], $0xffff;
	_ =	sdelay $0x3  }
0x239: {  	v24 =	vor.u32 $0x15, v51  }
0x23a: {  	[tilespmem:$0x1F8A0] =	vst v2;
	v2 =	vld.idx.msk [tilespmem:v33+s16+$0x0], $0xffff;
	_ =	sdelay $0x3  }
0x23b: {  	v57 =	vor.u32 $0x16, v35;
	v5 =	vld.idx.msk [tilespmem:v24+s16+$0x0], $0xffff  }
0x23c: {  	v24 =	vor.u32 $0x16, v49;
	[tilespmem:$0x1F8B0] =	vst v2;
	v2 =	vld [tilespmem:$0x1F670];
	_ =	sdelay $0x2  }
0x23d: {  	v6 =	vmul.f32 v6, v26  }
0x23e: {  	v45 =	vadd.f32 v58, v13;
	v58 =	vld.idx.msk [tilespmem:v57+s16+$0x0], $0xffff  }
0x23f: {  	v57 =	vadd.f32 v6, v23;
	v6 =	vmul.f32 v2, v26;
	v2 =	vld.idx.msk [tilespmem:v24+s16+$0x0], $0xffff;
	_ =	sdelay $0x3  }
0x240: {  	v44 =	vor.u32 $0x16, v36  }
0x241: {  	[tilespmem:$0x1F8C0] =	vst v2;
	v2 =	vld [tilespmem:$0x1F680];
	_ =	sdelay $0x3  }
0x242: {  	v13 =	vld.idx.msk [tilespmem:v44+s16+$0x0], $0xffff  }
0x243: {  	v44 =	vor.u32 $0x16, v50;
	v47 =	vmul.f32 v2, v26;
	v2 =	vld [tilespmem:$0x1F690];
	_ =	sdelay $0x3  }
0x244: {  	v46 =	vmul.f32 v46, v26;
	v12 =	vld.idx.msk [tilespmem:v42+s14+$0x0], $0xffff;
	v42 =	vmul.f32 v59, v26;
	v14 =	vadd.f32 v20, v14  }
0x245: {  	v20 =	vmul.f32 v56, v26;
	v34 =	vor.u32 $0x16, v51;
	v26 =	vmul.f32 v2, v26;
	v2 =	vld.idx.msk [tilespmem:v44+s16+$0x0], $0xffff;
	_ =	sdelay $0x4  }
0x246: {  	[tilespmem:$0x1F8D0] =	vst v2;
	v2 =	vld.idx.msk [tilespmem:v34+s16+$0x0], $0xffff;
	_ =	sdelay $0x4  }
0x247: {  	[tilespmem:$0x1F8E0] =	vst v2;
	v2 =	vld [tilespmem:$0x1F6A0];
	_ =	sdelay $0x2  }
0x248: {  	v15 =	vadd.f32 v10, v15;
	v25 =	vadd.f32 v6, v25;
	v6 =	vmul.f32 v19, v27  }
0x249: {  	v41 =	vor.u32 $0x16, v39  }
0x24a: {  	v23 =	vor.u32 $0x17, v31;
	v15 =	vadd.f32 v6, v15;
	v6 =	vmul.f32 v2, v27;
	v2 =	vld [tilespmem:$0x1F6B0];
	_ =	sdelay $0x3  }
0x24b: {  	[tilespmem:$0x1F7E0] =	vst v8;
	v8 =	vld.idx.msk [tilespmem:v41+s16+$0x0], $0xffff  }
0x24c: {  	v41 =	vor.u32 $0x17, v32;
	v59 =	vmul.f32 v2, v27;
	v2 =	vld.idx.msk [tilespmem:v23+s16+$0x0], $0xffff;
	_ =	sdelay $0x4  }
0x24d: {  	v56 =	vor.u32 $0x17, v35;
	[tilespmem:$0x1F8F0] =	vst v2;
	v2 =	vld.idx.msk [tilespmem:v41+s16+$0x0], $0xffff;
	_ =	sdelay $0x4  }
0x24e: {  	[tilespmem:$0x1F900] =	vst v2;
	v2 =	vld.idx.msk [tilespmem:v56+s16+$0x0], $0xffff;
	_ =	sdelay $0x4  }
0x24f: {  	[tilespmem:$0x1F910] =	vst v2;
	v2 =	vld [tilespmem:$0x1F6C0];
	_ =	sdelay $0x2  }
0x250: {  	v33 =	vor.u32 $0x17, v30;
	_ =	sdelay $0x1  }
0x251: {  	v19 =	vmul.f32 v2, v27;
	v2 =	vld [tilespmem:$0x1F6D0];
	_ =	sdelay $0x2  }
0x252: {  	v60 =	vmul.f32 v60, v27;
	v14 =	vadd.f32 v20, v14;
	v10 =	vld.idx.msk [tilespmem:v33+s14+$0x0], $0xffff  }
0x253: {  	v17 =	vadd.f32 v46, v17;
	v1 =	vadd.f32 v47, v1;
	v47 =	vld.idx.msk [tilespmem:v33+s15+$0x0], $0xffff  }
0x254: {  	v46 =	vor.u32 $0x17, v38;
	v33 =	vadd.f32 v60, v14;
	v60 =	vmul.f32 v2, v27;
	v2 =	vld [tilespmem:$0x1F6E0];
	_ =	sdelay $0x4  }
0x255: {  	v17 =	vadd.f32 v59, v17;
	v41 =	vor.u32 $0x17, v39;
	v59 =	vmul.f32 v2, v27;
	v2 =	vld.idx.msk [tilespmem:v46+s16+$0x0], $0xffff;
	_ =	sdelay $0x4  }
0x256: {  	[tilespmem:$0x1F920] =	vst v2;
	v2 =	vld.idx.msk [tilespmem:v41+s16+$0x0], $0xffff;
	_ =	sdelay $0x4  }
0x257: {  	[tilespmem:$0x1F930] =	vst v2;
	v2 =	vld [tilespmem:$0x1F6F0];
	_ =	sdelay $0x2  }
0x258: {  	v18 =	vadd.f32 v40, v18;
	v40 =	vmul.f32 v55, v27  }
0x259: {  	v0 =	vadd.f32 v26, v0;
	v45 =	vadd.f32 v6, v45;
	v6 =	vmul.f32 v54, v27  }
0x25a: {  	v55 =	vadd.f32 v60, v57;
	v60 =	vmul.f32 v63, v27;
	v27 =	vmul.f32 v2, v27;
	_ =	sdelay $0x1  }
0x25b: {  	[tilespmem:$0x1F870] =	vst v5;
	v46 =	vor.u32 $0x18, v30;
	v5 =	vadd.f32 v27, v0;
	v0 =	vld [tilespmem:$0x1F700];
	_ =	sdelay $0x4  }
0x25c: {  	v18 =	vadd.f32 v19, v18;
	v19 =	vmul.f32 v0, v28;
	v0 =	vld.idx.msk [tilespmem:v46+s15+$0x0], $0xffff;
	_ =	sdelay $0x4  }
0x25d: {  	v26 =	vor.u32 $0x18, v35;
	[tilespmem:$0x1F950] =	vst v0;
	v0 =	vld [tilespmem:$0x1F710];
	_ =	sdelay $0x2  }
0x25e: {  	v7 =	vmul.f32 v7, v28;
	_ =	sdelay $0x1  }
0x25f: {  	v7 =	vadd.f32 v7, v45;
	v45 =	vmul.f32 v0, v28;
	v0 =	vld.idx.msk [tilespmem:v26+s16+$0x0], $0xffff;
	_ =	sdelay $0x4  }
0x260: {  	v27 =	vor.u32 $0x18, v36;
	[tilespmem:$0x1F960] =	vst v0;
	v0 =	vld [tilespmem:$0x1F720];
	_ =	sdelay $0x4  }
0x261: {  	v41 =	vmul.f32 v0, v28;
	v0 =	vld.idx.msk [tilespmem:v27+s16+$0x0], $0xffff;
	_ =	sdelay $0x1  }
0x262: {  	v20 =	vor.u32 $0x17, v36  }
0x263: {  	v24 =	vor.u32 $0x17, v50;
	_ =	sdelay $0x1  }
0x264: {  	[tilespmem:$0x1F970] =	vst v0;
	v0 =	vld [tilespmem:$0x1F730];
	_ =	sdelay $0x1  }
0x265: {  	v56 =	vld.idx.msk [tilespmem:v20+s16+$0x0], $0xffff  }
0x266: {  	v25 =	vadd.f32 v59, v25;
	v59 =	vld.idx.msk [tilespmem:v24+s16+$0x0], $0xffff  }
0x267: {  	v24 =	vor.u32 $0x18, v39;
	v20 =	vld.idx.msk [tilespmem:v46+s14+$0x0], $0xffff  }
0x268: {  	v46 =	vmul.f32 v62, v28;
	v62 =	vmul.f32 v0, v28;
	v0 =	vld [tilespmem:$0x1F740];
	_ =	sdelay $0x3  }
0x269: {  	v2 =	vld.idx.msk [tilespmem:v24+s16+$0x0], $0xffff  }
0x26a: {  	v17 =	vadd.f32 v19, v17;
	v19 =	vmul.f32 v0, v28;
	v0 =	vld [tilespmem:$0x1F750];
	_ =	sdelay $0x2  }
0x26b: {  	v29 =	vadd.f32 v42, v29  }
0x26c: {  	[tilespmem:$0x1F980] =	vst v2;
	v2 =	vld [tilespmem:$0x1F760];
	v26 =	vor.u32 $0x18, v49  }
0x26d: {  	v29 =	vadd.f32 v40, v29;
	v40 =	vmul.f32 v0, v28;
	v0 =	vor.u32 $0x19, v30;
	_ =	sdelay $0x1  }
0x26e: {  	v16 =	vadd.f32 v22, v16  }
0x26f: {  	v4 =	vmul.f32 v4, v28;
	v25 =	vadd.f32 v19, v25;
	v19 =	vmul.f32 v61, v3  }
0x270: {  	v53 =	vmul.f32 v53, v28;
	v16 =	vadd.f32 v6, v16;
	v28 =	vmul.f32 v2, v28;
	v2 =	vld.idx.msk [tilespmem:v26+s16+$0x0], $0xffff  }
0x271: {  	v6 =	vadd.f32 v62, v29;
	v29 =	vadd.f32 v19, v7;
	v19 =	vld.idx.msk [tilespmem:v0+s14+$0x0], $0xffff  }
0x272: {  	v18 =	vadd.f32 v53, v18;
	v34 =	vadd.f32 v60, v1;
	v60 =	vor.u32 $0x18, v50;
	v53 =	vld.idx.msk [tilespmem:v0+s15+$0x0], $0xffff  }
0x273: {  	v26 =	vor.u32 $0x19, v31;
	v0 =	vld [tilespmem:$0x1F7A0];
	_ =	sdelay $0x1  }
0x274: {  	v48 =	vor.u32 $0x14, v38  }
0x275: {  	v42 =	vor.u32 $0x17, v51  }
0x276: {  	v61 =	vld.idx.msk [tilespmem:v60+s16+$0x0], $0xffff  }
0x277: {  	v60 =	vmul.f32 v0, v3;
	v0 =	vld.idx.msk [tilespmem:v26+s16+$0x0], $0xffff;
	_ =	sdelay $0x1  }
0x278: {  	v48 =	vld.idx.msk [tilespmem:v48+s16+$0x0], $0xffff  }
0x279: {  	v1 =	vld.idx.msk [tilespmem:v42+s16+$0x0], $0xffff  }
0x27a: {  	[tilespmem:$0x1F990] =	vst v2;
	v2 =	vld [tilespmem:$0x1F770]  }
0x27b: {  	v7 =	vor.u32 $0x19, v36;
	[tilespmem:$0x1F9A0] =	vst v0;
	v0 =	vld [tilespmem:$0x1F7B0];
	_ =	sdelay $0x1  }
0x27c: {  	v54 =	vor.u32 $0x18, v38  }
0x27d: {  	v48 =	vmul.f32 v48, v3;
	[tilespmem:$0x1F940] =	vst v1;
	v1 =	vor.u32 $0x18, v51;
	v41 =	vadd.f32 v41, v55  }
0x27e: {  	v42 =	vmul.f32 v2, v3;
	v2 =	vld [tilespmem:$0x1F780]  }
0x27f: {  	v16 =	vadd.f32 v46, v16;
	v46 =	vadd.f32 v48, v41;
	v48 =	vmul.f32 v0, v3;
	v0 =	vld.idx.msk [tilespmem:v7+s16+$0x0], $0xffff;
	_ =	sdelay $0x1  }
0x280: {  	v33 =	vadd.f32 v45, v33;
	v45 =	vld.idx.msk [tilespmem:v54+s16+$0x0], $0xffff  }
0x281: {  	v54 =	vld.idx.msk [tilespmem:v1+s16+$0x0], $0xffff;
	v1 =	vor.u32 $0x19, v35  }
0x282: {  	v24 =	vadd.f32 v40, v34;
	v40 =	vmul.f32 v2, v3;
	v2 =	vld [tilespmem:$0x1F790]  }
0x283: {  	[tilespmem:$0x1F9B0] =	vst v0;
	v0 =	vld [tilespmem:$0x1F7C0];
	_ =	sdelay $0x1  }
0x284: {  	v15 =	vadd.f32 v4, v15  }
0x285: {  	v62 =	vmul.f32 v52, v3;
	v52 =	vld.idx.msk [tilespmem:v1+s16+$0x0], $0xffff;
	v1 =	vor.u32 $0x19, v49  }
0x286: {  	v15 =	vadd.f32 v42, v15;
	v42 =	vmul.f32 v2, v3;
	v2 =	vor.u32 $0x19, v37  }
0x287: {  	v0 =	vmul.f32 v0, v3;
	_ =	sdelay $0x1  }
0x288: {  	v25 =	vadd.f32 v0, v25;
	v0 =	vld [tilespmem:$0x1F7F0]  }
0x289: {  	v1 =	vld.idx.msk [tilespmem:v1+s16+$0x0], $0xffff  }
0x28a: {  	v2 =	vld.idx.msk [tilespmem:v2+s16+$0x0], $0xffff;
	_ =	sdelay $0x2  }
0x28b: {  	v34 =	vor.u32 $0x19, v39;
	v0 =	vmul.f32 v0, v12  }
0x28c: {  	[tilespmem:$0x1F9D0] =	vst v1;
	v1 =	vld [tilespmem:$0x1F800];
	v16 =	vadd.f32 v60, v16;
	v60 =	vor.u32 $0x19, v50  }
0x28d: {  	[tilespmem:$0x1F9C0] =	vst v2;
	v2 =	vor.u32 $0x19, v51;
	v15 =	vadd.f32 v0, v15;
	v0 =	vld [tilespmem:$0x1F810];
	_ =	sdelay $0x1  }
0x28e: {  	v28 =	vadd.f32 v28, v5;
	v5 =	vld [tilespmem:$0x1F7D0]  }
0x28f: {  	v4 =	vadd.f32 v42, v33;
	v42 =	vld.idx.msk [tilespmem:v34+s16+$0x0], $0xffff  }
0x290: {  	v34 =	vmul.f32 v1, v12;
	v1 =	vld.idx.msk [tilespmem:v60+s16+$0x0], $0xffff  }
0x291: {  	v60 =	vmul.f32 v0, v12;
	v0 =	vld.idx.msk [tilespmem:v2+s16+$0x0], $0xffff;
	_ =	sdelay $0x3  }
0x292: {  	v7 =	vmul.f32 v5, v3;
	v5 =	vld [tilespmem:$0x1F7E0]  }
0x293: {  	[tilespmem:$0x1F9F0] =	vst v0;
	v0 =	vld [tilespmem:$0x1F820];
	_ =	sdelay $0x1  }
0x294: {  	v9 =	vmul.f32 v9, v12;
	v17 =	vadd.f32 v40, v17;
	_ =	sdelay $0x1  }
0x295: {  	v18 =	vadd.f32 v62, v18;
	v17 =	vadd.f32 v9, v17  }
0x296: {  	v62 =	vmul.f32 v5, v3;
	v3 =	vor.u32 $0x1A, v31;
	v9 =	vmul.f32 v0, v12;
	v0 =	vld [tilespmem:$0x1F830];
	_ =	sdelay $0x4  }
0x297: {  	v5 =	vadd.f32 v34, v29;
	v34 =	vmul.f32 v0, v12;
	v0 =	vld.idx.msk [tilespmem:v3+s16+$0x0], $0xffff;
	_ =	sdelay $0x1  }
0x298: {  	v41 =	vor.u32 $0x1A, v32;
	_ =	sdelay $0x2  }
0x299: {  	[tilespmem:$0x1FA00] =	vst v0;
	v0 =	vld [tilespmem:$0x1F840];
	_ =	sdelay $0x1  }
0x29a: {  	v24 =	vadd.f32 v7, v24;
	v7 =	vld.idx.msk [tilespmem:v41+s16+$0x0], $0xffff;
	_ =	sdelay $0x2  }
0x29b: {  	v6 =	vadd.f32 v48, v6;
	v0 =	vmul.f32 v0, v12;
	_ =	sdelay $0x1  }
0x29c: {  	[tilespmem:$0x1FA10] =	vst v7;
	v7 =	vadd.f32 v0, v6;
	v0 =	vld [tilespmem:$0x1F850];
	_ =	sdelay $0x4  }
0x29d: {  	v0 =	vmul.f32 v0, v12  }
0x29e: {  	v22 =	vor.u32 $0x17, v37  }
0x29f: {  	v14 =	vor.u32 $0x17, v49;
	v25 =	vadd.f32 v0, v25;
	v0 =	vmul.f32 v21, v11  }
0x2a0: {  	v26 =	vor.u32 $0x19, v38  }
0x2a1: {  	v2 =	vor.u32 $0x1A, v35;
	v15 =	vadd.f32 v0, v15;
	v0 =	vld [tilespmem:$0x1F880];
	_ =	sdelay $0x1  }
0x2a2: {  	v23 =	vld.idx.msk [tilespmem:v22+s16+$0x0], $0xffff;
	v18 =	vadd.f32 v34, v18;
	v34 =	vor.u32 $0x1A, v51  }
0x2a3: {  	v57 =	vld.idx.msk [tilespmem:v14+s16+$0x0], $0xffff;
	v14 =	vor.u32 $0x18, v31  }
0x2a4: {  	v48 =	vld.idx.msk [tilespmem:v26+s16+$0x0], $0xffff;
	v26 =	vor.u32 $0x1A, v30  }
0x2a5: {  	[tilespmem:$0x1F9E0] =	vst v1;
	v1 =	vmul.f32 v43, v12;
	v43 =	vld.idx.msk [tilespmem:v2+s16+$0x0], $0xffff;
	v0 =	vmul.f32 v0, v11  }
0x2a6: {  	v2 =	vld [tilespmem:$0x1F860]  }
0x2a7: {  	v5 =	vadd.f32 v0, v5;
	v0 =	vld.idx.msk [tilespmem:v34+s16+$0x0], $0xffff  }
0x2a8: {  	v22 =	vld.idx.msk [tilespmem:v14+s16+$0x0], $0xffff  }
0x2a9: {  	v14 =	vld.idx.msk [tilespmem:v26+s14+$0x0], $0xffff  }
0x2aa: {  	v41 =	vor.u32 $0x1A, v39;
	v29 =	vld.idx.msk [tilespmem:v26+s15+$0x0], $0xffff  }
0x2ab: {  	v26 =	vor.u32 $0x1A, v37;
	v4 =	vadd.f32 v60, v4;
	v60 =	vmul.f32 v2, v12;
	v2 =	vld [tilespmem:$0x1F870]  }
0x2ac: {  	[tilespmem:$0x1FA50] =	vst v0;
	v0 =	vld [tilespmem:$0x1F8A0];
	_ =	sdelay $0x2  }
0x2ad: {  	v27 =	vor.u32 $0x19, v32;
	v40 =	vld.idx.msk [tilespmem:v41+s16+$0x0], $0xffff  }
0x2ae: {  	v3 =	vor.u32 $0x1A, v38;
	v12 =	vmul.f32 v2, v12;
	v2 =	vld.idx.msk [tilespmem:v26+s16+$0x0], $0xffff  }
0x2af: {  	v41 =	vor.u32 $0x1B, v31;
	v34 =	vmul.f32 v0, v11;
	v0 =	vld [tilespmem:$0x1F8B0];
	_ =	sdelay $0x1  }
0x2b0: {  	v46 =	vadd.f32 v1, v46;
	v1 =	vor.u32 $0x1A, v49  }
0x2b1: {  	v33 =	vld.idx.msk [tilespmem:v27+s16+$0x0], $0xffff  }
0x2b2: {  	v27 =	vadd.f32 v62, v28;
	v28 =	vor.u32 $0x1A, v50;
	[tilespmem:$0x1FA20] =	vst v2;
	v2 =	vld.idx.msk [tilespmem:v3+s16+$0x0], $0xffff  }
0x2b3: {  	v55 =	vmul.f32 v0, v11;
	v0 =	vmul.f32 v8, v11;
	v8 =	vld.idx.msk [tilespmem:v41+s16+$0x0], $0xffff;
	_ =	sdelay $0x1  }
0x2b4: {  	v24 =	vadd.f32 v60, v24;
	v60 =	vld.idx.msk [tilespmem:v1+s16+$0x0], $0xffff  }
0x2b5: {  	v1 =	vld [tilespmem:$0x1F890]  }
0x2b6: {  	[tilespmem:$0x1FA30] =	vst v2;
	v2 =	vld.idx.msk [tilespmem:v28+s16+$0x0], $0xffff  }
0x2b7: {  	v28 =	vor.u32 $0x1B, v32;
	[tilespmem:$0x1FA60] =	vst v8;
	v8 =	vld [tilespmem:$0x1F8C0];
	_ =	sdelay $0x2  }
0x2b8: {  	v1 =	vmul.f32 v1, v11;
	v21 =	vmul.f32 v58, v11  }
0x2b9: {  	v26 =	vor.u32 $0x1B, v35;
	[tilespmem:$0x1FA40] =	vst v2  }
0x2ba: {  	v2 =	vadd.f32 v1, v17;
	v1 =	vadd.f32 v21, v4;
	v21 =	vmul.f32 v8, v11;
	v8 =	vld.idx.msk [tilespmem:v28+s16+$0x0], $0xffff;
	_ =	sdelay $0x4  }
0x2bb: {  	[tilespmem:$0x1FA70] =	vst v8;
	v8 =	vadd.f32 v0, v7;
	v0 =	vld.idx.msk [tilespmem:v26+s16+$0x0], $0xffff;
	_ =	sdelay $0x3  }
0x2bc: {  	v7 =	vld [tilespmem:$0x1F8E0]  }
0x2bd: {  	[tilespmem:$0x1FA80] =	vst v0;
	v0 =	vld [tilespmem:$0x1F8D0];
	_ =	sdelay $0x3  }
0x2be: {  	v13 =	vmul.f32 v13, v11;
	v18 =	vadd.f32 v34, v18  }
0x2bf: {  	v41 =	vor.u32 $0x1B, v38;
	v34 =	vmul.f32 v0, v11;
	v11 =	vmul.f32 v7, v11;
	v7 =	vld [tilespmem:$0x1F8F0];
	_ =	sdelay $0x1  }
0x2c0: {  	v3 =	vor.u32 $0x1B, v30;
	_ =	sdelay $0x2  }
0x2c1: {  	v46 =	vadd.f32 v55, v46;
	v28 =	vor.u32 $0x1B, v39;
	v55 =	vmul.f32 v7, v10;
	v7 =	vld.idx.msk [tilespmem:v41+s16+$0x0], $0xffff;
	_ =	sdelay $0x1  }
0x2c2: {  	v6 =	vld.idx.msk [tilespmem:v3+s14+$0x0], $0xffff  }
0x2c3: {  	v12 =	vadd.f32 v12, v27;
	v27 =	vld.idx.msk [tilespmem:v3+s15+$0x0], $0xffff;
	v3 =	vor.u32 $0x1B, v37;
	_ =	sdelay $0x1  }
0x2c4: {  	[tilespmem:$0x1FAA0] =	vst v7;
	v7 =	vld.idx.msk [tilespmem:v28+s16+$0x0], $0xffff  }
0x2c5: {  	v17 =	vor.u32 $0x1B, v36  }
0x2c6: {  	v0 =	vor.u32 $0x1B, v50  }
0x2c7: {  	v3 =	vld.idx.msk [tilespmem:v3+s16+$0x0], $0xffff;
	_ =	sdelay $0x1  }
0x2c8: {  	v47 =	vmul.f32 v47, v10;
	[tilespmem:$0x1FAB0] =	vst v7;
	v7 =	vadd.f32 v55, v5;
	v5 =	vld [tilespmem:$0x1F900]  }
0x2c9: {  	v58 =	vld.idx.msk [tilespmem:v17+s16+$0x0], $0xffff  }
0x2ca: {  	v17 =	vadd.f32 v47, v15;
	v47 =	vld.idx.msk [tilespmem:v0+s16+$0x0], $0xffff;
	v0 =	vor.u32 $0x1C, v32  }
0x2cb: {  	[tilespmem:$0x1FA90] =	vst v3;
	v3 =	vor.u32 $0x1B, v51;
	_ =	sdelay $0x1  }
0x2cc: {  	v15 =	vmul.f32 v5, v10;
	v5 =	vld [tilespmem:$0x1F910];
	_ =	sdelay $0x1  }
0x2cd: {  	v0 =	vld.idx.msk [tilespmem:v0+s16+$0x0], $0xffff  }
0x2ce: {  	v16 =	vadd.f32 v9, v16;
	v9 =	vadd.f32 v15, v2;
	v2 =	vld.idx.msk [tilespmem:v3+s16+$0x0], $0xffff;
	v3 =	vor.u32 $0x1C, v35;
	_ =	sdelay $0x1  }
0x2cf: {  	v24 =	vadd.f32 v34, v24;
	v34 =	vmul.f32 v5, v10;
	_ =	sdelay $0x1  }
0x2d0: {  	v11 =	vadd.f32 v11, v12;
	v12 =	vadd.f32 v34, v1;
	v1 =	vld [tilespmem:$0x1F920]  }
0x2d1: {  	[tilespmem:$0x1FAD0] =	vst v0;
	v0 =	vld.idx.msk [tilespmem:v3+s16+$0x0], $0xffff;
	_ =	sdelay $0x1  }
0x2d2: {  	v15 =	vmul.f32 v23, v10;
	_ =	sdelay $0x1  }
0x2d3: {  	v4 =	vadd.f32 v13, v16;
	v16 =	vadd.f32 v15, v18;
	v15 =	vmul.f32 v1, v10;
	v1 =	vld [tilespmem:$0x1F930]  }
0x2d4: {  	v23 =	vor.u32 $0x1C, v36;
	[tilespmem:$0x1FAE0] =	vst v0;
	v0 =	vld [tilespmem:$0x1F940];
	_ =	sdelay $0x2  }
0x2d5: {  	v44 =	vor.u32 $0x18, v37;
	v56 =	vmul.f32 v56, v10  }
0x2d6: {  	v57 =	vmul.f32 v57, v10;
	v46 =	vadd.f32 v15, v46;
	v15 =	vmul.f32 v59, v10  }
0x2d7: {  	v63 =	vor.u32 $0x18, v32;
	v34 =	vmul.f32 v1, v10;
	v10 =	vmul.f32 v0, v10;
	v0 =	vld.idx.msk [tilespmem:v23+s16+$0x0], $0xffff  }
0x2d8: {  	v41 =	vor.u32 $0x1C, v30  }
0x2d9: {  	v5 =	vor.u32 $0x1C, v39  }
0x2da: {  	v26 =	vor.u32 $0x1B, v49  }
0x2db: {  	v44 =	vld.idx.msk [tilespmem:v44+s16+$0x0], $0xffff  }
0x2dc: {  	v63 =	vld.idx.msk [tilespmem:v63+s16+$0x0], $0xffff;
	[tilespmem:$0x1FAF0] =	vst v0;
	v0 =	vor.u32 $0x1C, v50  }
0x2dd: {  	v13 =	vld.idx.msk [tilespmem:v41+s14+$0x0], $0xffff  }
0x2de: {  	[tilespmem:$0x1FAC0] =	vst v2;
	v2 =	vld.idx.msk [tilespmem:v5+s16+$0x0], $0xffff  }
0x2df: {  	v55 =	vld.idx.msk [tilespmem:v26+s16+$0x0], $0xffff  }
0x2e0: {  	v21 =	vadd.f32 v21, v25;
	v25 =	vor.u32 $0x1C, v31;
	v26 =	vld.idx.msk [tilespmem:v41+s15+$0x0], $0xffff  }
0x2e1: {  	v41 =	vadd.f32 v15, v24;
	v24 =	vmul.f32 v44, v20;
	v44 =	vld.idx.msk [tilespmem:v0+s16+$0x0], $0xffff  }
0x2e2: {  	v0 =	vld [tilespmem:$0x1F980]  }
0x2e3: {  	v3 =	vor.u32 $0x1C, v49;
	[tilespmem:$0x1FB00] =	vst v2;
	v2 =	vld [tilespmem:$0x1F960]  }
0x2e4: {  	v18 =	vor.u32 $0x1C, v37  }
0x2e5: {  	v28 =	vadd.f32 v56, v4;
	v56 =	vld.idx.msk [tilespmem:v25+s16+$0x0], $0xffff  }
0x2e6: {  	v22 =	vmul.f32 v22, v20;
	v1 =	vld [tilespmem:$0x1F950];
	v11 =	vadd.f32 v10, v11;
	v10 =	vmul.f32 v63, v20  }
0x2e7: {  	v4 =	vor.u32 $0x1C, v38;
	v25 =	vadd.f32 v34, v8;
	v34 =	vmul.f32 v0, v20;
	v0 =	vld [tilespmem:$0x1F990]  }
0x2e8: {  	v23 =	vadd.f32 v10, v9;
	v9 =	vmul.f32 v2, v20;
	v2 =	vld.idx.msk [tilespmem:v3+s16+$0x0], $0xffff  }
0x2e9: {  	v21 =	vadd.f32 v57, v21;
	v57 =	vld.idx.msk [tilespmem:v18+s16+$0x0], $0xffff;
	v18 =	vadd.f32 v22, v7;
	v22 =	vor.u32 $0x1D, v36;
	_ =	sdelay $0x2  }
0x2ea: {  	v59 =	vld.idx.msk [tilespmem:v4+s16+$0x0], $0xffff;
	v4 =	vor.u32 $0x1D, v30;
	v15 =	vmul.f32 v1, v20;
	v0 =	vmul.f32 v0, v20  }
0x2eb: {  	[tilespmem:$0x1FB10] =	vst v2;
	v2 =	vld [tilespmem:$0x1F970]  }
0x2ec: {  	v17 =	vadd.f32 v15, v17;
	v15 =	vadd.f32 v0, v21;
	v0 =	vld.idx.msk [tilespmem:v22+s16+$0x0], $0xffff;
	_ =	sdelay $0x2  }
0x2ed: {  	v63 =	vld.idx.msk [tilespmem:v4+s15+$0x0], $0xffff  }
0x2ee: {  	v3 =	vmul.f32 v2, v20;
	v2 =	vld.idx.msk [tilespmem:v4+s14+$0x0], $0xffff  }
0x2ef: {  	v4 =	vor.u32 $0x1D, v37;
	[tilespmem:$0x1FB20] =	vst v0;
	v0 =	vld [tilespmem:$0x1F9A0];
	_ =	sdelay $0x1  }
0x2f0: {  	v1 =	vor.u32 $0x1C, v51  }
0x2f1: {  	v10 =	vor.u32 $0x1D, v31;
	v9 =	vadd.f32 v9, v12;
	v12 =	vmul.f32 v45, v20  }
0x2f2: {  	v7 =	vor.u32 $0x1D, v35  }
0x2f3: {  	v12 =	vadd.f32 v12, v46;
	v46 =	vmul.f32 v0, v19;
	v0 =	vld.idx.msk [tilespmem:v4+s16+$0x0], $0xffff;
	_ =	sdelay $0x1  }
0x2f4: {  	v45 =	vld.idx.msk [tilespmem:v1+s16+$0x0], $0xffff  }
0x2f5: {  	v5 =	vor.u32 $0x1D, v32;
	v1 =	vmul.f32 v61, v20;
	v61 =	vld.idx.msk [tilespmem:v10+s16+$0x0], $0xffff  }
0x2f6: {  	v10 =	vadd.f32 v34, v25;
	v34 =	vld.idx.msk [tilespmem:v7+s16+$0x0], $0xffff;
	v20 =	vmul.f32 v54, v20  }
0x2f7: {  	v7 =	vor.u32 $0x1D, v49;
	[tilespmem:$0x1FB30] =	vst v0;
	v0 =	vld [tilespmem:$0x1F9B0]  }
0x2f8: {  	v20 =	vadd.f32 v20, v11;
	v11 =	vmul.f32 v53, v19;
	_ =	sdelay $0x1  }
0x2f9: {  	v54 =	vld.idx.msk [tilespmem:v5+s16+$0x0], $0xffff;
	v5 =	vor.u32 $0x1D, v39;
	v17 =	vadd.f32 v11, v17;
	v11 =	vmul.f32 v52, v19;
	_ =	sdelay $0x1  }
0x2fa: {  	v22 =	vadd.f32 v11, v9;
	v9 =	vmul.f32 v0, v19;
	v0 =	vld.idx.msk [tilespmem:v7+s16+$0x0], $0xffff;
	_ =	sdelay $0x2  }
0x2fb: {  	v53 =	vld.idx.msk [tilespmem:v5+s16+$0x0], $0xffff;
	v4 =	vor.u32 $0x1D, v51  }
0x2fc: {  	v5 =	vld [tilespmem:$0x1F9D0]  }
0x2fd: {  	v28 =	vadd.f32 v3, v28;
	v21 =	vor.u32 $0x1D, v50;
	[tilespmem:$0x1FB40] =	vst v0;
	v0 =	vld [tilespmem:$0x1F9C0];
	_ =	sdelay $0x1  }
0x2fe: {  	v28 =	vadd.f32 v9, v28;
	v9 =	vmul.f32 v42, v19  }
0x2ff: {  	v16 =	vadd.f32 v24, v16;
	v24 =	vadd.f32 v1, v41;
	v41 =	vld.idx.msk [tilespmem:v4+s16+$0x0], $0xffff  }
0x300: {  	v4 =	vadd.f32 v9, v10;
	v9 =	vmul.f32 v5, v19;
	v5 =	vld [tilespmem:$0x1F9E0]  }
0x301: {  	v11 =	vmul.f32 v0, v19;
	v0 =	vld.idx.msk [tilespmem:v21+s16+$0x0], $0xffff;
	_ =	sdelay $0x1  }
0x302: {  	v8 =	vor.u32 $0x1D, v38;
	v25 =	vmul.f32 v33, v19;
	v33 =	vmul.f32 v48, v19  }
0x303: {  	v18 =	vadd.f32 v46, v18  }
0x304: {  	v46 =	vadd.f32 v33, v12;
	v7 =	vor.u32 $0x1E, v31;
	v12 =	vmul.f32 v5, v19;
	v5 =	vld [tilespmem:$0x1F9F0]  }
0x305: {  	[tilespmem:$0x1FB50] =	vst v0;
	v0 =	vor.u32 $0x1E, v35  }
0x306: {  	v62 =	vor.u32 $0x1A, v36  }
0x307: {  	v52 =	vld.idx.msk [tilespmem:v8+s16+$0x0], $0xffff;
	v8 =	vor.u32 $0x1E, v30  }
0x308: {  	v10 =	vor.u32 $0x1E, v38  }
0x309: {  	v19 =	vmul.f32 v5, v19;
	v5 =	vld.idx.msk [tilespmem:v7+s16+$0x0], $0xffff  }
0x30a: {  	v42 =	vld.idx.msk [tilespmem:v0+s16+$0x0], $0xffff;
	v0 =	vor.u32 $0x1E, v49  }
0x30b: {  	v62 =	vld.idx.msk [tilespmem:v62+s16+$0x0], $0xffff;
	v1 =	vor.u32 $0x1E, v36;
	v7 =	vmul.f32 v29, v14  }
0x30c: {  	v3 =	vld.idx.msk [tilespmem:v8+s14+$0x0], $0xffff  }
0x30d: {  	v17 =	vadd.f32 v7, v17;
	v7 =	vld.idx.msk [tilespmem:v10+s16+$0x0], $0xffff  }
0x30e: {  	[tilespmem:$0x1FB60] =	vst v5;
	v5 =	vld [tilespmem:$0x1FA00]  }
0x30f: {  	v0 =	vld.idx.msk [tilespmem:v0+s16+$0x0], $0xffff  }
0x310: {  	v29 =	vld.idx.msk [tilespmem:v1+s16+$0x0], $0xffff;
	v1 =	vor.u32 $0x1E, v50  }
0x311: {  	v33 =	vld.idx.msk [tilespmem:v8+s15+$0x0], $0xffff  }
0x312: {  	[tilespmem:$0x1FB80] =	vst v7;
	v7 =	vld [tilespmem:$0x1FA20]  }
0x313: {  	v8 =	vor.u32 $0x1E, v37;
	v21 =	vadd.f32 v12, v24;
	v24 =	vmul.f32 v5, v14;
	v5 =	vld [tilespmem:$0x1FA10]  }
0x314: {  	[tilespmem:$0x1FB90] =	vst v0;
	v0 =	vor.u32 $0x1F, v31  }
0x315: {  	v1 =	vld.idx.msk [tilespmem:v1+s16+$0x0], $0xffff  }
0x316: {  	v40 =	vmul.f32 v40, v14;
	v19 =	vadd.f32 v19, v20  }
0x317: {  	v18 =	vadd.f32 v24, v18;
	v24 =	vmul.f32 v62, v14;
	v20 =	vmul.f32 v7, v14;
	v7 =	vld [tilespmem:$0x1FA30]  }
0x318: {  	v25 =	vadd.f32 v25, v23;
	v23 =	vmul.f32 v5, v14;
	v5 =	vld.idx.msk [tilespmem:v8+s16+$0x0], $0xffff  }
0x319: {  	v24 =	vadd.f32 v24, v28;
	v28 =	vadd.f32 v40, v4;
	v40 =	vld.idx.msk [tilespmem:v0+s16+$0x0], $0xffff  }
0x31a: {  	[tilespmem:$0x1FBA0] =	vst v1;
	v1 =	vor.u32 $0x1F, v32;
	v0 =	vld [tilespmem:$0x1FA60];
	_ =	sdelay $0x2  }
0x31b: {  	v62 =	vmul.f32 v7, v14  }
0x31c: {  	v23 =	vadd.f32 v23, v25;
	v7 =	vor.u32 $0x1F, v35;
	[tilespmem:$0x1FB70] =	vst v5;
	v5 =	vor.u32 $0x1E, v51  }
0x31d: {  	v25 =	vadd.f32 v62, v46;
	v62 =	vmul.f32 v27, v6;
	v27 =	vmul.f32 v0, v6;
	v0 =	vld.idx.msk [tilespmem:v1+s16+$0x0], $0xffff;
	_ =	sdelay $0x3  }
0x31e: {  	v5 =	vld.idx.msk [tilespmem:v5+s16+$0x0], $0xffff  }
0x31f: {  	[tilespmem:$0x1FBC0] =	vst v0;
	v0 =	vld.idx.msk [tilespmem:v7+s16+$0x0], $0xffff;
	_ =	sdelay $0x2  }
0x320: {  	v8 =	vld [tilespmem:$0x1FA40]  }
0x321: {  	[tilespmem:$0x1FBB0] =	vst v5  }
0x322: {  	v5 =	vor.u32 $0x1F, v36;
	[tilespmem:$0x1FBD0] =	vst v0;
	v0 =	vld [tilespmem:$0x1FA70]  }
0x323: {  	v16 =	vadd.f32 v11, v16;
	_ =	sdelay $0x1  }
0x324: {  	v16 =	vadd.f32 v20, v16;
	v20 =	vmul.f32 v8, v14;
	_ =	sdelay $0x1  }
0x325: {  	v11 =	vadd.f32 v20, v21;
	v21 =	vadd.f32 v62, v17;
	v62 =	vmul.f32 v0, v6;
	v0 =	vld.idx.msk [tilespmem:v5+s16+$0x0], $0xffff;
	_ =	sdelay $0x4  }
0x326: {  	[tilespmem:$0x1FBE0] =	vst v0;
	v0 =	vld [tilespmem:$0x1FA80]  }
0x327: {  	v8 =	vld [tilespmem:$0x1FA50];
	_ =	sdelay $0x1  }
0x328: {  	v10 =	vor.u32 $0x1F, v30  }
0x329: {  	v43 =	vmul.f32 v43, v14  }
0x32a: {  	v60 =	vmul.f32 v60, v14;
	v18 =	vadd.f32 v27, v18;
	v27 =	vmul.f32 v0, v6;
	v0 =	vld [tilespmem:$0x1FA90]  }
0x32b: {  	v15 =	vadd.f32 v9, v15;
	v14 =	vmul.f32 v8, v14;
	v8 =	vor.u32 $0x1F, v38;
	_ =	sdelay $0x1  }
0x32c: {  	v9 =	vor.u32 $0x1E, v39;
	v15 =	vadd.f32 v60, v15;
	v60 =	vld.idx.msk [tilespmem:v10+s15+$0x0], $0xffff  }
0x32d: {  	v4 =	vld.idx.msk [tilespmem:v10+s14+$0x0], $0xffff;
	v10 =	vor.u32 $0x1F, v37  }
0x32e: {  	v0 =	vmul.f32 v0, v6  }
0x32f: {  	v14 =	vadd.f32 v14, v19;
	v19 =	vor.u32 $0x1F, v50;
	v5 =	vld.idx.msk [tilespmem:v8+s16+$0x0], $0xffff  }
0x330: {  	v23 =	vadd.f32 v62, v23;
	v62 =	vadd.f32 v0, v16;
	v0 =	vld [tilespmem:$0x1FAA0]  }
0x331: {  	v22 =	vadd.f32 v43, v22;
	v43 =	vld.idx.msk [tilespmem:v9+s16+$0x0], $0xffff;
	v9 =	vor.u32 $0x1F, v39  }
0x332: {  	v1 =	vmul.f32 v58, v6;
	v58 =	vld.idx.msk [tilespmem:v10+s16+$0x0], $0xffff;
	v10 =	vor.u32 $0x1F, v51;
	_ =	sdelay $0x1  }
0x333: {  	[tilespmem:$0x1FBF0] =	vst v5;
	v5 =	vld.idx.msk [tilespmem:v19+s16+$0x0], $0xffff  }
0x334: {  	v0 =	vmul.f32 v0, v6  }
0x335: {  	v17 =	vadd.f32 v1, v24;
	v1 =	vld.idx.msk [tilespmem:v9+s16+$0x0], $0xffff  }
0x336: {  	v12 =	vadd.f32 v0, v25;
	v0 =	vld.idx.msk [tilespmem:v10+s16+$0x0], $0xffff;
	_ =	sdelay $0x1  }
0x337: {  	[tilespmem:$0x1FC10] =	vst v5;
	v5 =	vor.u32 $0x20, v32;
	_ =	sdelay $0x1  }
0x338: {  	[tilespmem:$0x1FC00] =	vst v1;
	v1 =	vld [tilespmem:$0x1FAB0]  }
0x339: {  	[tilespmem:$0x1FC20] =	vst v0;
	v0 =	vld [tilespmem:$0x1FAC0];
	_ =	sdelay $0x1  }
0x33a: {  	v19 =	vmul.f32 v56, v13;
	v56 =	vld.idx.msk [tilespmem:v5+s16+$0x0], $0xffff  }
0x33b: {  	v5 =	vld [tilespmem:$0x1FAE0]  }
0x33c: {  	v24 =	vmul.f32 v1, v6;
	v1 =	vmul.f32 v55, v6  }
0x33d: {  	v55 =	vmul.f32 v47, v6;
	v6 =	vmul.f32 v0, v6;
	v0 =	vld [tilespmem:$0x1FAD0];
	_ =	sdelay $0x2  }
0x33e: {  	v47 =	vmul.f32 v5, v13;
	v5 =	vld [tilespmem:$0x1FAF0]  }
0x33f: {  	v20 =	vadd.f32 v1, v15;
	v1 =	vadd.f32 v55, v11;
	v10 =	vor.u32 $0x20, v35  }
0x340: {  	v11 =	vadd.f32 v6, v14;
	v14 =	vmul.f32 v0, v13;
	v0 =	vor.u32 $0x20, v39  }
0x341: {  	v16 =	vmul.f32 v26, v13  }
0x342: {  	v28 =	vadd.f32 v24, v28;
	v24 =	vmul.f32 v57, v13  }
0x343: {  	v21 =	vadd.f32 v16, v21;
	v16 =	vadd.f32 v14, v23;
	v23 =	vmul.f32 v5, v13  }
0x344: {  	v8 =	vor.u32 $0x20, v30;
	v25 =	vld.idx.msk [tilespmem:v10+s16+$0x0], $0xffff  }
0x345: {  	v17 =	vadd.f32 v23, v17;
	v23 =	vadd.f32 v24, v62;
	v62 =	vld.idx.msk [tilespmem:v0+s16+$0x0], $0xffff  }
0x346: {  	v10 =	vor.u32 $0x20, v49;
	v0 =	vld [tilespmem:$0x1FB00];
	_ =	sdelay $0x1  }
0x347: {  	v7 =	vor.u32 $0x1F, v49  }
0x348: {  	v59 =	vmul.f32 v59, v13;
	v15 =	vor.u32 $0x20, v36;
	v9 =	vld.idx.msk [tilespmem:v8+s14+$0x0], $0xffff  }
0x349: {  	v22 =	vadd.f32 v27, v22;
	v27 =	vld.idx.msk [tilespmem:v8+s15+$0x0], $0xffff;
	v8 =	vor.u32 $0x20, v37  }
0x34a: {  	v5 =	vadd.f32 v59, v12;
	v12 =	vmul.f32 v0, v13;
	v0 =	vld.idx.msk [tilespmem:v10+s16+$0x0], $0xffff;
	_ =	sdelay $0x1  }
0x34b: {  	v46 =	vld.idx.msk [tilespmem:v7+s16+$0x0], $0xffff  }
0x34c: {  	v7 =	vor.u32 $0x20, v31;
	v55 =	vld.idx.msk [tilespmem:v15+s16+$0x0], $0xffff  }
0x34d: {  	v15 =	vor.u32 $0x20, v50;
	v57 =	vld.idx.msk [tilespmem:v8+s16+$0x0], $0xffff  }
0x34e: {  	v8 =	vor.u32 $0x20, v51;
	[tilespmem:$0x1FC30] =	vst v0;
	v0 =	vld [tilespmem:$0x1FB10];
	_ =	sdelay $0x2  }
0x34f: {  	v26 =	vld.idx.msk [tilespmem:v7+s16+$0x0], $0xffff;
	v7 =	vor.u32 $0x20, v38  }
0x350: {  	v6 =	vld.idx.msk [tilespmem:v15+s16+$0x0], $0xffff  }
0x351: {  	v8 =	vld.idx.msk [tilespmem:v8+s16+$0x0], $0xffff;
	v0 =	vmul.f32 v0, v13  }
0x352: {  	v48 =	vor.u32 $0x1E, v32  }
0x353: {  	v12 =	vadd.f32 v12, v28;
	v28 =	vor.u32 $0x21, v36;
	v14 =	vadd.f32 v0, v20;
	v0 =	vld [tilespmem:$0x1FB20]  }
0x354: {  	v22 =	vadd.f32 v47, v22;
	v47 =	vld.idx.msk [tilespmem:v7+s16+$0x0], $0xffff;
	v7 =	vor.u32 $0x21, v30  }
0x355: {  	[tilespmem:$0x1FC40] =	vst v6;
	v6 =	vor.u32 $0x21, v32  }
0x356: {  	[tilespmem:$0x1FC50] =	vst v8;
	v8 =	vor.u32 $0x21, v35  }
0x357: {  	v48 =	vld.idx.msk [tilespmem:v48+s16+$0x0], $0xffff  }
0x358: {  	v24 =	vmul.f32 v61, v2;
	v10 =	vor.u32 $0x21, v31;
	v61 =	vmul.f32 v0, v2;
	v0 =	vld.idx.msk [tilespmem:v28+s16+$0x0], $0xffff  }
0x359: {  	v44 =	vmul.f32 v44, v13;
	v19 =	vadd.f32 v19, v18;
	v18 =	vld.idx.msk [tilespmem:v7+s14+$0x0], $0xffff  }
0x35a: {  	v59 =	vmul.f32 v34, v2;
	v34 =	vld.idx.msk [tilespmem:v6+s16+$0x0], $0xffff;
	v13 =	vmul.f32 v45, v13  }
0x35b: {  	v45 =	vld.idx.msk [tilespmem:v8+s16+$0x0], $0xffff  }
0x35c: {  	v11 =	vadd.f32 v13, v11;
	v13 =	vmul.f32 v63, v2;
	v63 =	vld.idx.msk [tilespmem:v7+s15+$0x0], $0xffff  }
0x35d: {  	v20 =	vadd.f32 v44, v1;
	v44 =	vmul.f32 v54, v2;
	v54 =	vld.idx.msk [tilespmem:v10+s16+$0x0], $0xffff;
	[tilespmem:$0x1FC60] =	vst v0  }
0x35e: {  	v0 =	vld [tilespmem:$0x1FB30];
	_ =	sdelay $0x4  }
0x35f: {  	v7 =	vor.u32 $0x21, v37;
	v0 =	vmul.f32 v0, v2  }
0x360: {  	v6 =	vor.u32 $0x21, v39  }
0x361: {  	v15 =	vadd.f32 v0, v23;
	v0 =	vld [tilespmem:$0x1FB40];
	_ =	sdelay $0x2  }
0x362: {  	v7 =	vld.idx.msk [tilespmem:v7+s16+$0x0], $0xffff  }
0x363: {  	v16 =	vadd.f32 v44, v16;
	v44 =	vmul.f32 v53, v2;
	v53 =	vld.idx.msk [tilespmem:v6+s16+$0x0], $0xffff  }
0x364: {  	v19 =	vadd.f32 v24, v19;
	v24 =	vor.u32 $0x21, v50;
	v6 =	vmul.f32 v0, v2;
	v0 =	vld [tilespmem:$0x1FB50];
	_ =	sdelay $0x4  }
0x365: {  	[tilespmem:$0x1FC70] =	vst v7;
	v7 =	vor.u32 $0x21, v51;
	v23 =	vadd.f32 v44, v12;
	v12 =	vmul.f32 v0, v2;
	v0 =	vld.idx.msk [tilespmem:v24+s16+$0x0], $0xffff;
	_ =	sdelay $0x3  }
0x366: {  	v8 =	vor.u32 $0x21, v49  }
0x367: {  	[tilespmem:$0x1FC80] =	vst v0;
	v0 =	vld.idx.msk [tilespmem:v7+s16+$0x0], $0xffff;
	_ =	sdelay $0x3  }
0x368: {  	v17 =	vadd.f32 v61, v17;
	v61 =	vld.idx.msk [tilespmem:v8+s16+$0x0], $0xffff  }
0x369: {  	v8 =	vor.u32 $0x22, v31;
	[tilespmem:$0x1FC90] =	vst v0;
	v0 =	vld [tilespmem:$0x1FB60];
	_ =	sdelay $0x2  }
0x36a: {  	v10 =	vor.u32 $0x21, v38;
	_ =	sdelay $0x1  }
0x36b: {  	v13 =	vadd.f32 v13, v21;
	v21 =	vadd.f32 v59, v22;
	v22 =	vmul.f32 v0, v3;
	v0 =	vld.idx.msk [tilespmem:v8+s16+$0x0], $0xffff;
	_ =	sdelay $0x2  }
0x36c: {  	v1 =	vmul.f32 v52, v2;
	v52 =	vld.idx.msk [tilespmem:v10+s16+$0x0], $0xffff;
	v10 =	vor.u32 $0x22, v30;
	_ =	sdelay $0x1  }
0x36d: {  	[tilespmem:$0x1FCA0] =	vst v0;
	v0 =	vld [tilespmem:$0x1FB70];
	_ =	sdelay $0x1  }
0x36e: {  	v2 =	vmul.f32 v41, v2  }
0x36f: {  	v41 =	vld.idx.msk [tilespmem:v10+s15+$0x0], $0xffff  }
0x370: {  	v20 =	vadd.f32 v12, v20;
	v12 =	vadd.f32 v2, v11;
	v2 =	vld.idx.msk [tilespmem:v10+s14+$0x0], $0xffff;
	v11 =	vor.u32 $0x22, v36  }
0x371: {  	v10 =	vor.u32 $0x22, v37;
	v24 =	vmul.f32 v0, v3;
	v0 =	vld [tilespmem:$0x1FB80];
	_ =	sdelay $0x1  }
0x372: {  	v48 =	vmul.f32 v48, v3;
	_ =	sdelay $0x1  }
0x373: {  	v16 =	vadd.f32 v48, v16;
	v48 =	vld.idx.msk [tilespmem:v11+s16+$0x0], $0xffff  }
0x374: {  	v11 =	vmul.f32 v0, v3;
	v0 =	vld.idx.msk [tilespmem:v10+s16+$0x0], $0xffff;
	_ =	sdelay $0x4  }
0x375: {  	v59 =	vor.u32 $0x22, v32;
	[tilespmem:$0x1FCB0] =	vst v0;
	v0 =	vld [tilespmem:$0x1FB90]  }
0x376: {  	v7 =	vor.u32 $0x22, v35;
	_ =	sdelay $0x1  }
0x377: {  	v33 =	vmul.f32 v33, v3  }
0x378: {  	v42 =	vmul.f32 v42, v3  }
0x379: {  	v13 =	vadd.f32 v33, v13;
	v33 =	vld.idx.msk [tilespmem:v59+s16+$0x0], $0xffff;
	v14 =	vadd.f32 v6, v14;
	v0 =	vmul.f32 v0, v3  }
0x37a: {  	v59 =	vadd.f32 v42, v21;
	v42 =	vld.idx.msk [tilespmem:v7+s16+$0x0], $0xffff  }
0x37b: {  	v7 =	vor.u32 $0x22, v49;
	v21 =	vadd.f32 v0, v14;
	v0 =	vld [tilespmem:$0x1FBA0];
	_ =	sdelay $0x4  }
0x37c: {  	v14 =	vmul.f32 v0, v3;
	v0 =	vld.idx.msk [tilespmem:v7+s16+$0x0], $0xffff;
	_ =	sdelay $0x4  }
0x37d: {  	v10 =	vor.u32 $0x22, v51;
	[tilespmem:$0x1FCD0] =	vst v0;
	v0 =	vld [tilespmem:$0x1FBB0];
	_ =	sdelay $0x3  }
0x37e: {  	v43 =	vmul.f32 v43, v3  }
0x37f: {  	v8 =	vmul.f32 v29, v3;
	v3 =	vmul.f32 v0, v3;
	v0 =	vld.idx.msk [tilespmem:v10+s16+$0x0], $0xffff;
	_ =	sdelay $0x4  }
0x380: {  	[tilespmem:$0x1FCE0] =	vst v0;
	v0 =	vld [tilespmem:$0x1FBC0];
	_ =	sdelay $0x2  }
0x381: {  	v19 =	vadd.f32 v22, v19;
	v20 =	vadd.f32 v14, v20;
	v14 =	vmul.f32 v40, v4;
	_ =	sdelay $0x1  }
0x382: {  	v19 =	vadd.f32 v14, v19;
	v14 =	vmul.f32 v0, v4;
	v0 =	vld [tilespmem:$0x1FBD0];
	_ =	sdelay $0x1  }
0x383: {  	v10 =	vor.u32 $0x23, v35;
	_ =	sdelay $0x1  }
0x384: {  	v5 =	vadd.f32 v1, v5  }
0x385: {  	v0 =	vmul.f32 v0, v4  }
0x386: {  	v5 =	vadd.f32 v11, v5  }
0x387: {  	v11 =	vadd.f32 v14, v16;
	v14 =	vadd.f32 v0, v59;
	v0 =	vld.idx.msk [tilespmem:v10+s16+$0x0], $0xffff;
	_ =	sdelay $0x1  }
0x388: {  	v17 =	vadd.f32 v8, v17;
	v8 =	vor.u32 $0x23, v32;
	_ =	sdelay $0x1  }
0x389: {  	v29 =	vmul.f32 v60, v4  }
0x38a: {  	[tilespmem:$0x1FD00] =	vst v0;
	v0 =	vld [tilespmem:$0x1FBF0]  }
0x38b: {  	v22 =	vadd.f32 v29, v13;
	v13 =	vor.u32 $0x23, v36  }
0x38c: {  	v8 =	vld.idx.msk [tilespmem:v8+s16+$0x0], $0xffff;
	_ =	sdelay $0x2  }
0x38d: {  	v59 =	vmul.f32 v0, v4;
	v0 =	vld [tilespmem:$0x1FC00]  }
0x38e: {  	v40 =	vld.idx.msk [tilespmem:v13+s16+$0x0], $0xffff  }
0x38f: {  	[tilespmem:$0x1FCF0] =	vst v8;
	v8 =	vor.u32 $0x23, v39;
	v13 =	vld [tilespmem:$0x1FC10]  }
0x390: {  	v1 =	vor.u32 $0x22, v50;
	_ =	sdelay $0x1  }
0x391: {  	v23 =	vadd.f32 v43, v23;
	v0 =	vmul.f32 v0, v4;
	_ =	sdelay $0x1  }
0x392: {  	v44 =	vmul.f32 v13, v4;
	v13 =	vadd.f32 v0, v23;
	v0 =	vld.idx.msk [tilespmem:v8+s16+$0x0], $0xffff  }
0x393: {  	v60 =	vld.idx.msk [tilespmem:v1+s16+$0x0], $0xffff  }
0x394: {  	v1 =	vld [tilespmem:$0x1FBE0];
	_ =	sdelay $0x1  }
0x395: {  	v7 =	vor.u32 $0x23, v31  }
0x396: {  	v10 =	vor.u32 $0x23, v49;
	[tilespmem:$0x1FD10] =	vst v0;
	v0 =	vld [tilespmem:$0x1FC20];
	_ =	sdelay $0x1  }
0x397: {  	v1 =	vmul.f32 v1, v4  }
0x398: {  	v58 =	vmul.f32 v58, v4  }
0x399: {  	v15 =	vadd.f32 v24, v15;
	v24 =	vadd.f32 v1, v17;
	v29 =	vld.idx.msk [tilespmem:v7+s16+$0x0], $0xffff;
	v7 =	vor.u32 $0x23, v38  }
0x39a: {  	v17 =	vor.u32 $0x23, v50;
	v1 =	vmul.f32 v46, v4;
	v4 =	vmul.f32 v0, v4;
	v0 =	vld.idx.msk [tilespmem:v10+s16+$0x0], $0xffff;
	_ =	sdelay $0x3  }
0x39b: {  	v5 =	vadd.f32 v59, v5;
	v59 =	vld.idx.msk [tilespmem:v7+s16+$0x0], $0xffff  }
0x39c: {  	v7 =	vor.u32 $0x24, v30;
	[tilespmem:$0x1FD20] =	vst v0;
	v0 =	vld.idx.msk [tilespmem:v17+s16+$0x0], $0xffff;
	_ =	sdelay $0x4  }
0x39d: {  	v10 =	vor.u32 $0x24, v31;
	[tilespmem:$0x1FD30] =	vst v0;
	v0 =	vld.idx.msk [tilespmem:v7+s15+$0x0], $0xffff;
	_ =	sdelay $0x3  }
0x39e: {  	v6 =	vor.u32 $0x22, v38  }
0x39f: {  	[tilespmem:$0x1FD40] =	vst v0;
	v0 =	vld.idx.msk [tilespmem:v10+s16+$0x0], $0xffff;
	_ =	sdelay $0x3  }
0x3a0: {  	v6 =	vld.idx.msk [tilespmem:v6+s16+$0x0], $0xffff  }
0x3a1: {  	v56 =	vmul.f32 v56, v9;
	[tilespmem:$0x1FD50] =	vst v0;
	v0 =	vld [tilespmem:$0x1FC30]  }
0x3a2: {  	v21 =	vadd.f32 v1, v21  }
0x3a3: {  	v1 =	vadd.f32 v56, v11;
	v56 =	vmul.f32 v55, v9;
	v17 =	vor.u32 $0x24, v32  }
0x3a4: {  	v57 =	vmul.f32 v57, v9;
	v15 =	vadd.f32 v58, v15  }
0x3a5: {  	v26 =	vmul.f32 v26, v9;
	[tilespmem:$0x1FCC0] =	vst v6;
	v6 =	vor.u32 $0x23, v30;
	v11 =	vadd.f32 v56, v24  }
0x3a6: {  	v24 =	vadd.f32 v57, v15;
	v15 =	vmul.f32 v62, v9;
	v62 =	vmul.f32 v0, v9;
	v0 =	vld [tilespmem:$0x1FC40];
	_ =	sdelay $0x1  }
0x3a7: {  	v19 =	vadd.f32 v26, v19;
	v12 =	vadd.f32 v3, v12;
	v26 =	vld.idx.msk [tilespmem:v17+s16+$0x0], $0xffff;
	v17 =	vor.u32 $0x24, v39  }
0x3a8: {  	v20 =	vadd.f32 v44, v20  }
0x3a9: {  	v44 =	vmul.f32 v27, v9;
	v12 =	vadd.f32 v4, v12;
	v4 =	vld.idx.msk [tilespmem:v7+s14+$0x0], $0xffff;
	v7 =	vor.u32 $0x24, v37  }
0x3aa: {  	v43 =	vld.idx.msk [tilespmem:v6+s15+$0x0], $0xffff;
	v0 =	vmul.f32 v0, v9  }
0x3ab: {  	v22 =	vadd.f32 v44, v22;
	v3 =	vld.idx.msk [tilespmem:v6+s14+$0x0], $0xffff  }
0x3ac: {  	v44 =	vmul.f32 v25, v9;
	v6 =	vor.u32 $0x23, v37;
	v20 =	vadd.f32 v0, v20;
	v0 =	vld.idx.msk [tilespmem:v17+s16+$0x0], $0xffff;
	_ =	sdelay $0x1  }
0x3ad: {  	v14 =	vadd.f32 v44, v14;
	v44 =	vld.idx.msk [tilespmem:v7+s16+$0x0], $0xffff;
	v7 =	vor.u32 $0x24, v51;
	_ =	sdelay $0x2  }
0x3ae: {  	v46 =	vld.idx.msk [tilespmem:v6+s16+$0x0], $0xffff;
	v6 =	vor.u32 $0x23, v51;
	[tilespmem:$0x1FD70] =	vst v0;
	v0 =	vmul.f32 v63, v18  }
0x3af: {  	v8 =	vld [tilespmem:$0x1FC50];
	v10 =	vor.u32 $0x24, v38  }
0x3b0: {  	v22 =	vadd.f32 v0, v22;
	v0 =	vld.idx.msk [tilespmem:v7+s16+$0x0], $0xffff;
	_ =	sdelay $0x2  }
0x3b1: {  	v58 =	vld.idx.msk [tilespmem:v6+s16+$0x0], $0xffff;
	v6 =	vor.u32 $0x24, v35  }
0x3b2: {  	v47 =	vmul.f32 v47, v9;
	v9 =	vmul.f32 v8, v9;
	v8 =	vld.idx.msk [tilespmem:v10+s16+$0x0], $0xffff  }
0x3b3: {  	v10 =	vor.u32 $0x25, v30;
	[tilespmem:$0x1FDA0] =	vst v0;
	v0 =	vld [tilespmem:$0x1FC60];
	_ =	sdelay $0x2  }
0x3b4: {  	v55 =	vld.idx.msk [tilespmem:v6+s16+$0x0], $0xffff;
	v6 =	vor.u32 $0x24, v49  }
0x3b5: {  	v16 =	vadd.f32 v47, v5;
	v5 =	vor.u32 $0x24, v50  }
0x3b6: {  	v56 =	vmul.f32 v0, v18;
	v0 =	vld.idx.msk [tilespmem:v10+s15+$0x0], $0xffff;
	_ =	sdelay $0x2  }
0x3b7: {  	v6 =	vld.idx.msk [tilespmem:v6+s16+$0x0], $0xffff  }
0x3b8: {  	v5 =	vld.idx.msk [tilespmem:v5+s16+$0x0], $0xffff  }
0x3b9: {  	[tilespmem:$0x1FDB0] =	vst v0;
	v0 =	vld [tilespmem:$0x1FC70];
	_ =	sdelay $0x2  }
0x3ba: {  	[tilespmem:$0x1FD80] =	vst v6;
	v9 =	vadd.f32 v9, v12;
	v12 =	vmul.f32 v54, v18  }
0x3bb: {  	v6 =	vor.u32 $0x25, v31;
	[tilespmem:$0x1FD90] =	vst v5  }
0x3bc: {  	v5 =	vadd.f32 v12, v19;
	v12 =	vld.idx.msk [tilespmem:v10+s14+$0x0], $0xffff;
	v10 =	vmul.f32 v0, v18;
	v0 =	vmul.f32 v52, v18;
	_ =	sdelay $0x1  }
0x3bd: {  	[tilespmem:$0x1FD60] =	vst v8;
	v8 =	vadd.f32 v62, v21;
	v21 =	vadd.f32 v0, v16;
	v0 =	vld [tilespmem:$0x1FC80];
	_ =	sdelay $0x1  }
0x3be: {  	v25 =	vmul.f32 v34, v18;
	v6 =	vld.idx.msk [tilespmem:v6+s16+$0x0], $0xffff  }
0x3bf: {  	v57 =	vmul.f32 v53, v18;
	v13 =	vadd.f32 v15, v13  }
0x3c0: {  	v15 =	vadd.f32 v25, v1  }
0x3c1: {  	v1 =	vor.u32 $0x25, v37;
	v13 =	vadd.f32 v57, v13;
	v57 =	vmul.f32 v0, v18;
	v0 =	vld [tilespmem:$0x1FC90];
	_ =	sdelay $0x1  }
0x3c2: {  	[tilespmem:$0x1FDC0] =	vst v6;
	v6 =	vor.u32 $0x25, v38;
	_ =	sdelay $0x1  }
0x3c3: {  	v45 =	vmul.f32 v45, v18;
	v27 =	vor.u32 $0x25, v32  }
0x3c4: {  	v25 =	vmul.f32 v61, v18;
	v18 =	vmul.f32 v0, v18;
	v0 =	vld.idx.msk [tilespmem:v1+s16+$0x0], $0xffff;
	_ =	sdelay $0x1  }
0x3c5: {  	v16 =	vadd.f32 v25, v8;
	v8 =	vmul.f32 v41, v2;
	v41 =	vld.idx.msk [tilespmem:v6+s16+$0x0], $0xffff  }
0x3c6: {  	v6 =	vld [tilespmem:$0x1FCA0]  }
0x3c7: {  	v34 =	vld.idx.msk [tilespmem:v27+s16+$0x0], $0xffff;
	v27 =	vor.u32 $0x25, v50  }
0x3c8: {  	[tilespmem:$0x1FDD0] =	vst v0;
	v0 =	vor.u32 $0x26, v30;
	_ =	sdelay $0x1  }
0x3c9: {  	v19 =	vadd.f32 v57, v20  }
0x3ca: {  	v20 =	vadd.f32 v8, v22;
	v8 =	vmul.f32 v6, v2;
	v1 =	vor.u32 $0x25, v51  }
0x3cb: {  	v28 =	vor.u32 $0x22, v39;
	v6 =	vld.idx.msk [tilespmem:v27+s16+$0x0], $0xffff  }
0x3cc: {  	v23 =	vor.u32 $0x24, v36;
	v24 =	vadd.f32 v10, v24;
	v10 =	vadd.f32 v8, v5;
	v5 =	vld.idx.msk [tilespmem:v0+s14+$0x0], $0xffff  }
0x3cd: {  	v18 =	vadd.f32 v18, v9;
	v9 =	vmul.f32 v33, v2;
	v33 =	vld.idx.msk [tilespmem:v0+s15+$0x0], $0xffff  }
0x3ce: {  	v7 =	vor.u32 $0x25, v35;
	v0 =	vld [tilespmem:$0x1FCC0]  }
0x3cf: {  	v1 =	vld.idx.msk [tilespmem:v1+s16+$0x0], $0xffff  }
0x3d0: {  	v28 =	vld.idx.msk [tilespmem:v28+s16+$0x0], $0xffff  }
0x3d1: {  	v47 =	vld.idx.msk [tilespmem:v23+s16+$0x0], $0xffff  }
0x3d2: {  	v11 =	vadd.f32 v56, v11;
	v8 =	vmul.f32 v48, v2;
	[tilespmem:$0x1FDE0] =	vst v6;
	v6 =	vld [tilespmem:$0x1FCB0]  }
0x3d3: {  	v62 =	vld.idx.msk [tilespmem:v7+s16+$0x0], $0xffff;
	v7 =	vor.u32 $0x25, v49;
	v0 =	vmul.f32 v0, v2  }
0x3d4: {  	v23 =	vor.u32 $0x26, v32;
	[tilespmem:$0x1FDF0] =	vst v1;
	v1 =	vadd.f32 v8, v11;
	v8 =	vld [tilespmem:$0x1FCD0]  }
0x3d5: {  	v54 =	vor.u32 $0x26, v37;
	v21 =	vadd.f32 v0, v21;
	v0 =	vld [tilespmem:$0x1FCE0];
	_ =	sdelay $0x1  }
0x3d6: {  	v11 =	vmul.f32 v6, v2  }
0x3d7: {  	v53 =	vld.idx.msk [tilespmem:v7+s16+$0x0], $0xffff;
	v7 =	vmul.f32 v28, v2  }
0x3d8: {  	v22 =	vmul.f32 v42, v2;
	v24 =	vadd.f32 v11, v24;
	v11 =	vmul.f32 v8, v2;
	v8 =	vld.idx.msk [tilespmem:v23+s16+$0x0], $0xffff  }
0x3d9: {  	v23 =	vmul.f32 v60, v2;
	v2 =	vmul.f32 v0, v2;
	v0 =	vld.idx.msk [tilespmem:v54+s16+$0x0], $0xffff;
	_ =	sdelay $0x4  }
0x3da: {  	[tilespmem:$0x1FE20] =	vst v0;
	v0 =	vor.u32 $0x26, v51;
	_ =	sdelay $0x4  }
0x3db: {  	v14 =	vadd.f32 v45, v14;
	v0 =	vld.idx.msk [tilespmem:v0+s16+$0x0], $0xffff;
	_ =	sdelay $0x1  }
0x3dc: {  	v14 =	vadd.f32 v22, v14;
	v22 =	vadd.f32 v7, v13;
	v7 =	vld [tilespmem:$0x1FD00];
	_ =	sdelay $0x2  }
0x3dd: {  	v52 =	vor.u32 $0x26, v35;
	[tilespmem:$0x1FE40] =	vst v0;
	v0 =	vld [tilespmem:$0x1FD10]  }
0x3de: {  	v63 =	vor.u32 $0x26, v31  }
0x3df: {  	v54 =	vmul.f32 v7, v3;
	v7 =	vor.u32 $0x27, v35;
	_ =	sdelay $0x1  }
0x3e0: {  	v43 =	vmul.f32 v43, v3  }
0x3e1: {  	v28 =	vld.idx.msk [tilespmem:v52+s16+$0x0], $0xffff;
	v52 =	vmul.f32 v29, v3;
	v27 =	vadd.f32 v11, v16;
	v0 =	vmul.f32 v0, v3  }
0x3e2: {  	v17 =	vor.u32 $0x25, v36;
	v6 =	vld.idx.msk [tilespmem:v63+s16+$0x0], $0xffff;
	v16 =	vadd.f32 v23, v19;
	v23 =	vadd.f32 v43, v20  }
0x3e3: {  	v20 =	vadd.f32 v52, v10;
	v10 =	vadd.f32 v0, v22;
	v0 =	vld.idx.msk [tilespmem:v7+s16+$0x0], $0xffff  }
0x3e4: {  	v15 =	vadd.f32 v9, v15;
	v9 =	vor.u32 $0x26, v36;
	_ =	sdelay $0x2  }
0x3e5: {  	v61 =	vld.idx.msk [tilespmem:v17+s16+$0x0], $0xffff;
	[tilespmem:$0x1FE00] =	vst v6;
	v6 =	vor.u32 $0x26, v38  }
0x3e6: {  	[tilespmem:$0x1FE60] =	vst v0;
	v0 =	vld [tilespmem:$0x1FD40]  }
0x3e7: {  	v56 =	vmul.f32 v40, v3;
	v42 =	vld.idx.msk [tilespmem:v9+s16+$0x0], $0xffff  }
0x3e8: {  	v9 =	vld [tilespmem:$0x1FD30]  }
0x3e9: {  	v17 =	vadd.f32 v56, v1;
	v1 =	vld [tilespmem:$0x1FD20]  }
0x3ea: {  	v6 =	vld.idx.msk [tilespmem:v6+s16+$0x0], $0xffff  }
0x3eb: {  	v57 =	vmul.f32 v0, v4;
	v0 =	vld [tilespmem:$0x1FD50]  }
0x3ec: {  	v25 =	vor.u32 $0x26, v50  }
0x3ed: {  	v56 =	vor.u32 $0x27, v39  }
0x3ee: {  	v63 =	vor.u32 $0x26, v39;
	v11 =	vadd.f32 v54, v14;
	v14 =	vmul.f32 v59, v3  }
0x3ef: {  	v1 =	vmul.f32 v1, v3;
	v18 =	vadd.f32 v2, v18;
	v2 =	vld [tilespmem:$0x1FCF0];
	[tilespmem:$0x1FE30] =	vst v6;
	v6 =	vor.u32 $0x27, v30  }
0x3f0: {  	v21 =	vadd.f32 v14, v21;
	v14 =	vmul.f32 v9, v3;
	v0 =	vmul.f32 v0, v4  }
0x3f1: {  	v29 =	vld.idx.msk [tilespmem:v25+s16+$0x0], $0xffff;
	v25 =	vadd.f32 v1, v27  }
0x3f2: {  	v1 =	vor.u32 $0x27, v50;
	v22 =	vadd.f32 v14, v16;
	v16 =	vadd.f32 v0, v20;
	v0 =	vld.idx.msk [tilespmem:v56+s16+$0x0], $0xffff  }
0x3f3: {  	v46 =	vmul.f32 v46, v3  }
0x3f4: {  	v48 =	vld.idx.msk [tilespmem:v63+s16+$0x0], $0xffff;
	v2 =	vmul.f32 v2, v3  }
0x3f5: {  	v24 =	vadd.f32 v46, v24;
	v63 =	vor.u32 $0x27, v36;
	v46 =	vld.idx.msk [tilespmem:v6+s15+$0x0], $0xffff  }
0x3f6: {  	v15 =	vadd.f32 v2, v15;
	v2 =	vld.idx.msk [tilespmem:v6+s14+$0x0], $0xffff;
	v6 =	vor.u32 $0x27, v37  }
0x3f7: {  	[tilespmem:$0x1FE80] =	vst v0;
	v0 =	vld.idx.msk [tilespmem:v1+s16+$0x0], $0xffff;
	_ =	sdelay $0x2  }
0x3f8: {  	v27 =	vld.idx.msk [tilespmem:v63+s16+$0x0], $0xffff  }
0x3f9: {  	[tilespmem:$0x1FE10] =	vst v8;
	v8 =	vor.u32 $0x27, v38;
	v63 =	vld.idx.msk [tilespmem:v6+s16+$0x0], $0xffff  }
0x3fa: {  	v6 =	vor.u32 $0x27, v51;
	[tilespmem:$0x1FE90] =	vst v0;
	v0 =	vld [tilespmem:$0x1FD60];
	_ =	sdelay $0x3  }
0x3fb: {  	v8 =	vld.idx.msk [tilespmem:v8+s16+$0x0], $0xffff  }
0x3fc: {  	v59 =	vmul.f32 v0, v4;
	v0 =	vld.idx.msk [tilespmem:v6+s16+$0x0], $0xffff;
	_ =	sdelay $0x3  }
0x3fd: {  	v60 =	vor.u32 $0x27, v32;
	[tilespmem:$0x1FE70] =	vst v8  }
0x3fe: {  	v8 =	vor.u32 $0x28, v30;
	[tilespmem:$0x1FEA0] =	vst v0;
	v0 =	vld [tilespmem:$0x1FD70];
	_ =	sdelay $0x3  }
0x3ff: {  	v9 =	vld.idx.msk [tilespmem:v60+s16+$0x0], $0xffff  }
0x400: {  	v60 =	vmul.f32 v0, v4;
	v0 =	vld.idx.msk [tilespmem:v8+s15+$0x0], $0xffff;
	_ =	sdelay $0x4  }
0x401: {  	[tilespmem:$0x1FEB0] =	vst v0;
	v0 =	vld [tilespmem:$0x1FD80];
	_ =	sdelay $0x4  }
0x402: {  	v19 =	vmul.f32 v0, v4;
	v0 =	vld [tilespmem:$0x1FD90];
	_ =	sdelay $0x4  }
0x403: {  	v3 =	vmul.f32 v58, v3;
	v6 =	vor.u32 $0x28, v35;
	v20 =	vmul.f32 v0, v4;
	v0 =	vld [tilespmem:$0x1FDA0];
	_ =	sdelay $0x1  }
0x404: {  	[tilespmem:$0x1FE50] =	vst v9;
	v9 =	vadd.f32 v3, v18;
	v3 =	vmul.f32 v26, v4;
	_ =	sdelay $0x1  }
0x405: {  	v58 =	vmul.f32 v44, v4;
	v40 =	vadd.f32 v3, v15;
	v3 =	vmul.f32 v55, v4  }
0x406: {  	v15 =	vmul.f32 v47, v4;
	v4 =	vmul.f32 v0, v4;
	v0 =	vld.idx.msk [tilespmem:v6+s16+$0x0], $0xffff;
	_ =	sdelay $0x4  }
0x407: {  	v14 =	vadd.f32 v58, v24;
	v24 =	vor.u32 $0x28, v36;
	[tilespmem:$0x1FEC0] =	vst v0;
	v0 =	vld [tilespmem:$0x1FDB0];
	_ =	sdelay $0x4  }
0x408: {  	v17 =	vadd.f32 v15, v17;
	v15 =	vadd.f32 v4, v9;
	v4 =	vmul.f32 v0, v12;
	v0 =	vld.idx.msk [tilespmem:v24+s16+$0x0], $0xffff;
	_ =	sdelay $0x4  }
0x409: {  	[tilespmem:$0x1FED0] =	vst v0;
	v0 =	vld [tilespmem:$0x1FDC0];
	_ =	sdelay $0x1  }
0x40a: {  	v6 =	vor.u32 $0x28, v49;
	_ =	sdelay $0x1  }
0x40b: {  	v13 =	vor.u32 $0x26, v49  }
0x40c: {  	v0 =	vmul.f32 v0, v12  }
0x40d: {  	v1 =	vor.u32 $0x28, v32  }
0x40e: {  	v9 =	vadd.f32 v0, v16;
	v0 =	vld.idx.msk [tilespmem:v6+s16+$0x0], $0xffff;
	_ =	sdelay $0x1  }
0x40f: {  	v43 =	vld.idx.msk [tilespmem:v13+s16+$0x0], $0xffff;
	v13 =	vor.u32 $0x27, v31  }
0x410: {  	v45 =	vor.u32 $0x25, v39  }
0x411: {  	v21 =	vadd.f32 v59, v21;
	v59 =	vld.idx.msk [tilespmem:v1+s16+$0x0], $0xffff;
	v1 =	vor.u32 $0x28, v39  }
0x412: {  	[tilespmem:$0x1FEE0] =	vst v0;
	v0 =	vld [tilespmem:$0x1FDD0];
	_ =	sdelay $0x1  }
0x413: {  	v34 =	vmul.f32 v34, v12;
	v52 =	vld.idx.msk [tilespmem:v13+s16+$0x0], $0xffff;
	v13 =	vadd.f32 v57, v23  }
0x414: {  	v45 =	vld.idx.msk [tilespmem:v45+s16+$0x0], $0xffff;
	v11 =	vadd.f32 v3, v11  }
0x415: {  	v40 =	vadd.f32 v34, v40;
	v34 =	vld.idx.msk [tilespmem:v1+s16+$0x0], $0xffff;
	v13 =	vadd.f32 v4, v13;
	v4 =	vmul.f32 v62, v12  }
0x416: {  	v1 =	vld [tilespmem:$0x1FDE0];
	v6 =	vmul.f32 v0, v12  }
0x417: {  	v25 =	vadd.f32 v19, v25;
	v19 =	vadd.f32 v4, v11  }
0x418: {  	v4 =	vmul.f32 v61, v12;
	v14 =	vadd.f32 v6, v14;
	v6 =	vor.u32 $0x29, v36;
	_ =	sdelay $0x1  }
0x419: {  	v10 =	vadd.f32 v60, v10;
	v17 =	vadd.f32 v4, v17;
	v4 =	vmul.f32 v45, v12  }
0x41a: {  	v1 =	vmul.f32 v1, v12;
	v18 =	vadd.f32 v20, v22;
	v0 =	vmul.f32 v41, v12  }
0x41b: {  	v16 =	vadd.f32 v4, v10  }
0x41c: {  	v10 =	vadd.f32 v1, v18;
	v20 =	vadd.f32 v0, v21;
	v0 =	vmul.f32 v53, v12;
	v1 =	vld.idx.msk [tilespmem:v6+s16+$0x0], $0xffff;
	_ =	sdelay $0x1  }
0x41d: {  	v4 =	vld [tilespmem:$0x1FDF0];
	v25 =	vadd.f32 v0, v25;
	v0 =	vmul.f32 v33, v5;
	_ =	sdelay $0x1  }
0x41e: {  	v13 =	vadd.f32 v0, v13;
	v0 =	vld [tilespmem:$0x1FE00]  }
0x41f: {  	[tilespmem:$0x1FEF0] =	vst v1;
	v1 =	vld [tilespmem:$0x1FE10];
	_ =	sdelay $0x1  }
0x420: {  	v12 =	vmul.f32 v4, v12;
	_ =	sdelay $0x1  }
0x421: {  	v22 =	vadd.f32 v12, v15;
	v15 =	vor.u32 $0x29, v49;
	v0 =	vmul.f32 v0, v5  }
0x422: {  	v23 =	vmul.f32 v1, v5  }
0x423: {  	v12 =	vadd.f32 v0, v9;
	v0 =	vmul.f32 v42, v5;
	v1 =	vmul.f32 v28, v5  }
0x424: {  	v18 =	vadd.f32 v23, v40  }
0x425: {  	v23 =	vadd.f32 v1, v19;
	v19 =	vadd.f32 v0, v17;
	v0 =	vld [tilespmem:$0x1FE20]  }
0x426: {  	v1 =	vld.idx.msk [tilespmem:v15+s16+$0x0], $0xffff;
	_ =	sdelay $0x3  }
0x427: {  	v0 =	vmul.f32 v0, v5  }
0x428: {  	[tilespmem:$0x1FF00] =	vst v1;
	v1 =	vld [tilespmem:$0x1FE30]  }
0x429: {  	v15 =	vor.u32 $0x2A, v31;
	v14 =	vadd.f32 v0, v14;
	v0 =	vld [tilespmem:$0x1FE40];
	_ =	sdelay $0x2  }
0x42a: {  	v29 =	vmul.f32 v29, v5  }
0x42b: {  	v55 =	vmul.f32 v43, v5;
	v11 =	vor.u32 $0x29, v31;
	v33 =	vmul.f32 v48, v5  }
0x42c: {  	v28 =	vmul.f32 v1, v5;
	v5 =	vmul.f32 v0, v5;
	v0 =	vld.idx.msk [tilespmem:v15+s16+$0x0], $0xffff;
	_ =	sdelay $0x1  }
0x42d: {  	v7 =	vor.u32 $0x27, v49;
	_ =	sdelay $0x1  }
0x42e: {  	v56 =	vld.idx.msk [tilespmem:v11+s16+$0x0], $0xffff;
	v11 =	vor.u32 $0x29, v38  }
0x42f: {  	[tilespmem:$0x1FF20] =	vst v0;
	v0 =	vld [tilespmem:$0x1FE50];
	_ =	sdelay $0x1  }
0x430: {  	v26 =	vld.idx.msk [tilespmem:v7+s16+$0x0], $0xffff;
	v7 =	vor.u32 $0x28, v31  }
0x431: {  	v46 =	vmul.f32 v46, v2;
	v4 =	vor.u32 $0x29, v39  }
0x432: {  	v45 =	vld.idx.msk [tilespmem:v11+s16+$0x0], $0xffff;
	v6 =	vor.u32 $0x29, v50;
	v9 =	vor.u32 $0x2A, v30  }
0x433: {  	v11 =	vadd.f32 v5, v22;
	v22 =	vadd.f32 v46, v13;
	v13 =	vmul.f32 v0, v2;
	v0 =	vld [tilespmem:$0x1FE60]  }
0x434: {  	v3 =	vld.idx.msk [tilespmem:v8+s14+$0x0], $0xffff  }
0x435: {  	v54 =	vld.idx.msk [tilespmem:v7+s16+$0x0], $0xffff  }
0x436: {  	v7 =	vor.u32 $0x28, v38;
	v42 =	vld.idx.msk [tilespmem:v4+s16+$0x0], $0xffff  }
0x437: {  	v4 =	vld.idx.msk [tilespmem:v9+s14+$0x0], $0xffff  }
0x438: {  	v8 =	vor.u32 $0x28, v37;
	v1 =	vld.idx.msk [tilespmem:v6+s16+$0x0], $0xffff;
	v0 =	vmul.f32 v0, v2  }
0x439: {  	v48 =	vld.idx.msk [tilespmem:v9+s15+$0x0], $0xffff;
	v6 =	vor.u32 $0x2A, v32  }
0x43a: {  	v9 =	vadd.f32 v0, v23;
	v0 =	vld [tilespmem:$0x1FE70]  }
0x43b: {  	v62 =	vld.idx.msk [tilespmem:v7+s16+$0x0], $0xffff;
	v7 =	vor.u32 $0x29, v30;
	_ =	sdelay $0x1  }
0x43c: {  	v24 =	vld.idx.msk [tilespmem:v8+s16+$0x0], $0xffff;
	v20 =	vadd.f32 v28, v20;
	v28 =	vor.u32 $0x2A, v36;
	[tilespmem:$0x1FF10] =	vst v1;
	v1 =	vmul.f32 v27, v2  }
0x43d: {  	v16 =	vadd.f32 v33, v16;
	v41 =	vld.idx.msk [tilespmem:v6+s16+$0x0], $0xffff;
	v6 =	vor.u32 $0x2A, v39  }
0x43e: {  	v33 =	vor.u32 $0x2A, v50;
	v19 =	vadd.f32 v1, v19;
	v1 =	vmul.f32 v0, v2;
	v0 =	vld [tilespmem:$0x1FE80]  }
0x43f: {  	v52 =	vmul.f32 v52, v2;
	v60 =	vld.idx.msk [tilespmem:v7+s15+$0x0], $0xffff  }
0x440: {  	v21 =	vld.idx.msk [tilespmem:v7+s14+$0x0], $0xffff  }
0x441: {  	v7 =	vor.u32 $0x29, v37;
	v12 =	vadd.f32 v52, v12;
	v52 =	vld.idx.msk [tilespmem:v28+s16+$0x0], $0xffff  }
0x442: {  	v8 =	vor.u32 $0x28, v51;
	v28 =	vld.idx.msk [tilespmem:v6+s16+$0x0], $0xffff  }
0x443: {  	v6 =	vmul.f32 v0, v2;
	v0 =	vld.idx.msk [tilespmem:v33+s16+$0x0], $0xffff;
	_ =	sdelay $0x2  }
0x444: {  	v57 =	vld.idx.msk [tilespmem:v7+s16+$0x0], $0xffff;
	v7 =	vor.u32 $0x29, v51  }
0x445: {  	v58 =	vld.idx.msk [tilespmem:v8+s16+$0x0], $0xffff;
	v8 =	vor.u32 $0x29, v35  }
0x446: {  	[tilespmem:$0x1FF40] =	vst v0;
	v0 =	vld [tilespmem:$0x1FE90]  }
0x447: {  	v44 =	vor.u32 $0x28, v50;
	_ =	sdelay $0x1  }
0x448: {  	v43 =	vld.idx.msk [tilespmem:v7+s16+$0x0], $0xffff;
	v7 =	vor.u32 $0x2A, v35  }
0x449: {  	v53 =	vld.idx.msk [tilespmem:v8+s16+$0x0], $0xffff;
	v8 =	vor.u32 $0x2A, v37  }
0x44a: {  	v10 =	vadd.f32 v29, v10;
	v15 =	vor.u32 $0x2A, v38;
	v0 =	vmul.f32 v0, v2  }
0x44b: {  	v47 =	vor.u32 $0x29, v32;
	v61 =	vld.idx.msk [tilespmem:v44+s16+$0x0], $0xffff  }
0x44c: {  	v18 =	vadd.f32 v13, v18;
	v13 =	vadd.f32 v0, v10;
	v0 =	vld [tilespmem:$0x1FEA0]  }
0x44d: {  	v46 =	vld.idx.msk [tilespmem:v7+s16+$0x0], $0xffff;
	v7 =	vor.u32 $0x2A, v49  }
0x44e: {  	v5 =	vld.idx.msk [tilespmem:v8+s16+$0x0], $0xffff;
	v8 =	vor.u32 $0x2A, v51  }
0x44f: {  	v44 =	vld.idx.msk [tilespmem:v15+s16+$0x0], $0xffff;
	v15 =	vor.u32 $0x2B, v30  }
0x450: {  	v63 =	vmul.f32 v63, v2;
	v47 =	vld.idx.msk [tilespmem:v47+s16+$0x0], $0xffff  }
0x451: {  	v26 =	vmul.f32 v26, v2;
	v2 =	vmul.f32 v0, v2;
	v0 =	vld [tilespmem:$0x1FEB0]  }
0x452: {  	v25 =	vadd.f32 v55, v25;
	v55 =	vld.idx.msk [tilespmem:v7+s16+$0x0], $0xffff  }
0x453: {  	v29 =	vor.u32 $0x2B, v35;
	v40 =	vld.idx.msk [tilespmem:v8+s16+$0x0], $0xffff  }
0x454: {  	v25 =	vadd.f32 v26, v25;
	v26 =	vld.idx.msk [tilespmem:v15+s15+$0x0], $0xffff;
	v8 =	vadd.f32 v6, v16;
	v16 =	vor.u32 $0x2B, v36  }
0x455: {  	v7 =	vor.u32 $0x2B, v31;
	v20 =	vadd.f32 v1, v20;
	v1 =	vld.idx.msk [tilespmem:v15+s14+$0x0], $0xffff  }
0x456: {  	v11 =	vadd.f32 v2, v11;
	v2 =	vmul.f32 v59, v3;
	v15 =	vmul.f32 v0, v3;
	v0 =	vld [tilespmem:$0x1FEC0]  }
0x457: {  	[tilespmem:$0x1FF30] =	vst v5;
	v5 =	vor.u32 $0x2B, v32  }
0x458: {  	v29 =	vld.idx.msk [tilespmem:v29+s16+$0x0], $0xffff;
	v47 =	vmul.f32 v47, v21;
	v18 =	vadd.f32 v2, v18  }
0x459: {  	v27 =	vld.idx.msk [tilespmem:v16+s16+$0x0], $0xffff;
	v16 =	vor.u32 $0x2B, v50  }
0x45a: {  	v41 =	vmul.f32 v41, v4;
	v17 =	vld.idx.msk [tilespmem:v7+s16+$0x0], $0xffff;
	v6 =	vor.u32 $0x2B, v38;
	v18 =	vadd.f32 v47, v18  }
0x45b: {  	v54 =	vmul.f32 v54, v3;
	v10 =	vor.u32 $0x2B, v37;
	v2 =	vmul.f32 v0, v3;
	v0 =	vld [tilespmem:$0x1FED0]  }
0x45c: {  	v33 =	vld.idx.msk [tilespmem:v5+s16+$0x0], $0xffff;
	v18 =	vadd.f32 v41, v18;
	v41 =	vor.u32 $0x2D, v49  }
0x45d: {  	v12 =	vadd.f32 v54, v12;
	v54 =	vor.u32 $0x2B, v49;
	v5 =	vld [tilespmem:$0x1FEE0]  }
0x45e: {  	v16 =	vld.idx.msk [tilespmem:v16+s16+$0x0], $0xffff;
	v59 =	vor.u32 $0x2B, v39  }
0x45f: {  	v9 =	vadd.f32 v2, v9;
	v2 =	vmul.f32 v62, v3;
	v62 =	vld.idx.msk [tilespmem:v6+s16+$0x0], $0xffff;
	v6 =	vor.u32 $0x2C, v30  }
0x460: {  	v24 =	vmul.f32 v24, v3;
	v22 =	vadd.f32 v15, v22;
	v15 =	vld.idx.msk [tilespmem:v10+s16+$0x0], $0xffff;
	v23 =	vmul.f32 v0, v3  }
0x461: {  	v61 =	vmul.f32 v61, v3;
	v63 =	vadd.f32 v63, v14;
	v41 =	vld.idx.msk [tilespmem:v41+s16+$0x0], $0xffff;
	v0 =	vor.u32 $0x2B, v51  }
0x462: {  	v20 =	vadd.f32 v2, v20;
	v2 =	vmul.f32 v34, v3;
	v34 =	vld.idx.msk [tilespmem:v54+s16+$0x0], $0xffff;
	v19 =	vadd.f32 v23, v19  }
0x463: {  	v23 =	vadd.f32 v24, v63;
	v24 =	vld.idx.msk [tilespmem:v59+s16+$0x0], $0xffff;
	v59 =	vmul.f32 v5, v3;
	v3 =	vmul.f32 v58, v3  }
0x464: {  	v8 =	vadd.f32 v2, v8;
	v2 =	vld.idx.msk [tilespmem:v6+s14+$0x0], $0xffff  }
0x465: {  	v45 =	vmul.f32 v45, v21;
	v54 =	vor.u32 $0x2C, v31;
	v7 =	vadd.f32 v3, v11;
	v3 =	vld [tilespmem:$0x1FEF0]  }
0x466: {  	v44 =	vmul.f32 v44, v4;
	v11 =	vmul.f32 v60, v21;
	v58 =	vld.idx.msk [tilespmem:v0+s16+$0x0], $0xffff;
	v0 =	vor.u32 $0x2C, v35  }
0x467: {  	v20 =	vadd.f32 v45, v20;
	v63 =	vor.u32 $0x2C, v32;
	v14 =	vld.idx.msk [tilespmem:v6+s15+$0x0], $0xffff;
	v25 =	vadd.f32 v59, v25  }
0x468: {  	v5 =	vld [tilespmem:$0x1FF00];
	v59 =	vor.u32 $0x2C, v36;
	v11 =	vadd.f32 v11, v22;
	v22 =	vmul.f32 v53, v21  }
0x469: {  	v6 =	vld [tilespmem:$0x1FF20];
	v20 =	vadd.f32 v44, v20  }
0x46a: {  	v44 =	vor.u32 $0x2E, v31;
	v54 =	vld.idx.msk [tilespmem:v54+s16+$0x0], $0xffff;
	v9 =	vadd.f32 v22, v9;
	v22 =	vmul.f32 v3, v21  }
0x46b: {  	v56 =	vmul.f32 v56, v21;
	v47 =	vld.idx.msk [tilespmem:v0+s16+$0x0], $0xffff;
	v0 =	vor.u32 $0x2C, v49  }
0x46c: {  	v60 =	vor.u32 $0x2C, v37;
	v53 =	vld.idx.msk [tilespmem:v63+s16+$0x0], $0xffff;
	v19 =	vadd.f32 v22, v19;
	v22 =	vmul.f32 v42, v21  }
0x46d: {  	v57 =	vmul.f32 v57, v21;
	v12 =	vadd.f32 v56, v12;
	v63 =	vor.u32 $0x2C, v39;
	v56 =	vld.idx.msk [tilespmem:v59+s16+$0x0], $0xffff  }
0x46e: {  	v59 =	vor.u32 $0x2C, v50;
	v8 =	vadd.f32 v22, v8;
	v22 =	vmul.f32 v5, v21;
	v5 =	vld [tilespmem:$0x1FF10]  }
0x46f: {  	v13 =	vadd.f32 v61, v13;
	v61 =	vor.u32 $0x2C, v38;
	v44 =	vld.idx.msk [tilespmem:v44+s16+$0x0], $0xffff  }
0x470: {  	v23 =	vadd.f32 v57, v23;
	v57 =	vld.idx.msk [tilespmem:v0+s16+$0x0], $0xffff;
	v0 =	vor.u32 $0x2D, v31  }
0x471: {  	v46 =	vmul.f32 v46, v4;
	v60 =	vld.idx.msk [tilespmem:v60+s16+$0x0], $0xffff  }
0x472: {  	v3 =	vor.u32 $0x2C, v51;
	v45 =	vld.idx.msk [tilespmem:v63+s16+$0x0], $0xffff;
	v22 =	vadd.f32 v22, v25;
	v25 =	vmul.f32 v48, v4  }
0x473: {  	v63 =	vmul.f32 v5, v21;
	v21 =	vmul.f32 v43, v21;
	v43 =	vld.idx.msk [tilespmem:v59+s16+$0x0], $0xffff;
	v59 =	vor.u32 $0x2D, v32  }
0x474: {  	v28 =	vmul.f32 v28, v4;
	v26 =	vmul.f32 v26, v1;
	v42 =	vld.idx.msk [tilespmem:v61+s16+$0x0], $0xffff;
	v61 =	vor.u32 $0x2D, v30  }
0x475: {  	v17 =	vmul.f32 v17, v1;
	v11 =	vadd.f32 v25, v11;
	v25 =	vmul.f32 v6, v4;
	v10 =	vld.idx.msk [tilespmem:v0+s16+$0x0], $0xffff  }
0x476: {  	v29 =	vmul.f32 v29, v1;
	v27 =	vmul.f32 v27, v1;
	v6 =	vor.u32 $0x2D, v38;
	v0 =	vld [tilespmem:$0x1FF30]  }
0x477: {  	v16 =	vmul.f32 v16, v1;
	v48 =	vld.idx.msk [tilespmem:v3+s16+$0x0], $0xffff;
	v5 =	vor.u32 $0x2D, v35;
	v12 =	vadd.f32 v25, v12  }
0x478: {  	v53 =	vmul.f32 v53, v2;
	v25 =	vmul.f32 v52, v4;
	v52 =	vld.idx.msk [tilespmem:v59+s16+$0x0], $0xffff;
	v59 =	vor.u32 $0x2D, v39  }
0x479: {  	v3 =	vld.idx.msk [tilespmem:v61+s14+$0x0], $0xffff;
	v13 =	vadd.f32 v63, v13;
	v12 =	vadd.f32 v17, v12;
	v17 =	vmul.f32 v33, v1  }
0x47a: {  	v61 =	vld.idx.msk [tilespmem:v61+s15+$0x0], $0xffff;
	v7 =	vadd.f32 v21, v7;
	v21 =	vor.u32 $0x2D, v36;
	v63 =	vor.u32 $0x2D, v37  }
0x47b: {  	v19 =	vadd.f32 v25, v19;
	v6 =	vld.idx.msk [tilespmem:v6+s16+$0x0], $0xffff;
	v17 =	vadd.f32 v17, v18;
	v25 =	vmul.f32 v0, v4  }
0x47c: {  	v15 =	vmul.f32 v15, v1;
	v8 =	vadd.f32 v28, v8;
	v33 =	vor.u32 $0x2E, v37;
	v5 =	vld.idx.msk [tilespmem:v5+s16+$0x0], $0xffff  }
0x47d: {  	v17 =	vadd.f32 v53, v17;
	v53 =	vor.u32 $0x2F, v37;
	v23 =	vadd.f32 v25, v23;
	v28 =	vld.idx.msk [tilespmem:v59+s16+$0x0], $0xffff  }
0x47e: {  	v9 =	vadd.f32 v46, v9;
	v46 =	vor.u32 $0x2D, v50;
	v25 =	vmul.f32 v55, v4;
	v59 =	vld [tilespmem:$0x1FF40]  }
0x47f: {  	v21 =	vld.idx.msk [tilespmem:v21+s16+$0x0], $0xffff;
	v15 =	vadd.f32 v15, v23;
	v23 =	vmul.f32 v62, v1;
	v62 =	vor.u32 $0x2E, v51  }
0x480: {  	v34 =	vmul.f32 v34, v1;
	v63 =	vld.idx.msk [tilespmem:v63+s16+$0x0], $0xffff;
	v0 =	vor.u32 $0x2D, v51;
	v22 =	vadd.f32 v25, v22  }
0x481: {  	v24 =	vmul.f32 v24, v1;
	v9 =	vadd.f32 v29, v9;
	v33 =	vld.idx.msk [tilespmem:v33+s16+$0x0], $0xffff;
	v55 =	vor.u32 $0x2E, v30  }
0x482: {  	v29 =	vor.u32 $0x2E, v49;
	v53 =	vld.idx.msk [tilespmem:v53+s16+$0x0], $0xffff;
	v22 =	vadd.f32 v34, v22;
	v34 =	vmul.f32 v54, v2  }
0x483: {  	v54 =	vor.u32 $0x2F, v32;
	v25 =	vmul.f32 v59, v4;
	v4 =	vmul.f32 v40, v4;
	v40 =	vld.idx.msk [tilespmem:v46+s16+$0x0], $0xffff  }
0x484: {  	v57 =	vmul.f32 v57, v2;
	v19 =	vadd.f32 v27, v19;
	v1 =	vmul.f32 v58, v1;
	v58 =	vld.idx.msk [tilespmem:v62+s16+$0x0], $0xffff  }
0x485: {  	v10 =	vmul.f32 v10, v3;
	v46 =	vor.u32 $0x2E, v32;
	v13 =	vadd.f32 v25, v13;
	v25 =	vld.idx.msk [tilespmem:v0+s16+$0x0], $0xffff  }
0x486: {  	v59 =	vor.u32 $0x2E, v35;
	v12 =	vadd.f32 v34, v12;
	v22 =	vadd.f32 v57, v22;
	v0 =	vld.idx.msk [tilespmem:v55+s14+$0x0], $0xffff  }
0x487: {  	v57 =	vor.u32 $0x30, v32;
	v4 =	vadd.f32 v4, v7;
	v7 =	vadd.f32 v26, v11;
	v26 =	vld.idx.msk [tilespmem:v55+s15+$0x0], $0xffff  }
0x488: {  	v34 =	vmul.f32 v47, v2;
	v62 =	vmul.f32 v42, v2;
	v11 =	vor.u32 $0x2E, v36;
	v42 =	vld.idx.msk [tilespmem:v54+s16+$0x0], $0xffff  }
0x489: {  	v52 =	vmul.f32 v52, v3;
	v55 =	vor.u32 $0x2E, v38;
	v13 =	vadd.f32 v16, v13;
	v16 =	vld.idx.msk [tilespmem:v29+s16+$0x0], $0xffff  }
0x48a: {  	v9 =	vadd.f32 v34, v9;
	v34 =	vmul.f32 v45, v2;
	v45 =	vor.u32 $0x2F, v50;
	v18 =	vld.idx.msk [tilespmem:v46+s16+$0x0], $0xffff  }
0x48b: {  	v10 =	vadd.f32 v10, v12;
	v12 =	vadd.f32 v52, v17;
	v17 =	vor.u32 $0x30, v36;
	v27 =	vld.idx.msk [tilespmem:v59+s16+$0x0], $0xffff  }
0x48c: {  	v52 =	vmul.f32 v63, v3;
	v63 =	vmul.f32 v28, v3;
	v54 =	vor.u32 $0x2F, v39;
	v28 =	vld.idx.msk [tilespmem:v57+s16+$0x0], $0xffff  }
0x48d: {  	v29 =	vor.u32 $0x2F, v31;
	v11 =	vld.idx.msk [tilespmem:v11+s16+$0x0], $0xffff  }
0x48e: {  	v20 =	vadd.f32 v23, v20;
	v46 =	vor.u32 $0x2E, v39;
	v23 =	vld.idx.msk [tilespmem:v55+s16+$0x0], $0xffff  }
0x48f: {  	v43 =	vmul.f32 v43, v2;
	v59 =	vor.u32 $0x2E, v50;
	v45 =	vld.idx.msk [tilespmem:v45+s16+$0x0], $0xffff  }
0x490: {  	v14 =	vmul.f32 v14, v2;
	v57 =	vor.u32 $0x30, v39;
	v17 =	vld.idx.msk [tilespmem:v17+s16+$0x0], $0xffff  }
0x491: {  	v8 =	vadd.f32 v24, v8;
	v13 =	vadd.f32 v43, v13;
	v55 =	vor.u32 $0x2F, v30;
	v43 =	vld.idx.msk [tilespmem:v54+s16+$0x0], $0xffff  }
0x492: {  	v6 =	vmul.f32 v6, v3;
	v5 =	vmul.f32 v5, v3;
	v20 =	vadd.f32 v62, v20;
	v29 =	vld.idx.msk [tilespmem:v29+s16+$0x0], $0xffff  }
0x493: {  	v7 =	vadd.f32 v14, v7;
	v14 =	vor.u32 $0x2F, v36;
	v40 =	vmul.f32 v40, v3;
	v24 =	vld.idx.msk [tilespmem:v46+s16+$0x0], $0xffff  }
0x494: {  	v4 =	vadd.f32 v1, v4;
	v8 =	vadd.f32 v34, v8;
	v46 =	vld.idx.msk [tilespmem:v59+s16+$0x0], $0xffff;
	v59 =	vor.u32 $0x2F, v35  }
0x495: {  	v62 =	vor.u32 $0x2F, v51;
	v5 =	vadd.f32 v5, v9;
	v13 =	vadd.f32 v40, v13;
	v40 =	vld.idx.msk [tilespmem:v57+s16+$0x0], $0xffff  }
0x496: {  	v9 =	vmul.f32 v21, v3;
	v18 =	vmul.f32 v18, v0;
	v57 =	vor.u32 $0x31, v35;
	v1 =	vld.idx.msk [tilespmem:v55+s14+$0x0], $0xffff  }
0x497: {  	v47 =	vld.idx.msk [tilespmem:v55+s15+$0x0], $0xffff;
	v55 =	vmul.f32 v56, v2;
	v56 =	vmul.f32 v60, v2;
	v60 =	vor.u32 $0x2F, v38  }
0x498: {  	v6 =	vadd.f32 v6, v20;
	v14 =	vld.idx.msk [tilespmem:v14+s16+$0x0], $0xffff;
	v2 =	vmul.f32 v48, v2;
	v48 =	vor.u32 $0x30, v30  }
0x499: {  	v12 =	vadd.f32 v18, v12;
	v23 =	vmul.f32 v23, v0;
	v19 =	vadd.f32 v55, v19;
	v55 =	vld.idx.msk [tilespmem:v59+s16+$0x0], $0xffff  }
0x49a: {  	v18 =	vor.u32 $0x31, v36;
	v15 =	vadd.f32 v56, v15;
	v56 =	vor.u32 $0x2F, v49;
	v59 =	vld.idx.msk [tilespmem:v62+s16+$0x0], $0xffff  }
0x49b: {  	v4 =	vadd.f32 v2, v4;
	v2 =	vmul.f32 v61, v3;
	v6 =	vadd.f32 v23, v6;
	v23 =	vld.idx.msk [tilespmem:v57+s16+$0x0], $0xffff  }
0x49c: {  	v8 =	vadd.f32 v63, v8;
	v63 =	vmul.f32 v46, v0;
	v46 =	vor.u32 $0x31, v50;
	v34 =	vld.idx.msk [tilespmem:v60+s16+$0x0], $0xffff  }
0x49d: {  	v57 =	vor.u32 $0x31, v51;
	v7 =	vadd.f32 v2, v7;
	v2 =	vld.idx.msk [tilespmem:v48+s14+$0x0], $0xffff  }
0x49e: {  	v11 =	vmul.f32 v11, v0;
	v9 =	vadd.f32 v9, v19;
	v60 =	vor.u32 $0x30, v35;
	v21 =	vld.idx.msk [tilespmem:v48+s15+$0x0], $0xffff  }
0x49f: {  	v27 =	vmul.f32 v27, v0;
	v48 =	vor.u32 $0x30, v37;
	v18 =	vld.idx.msk [tilespmem:v18+s16+$0x0], $0xffff  }
0x4a0: {  	v9 =	vadd.f32 v11, v9;
	v11 =	vmul.f32 v33, v0;
	v33 =	vor.u32 $0x31, v37;
	v54 =	vld.idx.msk [tilespmem:v56+s16+$0x0], $0xffff  }
0x4a1: {  	v5 =	vadd.f32 v27, v5;
	v14 =	vmul.f32 v14, v1;
	v56 =	vor.u32 $0x30, v31;
	v46 =	vld.idx.msk [tilespmem:v46+s16+$0x0], $0xffff  }
0x4a2: {  	v61 =	vor.u32 $0x30, v38;
	v13 =	vadd.f32 v63, v13;
	v63 =	vmul.f32 v55, v1;
	v55 =	vld.idx.msk [tilespmem:v57+s16+$0x0], $0xffff  }
0x4a3: {  	v62 =	vor.u32 $0x31, v31;
	v24 =	vmul.f32 v24, v0;
	v9 =	vadd.f32 v14, v9;
	v20 =	vld.idx.msk [tilespmem:v60+s16+$0x0], $0xffff  }
0x4a4: {  	v14 =	vor.u32 $0x32, v36;
	v60 =	vmul.f32 v41, v3;
	v3 =	vmul.f32 v25, v3;
	v25 =	vld.idx.msk [tilespmem:v48+s16+$0x0], $0xffff  }
0x4a5: {  	v15 =	vadd.f32 v52, v15;
	v52 =	vor.u32 $0x30, v49;
	v8 =	vadd.f32 v24, v8;
	v33 =	vld.idx.msk [tilespmem:v33+s16+$0x0], $0xffff  }
0x4a6: {  	v24 =	vor.u32 $0x31, v49;
	v47 =	vmul.f32 v47, v1;
	v53 =	vmul.f32 v53, v1;
	v56 =	vld.idx.msk [tilespmem:v56+s16+$0x0], $0xffff  }
0x4a7: {  	v41 =	vor.u32 $0x30, v50;
	v19 =	vadd.f32 v60, v22;
	v22 =	vmul.f32 v26, v0;
	v26 =	vld.idx.msk [tilespmem:v61+s16+$0x0], $0xffff  }
0x4a8: {  	v48 =	vor.u32 $0x30, v51;
	v4 =	vadd.f32 v3, v4;
	v3 =	vmul.f32 v44, v0;
	v44 =	vld.idx.msk [tilespmem:v62+s16+$0x0], $0xffff  }
0x4a9: {  	v11 =	vadd.f32 v11, v15;
	v15 =	vmul.f32 v16, v0;
	v60 =	vor.u32 $0x31, v30;
	v14 =	vld.idx.msk [tilespmem:v14+s16+$0x0], $0xffff  }
0x4aa: {  	v43 =	vmul.f32 v43, v1;
	v34 =	vmul.f32 v34, v1;
	v7 =	vadd.f32 v22, v7;
	v22 =	vld.idx.msk [tilespmem:v52+s16+$0x0], $0xffff  }
0x4ab: {  	v17 =	vmul.f32 v17, v2;
	v62 =	vor.u32 $0x32, v30;
	v15 =	vadd.f32 v15, v19;
	v19 =	vld.idx.msk [tilespmem:v24+s16+$0x0], $0xffff  }
0x4ac: {  	v5 =	vadd.f32 v63, v5;
	v63 =	vmul.f32 v45, v1;
	v0 =	vmul.f32 v58, v0;
	v41 =	vld.idx.msk [tilespmem:v41+s16+$0x0], $0xffff  }
0x4ad: {  	v58 =	vor.u32 $0x32, v38;
	v9 =	vadd.f32 v17, v9;
	v17 =	vor.u32 $0x33, v36;
	v48 =	vld.idx.msk [tilespmem:v48+s16+$0x0], $0xffff  }
0x4ae: {  	v10 =	vadd.f32 v3, v10;
	v4 =	vadd.f32 v0, v4;
	v0 =	vmul.f32 v42, v1;
	v3 =	vld.idx.msk [tilespmem:v60+s14+$0x0], $0xffff  }
0x4af: {  	v61 =	vmul.f32 v29, v1;
	v54 =	vmul.f32 v54, v1;
	v52 =	vor.u32 $0x31, v32;
	v27 =	vld.idx.msk [tilespmem:v60+s15+$0x0], $0xffff  }
0x4b0: {  	v24 =	vor.u32 $0x32, v31;
	v1 =	vmul.f32 v59, v1;
	v12 =	vadd.f32 v0, v12;
	v0 =	vld.idx.msk [tilespmem:v62+s14+$0x0], $0xffff  }
0x4b1: {  	v13 =	vadd.f32 v63, v13;
	v63 =	vor.u32 $0x33, v30;
	v42 =	vld.idx.msk [tilespmem:v62+s15+$0x0], $0xffff  }
0x4b2: {  	v4 =	vadd.f32 v1, v4;
	v1 =	vmul.f32 v28, v2;
	v28 =	vld.idx.msk [tilespmem:v58+s16+$0x0], $0xffff  }
0x4b3: {  	v10 =	vadd.f32 v61, v10;
	v61 =	vor.u32 $0x32, v35;
	v17 =	vld.idx.msk [tilespmem:v17+s16+$0x0], $0xffff  }
0x4b4: {  	v6 =	vadd.f32 v34, v6;
	v60 =	vor.u32 $0x31, v38;
	v26 =	vmul.f32 v26, v2;
	v16 =	vld.idx.msk [tilespmem:v52+s16+$0x0], $0xffff  }
0x4b5: {  	v62 =	vor.u32 $0x32, v37;
	v12 =	vadd.f32 v1, v12;
	v1 =	vmul.f32 v20, v2;
	v24 =	vld.idx.msk [tilespmem:v24+s16+$0x0], $0xffff  }
0x4b6: {  	v52 =	vor.u32 $0x31, v39;
	v6 =	vadd.f32 v26, v6;
	v26 =	vld.idx.msk [tilespmem:v63+s15+$0x0], $0xffff  }
0x4b7: {  	v8 =	vadd.f32 v43, v8;
	v57 =	vor.u32 $0x34, v30;
	v5 =	vadd.f32 v1, v5;
	v1 =	vld.idx.msk [tilespmem:v63+s14+$0x0], $0xffff  }
0x4b8: {  	v11 =	vadd.f32 v53, v11;
	v25 =	vmul.f32 v25, v2;
	v43 =	vld.idx.msk [tilespmem:v61+s16+$0x0], $0xffff;
	v61 =	vor.u32 $0x32, v50  }
0x4b9: {  	v29 =	vld.idx.msk [tilespmem:v60+s16+$0x0], $0xffff;
	v60 =	vor.u32 $0x32, v32  }
0x4ba: {  	v11 =	vadd.f32 v25, v11;
	v53 =	vld.idx.msk [tilespmem:v62+s16+$0x0], $0xffff;
	v62 =	vor.u32 $0x32, v51;
	v33 =	vmul.f32 v33, v3  }
0x4bb: {  	v21 =	vmul.f32 v21, v2;
	v7 =	vadd.f32 v47, v7;
	v63 =	vor.u32 $0x33, v37;
	v47 =	vld.idx.msk [tilespmem:v52+s16+$0x0], $0xffff  }
0x4bc: {  	v56 =	vmul.f32 v56, v2;
	v52 =	vor.u32 $0x32, v39;
	v11 =	vadd.f32 v33, v11;
	v33 =	vld.idx.msk [tilespmem:v57+s15+$0x0], $0xffff  }
0x4bd: {  	v15 =	vadd.f32 v54, v15;
	v58 =	vor.u32 $0x33, v38;
	v34 =	vld.idx.msk [tilespmem:v61+s16+$0x0], $0xffff;
	v61 =	vor.u32 $0x33, v35  }
0x4be: {  	v10 =	vadd.f32 v56, v10;
	v22 =	vmul.f32 v22, v2;
	v41 =	vmul.f32 v41, v2;
	v45 =	vld.idx.msk [tilespmem:v60+s16+$0x0], $0xffff  }
0x4bf: {  	v60 =	vor.u32 $0x32, v49;
	v56 =	vld.idx.msk [tilespmem:v62+s16+$0x0], $0xffff;
	v62 =	vmul.f32 v40, v2;
	v2 =	vmul.f32 v48, v2  }
0x4c0: {  	v7 =	vadd.f32 v21, v7;
	v15 =	vadd.f32 v22, v15;
	v40 =	vld.idx.msk [tilespmem:v63+s16+$0x0], $0xffff;
	v63 =	vor.u32 $0x33, v51  }
0x4c1: {  	v21 =	vld.idx.msk [tilespmem:v52+s16+$0x0], $0xffff;
	v52 =	vor.u32 $0x33, v31;
	v4 =	vadd.f32 v2, v4;
	v2 =	vmul.f32 v27, v3  }
0x4c2: {  	v44 =	vmul.f32 v44, v3;
	v8 =	vadd.f32 v62, v8;
	v62 =	vor.u32 $0x33, v50;
	v22 =	vld.idx.msk [tilespmem:v61+s16+$0x0], $0xffff  }
0x4c3: {  	v19 =	vmul.f32 v19, v3;
	v7 =	vadd.f32 v2, v7;
	v2 =	vmul.f32 v23, v3;
	v23 =	vld.idx.msk [tilespmem:v58+s16+$0x0], $0xffff  }
0x4c4: {  	v46 =	vmul.f32 v46, v3;
	v59 =	vmul.f32 v42, v0;
	v61 =	vor.u32 $0x33, v49;
	v20 =	vld.idx.msk [tilespmem:v60+s16+$0x0], $0xffff  }
0x4c5: {  	v16 =	vmul.f32 v16, v3;
	v29 =	vmul.f32 v29, v3;
	v58 =	vor.u32 $0x34, v38;
	v48 =	vld.idx.msk [tilespmem:v63+s16+$0x0], $0xffff  }
0x4c6: {  	v60 =	vor.u32 $0x33, v32;
	v5 =	vadd.f32 v2, v5;
	v2 =	vmul.f32 v18, v3;
	v52 =	vld.idx.msk [tilespmem:v52+s16+$0x0], $0xffff  }
0x4c7: {  	v47 =	vmul.f32 v47, v3;
	v7 =	vadd.f32 v59, v7;
	v59 =	vor.u32 $0x35, v32;
	v27 =	vld.idx.msk [tilespmem:v62+s16+$0x0], $0xffff  }
0x4c8: {  	v3 =	vmul.f32 v55, v3;
	v62 =	vor.u32 $0x34, v35;
	v9 =	vadd.f32 v2, v9;
	v2 =	vld.idx.msk [tilespmem:v57+s14+$0x0], $0xffff  }
0x4c9: {  	v13 =	vadd.f32 v41, v13;
	v57 =	vor.u32 $0x34, v37;
	v18 =	vld.idx.msk [tilespmem:v61+s16+$0x0], $0xffff  }
0x4ca: {  	v15 =	vadd.f32 v19, v15;
	v4 =	vadd.f32 v3, v4;
	v3 =	vor.u32 $0x34, v49;
	v19 =	vld.idx.msk [tilespmem:v58+s16+$0x0], $0xffff  }
0x4cb: {  	v14 =	vmul.f32 v14, v0;
	v10 =	vadd.f32 v44, v10;
	v61 =	vor.u32 $0x34, v32;
	v25 =	vld.idx.msk [tilespmem:v60+s16+$0x0], $0xffff  }
0x4cc: {  	v13 =	vadd.f32 v46, v13;
	v6 =	vadd.f32 v29, v6;
	v63 =	vor.u32 $0x34, v36;
	v29 =	vld.idx.msk [tilespmem:v59+s16+$0x0], $0xffff  }
0x4cd: {  	v12 =	vadd.f32 v16, v12;
	v8 =	vadd.f32 v47, v8;
	v58 =	vor.u32 $0x35, v31;
	v46 =	vld.idx.msk [tilespmem:v62+s16+$0x0], $0xffff  }
0x4ce: {  	v60 =	vor.u32 $0x33, v39;
	v9 =	vadd.f32 v14, v9;
	v14 =	vmul.f32 v53, v0;
	v47 =	vld.idx.msk [tilespmem:v57+s16+$0x0], $0xffff  }
0x4cf: {  	v43 =	vmul.f32 v43, v0;
	v45 =	vmul.f32 v45, v0;
	v62 =	vor.u32 $0x34, v50;
	v44 =	vld.idx.msk [tilespmem:v3+s16+$0x0], $0xffff  }
0x4d0: {  	v11 =	vadd.f32 v14, v11;
	v14 =	vmul.f32 v20, v0;
	v57 =	vor.u32 $0x35, v30;
	v42 =	vld.idx.msk [tilespmem:v61+s16+$0x0], $0xffff  }
0x4d1: {  	v12 =	vadd.f32 v45, v12;
	v21 =	vmul.f32 v21, v0;
	v61 =	vmul.f32 v24, v0;
	v24 =	vld.idx.msk [tilespmem:v63+s16+$0x0], $0xffff  }
0x4d2: {  	v3 =	vmul.f32 v28, v0;
	v63 =	vor.u32 $0x34, v51;
	v14 =	vadd.f32 v14, v15;
	v45 =	vld.idx.msk [tilespmem:v58+s16+$0x0], $0xffff  }
0x4d3: {  	v15 =	vmul.f32 v34, v0;
	v0 =	vmul.f32 v56, v0;
	v16 =	vld.idx.msk [tilespmem:v60+s16+$0x0], $0xffff;
	v60 =	vor.u32 $0x34, v31  }
0x4d4: {  	v10 =	vadd.f32 v61, v10;
	v61 =	vor.u32 $0x35, v36;
	v28 =	vld.idx.msk [tilespmem:v62+s16+$0x0], $0xffff  }
0x4d5: {  	v6 =	vadd.f32 v3, v6;
	v4 =	vadd.f32 v0, v4;
	v0 =	vor.u32 $0x35, v49;
	v3 =	vld.idx.msk [tilespmem:v57+s14+$0x0], $0xffff  }
0x4d6: {  	v62 =	vor.u32 $0x35, v37;
	v34 =	vld.idx.msk [tilespmem:v57+s15+$0x0], $0xffff  }
0x4d7: {  	v5 =	vadd.f32 v43, v5;
	v22 =	vmul.f32 v22, v1;
	v58 =	vor.u32 $0x35, v50;
	v20 =	vld.idx.msk [tilespmem:v63+s16+$0x0], $0xffff  }
0x4d8: {  	v13 =	vadd.f32 v15, v13;
	v15 =	vmul.f32 v52, v1;
	v57 =	vor.u32 $0x35, v39;
	v41 =	vld.idx.msk [tilespmem:v60+s16+$0x0], $0xffff  }
0x4d9: {  	v8 =	vadd.f32 v21, v8;
	v5 =	vadd.f32 v22, v5;
	v60 =	vor.u32 $0x34, v39;
	v21 =	vld.idx.msk [tilespmem:v61+s16+$0x0], $0xffff  }
0x4da: {  	v10 =	vadd.f32 v15, v10;
	v15 =	vmul.f32 v25, v1;
	v63 =	vor.u32 $0x35, v38;
	v22 =	vld.idx.msk [tilespmem:v0+s16+$0x0], $0xffff  }
0x4db: {  	v17 =	vmul.f32 v17, v1;
	v59 =	vor.u32 $0x35, v51;
	v56 =	vor.u32 $0x37, v37;
	v53 =	vld.idx.msk [tilespmem:v62+s16+$0x0], $0xffff  }
0x4dc: {  	v12 =	vadd.f32 v15, v12;
	v15 =	vmul.f32 v40, v1;
	v62 =	vmul.f32 v18, v1;
	v18 =	vld.idx.msk [tilespmem:v58+s16+$0x0], $0xffff  }
0x4dd: {  	v9 =	vadd.f32 v17, v9;
	v61 =	vor.u32 $0x36, v31;
	v17 =	vld.idx.msk [tilespmem:v57+s16+$0x0], $0xffff  }
0x4de: {  	v11 =	vadd.f32 v15, v11;
	v15 =	vmul.f32 v23, v1;
	v43 =	vld.idx.msk [tilespmem:v60+s16+$0x0], $0xffff;
	v60 =	vor.u32 $0x35, v35  }
0x4df: {  	v26 =	vmul.f32 v26, v1;
	v47 =	vmul.f32 v47, v2;
	v58 =	vor.u32 $0x36, v36;
	v40 =	vld.idx.msk [tilespmem:v63+s16+$0x0], $0xffff  }
0x4e0: {  	v57 =	vor.u32 $0x36, v35;
	v6 =	vadd.f32 v15, v6;
	v15 =	vmul.f32 v27, v1;
	v27 =	vld.idx.msk [tilespmem:v59+s16+$0x0], $0xffff  }
0x4e1: {  	v63 =	vor.u32 $0x36, v32;
	v11 =	vadd.f32 v47, v11;
	v47 =	vld.idx.msk [tilespmem:v56+s16+$0x0], $0xffff  }
0x4e2: {  	v7 =	vadd.f32 v26, v7;
	v33 =	vmul.f32 v33, v2;
	v59 =	vor.u32 $0x36, v37;
	v23 =	vld.idx.msk [tilespmem:v61+s16+$0x0], $0xffff  }
0x4e3: {  	v55 =	vor.u32 $0x38, v31;
	v26 =	vld.idx.msk [tilespmem:v60+s16+$0x0], $0xffff;
	v60 =	vor.u32 $0x36, v30  }
0x4e4: {  	v7 =	vadd.f32 v33, v7;
	v24 =	vmul.f32 v24, v2;
	v0 =	vmul.f32 v16, v1;
	v16 =	vld.idx.msk [tilespmem:v58+s16+$0x0], $0xffff  }
0x4e5: {  	v14 =	vadd.f32 v62, v14;
	v1 =	vmul.f32 v48, v1;
	v62 =	vor.u32 $0x36, v49;
	v33 =	vld.idx.msk [tilespmem:v57+s16+$0x0], $0xffff  }
0x4e6: {  	v28 =	vmul.f32 v28, v2;
	v8 =	vadd.f32 v0, v8;
	v29 =	vmul.f32 v29, v3;
	v25 =	vld.idx.msk [tilespmem:v63+s16+$0x0], $0xffff  }
0x4e7: {  	v1 =	vadd.f32 v1, v4;
	v4 =	vmul.f32 v42, v2;
	v61 =	vor.u32 $0x36, v39;
	v48 =	vld.idx.msk [tilespmem:v59+s16+$0x0], $0xffff  }
0x4e8: {  	v41 =	vmul.f32 v41, v2;
	v13 =	vadd.f32 v15, v13;
	v58 =	vor.u32 $0x37, v30;
	v0 =	vld.idx.msk [tilespmem:v60+s14+$0x0], $0xffff  }
0x4e9: {  	v4 =	vadd.f32 v4, v12;
	v12 =	vmul.f32 v46, v2;
	v15 =	vld.idx.msk [tilespmem:v60+s15+$0x0], $0xffff;
	v60 =	vor.u32 $0x36, v38  }
0x4ea: {  	v10 =	vadd.f32 v41, v10;
	v57 =	vor.u32 $0x36, v51;
	v63 =	vor.u32 $0x36, v50;
	v41 =	vld.idx.msk [tilespmem:v62+s16+$0x0], $0xffff  }
0x4eb: {  	v5 =	vadd.f32 v12, v5;
	v12 =	vmul.f32 v19, v2;
	v4 =	vadd.f32 v29, v4;
	v29 =	vld.idx.msk [tilespmem:v55+s16+$0x0], $0xffff  }
0x4ec: {  	v9 =	vadd.f32 v24, v9;
	v13 =	vadd.f32 v28, v13;
	v24 =	vld.idx.msk [tilespmem:v61+s16+$0x0], $0xffff  }
0x4ed: {  	v59 =	vor.u32 $0x37, v31;
	v6 =	vadd.f32 v12, v6;
	v12 =	vmul.f32 v43, v2;
	v28 =	vld.idx.msk [tilespmem:v58+s14+$0x0], $0xffff  }
0x4ee: {  	v61 =	vor.u32 $0x37, v32;
	v19 =	vld.idx.msk [tilespmem:v60+s16+$0x0], $0xffff;
	v60 =	vmul.f32 v44, v2;
	v2 =	vmul.f32 v20, v2  }
0x4ef: {  	v62 =	vor.u32 $0x37, v35;
	v8 =	vadd.f32 v12, v8;
	v12 =	vld.idx.msk [tilespmem:v57+s16+$0x0], $0xffff  }
0x4f0: {  	v44 =	vld.idx.msk [tilespmem:v63+s16+$0x0], $0xffff;
	v63 =	vor.u32 $0x37, v36;
	v1 =	vadd.f32 v2, v1;
	v2 =	vmul.f32 v34, v3  }
0x4f1: {  	v40 =	vmul.f32 v40, v3;
	v34 =	vld.idx.msk [tilespmem:v58+s15+$0x0], $0xffff;
	v58 =	vor.u32 $0x37, v39  }
0x4f2: {  	v42 =	vld.idx.msk [tilespmem:v59+s16+$0x0], $0xffff;
	v57 =	vor.u32 $0x37, v38;
	v2 =	vadd.f32 v2, v7;
	v7 =	vmul.f32 v26, v3  }
0x4f3: {  	v59 =	vor.u32 $0x37, v49;
	v14 =	vadd.f32 v60, v14;
	v26 =	vld.idx.msk [tilespmem:v61+s16+$0x0], $0xffff;
	v61 =	vmul.f32 v53, v3  }
0x4f4: {  	v20 =	vld.idx.msk [tilespmem:v62+s16+$0x0], $0xffff;
	v60 =	vor.u32 $0x37, v50;
	v5 =	vadd.f32 v7, v5;
	v7 =	vmul.f32 v21, v3  }
0x4f5: {  	v6 =	vadd.f32 v40, v6;
	v21 =	vld.idx.msk [tilespmem:v63+s16+$0x0], $0xffff;
	v11 =	vadd.f32 v61, v11;
	v61 =	vor.u32 $0x38, v39  }
0x4f6: {  	v62 =	vor.u32 $0x37, v51;
	v40 =	vld.idx.msk [tilespmem:v58+s16+$0x0], $0xffff;
	v7 =	vadd.f32 v7, v9;
	v9 =	vmul.f32 v17, v3  }
0x4f7: {  	v45 =	vmul.f32 v45, v3;
	v19 =	vmul.f32 v19, v0;
	v63 =	vor.u32 $0x38, v30;
	v17 =	vld.idx.msk [tilespmem:v57+s16+$0x0], $0xffff  }
0x4f8: {  	v58 =	vor.u32 $0x38, v36;
	v8 =	vadd.f32 v9, v8;
	v9 =	vmul.f32 v22, v3;
	v22 =	vld.idx.msk [tilespmem:v59+s16+$0x0], $0xffff  }
0x4f9: {  	v18 =	vmul.f32 v18, v3;
	v57 =	vor.u32 $0x38, v35;
	v3 =	vmul.f32 v27, v3;
	v27 =	vld.idx.msk [tilespmem:v60+s16+$0x0], $0xffff  }
0x4fa: {  	v56 =	vor.u32 $0x38, v32;
	v10 =	vadd.f32 v45, v10;
	v6 =	vadd.f32 v19, v6;
	v19 =	vld.idx.msk [tilespmem:v61+s16+$0x0], $0xffff  }
0x4fb: {  	v59 =	vor.u32 $0x38, v37;
	v9 =	vadd.f32 v9, v14;
	v14 =	vmul.f32 v15, v0;
	v15 =	vld.idx.msk [tilespmem:v62+s16+$0x0], $0xffff  }
0x4fc: {  	v13 =	vadd.f32 v18, v13;
	v25 =	vmul.f32 v25, v0;
	v1 =	vadd.f32 v3, v1;
	v3 =	vld.idx.msk [tilespmem:v63+s14+$0x0], $0xffff  }
0x4fd: {  	v62 =	vor.u32 $0x38, v49;
	v18 =	vld.idx.msk [tilespmem:v58+s16+$0x0], $0xffff;
	v2 =	vadd.f32 v14, v2;
	v14 =	vmul.f32 v23, v0  }
0x4fe: {  	v4 =	vadd.f32 v25, v4;
	v58 =	vor.u32 $0x39, v31;
	v25 =	vld.idx.msk [tilespmem:v57+s16+$0x0], $0xffff  }
0x4ff: {  	v60 =	vor.u32 $0x38, v38;
	v23 =	vld.idx.msk [tilespmem:v63+s15+$0x0], $0xffff;
	v10 =	vadd.f32 v14, v10;
	v14 =	vmul.f32 v16, v0  }
0x500: {  	v33 =	vmul.f32 v33, v0;
	v24 =	vmul.f32 v24, v0;
	v46 =	vld.idx.msk [tilespmem:v59+s16+$0x0], $0xffff;
	v59 =	vor.u32 $0x39, v32  }
0x501: {  	v63 =	vor.u32 $0x38, v50;
	v16 =	vld.idx.msk [tilespmem:v56+s16+$0x0], $0xffff;
	v7 =	vadd.f32 v14, v7;
	v14 =	vmul.f32 v48, v0  }
0x502: {  	v5 =	vadd.f32 v33, v5;
	v61 =	vor.u32 $0x39, v37;
	v8 =	vadd.f32 v24, v8;
	v24 =	vld.idx.msk [tilespmem:v62+s16+$0x0], $0xffff  }
0x503: {  	v56 =	vor.u32 $0x38, v51;
	v33 =	vld.idx.msk [tilespmem:v58+s16+$0x0], $0xffff;
	v11 =	vadd.f32 v14, v11;
	v14 =	vmul.f32 v41, v0  }
0x504: {  	v21 =	vmul.f32 v21, v28;
	v57 =	vor.u32 $0x39, v30;
	v41 =	vld.idx.msk [tilespmem:v60+s16+$0x0], $0xffff  }
0x505: {  	v60 =	vor.u32 $0x39, v35;
	v43 =	vld.idx.msk [tilespmem:v59+s16+$0x0], $0xffff;
	v9 =	vadd.f32 v14, v9;
	v14 =	vmul.f32 v44, v0  }
0x506: {  	v59 =	vor.u32 $0x3A, v35;
	v0 =	vmul.f32 v12, v0;
	v12 =	vmul.f32 v34, v28;
	v34 =	vld.idx.msk [tilespmem:v63+s16+$0x0], $0xffff  }
0x507: {  	v55 =	vor.u32 $0x3A, v30;
	v20 =	vmul.f32 v20, v28;
	v58 =	vor.u32 $0x3A, v32;
	v44 =	vld.idx.msk [tilespmem:v61+s16+$0x0], $0xffff  }
0x508: {  	v7 =	vadd.f32 v21, v7;
	v13 =	vadd.f32 v14, v13;
	v14 =	vmul.f32 v42, v28;
	v42 =	vld.idx.msk [tilespmem:v56+s16+$0x0], $0xffff  }
0x509: {  	v18 =	vmul.f32 v18, v3;
	v0 =	vadd.f32 v0, v1;
	v1 =	vadd.f32 v12, v2;
	v2 =	vld.idx.msk [tilespmem:v57+s14+$0x0], $0xffff  }
0x50a: {  	v53 =	vor.u32 $0x39, v50;
	v5 =	vadd.f32 v20, v5;
	v63 =	vor.u32 $0x39, v39;
	v20 =	vld.idx.msk [tilespmem:v60+s16+$0x0], $0xffff  }
0x50b: {  	v23 =	vmul.f32 v23, v3;
	v61 =	vor.u32 $0x3A, v37;
	v7 =	vadd.f32 v18, v7;
	v18 =	vld.idx.msk [tilespmem:v59+s16+$0x0], $0xffff  }
0x50c: {  	v12 =	vor.u32 $0x39, v36;
	v10 =	vadd.f32 v14, v10;
	v14 =	vmul.f32 v26, v28;
	v26 =	vld.idx.msk [tilespmem:v57+s15+$0x0], $0xffff  }
0x50d: {  	v22 =	vmul.f32 v22, v28;
	v56 =	vor.u32 $0x3A, v31;
	v1 =	vadd.f32 v23, v1;
	v23 =	vld.idx.msk [tilespmem:v55+s14+$0x0], $0xffff  }
0x50e: {  	v57 =	vmul.f32 v29, v3;
	v29 =	vld.idx.msk [tilespmem:v58+s16+$0x0], $0xffff;
	v4 =	vadd.f32 v14, v4;
	v14 =	vmul.f32 v47, v28  }
0x50f: {  	v9 =	vadd.f32 v22, v9;
	v22 =	vld.idx.msk [tilespmem:v63+s16+$0x0], $0xffff;
	v63 =	vor.u32 $0x3A, v39  }
0x510: {  	v52 =	vor.u32 $0x39, v49;
	v45 =	vld.idx.msk [tilespmem:v61+s16+$0x0], $0xffff;
	v11 =	vadd.f32 v14, v11;
	v14 =	vmul.f32 v17, v28  }
0x511: {  	v54 =	vor.u32 $0x39, v51;
	v24 =	vmul.f32 v24, v3;
	v12 =	vld.idx.msk [tilespmem:v12+s16+$0x0], $0xffff  }
0x512: {  	v62 =	vor.u32 $0x39, v38;
	v17 =	vld.idx.msk [tilespmem:v53+s16+$0x0], $0xffff;
	v6 =	vadd.f32 v14, v6;
	v14 =	vmul.f32 v27, v28  }
0x513: {  	v40 =	vmul.f32 v40, v28;
	v48 =	vor.u32 $0x3A, v49;
	v9 =	vadd.f32 v24, v9;
	v21 =	vld.idx.msk [tilespmem:v56+s16+$0x0], $0xffff  }
0x514: {  	v24 =	vld.idx.msk [tilespmem:v63+s16+$0x0], $0xffff;
	v63 =	vor.u32 $0x3B, v49;
	v13 =	vadd.f32 v14, v13;
	v14 =	vmul.f32 v15, v28  }
0x515: {  	v46 =	vmul.f32 v46, v3;
	v34 =	vmul.f32 v34, v3;
	v15 =	vld.idx.msk [tilespmem:v52+s16+$0x0], $0xffff;
	v52 =	vor.u32 $0x3A, v50  }
0x516: {  	v0 =	vadd.f32 v14, v0;
	v14 =	vmul.f32 v16, v3;
	v16 =	vld.idx.msk [tilespmem:v54+s16+$0x0], $0xffff;
	v54 =	vor.u32 $0x3B, v30  }
0x517: {  	v60 =	vor.u32 $0x3A, v36;
	v27 =	vld.idx.msk [tilespmem:v62+s16+$0x0], $0xffff;
	v17 =	vmul.f32 v17, v2;
	v13 =	vadd.f32 v34, v13  }
0x518: {  	v4 =	vadd.f32 v14, v4;
	v14 =	vmul.f32 v25, v3;
	v25 =	vld.idx.msk [tilespmem:v55+s15+$0x0], $0xffff;
	v55 =	vor.u32 $0x3B, v31  }
0x519: {  	v10 =	vadd.f32 v57, v10;
	v33 =	vmul.f32 v33, v2;
	v13 =	vadd.f32 v17, v13;
	v17 =	vld.idx.msk [tilespmem:v63+s16+$0x0], $0xffff  }
0x51a: {  	v62 =	vor.u32 $0x3A, v38;
	v28 =	vld.idx.msk [tilespmem:v52+s16+$0x0], $0xffff;
	v5 =	vadd.f32 v14, v5;
	v14 =	vmul.f32 v41, v3  }
0x51b: {  	v58 =	vor.u32 $0x3B, v35;
	v53 =	vor.u32 $0x3A, v51;
	v10 =	vadd.f32 v33, v10;
	v33 =	vld.idx.msk [tilespmem:v54+s14+$0x0], $0xffff  }
0x51c: {  	v6 =	vadd.f32 v14, v6;
	v14 =	vmul.f32 v19, v3;
	v19 =	vld.idx.msk [tilespmem:v60+s16+$0x0], $0xffff;
	v3 =	vmul.f32 v42, v3  }
0x51d: {  	v8 =	vadd.f32 v40, v8;
	v57 =	vor.u32 $0x3B, v32;
	v34 =	vld.idx.msk [tilespmem:v55+s16+$0x0], $0xffff  }
0x51e: {  	v0 =	vadd.f32 v3, v0;
	v3 =	vmul.f32 v26, v2;
	v26 =	vld.idx.msk [tilespmem:v48+s16+$0x0], $0xffff;
	v48 =	vor.u32 $0x3B, v50  }
0x51f: {  	v56 =	vmul.f32 v43, v2;
	v27 =	vmul.f32 v27, v2;
	v8 =	vadd.f32 v14, v8;
	v14 =	vld.idx.msk [tilespmem:v62+s16+$0x0], $0xffff  }
0x520: {  	v1 =	vadd.f32 v3, v1;
	v3 =	vmul.f32 v20, v2;
	v20 =	vld.idx.msk [tilespmem:v53+s16+$0x0], $0xffff;
	v53 =	vor.u32 $0x3C, v30  }
0x521: {  	v59 =	vor.u32 $0x3B, v36;
	v4 =	vadd.f32 v56, v4;
	v6 =	vadd.f32 v27, v6;
	v27 =	vld.idx.msk [tilespmem:v58+s16+$0x0], $0xffff  }
0x522: {  	v56 =	vor.u32 $0x3C, v35;
	v3 =	vadd.f32 v3, v5;
	v5 =	vmul.f32 v12, v2;
	v12 =	vld.idx.msk [tilespmem:v54+s15+$0x0], $0xffff  }
0x523: {  	v61 =	vor.u32 $0x3B, v38;
	v44 =	vmul.f32 v44, v2;
	v18 =	vmul.f32 v18, v23;
	v40 =	vld.idx.msk [tilespmem:v48+s16+$0x0], $0xffff  }
0x524: {  	v60 =	vor.u32 $0x3B, v37;
	v5 =	vadd.f32 v5, v7;
	v7 =	vmul.f32 v22, v2;
	v22 =	vld.idx.msk [tilespmem:v57+s16+$0x0], $0xffff  }
0x525: {  	v29 =	vmul.f32 v29, v23;
	v14 =	vmul.f32 v14, v23;
	v3 =	vadd.f32 v18, v3;
	v18 =	vld.idx.msk [tilespmem:v53+s14+$0x0], $0xffff  }
0x526: {  	v11 =	vadd.f32 v46, v11;
	v62 =	vor.u32 $0x3B, v39;
	v54 =	vor.u32 $0x3C, v31;
	v43 =	vld.idx.msk [tilespmem:v53+s15+$0x0], $0xffff  }
0x527: {  	v6 =	vadd.f32 v14, v6;
	v14 =	vld.idx.msk [tilespmem:v56+s16+$0x0], $0xffff;
	v7 =	vadd.f32 v7, v8;
	v8 =	vmul.f32 v15, v2  }
0x528: {  	v11 =	vadd.f32 v44, v11;
	v52 =	vor.u32 $0x3B, v51;
	v15 =	vld.idx.msk [tilespmem:v59+s16+$0x0], $0xffff;
	v2 =	vmul.f32 v16, v2  }
0x529: {  	v16 =	vld.idx.msk [tilespmem:v60+s16+$0x0], $0xffff;
	v60 =	vor.u32 $0x3C, v39;
	v8 =	vadd.f32 v8, v9;
	v9 =	vmul.f32 v25, v23  }
0x52a: {  	v24 =	vmul.f32 v24, v23;
	v25 =	vld.idx.msk [tilespmem:v61+s16+$0x0], $0xffff;
	v0 =	vadd.f32 v2, v0;
	v61 =	vor.u32 $0x3C, v49  }
0x52b: {  	v2 =	vld.idx.msk [tilespmem:v62+s16+$0x0], $0xffff;
	v62 =	vor.u32 $0x3C, v50;
	v1 =	vadd.f32 v9, v1;
	v9 =	vmul.f32 v21, v23  }
0x52c: {  	v55 =	vor.u32 $0x3C, v32;
	v12 =	vmul.f32 v12, v33;
	v21 =	vld.idx.msk [tilespmem:v54+s16+$0x0], $0xffff;
	v54 =	vor.u32 $0x3D, v32  }
0x52d: {  	v20 =	vmul.f32 v20, v23;
	v9 =	vadd.f32 v9, v10;
	v10 =	vmul.f32 v19, v23;
	v19 =	vld.idx.msk [tilespmem:v52+s16+$0x0], $0xffff  }
0x52e: {  	v4 =	vadd.f32 v29, v4;
	v48 =	vor.u32 $0x3D, v30;
	v1 =	vadd.f32 v12, v1;
	v12 =	vld.idx.msk [tilespmem:v60+s16+$0x0], $0xffff  }
0x52f: {  	v58 =	vor.u32 $0x3C, v37;
	v57 =	vor.u32 $0x3C, v36;
	v0 =	vadd.f32 v20, v0;
	v20 =	vld.idx.msk [tilespmem:v61+s16+$0x0], $0xffff  }
0x530: {  	v53 =	vmul.f32 v27, v33;
	v27 =	vld.idx.msk [tilespmem:v62+s16+$0x0], $0xffff;
	v5 =	vadd.f32 v10, v5;
	v10 =	vmul.f32 v45, v23  }
0x531: {  	v15 =	vmul.f32 v15, v33;
	v61 =	vor.u32 $0x3D, v50;
	v62 =	vmul.f32 v43, v18;
	v29 =	vld.idx.msk [tilespmem:v54+s16+$0x0], $0xffff  }
0x532: {  	v59 =	vor.u32 $0x3C, v38;
	v10 =	vadd.f32 v10, v11;
	v11 =	vmul.f32 v26, v23;
	v26 =	vld.idx.msk [tilespmem:v55+s16+$0x0], $0xffff  }
0x533: {  	v1 =	vadd.f32 v62, v1;
	v62 =	vor.u32 $0x3E, v51;
	v5 =	vadd.f32 v15, v5;
	v15 =	vld.idx.msk [tilespmem:v48+s14+$0x0], $0xffff  }
0x534: {  	v55 =	vor.u32 $0x3D, v35;
	v8 =	vadd.f32 v11, v8;
	v11 =	vmul.f32 v28, v23;
	v28 =	vld.idx.msk [tilespmem:v57+s16+$0x0], $0xffff  }
0x535: {  	v17 =	vmul.f32 v17, v33;
	v3 =	vadd.f32 v53, v3;
	v52 =	vor.u32 $0x3D, v31;
	v23 =	vld.idx.msk [tilespmem:v58+s16+$0x0], $0xffff  }
0x536: {  	v53 =	vor.u32 $0x3E, v35;
	v7 =	vadd.f32 v24, v7;
	v2 =	vmul.f32 v2, v33;
	v24 =	vld.idx.msk [tilespmem:v61+s16+$0x0], $0xffff  }
0x537: {  	v57 =	vor.u32 $0x3D, v37;
	v11 =	vadd.f32 v11, v13;
	v13 =	vmul.f32 v34, v33;
	v34 =	vld.idx.msk [tilespmem:v59+s16+$0x0], $0xffff  }
0x538: {  	v63 =	vor.u32 $0x3C, v51;
	v58 =	vor.u32 $0x3D, v38;
	v44 =	vld.idx.msk [tilespmem:v62+s16+$0x0], $0xffff  }
0x539: {  	v2 =	vadd.f32 v2, v7;
	v20 =	vmul.f32 v20, v18;
	v7 =	vadd.f32 v17, v8;
	v8 =	vld.idx.msk [tilespmem:v55+s16+$0x0], $0xffff  }
0x53a: {  	v59 =	vor.u32 $0x3D, v39;
	v9 =	vadd.f32 v13, v9;
	v13 =	vmul.f32 v22, v33;
	v22 =	vld.idx.msk [tilespmem:v52+s16+$0x0], $0xffff  }
0x53b: {  	v7 =	vadd.f32 v20, v7;
	v20 =	vld.idx.msk [tilespmem:v53+s16+$0x0], $0xffff  }
0x53c: {  	v46 =	vor.u32 $0x3E, v30;
	v30 =	vor.u32 $0x3F, v30;
	v55 =	vor.u32 $0x3E, v37;
	v41 =	vld.idx.msk [tilespmem:v57+s16+$0x0], $0xffff  }
0x53d: {  	v56 =	vor.u32 $0x3D, v36;
	v60 =	vor.u32 $0x3D, v49;
	v52 =	vor.u32 $0x3E, v32;
	v45 =	vld.idx.msk [tilespmem:v58+s16+$0x0], $0xffff  }
0x53e: {  	v43 =	vor.u32 $0x3F, v32;
	v4 =	vadd.f32 v13, v4;
	v13 =	vmul.f32 v16, v33;
	v16 =	vld.idx.msk [tilespmem:v63+s16+$0x0], $0xffff  }
0x53f: {  	v21 =	vmul.f32 v21, v18;
	v54 =	vor.u32 $0x3E, v36;
	v12 =	vmul.f32 v12, v18;
	v47 =	vld.idx.msk [tilespmem:v59+s16+$0x0], $0xffff  }
0x540: {  	v59 =	vor.u32 $0x3E, v49;
	v10 =	vadd.f32 v13, v10;
	v13 =	vmul.f32 v25, v33;
	v25 =	vld.idx.msk [tilespmem:v48+s15+$0x0], $0xffff  }
0x541: {  	v27 =	vmul.f32 v27, v18;
	v23 =	vmul.f32 v23, v18;
	v48 =	vor.u32 $0x3E, v31;
	v61 =	vld.idx.msk [tilespmem:v55+s16+$0x0], $0xffff  }
0x542: {  	v9 =	vadd.f32 v21, v9;
	v57 =	vld.idx.msk [tilespmem:v52+s16+$0x0], $0xffff;
	v6 =	vadd.f32 v13, v6;
	v13 =	vmul.f32 v40, v33  }
0x543: {  	v22 =	vmul.f32 v22, v15;
	v52 =	vor.u32 $0x3F, v37;
	v10 =	vadd.f32 v23, v10;
	v23 =	vld.idx.msk [tilespmem:v46+s14+$0x0], $0xffff  }
0x544: {  	v2 =	vadd.f32 v12, v2;
	v11 =	vadd.f32 v13, v11;
	v13 =	vmul.f32 v19, v33;
	v19 =	vld.idx.msk [tilespmem:v56+s16+$0x0], $0xffff  }
0x545: {  	v53 =	vor.u32 $0x3F, v38;
	v28 =	vmul.f32 v28, v18;
	v9 =	vadd.f32 v22, v9;
	v22 =	vld.idx.msk [tilespmem:v59+s16+$0x0], $0xffff  }
0x546: {  	v29 =	vmul.f32 v29, v15;
	v58 =	vor.u32 $0x3E, v39;
	v63 =	vor.u32 $0x3D, v51;
	v17 =	vld.idx.msk [tilespmem:v48+s16+$0x0], $0xffff  }
0x547: {  	v5 =	vadd.f32 v28, v5;
	v48 =	vld.idx.msk [tilespmem:v30+s15+$0x0], $0xffff;
	v0 =	vadd.f32 v13, v0;
	v13 =	vmul.f32 v26, v18  }
0x548: {  	v8 =	vmul.f32 v8, v15;
	v12 =	vmul.f32 v16, v18;
	v56 =	vor.u32 $0x3E, v38;
	v59 =	vld.idx.msk [tilespmem:v52+s16+$0x0], $0xffff  }
0x549: {  	v11 =	vadd.f32 v27, v11;
	v4 =	vadd.f32 v13, v4;
	v13 =	vmul.f32 v14, v18;
	v14 =	vld.idx.msk [tilespmem:v60+s16+$0x0], $0xffff  }
0x54a: {  	v27 =	vld.idx.msk [tilespmem:v53+s16+$0x0], $0xffff;
	v61 =	vmul.f32 v61, v23;
	v0 =	vadd.f32 v12, v0;
	v12 =	vmul.f32 v25, v15  }
0x54b: {  	v60 =	vor.u32 $0x3E, v50;
	v3 =	vadd.f32 v13, v3;
	v13 =	vmul.f32 v34, v18;
	v34 =	vld.idx.msk [tilespmem:v63+s16+$0x0], $0xffff  }
0x54c: {  	v25 =	vld.idx.msk [tilespmem:v54+s16+$0x0], $0xffff;
	v54 =	vor.u32 $0x3F, v39;
	v19 =	vmul.f32 v19, v15;
	v1 =	vadd.f32 v12, v1  }
0x54d: {  	v12 =	vld.idx.msk [tilespmem:v56+s16+$0x0], $0xffff;
	v4 =	vadd.f32 v29, v4;
	v3 =	vadd.f32 v8, v3;
	v8 =	vmul.f32 v41, v15  }
0x54e: {  	v63 =	vor.u32 $0x3F, v31;
	v6 =	vadd.f32 v13, v6;
	v13 =	vld.idx.msk [tilespmem:v46+s15+$0x0], $0xffff;
	v14 =	vmul.f32 v14, v15  }
0x54f: {  	v18 =	vld.idx.msk [tilespmem:v58+s16+$0x0], $0xffff;
	v41 =	vmul.f32 v45, v15;
	v8 =	vadd.f32 v8, v10;
	v10 =	vmul.f32 v47, v15  }
0x550: {  	v46 =	vld.idx.msk [tilespmem:v30+s14+$0x0], $0xffff;
	v47 =	vor.u32 $0x3F, v36;
	v7 =	vadd.f32 v14, v7;
	v14 =	vmul.f32 v34, v15  }
0x551: {  	v45 =	vor.u32 $0x3F, v35;
	v42 =	vld.idx.msk [tilespmem:v60+s16+$0x0], $0xffff;
	v2 =	vadd.f32 v10, v2;
	v10 =	vmul.f32 v24, v15  }
0x552: {  	v60 =	vor.u32 $0x3F, v51;
	v62 =	vld.idx.msk [tilespmem:v54+s16+$0x0], $0xffff;
	v0 =	vadd.f32 v14, v0;
	v14 =	vmul.f32 v17, v23  }
0x553: {  	v58 =	vor.u32 $0x3F, v50;
	v10 =	vadd.f32 v10, v11;
	v11 =	vmul.f32 v13, v23;
	v13 =	vld.idx.msk [tilespmem:v43+s16+$0x0], $0xffff  }
0x554: {  	v56 =	vor.u32 $0x3F, v49;
	v15 =	vld.idx.msk [tilespmem:v63+s16+$0x0], $0xffff;
	v9 =	vadd.f32 v14, v9;
	v14 =	vmul.f32 v20, v23  }
0x555: {  	v6 =	vadd.f32 v41, v6;
	v1 =	vadd.f32 v11, v1;
	v11 =	vmul.f32 v57, v23;
	v57 =	vld.idx.msk [tilespmem:v47+s16+$0x0], $0xffff  }
0x556: {  	v12 =	vmul.f32 v12, v23;
	v55 =	vld.idx.msk [tilespmem:v45+s16+$0x0], $0xffff;
	v3 =	vadd.f32 v14, v3;
	v14 =	vmul.f32 v48, v46  }
0x557: {  	v5 =	vadd.f32 v19, v5;
	v63 =	vld.idx.msk [tilespmem:v60+s16+$0x0], $0xffff;
	v4 =	vadd.f32 v11, v4;
	v11 =	vmul.f32 v25, v23  }
0x558: {  	v6 =	vadd.f32 v12, v6;
	v1 =	vadd.f32 v14, v1;
	v12 =	vmul.f32 v13, v46;
	v13 =	vld.idx.msk [tilespmem:v58+s16+$0x0], $0xffff  }
0x559: {  	v8 =	vadd.f32 v61, v8;
	v5 =	vadd.f32 v11, v5;
	v11 =	vmul.f32 v15, v46;
	v15 =	vld.idx.msk [tilespmem:v56+s16+$0x0], $0xffff  }
0x55a: {  	v4 =	vadd.f32 v12, v4;
	[tilespmem:s20+$0xFFFFFD80] =	vst v1;
	v1 =	vmul.f32 v22, v23;
	v12 =	vmul.f32 v57, v46  }
0x55b: {  	v14 =	vmul.f32 v55, v46;
	v9 =	vadd.f32 v11, v9;
	v11 =	vmul.f32 v18, v23  }
0x55c: {  	v1 =	vadd.f32 v1, v7;
	v5 =	vadd.f32 v12, v5;
	[tilespmem:s20+$0xFFFFFE80] =	vst v4;
	v4 =	vmul.f32 v42, v23  }
0x55d: {  	v12 =	vld [tilespmem:$0x1FFF0];
	v7 =	vmul.f32 v27, v46;
	v2 =	vadd.f32 v11, v2;
	v11 =	vmul.f32 v59, v46  }
0x55e: {  	v3 =	vadd.f32 v14, v3;
	[tilespmem:s20+$0xFFFFFE00] =	vst v9;
	v9 =	vmul.f32 v62, v46;
	v4 =	vadd.f32 v4, v10;
	v10 =	vld [tilespmem:$0x1FF80]  }
0x55f: {  	v6 =	vadd.f32 v7, v6;
	v7 =	vmul.f32 v15, v46;
	v8 =	vadd.f32 v11, v8;
	v11 =	vld [tilespmem:$0x1FF90]  }
0x560: {  	[tilespmem:s20+$0xFFFFFF00] =	vst v3;
	v3 =	vmul.f32 v44, v23;
	v2 =	vadd.f32 v9, v2;
	v9 =	vld [tilespmem:$0x1FF70]  }
0x561: {  	[tilespmem:s20+$0xFFFFFF80] =	vst v5;
	v5 =	vmul.f32 v13, v46;
	v1 =	vadd.f32 v7, v1;
	v7 =	vld [tilespmem:$0x1FFB0]  }
0x562: {  	p0 =	sne.s32 s21, $0x70;
	v0 =	vadd.f32 v3, v0;
	v3 =	vmul.f32 v63, v46;
	[tilespmem:s20+$0x80] =	vst v6;
	v6 =	vld [tilespmem:$0x1FFC0]  }
.Ltmp0:
0x563: {  	v4 =	vadd.f32 v5, v4;
	v5 =	vld [tilespmem:$0x1FFD0];
	[tilespmem:s20+$0x0] =	vst v8;
	(pc) =	sbr.rel @p0 .LBB2_3-.Ltmp0, $4  }
0x564: {  	v0 =	vadd.f32 v3, v0;
	v3 =	vld [tilespmem:$0x1FF50];
	[tilespmem:s20+$0x100] =	vst v2  }
0x565: {  	v8 =	vld [tilespmem:$0x1FFA0];
	[tilespmem:s20+$0x180] =	vst v1  }
0x566: {  	v2 =	vld [tilespmem:$0x1FF60];
	[tilespmem:s20+$0x200] =	vst v4  }
0x567: {  	s19 =	sadd.s32 $0xA0, s19;
	s21 =	sadd.s32 $0x10, s21;
	v4 =	vld [tilespmem:$0x1FFE0];
	[tilespmem:s20+$0x280] =	vst v0;
	s20 =	sadd.s32 $0x10, s20  }
0x568: {  	s17 =	sadd.s32 $0x1, s17  }
0x569: {  	p0 =	sne.s32 s17, $0x4  }
.Ltmp1:
0x56a: {  	s18 =	sadd.s32 s8, s18;
	(pc) =	sbr.rel @p0 .LBB2_2-.Ltmp1, $4  }
0x56b: {  	[hbm4b:s18+s12] =	stream.strided.scatter [tilespmem:s3], [sflag:$0x2], $0x580, s2, s12, $0x38;
	[tilespmem:$0x18B80] =	vst v63  }
0x56c: {  	_ =	swait.ge [sflag:s11], $0x580  }
0x56d: {  	[sflag:s11] =	ssyncset.done $0x0  }
0x56e: {  	[sflag:s11] =	ssyncadd.s32 $0xFFFFFA80  }
0x56f: {  	s17 =	rddreg [dreg:$0x5]  }
0x570: {  	s18 =	rddreg [dreg:$0x6];
	s17 =	sadd.s32 $0x1, s17  }
0x571: {  	p0 =	sne.s32 s17, s18  }
.Ltmp2:
0x572: {  	_ = 	snop;
	(pc) =	sbr.rel @p0 .LBB2_1-.Ltmp2, $1  }
0x573: {  	_ =	sdelay $0x3  }
0x574: {  	_ =	sfence.sel $0x180000  }
0x575: {  	[bflag:$0x0] =	sbarrier.arrive $0xFFFF  }
0x576: {  	_ =	strace $0x90000047  }
0x577: {  	s0 =	stileid.u32;
	[bflag:$0x2] =	sbarrier.arrive $0xFFFF  }
0x578: {  	p0 =	sne.s32 s0, $0x0;
	s0 =	rddreg [dreg:$0x4]  }
0x579: {  	s0 =	sadd.s32 @!p0 $0x100000, s0  }
0x57a: {  	[sflag:s0] =	ssyncadd.tile.s32 @!p0 $0x1;
	_ =	shalt  }
.Lfunc_end2:
_tile_overlayer_lowered:
.L_overlay_start_2:
0x57b: {  	(tag) =	ssettag $0x2  }
0x57c: {  	s0 =	rddreg [dreg:$0x0];
	s2 =	stileid.u32  }
0x57d: {  	s1 =	rddreg [dreg:$0x1];
	p0 =	sne.s32 s2, $0x0  }
0x57e: {  	s3 =	rddreg [dreg:$0x2];
	[bflag:$0x3] =	sbarrier.arrive $0xFFFF;
	s2 =	simm.s32 @!p0 $0x1C02  }
0x57f: {  	[timem:s3], [sflag:s2] =	dma.local @!p0 [hbm:s0], s1  }
0x580: {  	s0 =	simm.s32 @!p0 $0x2  }
0x581: {  	_ =	swait.ge @!p0 [sflag:s0], s1  }
0x582: {  	s1 =	ssub.s32 @!p0 $0x0, s1;
	[sflag:s0] =	ssyncset.done @!p0 $0x0  }
0x583: {  	[sflag:s0] =	ssyncadd.s32 @!p0 s1  }
0x584: {  	[bflag:$0x3] =	sbarrier.arrive $0xFFFF  }
0x585: {  	_ =	shalt  }

</sc_bundles>
